<compile_context>
chip_gen: v7x
topology: tpu7x:2x2x1
jax: 0.10.2.dev20260603
libtpu: 0.0.44.dev20260713+nightly
codegen_flags: <defaults>
</compile_context>

<pallas_src>
import functools

import jax
import jax.numpy as jnp
from jax import lax
from jax.experimental import pallas as pl
from jax.experimental.pallas import tpu as pltpu
from jax.experimental.pallas import tpu_sc as plsc

N = 50000
E = 800000
D_R = 128
NHID = 64
HEADS = 4
NCLS = 16

HALF = 32
NC, NS = 2, 16
NP = 50176
NH = 51200
RB = 1792
GB = NP // RB
CHUNK = 128
NCHUNK = E // CHUNK
ROWS_SUB = N // NS
DEG_TILE = E // (NC * NS)
ZCH = 125

CH2 = 256
NCH2 = E // CH2
TRIPMAX = NCH2 // NS + 1
PDEPTH = 8
IDEPTH = 8
GLEAD = 3
ILEAD = 4
SSLACK = 2

_mesh = plsc.VectorSubcoreMesh(core_axis_name="c", subcore_axis_name="s")


@functools.partial(
    pl.kernel,
    out_type=jax.ShapeDtypeStruct((NC * NS, NH), jnp.float32),
    mesh=_mesh,
    scratch_types=[
        pltpu.VMEM((NH,), jnp.float32),
        pltpu.VMEM((DEG_TILE + 16,), jnp.int32),
    ],
    compiler_params=pltpu.CompilerParams(needs_layout_passes=False,
                                         use_tc_tiling_on_sc=False),
)
def _deg_kernel(ei_hbm, out_hbm, hist, idxbuf):
    c = lax.axis_index("c")
    s = lax.axis_index("s")
    wid = c * NS + s

    zeros16 = jnp.zeros((16,), jnp.float32)

    def _zero(i, carry):
        hist[pl.ds(i * 16, 16)] = zeros16
        return carry

    lax.fori_loop(0, NH // 16, _zero, 0)

    pltpu.sync_copy(ei_hbm.at[1, pl.ds(wid * DEG_TILE, DEG_TILE)],
                    idxbuf.at[pl.ds(0, DEG_TILE)])

    ones16 = jnp.ones((16,), jnp.float32)

    def _accum(g, carry):
        idx = idxbuf[pl.ds(g * 16, 16)]
        plsc.addupdate_scatter(hist, [idx], ones16)
        return carry

    nfull = DEG_TILE // 16
    lax.fori_loop(0, nfull, _accum, 0)
    rem = DEG_TILE - nfull * 16
    if rem:
        idx = idxbuf[pl.ds(nfull * 16, 16)]
        mask = lax.iota(jnp.int32, 16) < rem
        plsc.addupdate_scatter(hist, [idx], ones16, mask=mask)

    pltpu.sync_copy(hist, out_hbm.at[wid])


@functools.partial(
    pl.kernel,
    out_type=jax.ShapeDtypeStruct((NC, N, HALF), jnp.bfloat16),
    mesh=_mesh,
    scratch_types=[
        pltpu.VMEM_SHARED((N, HALF), jnp.bfloat16),
        pltpu.VMEM((IDEPTH, 4, CHUNK), jnp.int32),
        pltpu.VMEM((PDEPTH, 2, CHUNK, HALF), jnp.bfloat16),
        pltpu.VMEM((ZCH, HALF), jnp.bfloat16),
        pltpu.SemaphoreType.DMA((IDEPTH,)),
        pltpu.SemaphoreType.DMA((PDEPTH,)),
        pltpu.SemaphoreType.DMA((PDEPTH,)),
    ],
    compiler_params=pltpu.CompilerParams(needs_layout_passes=False,
                                         use_tc_tiling_on_sc=False),
)
def _prop_kernel(eip_hbm, hs_hbm, out_hbm, acc, idxv, rows, zbuf,
                 sem_i, sem_g, sem_sc):
    c = lax.axis_index("c")
    s = lax.axis_index("s")
    trip = jnp.where(s < NCH2 - 16 * (NCH2 // 16), NCH2 // 16 + 1,
                     NCH2 // 16)

    zeros32 = jnp.zeros((32,), jnp.bfloat16)

    def _zrow(i, carry):
        zbuf[i, :] = zeros32
        return carry

    lax.fori_loop(0, ZCH, _zrow, 0)
    for t in range(ROWS_SUB // ZCH):
        pltpu.async_copy(zbuf, acc.at[pl.ds(s * ROWS_SUB + t * ZCH, ZCH)],
                         sem_sc.at[0])
    for t in range(ROWS_SUB // ZCH):
        pltpu.make_async_copy(zbuf, acc.at[pl.ds(0, ZCH)],
                              sem_sc.at[0]).wait()
    plsc.subcore_barrier()

    def _issue_idx(j):
        slot = lax.rem(j, IDEPTH)
        pltpu.async_copy(eip_hbm.at[c, s + 16 * j], idxv.at[slot],
                         sem_i.at[slot])

    def _wait_idx(j):
        slot = lax.rem(j, IDEPTH)
        pltpu.make_async_copy(eip_hbm.at[c, s + 16 * j], idxv.at[slot],
                              sem_i.at[slot]).wait()

    def _issue_gather(j):
        slot = lax.rem(j, IDEPTH)
        p = lax.rem(j, PDEPTH)
        pltpu.async_copy(hs_hbm.at[idxv.at[slot, 0]], rows.at[p, 0],
                         sem_g.at[p])
        pltpu.async_copy(hs_hbm.at[idxv.at[slot, 1]], rows.at[p, 1],
                         sem_g.at[p])

    def _wait_gather(j):
        slot = lax.rem(j, IDEPTH)
        p = lax.rem(j, PDEPTH)
        pltpu.make_async_copy(hs_hbm.at[idxv.at[slot, 0]], rows.at[p, 0],
                              sem_g.at[p]).wait()
        pltpu.make_async_copy(hs_hbm.at[idxv.at[slot, 1]], rows.at[p, 1],
                              sem_g.at[p]).wait()

    def _issue_scat(j):
        slot = lax.rem(j, IDEPTH)
        p = lax.rem(j, PDEPTH)
        pltpu.async_copy(rows.at[p, 0], acc.at[idxv.at[slot, 2]],
                         sem_sc.at[p], add=True)
        pltpu.async_copy(rows.at[p, 1], acc.at[idxv.at[slot, 3]],
                         sem_sc.at[p], add=True)

    def _wait_scat(j):
        slot = lax.rem(j, IDEPTH)
        p = lax.rem(j, PDEPTH)
        pltpu.make_async_copy(rows.at[p, 0], acc.at[idxv.at[slot, 2]],
                              sem_sc.at[p]).wait()
        pltpu.make_async_copy(rows.at[p, 1], acc.at[idxv.at[slot, 3]],
                              sem_sc.at[p]).wait()

    for j in range(ILEAD):
        _issue_idx(jnp.int32(j))
    for j in range(GLEAD):
        _wait_idx(jnp.int32(j))
        _issue_gather(jnp.int32(j))

    def _body(k, carry):
        @pl.when(k < trip)
        def _():
            _wait_gather(k)
            _issue_scat(k)

            @pl.when(k + ILEAD < trip)
            def _():
                _issue_idx(k + ILEAD)

            @pl.when(k + GLEAD < trip)
            def _():
                _wait_idx(k + GLEAD)

                @pl.when(k >= SSLACK)
                def _():
                    _wait_scat(k - SSLACK)

                _issue_gather(k + GLEAD)

        return carry

    lax.fori_loop(0, TRIPMAX, _body, 0)
    for j in range(GLEAD + SSLACK, 0, -1):
        @pl.when(trip >= j)
        def _(j=jnp.int32(j)):
            _wait_scat(trip - j)
    plsc.subcore_barrier()

    base = s * ROWS_SUB
    pltpu.sync_copy(acc.at[pl.ds(base, ROWS_SUB)],
                    out_hbm.at[c, pl.ds(base, ROWS_SUB)])


def _fusa_body(xr, xs, W_r, b_r, q_r, W_s, b_s, q_s, W_f, b_f, W_g1,
               h_out):
    r = jnp.tanh(xr[...] @ W_r[...] + b_r[...])
    sfe = jnp.tanh(xs[...] @ W_s[...] + b_s[...])
    ra = jnp.exp(r @ q_r[...])
    sa = jnp.exp(sfe @ q_s[...])
    alpha = ra + sa
    ra = ra / alpha
    sa = sa / alpha
    fusion = jnp.concatenate(
        [ra[:, i:i + 1] * r + sa[:, i:i + 1] * sfe for i in range(HEADS)],
        axis=1)
    x0 = fusion @ W_f[...] + b_f[...]
    h_out[...] = x0 @ W_g1[...]


_fusa_call = pl.pallas_call(
    _fusa_body,
    grid=(GB,),
    in_specs=[
        pl.BlockSpec((RB, D_R), lambda i: (i, 0)),
        pl.BlockSpec((RB, D_R), lambda i: (i, 0)),
        pl.BlockSpec((D_R, NHID), lambda i: (0, 0)),
        pl.BlockSpec((1, NHID), lambda i: (0, 0)),
        pl.BlockSpec((NHID, HEADS), lambda i: (0, 0)),
        pl.BlockSpec((D_R, NHID), lambda i: (0, 0)),
        pl.BlockSpec((1, NHID), lambda i: (0, 0)),
        pl.BlockSpec((NHID, HEADS), lambda i: (0, 0)),
        pl.BlockSpec((HEADS * NHID, NHID), lambda i: (0, 0)),
        pl.BlockSpec((1, NHID), lambda i: (0, 0)),
        pl.BlockSpec((NHID, NHID), lambda i: (0, 0)),
    ],
    out_specs=pl.BlockSpec((RB, NHID), lambda i: (i, 0)),
    out_shape=jax.ShapeDtypeStruct((NP, NHID), jnp.float32),
)


def _fusb_body(h_in, degp, hs_out, dinv_out):
    deg = jnp.sum(degp[...], axis=0) + 1.0
    dinv = lax.rsqrt(deg)[:, None]
    h1 = h_in[...] * dinv
    hs_out[...] = jnp.stack([h1[:, :HALF], h1[:, HALF:]],
                            axis=0).astype(jnp.bfloat16)
    dinv_out[...] = dinv


_fusb_call = pl.pallas_call(
    _fusb_body,
    grid=(GB,),
    in_specs=[
        pl.BlockSpec((RB, NHID), lambda i: (i, 0)),
        pl.BlockSpec((NC * NS, RB), lambda i: (0, i)),
    ],
    out_specs=[
        pl.BlockSpec((NC, RB, HALF), lambda i: (0, i, 0)),
        pl.BlockSpec((RB, 1), lambda i: (i, 0)),
    ],
    out_shape=[
        jax.ShapeDtypeStruct((NC, NP, HALF), jnp.bfloat16),
        jax.ShapeDtypeStruct((NP, 1), jnp.float32),
    ],
)


def _mid_body(p_in, hs_in, dinv_in, b_g, W_g, hs_out):
    dinv = dinv_in[...]
    p = p_in[...].astype(jnp.float32)
    h = hs_in[...].astype(jnp.float32)
    cat = jnp.concatenate([p[0] + h[0], p[1] + h[1]], axis=1)
    x1 = jnp.tanh(cat * dinv + b_g[...])
    h2 = (x1 @ W_g[...]) * dinv
    hs_out[...] = jnp.stack([h2[:, :HALF], h2[:, HALF:]],
                            axis=0).astype(jnp.bfloat16)


_mid_call = pl.pallas_call(
    _mid_body,
    grid=(GB,),
    in_specs=[
        pl.BlockSpec((NC, RB, HALF), lambda i: (0, i, 0)),
        pl.BlockSpec((NC, RB, HALF), lambda i: (0, i, 0)),
        pl.BlockSpec((RB, 1), lambda i: (i, 0)),
        pl.BlockSpec((1, NHID), lambda i: (0, 0)),
        pl.BlockSpec((NHID, NHID), lambda i: (0, 0)),
    ],
    out_specs=pl.BlockSpec((NC, RB, HALF), lambda i: (0, i, 0)),
    out_shape=jax.ShapeDtypeStruct((NC, NP, HALF), jnp.bfloat16),
)


def _final_body(p_in, hs_in, dinv_in, b_g, W_l, b_l, out):
    dinv = dinv_in[...]
    p = p_in[...].astype(jnp.float32)
    h = hs_in[...].astype(jnp.float32)
    cat = jnp.concatenate([p[0] + h[0], p[1] + h[1]], axis=1)
    x2 = jnp.tanh(cat * dinv + b_g[...])
    logits = x2 @ W_l[...] + b_l[...]
    m = jnp.max(logits, axis=1, keepdims=True)
    lse = jnp.log(jnp.sum(jnp.exp(logits - m), axis=1, keepdims=True)) + m
    out[...] = logits - lse


_final_call = pl.pallas_call(
    _final_body,
    grid=(GB,),
    in_specs=[
        pl.BlockSpec((NC, RB, HALF), lambda i: (0, i, 0)),
        pl.BlockSpec((NC, RB, HALF), lambda i: (0, i, 0)),
        pl.BlockSpec((RB, 1), lambda i: (i, 0)),
        pl.BlockSpec((1, NHID), lambda i: (0, 0)),
        pl.BlockSpec((NHID, NCLS), lambda i: (0, 0)),
        pl.BlockSpec((1, NCLS), lambda i: (0, 0)),
    ],
    out_specs=pl.BlockSpec((RB, NCLS), lambda i: (i, 0)),
    out_shape=jax.ShapeDtypeStruct((N, NCLS), jnp.float32),
)


def kernel(x_role, x_stru, edge_index, W_r, b_r, q_r, W_s, b_s, q_s,
           W_fuse, b_fuse, W_g1, b_g1, W_g2, b_g2, W_lin, b_lin):
    s3 = edge_index[0].reshape(NCH2, 2, CHUNK)
    d3 = edge_index[1].reshape(NCH2, 2, CHUNK)
    eip = jnp.stack([jnp.concatenate([s3, d3], axis=1),
                     jnp.concatenate([s3 + NP, d3], axis=1)], axis=0)

    degp = _deg_kernel(edge_index)
    h1 = _fusa_call(
        x_role, x_stru, W_r, b_r.reshape(1, -1), q_r, W_s,
        b_s.reshape(1, -1), q_s, W_fuse, b_fuse.reshape(1, -1), W_g1)
    hs1, dinv = _fusb_call(h1, degp)
    p1 = _prop_kernel(eip, hs1.reshape(NC * NP, HALF))
    hs2 = _mid_call(p1, hs1, dinv, b_g1.reshape(1, -1), W_g2)
    p2 = _prop_kernel(eip, hs2.reshape(NC * NP, HALF))
    out = _final_call(p2, hs2, dinv, b_g2.reshape(1, -1), W_lin,
                      b_lin.reshape(1, -1))
    return out

# --- scband reference (transcript-rebuilt; emitter-appended) ---
"""Pipeline reference for scband-attention-model-5265629905227 (READ-ONLY COPY).

The authoritative reference and input builder live on the scoring server;
editing this copy changes nothing except your own understanding.
"""

import jax, jax.numpy as jnp
import numpy as np

N = 50000
E = 800000
D_R = 128
D_S = 128
NHID = 64
HEADS = 4
NCLS = 16


def gcn_conv(x, W, b, src, dst):
    # PyG-style GCNConv: add self-loops, symmetric normalization, then scatter-add
    h = x @ W
    loop = jnp.arange(N, dtype=src.dtype)
    s = jnp.concatenate([src, loop])
    d = jnp.concatenate([dst, loop])
    deg = jnp.zeros((N,), h.dtype).at[d].add(1.0)
    dinv = jnp.where(deg > 0, 1.0 / jnp.sqrt(deg), 0.0)
    norm = dinv[s] * dinv[d]
    msg = h[s] * norm[:, None]
    out = jnp.zeros_like(h).at[d].add(msg)
    return out + b


def setup_inputs(seed: int = 0) -> dict:
    key = jax.random.key(seed)
    ks = jax.random.split(key, 20)
    x_role = jax.random.normal(ks[0], (N, D_R), dtype=jnp.float32)
    x_stru = jax.random.normal(ks[1], (N, D_S), dtype=jnp.float32)
    edge_index = jax.random.randint(ks[2], (2, E), 0, N, dtype=jnp.int32)
    sc = 0.05
    W_r = jax.random.normal(ks[3], (D_R, NHID), dtype=jnp.float32) * sc
    b_r = jnp.zeros((NHID,), jnp.float32)
    q_r = jax.random.uniform(ks[4], (NHID, HEADS), dtype=jnp.float32)
    W_s = jax.random.normal(ks[5], (D_S, NHID), dtype=jnp.float32) * sc
    b_s = jnp.zeros((NHID,), jnp.float32)
    q_s = jax.random.uniform(ks[6], (NHID, HEADS), dtype=jnp.float32)
    W_fuse = jax.random.normal(ks[7], (HEADS * NHID, NHID), dtype=jnp.float32) * sc
    b_fuse = jnp.zeros((NHID,), jnp.float32)
    W_g1 = jax.random.normal(ks[8], (NHID, NHID), dtype=jnp.float32) * sc
    b_g1 = jnp.zeros((NHID,), jnp.float32)
    W_g2 = jax.random.normal(ks[9], (NHID, NHID), dtype=jnp.float32) * sc
    b_g2 = jnp.zeros((NHID,), jnp.float32)
    W_lin = jax.random.normal(ks[10], (NHID, NCLS), dtype=jnp.float32) * sc
    b_lin = jnp.zeros((NCLS,), jnp.float32)
    return {"x_role": x_role, "x_stru": x_stru, "edge_index": edge_index,
            "W_r": W_r, "b_r": b_r, "q_r": q_r,
            "W_s": W_s, "b_s": b_s, "q_s": q_s,
            "W_fuse": W_fuse, "b_fuse": b_fuse,
            "W_g1": W_g1, "b_g1": b_g1,
            "W_g2": W_g2, "b_g2": b_g2,
            "W_lin": W_lin, "b_lin": b_lin}


def reference(x_role, x_stru, edge_index, W_r, b_r, q_r, W_s, b_s, q_s,
              W_fuse, b_fuse, W_g1, b_g1, W_g2, b_g2, W_lin, b_lin):
    # attention fusion of role / structural features
    r = jnp.tanh(x_role @ W_r + b_r)
    ra = r @ q_r
    s = jnp.tanh(x_stru @ W_s + b_s)
    sa = s @ q_s
    alpha = jnp.exp(ra) + jnp.exp(sa)
    ra = jnp.exp(ra) / alpha
    sa = jnp.exp(sa) / alpha
    fusion = jnp.concatenate(
        [ra[:, i:i + 1] * r + sa[:, i:i + 1] * s for i in range(HEADS)], axis=1)
    x = fusion @ W_fuse + b_fuse
    # GCN backbone (eval mode: dropout is identity)
    src, dst = edge_index[0], edge_index[1]
    x = jnp.tanh(gcn_conv(x, W_g1, b_g1, src, dst))
    x = jnp.tanh(gcn_conv(x, W_g2, b_g2, src, dst))
    x = x @ W_lin + b_lin
    return jax.nn.log_softmax(x, axis=1)

if __name__ == "__main__":
    import jax
    _d = setup_inputs()
    print(jax.jit(kernel)(*tuple(_d.values())))

</pallas_src>

<mosaic_0001>
#map = affine_map<(d0, d1) -> (0, 0, 0, 0)>
#map1 = affine_map<(d0, d1) -> (0, 0)>
#map2 = affine_map<(d0, d1) -> (0, 0, 0)>
module attributes {stable_mosaic.version = 14 : i64} {
  func.func @_prop_kernel(%arg0: i32, %arg1: i32, %arg2: memref<2x3125x4x128xi32, #tpu.memory_space<hbm>>, %arg3: memref<100352x32xbf16, #tpu.memory_space<hbm>>, %arg4: memref<2x50000x32xbf16, #tpu.memory_space<hbm>>, %arg5: memref<50000x32xbf16, #tpu.memory_space<vmem_shared>>, %arg6: memref<8x4x128xi32, #tpu.memory_space<vmem>>, %arg7: memref<8x2x128x32xbf16, #tpu.memory_space<vmem>>, %arg8: memref<125x32xbf16, #tpu.memory_space<vmem>>, %arg9: memref<8x!tpu.dma_semaphore, #tpu.memory_space<semaphore_mem>>, %arg10: memref<8x!tpu.dma_semaphore, #tpu.memory_space<semaphore_mem>>, %arg11: memref<8x!tpu.dma_semaphore, #tpu.memory_space<semaphore_mem>>) attributes {dimension_semantics = [#tpu.dimension_semantics<core_parallel>, #tpu.dimension_semantics<subcore_parallel>], iteration_bounds = array<i64: 2, 16>, scalar_prefetch = 0 : i64, scratch_operands = 7 : i64, tpu.core_type = #tpu.core_type<sc_vector_subcore>, window_params = [{transform_indices = #map}, {transform_indices = #map1}, {transform_indices = #map2}]} {
    %lt3A = arith.constant 5 : i32
    %lt3A_0 = arith.cmpi slt, %arg1, %lt3A : i32
    %jit3A = arith.constant 196 : i32
    %jit3A_1 = arith.constant 195 : i32
    %select_n3A = arith.select %lt3A_0, %jit3A, %jit3A_1 : i32
    %broadcast_in_dim3A = arith.constant 0.000000e+00 : bf16
    %broadcast_in_dim3A_2 = vector.broadcast %broadcast_in_dim3A : bf16 to vector<32xbf16>
    %scan3A = arith.constant 0 : i32
    %scan3A_3 = arith.constant 0 : i32
    %scan3A_4 = arith.constant 125 : i32
    %scan3A_5 = arith.addi %scan3A_3, %scan3A_4 : i32
    %scan3A_6 = arith.constant 1 : i32
    scf.for %scan3A_816 = %scan3A_3 to %scan3A_5 step %scan3A_6  : i32 {
      %swap3A = arith.index_cast %scan3A_816 : i32 to index
      %swap3A_817 = arith.constant 0 : index
      %swap3A_818 = tpu.vector_load %arg8[%swap3A, %swap3A_817] {strides = array<i32>} : memref<125x32xbf16, #tpu.memory_space<vmem>>, vector<32xbf16>,
      tpu.vector_store %arg8[%swap3A, %swap3A_817], %broadcast_in_dim3A_2 {strides = array<i32>} : memref<125x32xbf16, #tpu.memory_space<vmem>>, vector<32xbf16>,
    }
    %scan3A_7 = arith.constant 125 : i32
    %mul3A = arith.constant 3125 : i32
    %mul3A_8 = arith.muli %arg1, %mul3A : i32
    %add3A = arith.constant 0 : i32
    %add3A_9 = arith.addi %mul3A_8, %add3A : i32
    %dma_start3A = arith.constant 0 : i32
    %dma_start3A_10 = arith.constant 0 : i32
    %dma_start3A_11 = tpu.memref_slice %arg5[%add3A_9, %dma_start3A_10] : memref<50000x32xbf16, #tpu.memory_space<vmem_shared>> -> memref<125x32xbf16, #tpu.memory_space<vmem_shared>>
    %dma_start3A_12 = tpu.memref_slice %arg11[%dma_start3A] : memref<8x!tpu.dma_semaphore, #tpu.memory_space<semaphore_mem>> -> memref<1x!tpu.dma_semaphore, #tpu.memory_space<semaphore_mem>>
    %dma_start3A_13 = tpu.memref_squeeze %dma_start3A_12 : memref<1x!tpu.dma_semaphore, #tpu.memory_space<semaphore_mem>> -> memref<!tpu.dma_semaphore, #tpu.memory_space<semaphore_mem>>
    %dma_start3A_14 = arith.constant 0 : i32
    %dma_start3A_15 = tpu.memref_slice %arg5[%add3A_9, %dma_start3A_14] : memref<50000x32xbf16, #tpu.memory_space<vmem_shared>> -> memref<125x32xbf16, #tpu.memory_space<vmem_shared>>
    tpu.enqueue_dma source(%arg8 : memref<125x32xbf16, #tpu.memory_space<vmem>>) target(%dma_start3A_15 : memref<125x32xbf16, #tpu.memory_space<vmem_shared>>) target_semaphore(%dma_start3A_13 : memref<!tpu.dma_semaphore, #tpu.memory_space<semaphore_mem>>)
    %mul3A_16 = arith.constant 3125 : i32
    %mul3A_17 = arith.muli %arg1, %mul3A_16 : i32
    %add3A_18 = arith.constant 125 : i32
    %add3A_19 = arith.addi %mul3A_17, %add3A_18 : i32
    %dma_start3A_20 = arith.constant 0 : i32
    %dma_start3A_21 = arith.constant 0 : i32
    %dma_start3A_22 = tpu.memref_slice %arg5[%add3A_19, %dma_start3A_21] : memref<50000x32xbf16, #tpu.memory_space<vmem_shared>> -> memref<125x32xbf16, #tpu.memory_space<vmem_shared>>
    %dma_start3A_23 = tpu.memref_slice %arg11[%dma_start3A_20] : memref<8x!tpu.dma_semaphore, #tpu.memory_space<semaphore_mem>> -> memref<1x!tpu.dma_semaphore, #tpu.memory_space<semaphore_mem>>
    %dma_start3A_24 = tpu.memref_squeeze %dma_start3A_23 : memref<1x!tpu.dma_semaphore, #tpu.memory_space<semaphore_mem>> -> memref<!tpu.dma_semaphore, #tpu.memory_space<semaphore_mem>>
    %dma_start3A_25 = arith.constant 0 : i32
    %dma_start3A_26 = tpu.memref_slice %arg5[%add3A_19, %dma_start3A_25] : memref<50000x32xbf16, #tpu.memory_space<vmem_shared>> -> memref<125x32xbf16, #tpu.memory_space<vmem_shared>>
    tpu.enqueue_dma source(%arg8 : memref<125x32xbf16, #tpu.memory_space<vmem>>) target(%dma_start3A_26 : memref<125x32xbf16, #tpu.memory_space<vmem_shared>>) target_semaphore(%dma_start3A_24 : memref<!tpu.dma_semaphore, #tpu.memory_space<semaphore_mem>>)
    %mul3A_27 = arith.constant 3125 : i32
    %mul3A_28 = arith.muli %arg1, %mul3A_27 : i32
    %add3A_29 = arith.constant 250 : i32
    %add3A_30 = arith.addi %mul3A_28, %add3A_29 : i32
    %dma_start3A_31 = arith.constant 0 : i32
    %dma_start3A_32 = arith.constant 0 : i32
    %dma_start3A_33 = tpu.memref_slice %arg5[%add3A_30, %dma_start3A_32] : memref<50000x32xbf16, #tpu.memory_space<vmem_shared>> -> memref<125x32xbf16, #tpu.memory_space<vmem_shared>>
    %dma_start3A_34 = tpu.memref_slice %arg11[%dma_start3A_31] : memref<8x!tpu.dma_semaphore, #tpu.memory_space<semaphore_mem>> -> memref<1x!tpu.dma_semaphore, #tpu.memory_space<semaphore_mem>>
    %dma_start3A_35 = tpu.memref_squeeze %dma_start3A_34 : memref<1x!tpu.dma_semaphore, #tpu.memory_space<semaphore_mem>> -> memref<!tpu.dma_semaphore, #tpu.memory_space<semaphore_mem>>
    %dma_start3A_36 = arith.constant 0 : i32
    %dma_start3A_37 = tpu.memref_slice %arg5[%add3A_30, %dma_start3A_36] : memref<50000x32xbf16, #tpu.memory_space<vmem_shared>> -> memref<125x32xbf16, #tpu.memory_space<vmem_shared>>
    tpu.enqueue_dma source(%arg8 : memref<125x32xbf16, #tpu.memory_space<vmem>>) target(%dma_start3A_37 : memref<125x32xbf16, #tpu.memory_space<vmem_shared>>) target_semaphore(%dma_start3A_35 : memref<!tpu.dma_semaphore, #tpu.memory_space<semaphore_mem>>)
    %mul3A_38 = arith.constant 3125 : i32
    %mul3A_39 = arith.muli %arg1, %mul3A_38 : i32
    %add3A_40 = arith.constant 375 : i32
    %add3A_41 = arith.addi %mul3A_39, %add3A_40 : i32
    %dma_start3A_42 = arith.constant 0 : i32
    %dma_start3A_43 = arith.constant 0 : i32
    %dma_start3A_44 = tpu.memref_slice %arg5[%add3A_41, %dma_start3A_43] : memref<50000x32xbf16, #tpu.memory_space<vmem_shared>> -> memref<125x32xbf16, #tpu.memory_space<vmem_shared>>
    %dma_start3A_45 = tpu.memref_slice %arg11[%dma_start3A_42] : memref<8x!tpu.dma_semaphore, #tpu.memory_space<semaphore_mem>> -> memref<1x!tpu.dma_semaphore, #tpu.memory_space<semaphore_mem>>
    %dma_start3A_46 = tpu.memref_squeeze %dma_start3A_45 : memref<1x!tpu.dma_semaphore, #tpu.memory_space<semaphore_mem>> -> memref<!tpu.dma_semaphore, #tpu.memory_space<semaphore_mem>>
    %dma_start3A_47 = arith.constant 0 : i32
    %dma_start3A_48 = tpu.memref_slice %arg5[%add3A_41, %dma_start3A_47] : memref<50000x32xbf16, #tpu.memory_space<vmem_shared>> -> memref<125x32xbf16, #tpu.memory_space<vmem_shared>>
    tpu.enqueue_dma source(%arg8 : memref<125x32xbf16, #tpu.memory_space<vmem>>) target(%dma_start3A_48 : memref<125x32xbf16, #tpu.memory_space<vmem_shared>>) target_semaphore(%dma_start3A_46 : memref<!tpu.dma_semaphore, #tpu.memory_space<semaphore_mem>>)
    %mul3A_49 = arith.constant 3125 : i32
    %mul3A_50 = arith.muli %arg1, %mul3A_49 : i32
    %add3A_51 = arith.constant 500 : i32
    %add3A_52 = arith.addi %mul3A_50, %add3A_51 : i32
    %dma_start3A_53 = arith.constant 0 : i32
    %dma_start3A_54 = arith.constant 0 : i32
    %dma_start3A_55 = tpu.memref_slice %arg5[%add3A_52, %dma_start3A_54] : memref<50000x32xbf16, #tpu.memory_space<vmem_shared>> -> memref<125x32xbf16, #tpu.memory_space<vmem_shared>>
    %dma_start3A_56 = tpu.memref_slice %arg11[%dma_start3A_53] : memref<8x!tpu.dma_semaphore, #tpu.memory_space<semaphore_mem>> -> memref<1x!tpu.dma_semaphore, #tpu.memory_space<semaphore_mem>>
    %dma_start3A_57 = tpu.memref_squeeze %dma_start3A_56 : memref<1x!tpu.dma_semaphore, #tpu.memory_space<semaphore_mem>> -> memref<!tpu.dma_semaphore, #tpu.memory_space<semaphore_mem>>
    %dma_start3A_58 = arith.constant 0 : i32
    %dma_start3A_59 = tpu.memref_slice %arg5[%add3A_52, %dma_start3A_58] : memref<50000x32xbf16, #tpu.memory_space<vmem_shared>> -> memref<125x32xbf16, #tpu.memory_space<vmem_shared>>
    tpu.enqueue_dma source(%arg8 : memref<125x32xbf16, #tpu.memory_space<vmem>>) target(%dma_start3A_59 : memref<125x32xbf16, #tpu.memory_space<vmem_shared>>) target_semaphore(%dma_start3A_57 : memref<!tpu.dma_semaphore, #tpu.memory_space<semaphore_mem>>)
    %mul3A_60 = arith.constant 3125 : i32
    %mul3A_61 = arith.muli %arg1, %mul3A_60 : i32
    %add3A_62 = arith.constant 625 : i32
    %add3A_63 = arith.addi %mul3A_61, %add3A_62 : i32
    %dma_start3A_64 = arith.constant 0 : i32
    %dma_start3A_65 = arith.constant 0 : i32
    %dma_start3A_66 = tpu.memref_slice %arg5[%add3A_63, %dma_start3A_65] : memref<50000x32xbf16, #tpu.memory_space<vmem_shared>> -> memref<125x32xbf16, #tpu.memory_space<vmem_shared>>
    %dma_start3A_67 = tpu.memref_slice %arg11[%dma_start3A_64] : memref<8x!tpu.dma_semaphore, #tpu.memory_space<semaphore_mem>> -> memref<1x!tpu.dma_semaphore, #tpu.memory_space<semaphore_mem>>
    %dma_start3A_68 = tpu.memref_squeeze %dma_start3A_67 : memref<1x!tpu.dma_semaphore, #tpu.memory_space<semaphore_mem>> -> memref<!tpu.dma_semaphore, #tpu.memory_space<semaphore_mem>>
    %dma_start3A_69 = arith.constant 0 : i32
    %dma_start3A_70 = tpu.memref_slice %arg5[%add3A_63, %dma_start3A_69] : memref<50000x32xbf16, #tpu.memory_space<vmem_shared>> -> memref<125x32xbf16, #tpu.memory_space<vmem_shared>>
    tpu.enqueue_dma source(%arg8 : memref<125x32xbf16, #tpu.memory_space<vmem>>) target(%dma_start3A_70 : memref<125x32xbf16, #tpu.memory_space<vmem_shared>>) target_semaphore(%dma_start3A_68 : memref<!tpu.dma_semaphore, #tpu.memory_space<semaphore_mem>>)
    %mul3A_71 = arith.constant 3125 : i32
    %mul3A_72 = arith.muli %arg1, %mul3A_71 : i32
    %add3A_73 = arith.constant 750 : i32
    %add3A_74 = arith.addi %mul3A_72, %add3A_73 : i32
    %dma_start3A_75 = arith.constant 0 : i32
    %dma_start3A_76 = arith.constant 0 : i32
    %dma_start3A_77 = tpu.memref_slice %arg5[%add3A_74, %dma_start3A_76] : memref<50000x32xbf16, #tpu.memory_space<vmem_shared>> -> memref<125x32xbf16, #tpu.memory_space<vmem_shared>>
    %dma_start3A_78 = tpu.memref_slice %arg11[%dma_start3A_75] : memref<8x!tpu.dma_semaphore, #tpu.memory_space<semaphore_mem>> -> memref<1x!tpu.dma_semaphore, #tpu.memory_space<semaphore_mem>>
    %dma_start3A_79 = tpu.memref_squeeze %dma_start3A_78 : memref<1x!tpu.dma_semaphore, #tpu.memory_space<semaphore_mem>> -> memref<!tpu.dma_semaphore, #tpu.memory_space<semaphore_mem>>
    %dma_start3A_80 = arith.constant 0 : i32
    %dma_start3A_81 = tpu.memref_slice %arg5[%add3A_74, %dma_start3A_80] : memref<50000x32xbf16, #tpu.memory_space<vmem_shared>> -> memref<125x32xbf16, #tpu.memory_space<vmem_shared>>
    tpu.enqueue_dma source(%arg8 : memref<125x32xbf16, #tpu.memory_space<vmem>>) target(%dma_start3A_81 : memref<125x32xbf16, #tpu.memory_space<vmem_shared>>) target_semaphore(%dma_start3A_79 : memref<!tpu.dma_semaphore, #tpu.memory_space<semaphore_mem>>)
    %mul3A_82 = arith.constant 3125 : i32
    %mul3A_83 = arith.muli %arg1, %mul3A_82 : i32
    %add3A_84 = arith.constant 875 : i32
    %add3A_85 = arith.addi %mul3A_83, %add3A_84 : i32
    %dma_start3A_86 = arith.constant 0 : i32
    %dma_start3A_87 = arith.constant 0 : i32
    %dma_start3A_88 = tpu.memref_slice %arg5[%add3A_85, %dma_start3A_87] : memref<50000x32xbf16, #tpu.memory_space<vmem_shared>> -> memref<125x32xbf16, #tpu.memory_space<vmem_shared>>
    %dma_start3A_89 = tpu.memref_slice %arg11[%dma_start3A_86] : memref<8x!tpu.dma_semaphore, #tpu.memory_space<semaphore_mem>> -> memref<1x!tpu.dma_semaphore, #tpu.memory_space<semaphore_mem>>
    %dma_start3A_90 = tpu.memref_squeeze %dma_start3A_89 : memref<1x!tpu.dma_semaphore, #tpu.memory_space<semaphore_mem>> -> memref<!tpu.dma_semaphore, #tpu.memory_space<semaphore_mem>>
    %dma_start3A_91 = arith.constant 0 : i32
    %dma_start3A_92 = tpu.memref_slice %arg5[%add3A_85, %dma_start3A_91] : memref<50000x32xbf16, #tpu.memory_space<vmem_shared>> -> memref<125x32xbf16, #tpu.memory_space<vmem_shared>>
    tpu.enqueue_dma source(%arg8 : memref<125x32xbf16, #tpu.memory_space<vmem>>) target(%dma_start3A_92 : memref<125x32xbf16, #tpu.memory_space<vmem_shared>>) target_semaphore(%dma_start3A_90 : memref<!tpu.dma_semaphore, #tpu.memory_space<semaphore_mem>>)
    %mul3A_93 = arith.constant 3125 : i32
    %mul3A_94 = arith.muli %arg1, %mul3A_93 : i32
    %add3A_95 = arith.constant 1000 : i32
    %add3A_96 = arith.addi %mul3A_94, %add3A_95 : i32
    %dma_start3A_97 = arith.constant 0 : i32
    %dma_start3A_98 = arith.constant 0 : i32
    %dma_start3A_99 = tpu.memref_slice %arg5[%add3A_96, %dma_start3A_98] : memref<50000x32xbf16, #tpu.memory_space<vmem_shared>> -> memref<125x32xbf16, #tpu.memory_space<vmem_shared>>
    %dma_start3A_100 = tpu.memref_slice %arg11[%dma_start3A_97] : memref<8x!tpu.dma_semaphore, #tpu.memory_space<semaphore_mem>> -> memref<1x!tpu.dma_semaphore, #tpu.memory_space<semaphore_mem>>
    %dma_start3A_101 = tpu.memref_squeeze %dma_start3A_100 : memref<1x!tpu.dma_semaphore, #tpu.memory_space<semaphore_mem>> -> memref<!tpu.dma_semaphore, #tpu.memory_space<semaphore_mem>>
    %dma_start3A_102 = arith.constant 0 : i32
    %dma_start3A_103 = tpu.memref_slice %arg5[%add3A_96, %dma_start3A_102] : memref<50000x32xbf16, #tpu.memory_space<vmem_shared>> -> memref<125x32xbf16, #tpu.memory_space<vmem_shared>>
    tpu.enqueue_dma source(%arg8 : memref<125x32xbf16, #tpu.memory_space<vmem>>) target(%dma_start3A_103 : memref<125x32xbf16, #tpu.memory_space<vmem_shared>>) target_semaphore(%dma_start3A_101 : memref<!tpu.dma_semaphore, #tpu.memory_space<semaphore_mem>>)
    %mul3A_104 = arith.constant 3125 : i32
    %mul3A_105 = arith.muli %arg1, %mul3A_104 : i32
    %add3A_106 = arith.constant 1125 : i32
    %add3A_107 = arith.addi %mul3A_105, %add3A_106 : i32
    %dma_start3A_108 = arith.constant 0 : i32
    %dma_start3A_109 = arith.constant 0 : i32
    %dma_start3A_110 = tpu.memref_slice %arg5[%add3A_107, %dma_start3A_109] : memref<50000x32xbf16, #tpu.memory_space<vmem_shared>> -> memref<125x32xbf16, #tpu.memory_space<vmem_shared>>
    %dma_start3A_111 = tpu.memref_slice %arg11[%dma_start3A_108] : memref<8x!tpu.dma_semaphore, #tpu.memory_space<semaphore_mem>> -> memref<1x!tpu.dma_semaphore, #tpu.memory_space<semaphore_mem>>
    %dma_start3A_112 = tpu.memref_squeeze %dma_start3A_111 : memref<1x!tpu.dma_semaphore, #tpu.memory_space<semaphore_mem>> -> memref<!tpu.dma_semaphore, #tpu.memory_space<semaphore_mem>>
    %dma_start3A_113 = arith.constant 0 : i32
    %dma_start3A_114 = tpu.memref_slice %arg5[%add3A_107, %dma_start3A_113] : memref<50000x32xbf16, #tpu.memory_space<vmem_shared>> -> memref<125x32xbf16, #tpu.memory_space<vmem_shared>>
    tpu.enqueue_dma source(%arg8 : memref<125x32xbf16, #tpu.memory_space<vmem>>) target(%dma_start3A_114 : memref<125x32xbf16, #tpu.memory_space<vmem_shared>>) target_semaphore(%dma_start3A_112 : memref<!tpu.dma_semaphore, #tpu.memory_space<semaphore_mem>>)
    %mul3A_115 = arith.constant 3125 : i32
    %mul3A_116 = arith.muli %arg1, %mul3A_115 : i32
    %add3A_117 = arith.constant 1250 : i32
    %add3A_118 = arith.addi %mul3A_116, %add3A_117 : i32
    %dma_start3A_119 = arith.constant 0 : i32
    %dma_start3A_120 = arith.constant 0 : i32
    %dma_start3A_121 = tpu.memref_slice %arg5[%add3A_118, %dma_start3A_120] : memref<50000x32xbf16, #tpu.memory_space<vmem_shared>> -> memref<125x32xbf16, #tpu.memory_space<vmem_shared>>
    %dma_start3A_122 = tpu.memref_slice %arg11[%dma_start3A_119] : memref<8x!tpu.dma_semaphore, #tpu.memory_space<semaphore_mem>> -> memref<1x!tpu.dma_semaphore, #tpu.memory_space<semaphore_mem>>
    %dma_start3A_123 = tpu.memref_squeeze %dma_start3A_122 : memref<1x!tpu.dma_semaphore, #tpu.memory_space<semaphore_mem>> -> memref<!tpu.dma_semaphore, #tpu.memory_space<semaphore_mem>>
    %dma_start3A_124 = arith.constant 0 : i32
    %dma_start3A_125 = tpu.memref_slice %arg5[%add3A_118, %dma_start3A_124] : memref<50000x32xbf16, #tpu.memory_space<vmem_shared>> -> memref<125x32xbf16, #tpu.memory_space<vmem_shared>>
    tpu.enqueue_dma source(%arg8 : memref<125x32xbf16, #tpu.memory_space<vmem>>) target(%dma_start3A_125 : memref<125x32xbf16, #tpu.memory_space<vmem_shared>>) target_semaphore(%dma_start3A_123 : memref<!tpu.dma_semaphore, #tpu.memory_space<semaphore_mem>>)
    %mul3A_126 = arith.constant 3125 : i32
    %mul3A_127 = arith.muli %arg1, %mul3A_126 : i32
    %add3A_128 = arith.constant 1375 : i32
    %add3A_129 = arith.addi %mul3A_127, %add3A_128 : i32
    %dma_start3A_130 = arith.constant 0 : i32
    %dma_start3A_131 = arith.constant 0 : i32
    %dma_start3A_132 = tpu.memref_slice %arg5[%add3A_129, %dma_start3A_131] : memref<50000x32xbf16, #tpu.memory_space<vmem_shared>> -> memref<125x32xbf16, #tpu.memory_space<vmem_shared>>
    %dma_start3A_133 = tpu.memref_slice %arg11[%dma_start3A_130] : memref<8x!tpu.dma_semaphore, #tpu.memory_space<semaphore_mem>> -> memref<1x!tpu.dma_semaphore, #tpu.memory_space<semaphore_mem>>
    %dma_start3A_134 = tpu.memref_squeeze %dma_start3A_133 : memref<1x!tpu.dma_semaphore, #tpu.memory_space<semaphore_mem>> -> memref<!tpu.dma_semaphore, #tpu.memory_space<semaphore_mem>>
    %dma_start3A_135 = arith.constant 0 : i32
    %dma_start3A_136 = tpu.memref_slice %arg5[%add3A_129, %dma_start3A_135] : memref<50000x32xbf16, #tpu.memory_space<vmem_shared>> -> memref<125x32xbf16, #tpu.memory_space<vmem_shared>>
    tpu.enqueue_dma source(%arg8 : memref<125x32xbf16, #tpu.memory_space<vmem>>) target(%dma_start3A_136 : memref<125x32xbf16, #tpu.memory_space<vmem_shared>>) target_semaphore(%dma_start3A_134 : memref<!tpu.dma_semaphore, #tpu.memory_space<semaphore_mem>>)
    %mul3A_137 = arith.constant 3125 : i32
    %mul3A_138 = arith.muli %arg1, %mul3A_137 : i32
    %add3A_139 = arith.constant 1500 : i32
    %add3A_140 = arith.addi %mul3A_138, %add3A_139 : i32
    %dma_start3A_141 = arith.constant 0 : i32
    %dma_start3A_142 = arith.constant 0 : i32
    %dma_start3A_143 = tpu.memref_slice %arg5[%add3A_140, %dma_start3A_142] : memref<50000x32xbf16, #tpu.memory_space<vmem_shared>> -> memref<125x32xbf16, #tpu.memory_space<vmem_shared>>
    %dma_start3A_144 = tpu.memref_slice %arg11[%dma_start3A_141] : memref<8x!tpu.dma_semaphore, #tpu.memory_space<semaphore_mem>> -> memref<1x!tpu.dma_semaphore, #tpu.memory_space<semaphore_mem>>
    %dma_start3A_145 = tpu.memref_squeeze %dma_start3A_144 : memref<1x!tpu.dma_semaphore, #tpu.memory_space<semaphore_mem>> -> memref<!tpu.dma_semaphore, #tpu.memory_space<semaphore_mem>>
    %dma_start3A_146 = arith.constant 0 : i32
    %dma_start3A_147 = tpu.memref_slice %arg5[%add3A_140, %dma_start3A_146] : memref<50000x32xbf16, #tpu.memory_space<vmem_shared>> -> memref<125x32xbf16, #tpu.memory_space<vmem_shared>>
    tpu.enqueue_dma source(%arg8 : memref<125x32xbf16, #tpu.memory_space<vmem>>) target(%dma_start3A_147 : memref<125x32xbf16, #tpu.memory_space<vmem_shared>>) target_semaphore(%dma_start3A_145 : memref<!tpu.dma_semaphore, #tpu.memory_space<semaphore_mem>>)
    %mul3A_148 = arith.constant 3125 : i32
    %mul3A_149 = arith.muli %arg1, %mul3A_148 : i32
    %add3A_150 = arith.constant 1625 : i32
    %add3A_151 = arith.addi %mul3A_149, %add3A_150 : i32
    %dma_start3A_152 = arith.constant 0 : i32
    %dma_start3A_153 = arith.constant 0 : i32
    %dma_start3A_154 = tpu.memref_slice %arg5[%add3A_151, %dma_start3A_153] : memref<50000x32xbf16, #tpu.memory_space<vmem_shared>> -> memref<125x32xbf16, #tpu.memory_space<vmem_shared>>
    %dma_start3A_155 = tpu.memref_slice %arg11[%dma_start3A_152] : memref<8x!tpu.dma_semaphore, #tpu.memory_space<semaphore_mem>> -> memref<1x!tpu.dma_semaphore, #tpu.memory_space<semaphore_mem>>
    %dma_start3A_156 = tpu.memref_squeeze %dma_start3A_155 : memref<1x!tpu.dma_semaphore, #tpu.memory_space<semaphore_mem>> -> memref<!tpu.dma_semaphore, #tpu.memory_space<semaphore_mem>>
    %dma_start3A_157 = arith.constant 0 : i32
    %dma_start3A_158 = tpu.memref_slice %arg5[%add3A_151, %dma_start3A_157] : memref<50000x32xbf16, #tpu.memory_space<vmem_shared>> -> memref<125x32xbf16, #tpu.memory_space<vmem_shared>>
    tpu.enqueue_dma source(%arg8 : memref<125x32xbf16, #tpu.memory_space<vmem>>) target(%dma_start3A_158 : memref<125x32xbf16, #tpu.memory_space<vmem_shared>>) target_semaphore(%dma_start3A_156 : memref<!tpu.dma_semaphore, #tpu.memory_space<semaphore_mem>>)
    %mul3A_159 = arith.constant 3125 : i32
    %mul3A_160 = arith.muli %arg1, %mul3A_159 : i32
    %add3A_161 = arith.constant 1750 : i32
    %add3A_162 = arith.addi %mul3A_160, %add3A_161 : i32
    %dma_start3A_163 = arith.constant 0 : i32
    %dma_start3A_164 = arith.constant 0 : i32
    %dma_start3A_165 = tpu.memref_slice %arg5[%add3A_162, %dma_start3A_164] : memref<50000x32xbf16, #tpu.memory_space<vmem_shared>> -> memref<125x32xbf16, #tpu.memory_space<vmem_shared>>
    %dma_start3A_166 = tpu.memref_slice %arg11[%dma_start3A_163] : memref<8x!tpu.dma_semaphore, #tpu.memory_space<semaphore_mem>> -> memref<1x!tpu.dma_semaphore, #tpu.memory_space<semaphore_mem>>
    %dma_start3A_167 = tpu.memref_squeeze %dma_start3A_166 : memref<1x!tpu.dma_semaphore, #tpu.memory_space<semaphore_mem>> -> memref<!tpu.dma_semaphore, #tpu.memory_space<semaphore_mem>>
    %dma_start3A_168 = arith.constant 0 : i32
    %dma_start3A_169 = tpu.memref_slice %arg5[%add3A_162, %dma_start3A_168] : memref<50000x32xbf16, #tpu.memory_space<vmem_shared>> -> memref<125x32xbf16, #tpu.memory_space<vmem_shared>>
    tpu.enqueue_dma source(%arg8 : memref<125x32xbf16, #tpu.memory_space<vmem>>) target(%dma_start3A_169 : memref<125x32xbf16, #tpu.memory_space<vmem_shared>>) target_semaphore(%dma_start3A_167 : memref<!tpu.dma_semaphore, #tpu.memory_space<semaphore_mem>>)
    %mul3A_170 = arith.constant 3125 : i32
    %mul3A_171 = arith.muli %arg1, %mul3A_170 : i32
    %add3A_172 = arith.constant 1875 : i32
    %add3A_173 = arith.addi %mul3A_171, %add3A_172 : i32
    %dma_start3A_174 = arith.constant 0 : i32
    %dma_start3A_175 = arith.constant 0 : i32
    %dma_start3A_176 = tpu.memref_slice %arg5[%add3A_173, %dma_start3A_175] : memref<50000x32xbf16, #tpu.memory_space<vmem_shared>> -> memref<125x32xbf16, #tpu.memory_space<vmem_shared>>
    %dma_start3A_177 = tpu.memref_slice %arg11[%dma_start3A_174] : memref<8x!tpu.dma_semaphore, #tpu.memory_space<semaphore_mem>> -> memref<1x!tpu.dma_semaphore, #tpu.memory_space<semaphore_mem>>
    %dma_start3A_178 = tpu.memref_squeeze %dma_start3A_177 : memref<1x!tpu.dma_semaphore, #tpu.memory_space<semaphore_mem>> -> memref<!tpu.dma_semaphore, #tpu.memory_space<semaphore_mem>>
    %dma_start3A_179 = arith.constant 0 : i32
    %dma_start3A_180 = tpu.memref_slice %arg5[%add3A_173, %dma_start3A_179] : memref<50000x32xbf16, #tpu.memory_space<vmem_shared>> -> memref<125x32xbf16, #tpu.memory_space<vmem_shared>>
    tpu.enqueue_dma source(%arg8 : memref<125x32xbf16, #tpu.memory_space<vmem>>) target(%dma_start3A_180 : memref<125x32xbf16, #tpu.memory_space<vmem_shared>>) target_semaphore(%dma_start3A_178 : memref<!tpu.dma_semaphore, #tpu.memory_space<semaphore_mem>>)
    %mul3A_181 = arith.constant 3125 : i32
    %mul3A_182 = arith.muli %arg1, %mul3A_181 : i32
    %add3A_183 = arith.constant 2000 : i32
    %add3A_184 = arith.addi %mul3A_182, %add3A_183 : i32
    %dma_start3A_185 = arith.constant 0 : i32
    %dma_start3A_186 = arith.constant 0 : i32
    %dma_start3A_187 = tpu.memref_slice %arg5[%add3A_184, %dma_start3A_186] : memref<50000x32xbf16, #tpu.memory_space<vmem_shared>> -> memref<125x32xbf16, #tpu.memory_space<vmem_shared>>
    %dma_start3A_188 = tpu.memref_slice %arg11[%dma_start3A_185] : memref<8x!tpu.dma_semaphore, #tpu.memory_space<semaphore_mem>> -> memref<1x!tpu.dma_semaphore, #tpu.memory_space<semaphore_mem>>
    %dma_start3A_189 = tpu.memref_squeeze %dma_start3A_188 : memref<1x!tpu.dma_semaphore, #tpu.memory_space<semaphore_mem>> -> memref<!tpu.dma_semaphore, #tpu.memory_space<semaphore_mem>>
    %dma_start3A_190 = arith.constant 0 : i32
    %dma_start3A_191 = tpu.memref_slice %arg5[%add3A_184, %dma_start3A_190] : memref<50000x32xbf16, #tpu.memory_space<vmem_shared>> -> memref<125x32xbf16, #tpu.memory_space<vmem_shared>>
    tpu.enqueue_dma source(%arg8 : memref<125x32xbf16, #tpu.memory_space<vmem>>) target(%dma_start3A_191 : memref<125x32xbf16, #tpu.memory_space<vmem_shared>>) target_semaphore(%dma_start3A_189 : memref<!tpu.dma_semaphore, #tpu.memory_space<semaphore_mem>>)
    %mul3A_192 = arith.constant 3125 : i32
    %mul3A_193 = arith.muli %arg1, %mul3A_192 : i32
    %add3A_194 = arith.constant 2125 : i32
    %add3A_195 = arith.addi %mul3A_193, %add3A_194 : i32
    %dma_start3A_196 = arith.constant 0 : i32
    %dma_start3A_197 = arith.constant 0 : i32
    %dma_start3A_198 = tpu.memref_slice %arg5[%add3A_195, %dma_start3A_197] : memref<50000x32xbf16, #tpu.memory_space<vmem_shared>> -> memref<125x32xbf16, #tpu.memory_space<vmem_shared>>
    %dma_start3A_199 = tpu.memref_slice %arg11[%dma_start3A_196] : memref<8x!tpu.dma_semaphore, #tpu.memory_space<semaphore_mem>> -> memref<1x!tpu.dma_semaphore, #tpu.memory_space<semaphore_mem>>
    %dma_start3A_200 = tpu.memref_squeeze %dma_start3A_199 : memref<1x!tpu.dma_semaphore, #tpu.memory_space<semaphore_mem>> -> memref<!tpu.dma_semaphore, #tpu.memory_space<semaphore_mem>>
    %dma_start3A_201 = arith.constant 0 : i32
    %dma_start3A_202 = tpu.memref_slice %arg5[%add3A_195, %dma_start3A_201] : memref<50000x32xbf16, #tpu.memory_space<vmem_shared>> -> memref<125x32xbf16, #tpu.memory_space<vmem_shared>>
    tpu.enqueue_dma source(%arg8 : memref<125x32xbf16, #tpu.memory_space<vmem>>) target(%dma_start3A_202 : memref<125x32xbf16, #tpu.memory_space<vmem_shared>>) target_semaphore(%dma_start3A_200 : memref<!tpu.dma_semaphore, #tpu.memory_space<semaphore_mem>>)
    %mul3A_203 = arith.constant 3125 : i32
    %mul3A_204 = arith.muli %arg1, %mul3A_203 : i32
    %add3A_205 = arith.constant 2250 : i32
    %add3A_206 = arith.addi %mul3A_204, %add3A_205 : i32
    %dma_start3A_207 = arith.constant 0 : i32
    %dma_start3A_208 = arith.constant 0 : i32
    %dma_start3A_209 = tpu.memref_slice %arg5[%add3A_206, %dma_start3A_208] : memref<50000x32xbf16, #tpu.memory_space<vmem_shared>> -> memref<125x32xbf16, #tpu.memory_space<vmem_shared>>
    %dma_start3A_210 = tpu.memref_slice %arg11[%dma_start3A_207] : memref<8x!tpu.dma_semaphore, #tpu.memory_space<semaphore_mem>> -> memref<1x!tpu.dma_semaphore, #tpu.memory_space<semaphore_mem>>
    %dma_start3A_211 = tpu.memref_squeeze %dma_start3A_210 : memref<1x!tpu.dma_semaphore, #tpu.memory_space<semaphore_mem>> -> memref<!tpu.dma_semaphore, #tpu.memory_space<semaphore_mem>>
    %dma_start3A_212 = arith.constant 0 : i32
    %dma_start3A_213 = tpu.memref_slice %arg5[%add3A_206, %dma_start3A_212] : memref<50000x32xbf16, #tpu.memory_space<vmem_shared>> -> memref<125x32xbf16, #tpu.memory_space<vmem_shared>>
    tpu.enqueue_dma source(%arg8 : memref<125x32xbf16, #tpu.memory_space<vmem>>) target(%dma_start3A_213 : memref<125x32xbf16, #tpu.memory_space<vmem_shared>>) target_semaphore(%dma_start3A_211 : memref<!tpu.dma_semaphore, #tpu.memory_space<semaphore_mem>>)
    %mul3A_214 = arith.constant 3125 : i32
    %mul3A_215 = arith.muli %arg1, %mul3A_214 : i32
    %add3A_216 = arith.constant 2375 : i32
    %add3A_217 = arith.addi %mul3A_215, %add3A_216 : i32
    %dma_start3A_218 = arith.constant 0 : i32
    %dma_start3A_219 = arith.constant 0 : i32
    %dma_start3A_220 = tpu.memref_slice %arg5[%add3A_217, %dma_start3A_219] : memref<50000x32xbf16, #tpu.memory_space<vmem_shared>> -> memref<125x32xbf16, #tpu.memory_space<vmem_shared>>
    %dma_start3A_221 = tpu.memref_slice %arg11[%dma_start3A_218] : memref<8x!tpu.dma_semaphore, #tpu.memory_space<semaphore_mem>> -> memref<1x!tpu.dma_semaphore, #tpu.memory_space<semaphore_mem>>
    %dma_start3A_222 = tpu.memref_squeeze %dma_start3A_221 : memref<1x!tpu.dma_semaphore, #tpu.memory_space<semaphore_mem>> -> memref<!tpu.dma_semaphore, #tpu.memory_space<semaphore_mem>>
    %dma_start3A_223 = arith.constant 0 : i32
    %dma_start3A_224 = tpu.memref_slice %arg5[%add3A_217, %dma_start3A_223] : memref<50000x32xbf16, #tpu.memory_space<vmem_shared>> -> memref<125x32xbf16, #tpu.memory_space<vmem_shared>>
    tpu.enqueue_dma source(%arg8 : memref<125x32xbf16, #tpu.memory_space<vmem>>) target(%dma_start3A_224 : memref<125x32xbf16, #tpu.memory_space<vmem_shared>>) target_semaphore(%dma_start3A_222 : memref<!tpu.dma_semaphore, #tpu.memory_space<semaphore_mem>>)
    %mul3A_225 = arith.constant 3125 : i32
    %mul3A_226 = arith.muli %arg1, %mul3A_225 : i32
    %add3A_227 = arith.constant 2500 : i32
    %add3A_228 = arith.addi %mul3A_226, %add3A_227 : i32
    %dma_start3A_229 = arith.constant 0 : i32
    %dma_start3A_230 = arith.constant 0 : i32
    %dma_start3A_231 = tpu.memref_slice %arg5[%add3A_228, %dma_start3A_230] : memref<50000x32xbf16, #tpu.memory_space<vmem_shared>> -> memref<125x32xbf16, #tpu.memory_space<vmem_shared>>
    %dma_start3A_232 = tpu.memref_slice %arg11[%dma_start3A_229] : memref<8x!tpu.dma_semaphore, #tpu.memory_space<semaphore_mem>> -> memref<1x!tpu.dma_semaphore, #tpu.memory_space<semaphore_mem>>
    %dma_start3A_233 = tpu.memref_squeeze %dma_start3A_232 : memref<1x!tpu.dma_semaphore, #tpu.memory_space<semaphore_mem>> -> memref<!tpu.dma_semaphore, #tpu.memory_space<semaphore_mem>>
    %dma_start3A_234 = arith.constant 0 : i32
    %dma_start3A_235 = tpu.memref_slice %arg5[%add3A_228, %dma_start3A_234] : memref<50000x32xbf16, #tpu.memory_space<vmem_shared>> -> memref<125x32xbf16, #tpu.memory_space<vmem_shared>>
    tpu.enqueue_dma source(%arg8 : memref<125x32xbf16, #tpu.memory_space<vmem>>) target(%dma_start3A_235 : memref<125x32xbf16, #tpu.memory_space<vmem_shared>>) target_semaphore(%dma_start3A_233 : memref<!tpu.dma_semaphore, #tpu.memory_space<semaphore_mem>>)
    %mul3A_236 = arith.constant 3125 : i32
    %mul3A_237 = arith.muli %arg1, %mul3A_236 : i32
    %add3A_238 = arith.constant 2625 : i32
    %add3A_239 = arith.addi %mul3A_237, %add3A_238 : i32
    %dma_start3A_240 = arith.constant 0 : i32
    %dma_start3A_241 = arith.constant 0 : i32
    %dma_start3A_242 = tpu.memref_slice %arg5[%add3A_239, %dma_start3A_241] : memref<50000x32xbf16, #tpu.memory_space<vmem_shared>> -> memref<125x32xbf16, #tpu.memory_space<vmem_shared>>
    %dma_start3A_243 = tpu.memref_slice %arg11[%dma_start3A_240] : memref<8x!tpu.dma_semaphore, #tpu.memory_space<semaphore_mem>> -> memref<1x!tpu.dma_semaphore, #tpu.memory_space<semaphore_mem>>
    %dma_start3A_244 = tpu.memref_squeeze %dma_start3A_243 : memref<1x!tpu.dma_semaphore, #tpu.memory_space<semaphore_mem>> -> memref<!tpu.dma_semaphore, #tpu.memory_space<semaphore_mem>>
    %dma_start3A_245 = arith.constant 0 : i32
    %dma_start3A_246 = tpu.memref_slice %arg5[%add3A_239, %dma_start3A_245] : memref<50000x32xbf16, #tpu.memory_space<vmem_shared>> -> memref<125x32xbf16, #tpu.memory_space<vmem_shared>>
    tpu.enqueue_dma source(%arg8 : memref<125x32xbf16, #tpu.memory_space<vmem>>) target(%dma_start3A_246 : memref<125x32xbf16, #tpu.memory_space<vmem_shared>>) target_semaphore(%dma_start3A_244 : memref<!tpu.dma_semaphore, #tpu.memory_space<semaphore_mem>>)
    %mul3A_247 = arith.constant 3125 : i32
    %mul3A_248 = arith.muli %arg1, %mul3A_247 : i32
    %add3A_249 = arith.constant 2750 : i32
    %add3A_250 = arith.addi %mul3A_248, %add3A_249 : i32
    %dma_start3A_251 = arith.constant 0 : i32
    %dma_start3A_252 = arith.constant 0 : i32
    %dma_start3A_253 = tpu.memref_slice %arg5[%add3A_250, %dma_start3A_252] : memref<50000x32xbf16, #tpu.memory_space<vmem_shared>> -> memref<125x32xbf16, #tpu.memory_space<vmem_shared>>
    %dma_start3A_254 = tpu.memref_slice %arg11[%dma_start3A_251] : memref<8x!tpu.dma_semaphore, #tpu.memory_space<semaphore_mem>> -> memref<1x!tpu.dma_semaphore, #tpu.memory_space<semaphore_mem>>
    %dma_start3A_255 = tpu.memref_squeeze %dma_start3A_254 : memref<1x!tpu.dma_semaphore, #tpu.memory_space<semaphore_mem>> -> memref<!tpu.dma_semaphore, #tpu.memory_space<semaphore_mem>>
    %dma_start3A_256 = arith.constant 0 : i32
    %dma_start3A_257 = tpu.memref_slice %arg5[%add3A_250, %dma_start3A_256] : memref<50000x32xbf16, #tpu.memory_space<vmem_shared>> -> memref<125x32xbf16, #tpu.memory_space<vmem_shared>>
    tpu.enqueue_dma source(%arg8 : memref<125x32xbf16, #tpu.memory_space<vmem>>) target(%dma_start3A_257 : memref<125x32xbf16, #tpu.memory_space<vmem_shared>>) target_semaphore(%dma_start3A_255 : memref<!tpu.dma_semaphore, #tpu.memory_space<semaphore_mem>>)
    %mul3A_258 = arith.constant 3125 : i32
    %mul3A_259 = arith.muli %arg1, %mul3A_258 : i32
    %add3A_260 = arith.constant 2875 : i32
    %add3A_261 = arith.addi %mul3A_259, %add3A_260 : i32
    %dma_start3A_262 = arith.constant 0 : i32
    %dma_start3A_263 = arith.constant 0 : i32
    %dma_start3A_264 = tpu.memref_slice %arg5[%add3A_261, %dma_start3A_263] : memref<50000x32xbf16, #tpu.memory_space<vmem_shared>> -> memref<125x32xbf16, #tpu.memory_space<vmem_shared>>
    %dma_start3A_265 = tpu.memref_slice %arg11[%dma_start3A_262] : memref<8x!tpu.dma_semaphore, #tpu.memory_space<semaphore_mem>> -> memref<1x!tpu.dma_semaphore, #tpu.memory_space<semaphore_mem>>
    %dma_start3A_266 = tpu.memref_squeeze %dma_start3A_265 : memref<1x!tpu.dma_semaphore, #tpu.memory_space<semaphore_mem>> -> memref<!tpu.dma_semaphore, #tpu.memory_space<semaphore_mem>>
    %dma_start3A_267 = arith.constant 0 : i32
    %dma_start3A_268 = tpu.memref_slice %arg5[%add3A_261, %dma_start3A_267] : memref<50000x32xbf16, #tpu.memory_space<vmem_shared>> -> memref<125x32xbf16, #tpu.memory_space<vmem_shared>>
    tpu.enqueue_dma source(%arg8 : memref<125x32xbf16, #tpu.memory_space<vmem>>) target(%dma_start3A_268 : memref<125x32xbf16, #tpu.memory_space<vmem_shared>>) target_semaphore(%dma_start3A_266 : memref<!tpu.dma_semaphore, #tpu.memory_space<semaphore_mem>>)
    %mul3A_269 = arith.constant 3125 : i32
    %mul3A_270 = arith.muli %arg1, %mul3A_269 : i32
    %add3A_271 = arith.constant 3000 : i32
    %add3A_272 = arith.addi %mul3A_270, %add3A_271 : i32
    %dma_start3A_273 = arith.constant 0 : i32
    %dma_start3A_274 = arith.constant 0 : i32
    %dma_start3A_275 = tpu.memref_slice %arg5[%add3A_272, %dma_start3A_274] : memref<50000x32xbf16, #tpu.memory_space<vmem_shared>> -> memref<125x32xbf16, #tpu.memory_space<vmem_shared>>
    %dma_start3A_276 = tpu.memref_slice %arg11[%dma_start3A_273] : memref<8x!tpu.dma_semaphore, #tpu.memory_space<semaphore_mem>> -> memref<1x!tpu.dma_semaphore, #tpu.memory_space<semaphore_mem>>
    %dma_start3A_277 = tpu.memref_squeeze %dma_start3A_276 : memref<1x!tpu.dma_semaphore, #tpu.memory_space<semaphore_mem>> -> memref<!tpu.dma_semaphore, #tpu.memory_space<semaphore_mem>>
    %dma_start3A_278 = arith.constant 0 : i32
    %dma_start3A_279 = tpu.memref_slice %arg5[%add3A_272, %dma_start3A_278] : memref<50000x32xbf16, #tpu.memory_space<vmem_shared>> -> memref<125x32xbf16, #tpu.memory_space<vmem_shared>>
    tpu.enqueue_dma source(%arg8 : memref<125x32xbf16, #tpu.memory_space<vmem>>) target(%dma_start3A_279 : memref<125x32xbf16, #tpu.memory_space<vmem_shared>>) target_semaphore(%dma_start3A_277 : memref<!tpu.dma_semaphore, #tpu.memory_space<semaphore_mem>>)
    %dma_wait3A = arith.constant 0 : i32
    %dma_wait3A_280 = arith.constant 0 : i32
    %dma_wait3A_281 = arith.constant 0 : i32
    %dma_wait3A_282 = tpu.memref_slice %arg5[%dma_wait3A_280, %dma_wait3A_281] : memref<50000x32xbf16, #tpu.memory_space<vmem_shared>> -> memref<125x32xbf16, #tpu.memory_space<vmem_shared>>
    %dma_wait3A_283 = tpu.memref_slice %arg11[%dma_wait3A] : memref<8x!tpu.dma_semaphore, #tpu.memory_space<semaphore_mem>> -> memref<1x!tpu.dma_semaphore, #tpu.memory_space<semaphore_mem>>
    %dma_wait3A_284 = tpu.memref_squeeze %dma_wait3A_283 : memref<1x!tpu.dma_semaphore, #tpu.memory_space<semaphore_mem>> -> memref<!tpu.dma_semaphore, #tpu.memory_space<semaphore_mem>>
    %dma_wait3A_285 = arith.constant 0 : i32
    %dma_wait3A_286 = arith.constant 0 : i32
    %dma_wait3A_287 = tpu.memref_slice %arg5[%dma_wait3A_285, %dma_wait3A_286] : memref<50000x32xbf16, #tpu.memory_space<vmem_shared>> -> memref<125x32xbf16, #tpu.memory_space<vmem_shared>>
    tpu.wait_dma2 semaphore(%dma_wait3A_284 : memref<!tpu.dma_semaphore, #tpu.memory_space<semaphore_mem>>) src(%arg8 : memref<125x32xbf16, #tpu.memory_space<vmem>>) dst(%dma_wait3A_287 : memref<125x32xbf16, #tpu.memory_space<vmem_shared>>)
    %dma_wait3A_288 = arith.constant 0 : i32
    %dma_wait3A_289 = arith.constant 0 : i32
    %dma_wait3A_290 = arith.constant 0 : i32
    %dma_wait3A_291 = tpu.memref_slice %arg5[%dma_wait3A_289, %dma_wait3A_290] : memref<50000x32xbf16, #tpu.memory_space<vmem_shared>> -> memref<125x32xbf16, #tpu.memory_space<vmem_shared>>
    %dma_wait3A_292 = tpu.memref_slice %arg11[%dma_wait3A_288] : memref<8x!tpu.dma_semaphore, #tpu.memory_space<semaphore_mem>> -> memref<1x!tpu.dma_semaphore, #tpu.memory_space<semaphore_mem>>
    %dma_wait3A_293 = tpu.memref_squeeze %dma_wait3A_292 : memref<1x!tpu.dma_semaphore, #tpu.memory_space<semaphore_mem>> -> memref<!tpu.dma_semaphore, #tpu.memory_space<semaphore_mem>>
    %dma_wait3A_294 = arith.constant 0 : i32
    %dma_wait3A_295 = arith.constant 0 : i32
    %dma_wait3A_296 = tpu.memref_slice %arg5[%dma_wait3A_294, %dma_wait3A_295] : memref<50000x32xbf16, #tpu.memory_space<vmem_shared>> -> memref<125x32xbf16, #tpu.memory_space<vmem_shared>>
    tpu.wait_dma2 semaphore(%dma_wait3A_293 : memref<!tpu.dma_semaphore, #tpu.memory_space<semaphore_mem>>) src(%arg8 : memref<125x32xbf16, #tpu.memory_space<vmem>>) dst(%dma_wait3A_296 : memref<125x32xbf16, #tpu.memory_space<vmem_shared>>)
    %dma_wait3A_297 = arith.constant 0 : i32
    %dma_wait3A_298 = arith.constant 0 : i32
    %dma_wait3A_299 = arith.constant 0 : i32
    %dma_wait3A_300 = tpu.memref_slice %arg5[%dma_wait3A_298, %dma_wait3A_299] : memref<50000x32xbf16, #tpu.memory_space<vmem_shared>> -> memref<125x32xbf16, #tpu.memory_space<vmem_shared>>
    %dma_wait3A_301 = tpu.memref_slice %arg11[%dma_wait3A_297] : memref<8x!tpu.dma_semaphore, #tpu.memory_space<semaphore_mem>> -> memref<1x!tpu.dma_semaphore, #tpu.memory_space<semaphore_mem>>
    %dma_wait3A_302 = tpu.memref_squeeze %dma_wait3A_301 : memref<1x!tpu.dma_semaphore, #tpu.memory_space<semaphore_mem>> -> memref<!tpu.dma_semaphore, #tpu.memory_space<semaphore_mem>>
    %dma_wait3A_303 = arith.constant 0 : i32
    %dma_wait3A_304 = arith.constant 0 : i32
    %dma_wait3A_305 = tpu.memref_slice %arg5[%dma_wait3A_303, %dma_wait3A_304] : memref<50000x32xbf16, #tpu.memory_space<vmem_shared>> -> memref<125x32xbf16, #tpu.memory_space<vmem_shared>>
    tpu.wait_dma2 semaphore(%dma_wait3A_302 : memref<!tpu.dma_semaphore, #tpu.memory_space<semaphore_mem>>) src(%arg8 : memref<125x32xbf16, #tpu.memory_space<vmem>>) dst(%dma_wait3A_305 : memref<125x32xbf16, #tpu.memory_space<vmem_shared>>)
    %dma_wait3A_306 = arith.constant 0 : i32
    %dma_wait3A_307 = arith.constant 0 : i32
    %dma_wait3A_308 = arith.constant 0 : i32
    %dma_wait3A_309 = tpu.memref_slice %arg5[%dma_wait3A_307, %dma_wait3A_308] : memref<50000x32xbf16, #tpu.memory_space<vmem_shared>> -> memref<125x32xbf16, #tpu.memory_space<vmem_shared>>
    %dma_wait3A_310 = tpu.memref_slice %arg11[%dma_wait3A_306] : memref<8x!tpu.dma_semaphore, #tpu.memory_space<semaphore_mem>> -> memref<1x!tpu.dma_semaphore, #tpu.memory_space<semaphore_mem>>
    %dma_wait3A_311 = tpu.memref_squeeze %dma_wait3A_310 : memref<1x!tpu.dma_semaphore, #tpu.memory_space<semaphore_mem>> -> memref<!tpu.dma_semaphore, #tpu.memory_space<semaphore_mem>>
    %dma_wait3A_312 = arith.constant 0 : i32
    %dma_wait3A_313 = arith.constant 0 : i32
    %dma_wait3A_314 = tpu.memref_slice %arg5[%dma_wait3A_312, %dma_wait3A_313] : memref<50000x32xbf16, #tpu.memory_space<vmem_shared>> -> memref<125x32xbf16, #tpu.memory_space<vmem_shared>>
    tpu.wait_dma2 semaphore(%dma_wait3A_311 : memref<!tpu.dma_semaphore, #tpu.memory_space<semaphore_mem>>) src(%arg8 : memref<125x32xbf16, #tpu.memory_space<vmem>>) dst(%dma_wait3A_314 : memref<125x32xbf16, #tpu.memory_space<vmem_shared>>)
    %dma_wait3A_315 = arith.constant 0 : i32
    %dma_wait3A_316 = arith.constant 0 : i32
    %dma_wait3A_317 = arith.constant 0 : i32
    %dma_wait3A_318 = tpu.memref_slice %arg5[%dma_wait3A_316, %dma_wait3A_317] : memref<50000x32xbf16, #tpu.memory_space<vmem_shared>> -> memref<125x32xbf16, #tpu.memory_space<vmem_shared>>
    %dma_wait3A_319 = tpu.memref_slice %arg11[%dma_wait3A_315] : memref<8x!tpu.dma_semaphore, #tpu.memory_space<semaphore_mem>> -> memref<1x!tpu.dma_semaphore, #tpu.memory_space<semaphore_mem>>
    %dma_wait3A_320 = tpu.memref_squeeze %dma_wait3A_319 : memref<1x!tpu.dma_semaphore, #tpu.memory_space<semaphore_mem>> -> memref<!tpu.dma_semaphore, #tpu.memory_space<semaphore_mem>>
    %dma_wait3A_321 = arith.constant 0 : i32
    %dma_wait3A_322 = arith.constant 0 : i32
    %dma_wait3A_323 = tpu.memref_slice %arg5[%dma_wait3A_321, %dma_wait3A_322] : memref<50000x32xbf16, #tpu.memory_space<vmem_shared>> -> memref<125x32xbf16, #tpu.memory_space<vmem_shared>>
    tpu.wait_dma2 semaphore(%dma_wait3A_320 : memref<!tpu.dma_semaphore, #tpu.memory_space<semaphore_mem>>) src(%arg8 : memref<125x32xbf16, #tpu.memory_space<vmem>>) dst(%dma_wait3A_323 : memref<125x32xbf16, #tpu.memory_space<vmem_shared>>)
    %dma_wait3A_324 = arith.constant 0 : i32
    %dma_wait3A_325 = arith.constant 0 : i32
    %dma_wait3A_326 = arith.constant 0 : i32
    %dma_wait3A_327 = tpu.memref_slice %arg5[%dma_wait3A_325, %dma_wait3A_326] : memref<50000x32xbf16, #tpu.memory_space<vmem_shared>> -> memref<125x32xbf16, #tpu.memory_space<vmem_shared>>
    %dma_wait3A_328 = tpu.memref_slice %arg11[%dma_wait3A_324] : memref<8x!tpu.dma_semaphore, #tpu.memory_space<semaphore_mem>> -> memref<1x!tpu.dma_semaphore, #tpu.memory_space<semaphore_mem>>
    %dma_wait3A_329 = tpu.memref_squeeze %dma_wait3A_328 : memref<1x!tpu.dma_semaphore, #tpu.memory_space<semaphore_mem>> -> memref<!tpu.dma_semaphore, #tpu.memory_space<semaphore_mem>>
    %dma_wait3A_330 = arith.constant 0 : i32
    %dma_wait3A_331 = arith.constant 0 : i32
    %dma_wait3A_332 = tpu.memref_slice %arg5[%dma_wait3A_330, %dma_wait3A_331] : memref<50000x32xbf16, #tpu.memory_space<vmem_shared>> -> memref<125x32xbf16, #tpu.memory_space<vmem_shared>>
    tpu.wait_dma2 semaphore(%dma_wait3A_329 : memref<!tpu.dma_semaphore, #tpu.memory_space<semaphore_mem>>) src(%arg8 : memref<125x32xbf16, #tpu.memory_space<vmem>>) dst(%dma_wait3A_332 : memref<125x32xbf16, #tpu.memory_space<vmem_shared>>)
    %dma_wait3A_333 = arith.constant 0 : i32
    %dma_wait3A_334 = arith.constant 0 : i32
    %dma_wait3A_335 = arith.constant 0 : i32
    %dma_wait3A_336 = tpu.memref_slice %arg5[%dma_wait3A_334, %dma_wait3A_335] : memref<50000x32xbf16, #tpu.memory_space<vmem_shared>> -> memref<125x32xbf16, #tpu.memory_space<vmem_shared>>
    %dma_wait3A_337 = tpu.memref_slice %arg11[%dma_wait3A_333] : memref<8x!tpu.dma_semaphore, #tpu.memory_space<semaphore_mem>> -> memref<1x!tpu.dma_semaphore, #tpu.memory_space<semaphore_mem>>
    %dma_wait3A_338 = tpu.memref_squeeze %dma_wait3A_337 : memref<1x!tpu.dma_semaphore, #tpu.memory_space<semaphore_mem>> -> memref<!tpu.dma_semaphore, #tpu.memory_space<semaphore_mem>>
    %dma_wait3A_339 = arith.constant 0 : i32
    %dma_wait3A_340 = arith.constant 0 : i32
    %dma_wait3A_341 = tpu.memref_slice %arg5[%dma_wait3A_339, %dma_wait3A_340] : memref<50000x32xbf16, #tpu.memory_space<vmem_shared>> -> memref<125x32xbf16, #tpu.memory_space<vmem_shared>>
    tpu.wait_dma2 semaphore(%dma_wait3A_338 : memref<!tpu.dma_semaphore, #tpu.memory_space<semaphore_mem>>) src(%arg8 : memref<125x32xbf16, #tpu.memory_space<vmem>>) dst(%dma_wait3A_341 : memref<125x32xbf16, #tpu.memory_space<vmem_shared>>)
    %dma_wait3A_342 = arith.constant 0 : i32
    %dma_wait3A_343 = arith.constant 0 : i32
    %dma_wait3A_344 = arith.constant 0 : i32
    %dma_wait3A_345 = tpu.memref_slice %arg5[%dma_wait3A_343, %dma_wait3A_344] : memref<50000x32xbf16, #tpu.memory_space<vmem_shared>> -> memref<125x32xbf16, #tpu.memory_space<vmem_shared>>
    %dma_wait3A_346 = tpu.memref_slice %arg11[%dma_wait3A_342] : memref<8x!tpu.dma_semaphore, #tpu.memory_space<semaphore_mem>> -> memref<1x!tpu.dma_semaphore, #tpu.memory_space<semaphore_mem>>
    %dma_wait3A_347 = tpu.memref_squeeze %dma_wait3A_346 : memref<1x!tpu.dma_semaphore, #tpu.memory_space<semaphore_mem>> -> memref<!tpu.dma_semaphore, #tpu.memory_space<semaphore_mem>>
    %dma_wait3A_348 = arith.constant 0 : i32
    %dma_wait3A_349 = arith.constant 0 : i32
    %dma_wait3A_350 = tpu.memref_slice %arg5[%dma_wait3A_348, %dma_wait3A_349] : memref<50000x32xbf16, #tpu.memory_space<vmem_shared>> -> memref<125x32xbf16, #tpu.memory_space<vmem_shared>>
    tpu.wait_dma2 semaphore(%dma_wait3A_347 : memref<!tpu.dma_semaphore, #tpu.memory_space<semaphore_mem>>) src(%arg8 : memref<125x32xbf16, #tpu.memory_space<vmem>>) dst(%dma_wait3A_350 : memref<125x32xbf16, #tpu.memory_space<vmem_shared>>)
    %dma_wait3A_351 = arith.constant 0 : i32
    %dma_wait3A_352 = arith.constant 0 : i32
    %dma_wait3A_353 = arith.constant 0 : i32
    %dma_wait3A_354 = tpu.memref_slice %arg5[%dma_wait3A_352, %dma_wait3A_353] : memref<50000x32xbf16, #tpu.memory_space<vmem_shared>> -> memref<125x32xbf16, #tpu.memory_space<vmem_shared>>
    %dma_wait3A_355 = tpu.memref_slice %arg11[%dma_wait3A_351] : memref<8x!tpu.dma_semaphore, #tpu.memory_space<semaphore_mem>> -> memref<1x!tpu.dma_semaphore, #tpu.memory_space<semaphore_mem>>
    %dma_wait3A_356 = tpu.memref_squeeze %dma_wait3A_355 : memref<1x!tpu.dma_semaphore, #tpu.memory_space<semaphore_mem>> -> memref<!tpu.dma_semaphore, #tpu.memory_space<semaphore_mem>>
    %dma_wait3A_357 = arith.constant 0 : i32
    %dma_wait3A_358 = arith.constant 0 : i32
    %dma_wait3A_359 = tpu.memref_slice %arg5[%dma_wait3A_357, %dma_wait3A_358] : memref<50000x32xbf16, #tpu.memory_space<vmem_shared>> -> memref<125x32xbf16, #tpu.memory_space<vmem_shared>>
    tpu.wait_dma2 semaphore(%dma_wait3A_356 : memref<!tpu.dma_semaphore, #tpu.memory_space<semaphore_mem>>) src(%arg8 : memref<125x32xbf16, #tpu.memory_space<vmem>>) dst(%dma_wait3A_359 : memref<125x32xbf16, #tpu.memory_space<vmem_shared>>)
    %dma_wait3A_360 = arith.constant 0 : i32
    %dma_wait3A_361 = arith.constant 0 : i32
    %dma_wait3A_362 = arith.constant 0 : i32
    %dma_wait3A_363 = tpu.memref_slice %arg5[%dma_wait3A_361, %dma_wait3A_362] : memref<50000x32xbf16, #tpu.memory_space<vmem_shared>> -> memref<125x32xbf16, #tpu.memory_space<vmem_shared>>
    %dma_wait3A_364 = tpu.memref_slice %arg11[%dma_wait3A_360] : memref<8x!tpu.dma_semaphore, #tpu.memory_space<semaphore_mem>> -> memref<1x!tpu.dma_semaphore, #tpu.memory_space<semaphore_mem>>
    %dma_wait3A_365 = tpu.memref_squeeze %dma_wait3A_364 : memref<1x!tpu.dma_semaphore, #tpu.memory_space<semaphore_mem>> -> memref<!tpu.dma_semaphore, #tpu.memory_space<semaphore_mem>>
    %dma_wait3A_366 = arith.constant 0 : i32
    %dma_wait3A_367 = arith.constant 0 : i32
    %dma_wait3A_368 = tpu.memref_slice %arg5[%dma_wait3A_366, %dma_wait3A_367] : memref<50000x32xbf16, #tpu.memory_space<vmem_shared>> -> memref<125x32xbf16, #tpu.memory_space<vmem_shared>>
    tpu.wait_dma2 semaphore(%dma_wait3A_365 : memref<!tpu.dma_semaphore, #tpu.memory_space<semaphore_mem>>) src(%arg8 : memref<125x32xbf16, #tpu.memory_space<vmem>>) dst(%dma_wait3A_368 : memref<125x32xbf16, #tpu.memory_space<vmem_shared>>)
    %dma_wait3A_369 = arith.constant 0 : i32
    %dma_wait3A_370 = arith.constant 0 : i32
    %dma_wait3A_371 = arith.constant 0 : i32
    %dma_wait3A_372 = tpu.memref_slice %arg5[%dma_wait3A_370, %dma_wait3A_371] : memref<50000x32xbf16, #tpu.memory_space<vmem_shared>> -> memref<125x32xbf16, #tpu.memory_space<vmem_shared>>
    %dma_wait3A_373 = tpu.memref_slice %arg11[%dma_wait3A_369] : memref<8x!tpu.dma_semaphore, #tpu.memory_space<semaphore_mem>> -> memref<1x!tpu.dma_semaphore, #tpu.memory_space<semaphore_mem>>
    %dma_wait3A_374 = tpu.memref_squeeze %dma_wait3A_373 : memref<1x!tpu.dma_semaphore, #tpu.memory_space<semaphore_mem>> -> memref<!tpu.dma_semaphore, #tpu.memory_space<semaphore_mem>>
    %dma_wait3A_375 = arith.constant 0 : i32
    %dma_wait3A_376 = arith.constant 0 : i32
    %dma_wait3A_377 = tpu.memref_slice %arg5[%dma_wait3A_375, %dma_wait3A_376] : memref<50000x32xbf16, #tpu.memory_space<vmem_shared>> -> memref<125x32xbf16, #tpu.memory_space<vmem_shared>>
    tpu.wait_dma2 semaphore(%dma_wait3A_374 : memref<!tpu.dma_semaphore, #tpu.memory_space<semaphore_mem>>) src(%arg8 : memref<125x32xbf16, #tpu.memory_space<vmem>>) dst(%dma_wait3A_377 : memref<125x32xbf16, #tpu.memory_space<vmem_shared>>)
    %dma_wait3A_378 = arith.constant 0 : i32
    %dma_wait3A_379 = arith.constant 0 : i32
    %dma_wait3A_380 = arith.constant 0 : i32
    %dma_wait3A_381 = tpu.memref_slice %arg5[%dma_wait3A_379, %dma_wait3A_380] : memref<50000x32xbf16, #tpu.memory_space<vmem_shared>> -> memref<125x32xbf16, #tpu.memory_space<vmem_shared>>
    %dma_wait3A_382 = tpu.memref_slice %arg11[%dma_wait3A_378] : memref<8x!tpu.dma_semaphore, #tpu.memory_space<semaphore_mem>> -> memref<1x!tpu.dma_semaphore, #tpu.memory_space<semaphore_mem>>
    %dma_wait3A_383 = tpu.memref_squeeze %dma_wait3A_382 : memref<1x!tpu.dma_semaphore, #tpu.memory_space<semaphore_mem>> -> memref<!tpu.dma_semaphore, #tpu.memory_space<semaphore_mem>>
    %dma_wait3A_384 = arith.constant 0 : i32
    %dma_wait3A_385 = arith.constant 0 : i32
    %dma_wait3A_386 = tpu.memref_slice %arg5[%dma_wait3A_384, %dma_wait3A_385] : memref<50000x32xbf16, #tpu.memory_space<vmem_shared>> -> memref<125x32xbf16, #tpu.memory_space<vmem_shared>>
    tpu.wait_dma2 semaphore(%dma_wait3A_383 : memref<!tpu.dma_semaphore, #tpu.memory_space<semaphore_mem>>) src(%arg8 : memref<125x32xbf16, #tpu.memory_space<vmem>>) dst(%dma_wait3A_386 : memref<125x32xbf16, #tpu.memory_space<vmem_shared>>)
    %dma_wait3A_387 = arith.constant 0 : i32
    %dma_wait3A_388 = arith.constant 0 : i32
    %dma_wait3A_389 = arith.constant 0 : i32
    %dma_wait3A_390 = tpu.memref_slice %arg5[%dma_wait3A_388, %dma_wait3A_389] : memref<50000x32xbf16, #tpu.memory_space<vmem_shared>> -> memref<125x32xbf16, #tpu.memory_space<vmem_shared>>
    %dma_wait3A_391 = tpu.memref_slice %arg11[%dma_wait3A_387] : memref<8x!tpu.dma_semaphore, #tpu.memory_space<semaphore_mem>> -> memref<1x!tpu.dma_semaphore, #tpu.memory_space<semaphore_mem>>
    %dma_wait3A_392 = tpu.memref_squeeze %dma_wait3A_391 : memref<1x!tpu.dma_semaphore, #tpu.memory_space<semaphore_mem>> -> memref<!tpu.dma_semaphore, #tpu.memory_space<semaphore_mem>>
    %dma_wait3A_393 = arith.constant 0 : i32
    %dma_wait3A_394 = arith.constant 0 : i32
    %dma_wait3A_395 = tpu.memref_slice %arg5[%dma_wait3A_393, %dma_wait3A_394] : memref<50000x32xbf16, #tpu.memory_space<vmem_shared>> -> memref<125x32xbf16, #tpu.memory_space<vmem_shared>>
    tpu.wait_dma2 semaphore(%dma_wait3A_392 : memref<!tpu.dma_semaphore, #tpu.memory_space<semaphore_mem>>) src(%arg8 : memref<125x32xbf16, #tpu.memory_space<vmem>>) dst(%dma_wait3A_395 : memref<125x32xbf16, #tpu.memory_space<vmem_shared>>)
    %dma_wait3A_396 = arith.constant 0 : i32
    %dma_wait3A_397 = arith.constant 0 : i32
    %dma_wait3A_398 = arith.constant 0 : i32
    %dma_wait3A_399 = tpu.memref_slice %arg5[%dma_wait3A_397, %dma_wait3A_398] : memref<50000x32xbf16, #tpu.memory_space<vmem_shared>> -> memref<125x32xbf16, #tpu.memory_space<vmem_shared>>
    %dma_wait3A_400 = tpu.memref_slice %arg11[%dma_wait3A_396] : memref<8x!tpu.dma_semaphore, #tpu.memory_space<semaphore_mem>> -> memref<1x!tpu.dma_semaphore, #tpu.memory_space<semaphore_mem>>
    %dma_wait3A_401 = tpu.memref_squeeze %dma_wait3A_400 : memref<1x!tpu.dma_semaphore, #tpu.memory_space<semaphore_mem>> -> memref<!tpu.dma_semaphore, #tpu.memory_space<semaphore_mem>>
    %dma_wait3A_402 = arith.constant 0 : i32
    %dma_wait3A_403 = arith.constant 0 : i32
    %dma_wait3A_404 = tpu.memref_slice %arg5[%dma_wait3A_402, %dma_wait3A_403] : memref<50000x32xbf16, #tpu.memory_space<vmem_shared>> -> memref<125x32xbf16, #tpu.memory_space<vmem_shared>>
    tpu.wait_dma2 semaphore(%dma_wait3A_401 : memref<!tpu.dma_semaphore, #tpu.memory_space<semaphore_mem>>) src(%arg8 : memref<125x32xbf16, #tpu.memory_space<vmem>>) dst(%dma_wait3A_404 : memref<125x32xbf16, #tpu.memory_space<vmem_shared>>)
    %dma_wait3A_405 = arith.constant 0 : i32
    %dma_wait3A_406 = arith.constant 0 : i32
    %dma_wait3A_407 = arith.constant 0 : i32
    %dma_wait3A_408 = tpu.memref_slice %arg5[%dma_wait3A_406, %dma_wait3A_407] : memref<50000x32xbf16, #tpu.memory_space<vmem_shared>> -> memref<125x32xbf16, #tpu.memory_space<vmem_shared>>
    %dma_wait3A_409 = tpu.memref_slice %arg11[%dma_wait3A_405] : memref<8x!tpu.dma_semaphore, #tpu.memory_space<semaphore_mem>> -> memref<1x!tpu.dma_semaphore, #tpu.memory_space<semaphore_mem>>
    %dma_wait3A_410 = tpu.memref_squeeze %dma_wait3A_409 : memref<1x!tpu.dma_semaphore, #tpu.memory_space<semaphore_mem>> -> memref<!tpu.dma_semaphore, #tpu.memory_space<semaphore_mem>>
    %dma_wait3A_411 = arith.constant 0 : i32
    %dma_wait3A_412 = arith.constant 0 : i32
    %dma_wait3A_413 = tpu.memref_slice %arg5[%dma_wait3A_411, %dma_wait3A_412] : memref<50000x32xbf16, #tpu.memory_space<vmem_shared>> -> memref<125x32xbf16, #tpu.memory_space<vmem_shared>>
    tpu.wait_dma2 semaphore(%dma_wait3A_410 : memref<!tpu.dma_semaphore, #tpu.memory_space<semaphore_mem>>) src(%arg8 : memref<125x32xbf16, #tpu.memory_space<vmem>>) dst(%dma_wait3A_413 : memref<125x32xbf16, #tpu.memory_space<vmem_shared>>)
    %dma_wait3A_414 = arith.constant 0 : i32
    %dma_wait3A_415 = arith.constant 0 : i32
    %dma_wait3A_416 = arith.constant 0 : i32
    %dma_wait3A_417 = tpu.memref_slice %arg5[%dma_wait3A_415, %dma_wait3A_416] : memref<50000x32xbf16, #tpu.memory_space<vmem_shared>> -> memref<125x32xbf16, #tpu.memory_space<vmem_shared>>
    %dma_wait3A_418 = tpu.memref_slice %arg11[%dma_wait3A_414] : memref<8x!tpu.dma_semaphore, #tpu.memory_space<semaphore_mem>> -> memref<1x!tpu.dma_semaphore, #tpu.memory_space<semaphore_mem>>
    %dma_wait3A_419 = tpu.memref_squeeze %dma_wait3A_418 : memref<1x!tpu.dma_semaphore, #tpu.memory_space<semaphore_mem>> -> memref<!tpu.dma_semaphore, #tpu.memory_space<semaphore_mem>>
    %dma_wait3A_420 = arith.constant 0 : i32
    %dma_wait3A_421 = arith.constant 0 : i32
    %dma_wait3A_422 = tpu.memref_slice %arg5[%dma_wait3A_420, %dma_wait3A_421] : memref<50000x32xbf16, #tpu.memory_space<vmem_shared>> -> memref<125x32xbf16, #tpu.memory_space<vmem_shared>>
    tpu.wait_dma2 semaphore(%dma_wait3A_419 : memref<!tpu.dma_semaphore, #tpu.memory_space<semaphore_mem>>) src(%arg8 : memref<125x32xbf16, #tpu.memory_space<vmem>>) dst(%dma_wait3A_422 : memref<125x32xbf16, #tpu.memory_space<vmem_shared>>)
    %dma_wait3A_423 = arith.constant 0 : i32
    %dma_wait3A_424 = arith.constant 0 : i32
    %dma_wait3A_425 = arith.constant 0 : i32
    %dma_wait3A_426 = tpu.memref_slice %arg5[%dma_wait3A_424, %dma_wait3A_425] : memref<50000x32xbf16, #tpu.memory_space<vmem_shared>> -> memref<125x32xbf16, #tpu.memory_space<vmem_shared>>
    %dma_wait3A_427 = tpu.memref_slice %arg11[%dma_wait3A_423] : memref<8x!tpu.dma_semaphore, #tpu.memory_space<semaphore_mem>> -> memref<1x!tpu.dma_semaphore, #tpu.memory_space<semaphore_mem>>
    %dma_wait3A_428 = tpu.memref_squeeze %dma_wait3A_427 : memref<1x!tpu.dma_semaphore, #tpu.memory_space<semaphore_mem>> -> memref<!tpu.dma_semaphore, #tpu.memory_space<semaphore_mem>>
    %dma_wait3A_429 = arith.constant 0 : i32
    %dma_wait3A_430 = arith.constant 0 : i32
    %dma_wait3A_431 = tpu.memref_slice %arg5[%dma_wait3A_429, %dma_wait3A_430] : memref<50000x32xbf16, #tpu.memory_space<vmem_shared>> -> memref<125x32xbf16, #tpu.memory_space<vmem_shared>>
    tpu.wait_dma2 semaphore(%dma_wait3A_428 : memref<!tpu.dma_semaphore, #tpu.memory_space<semaphore_mem>>) src(%arg8 : memref<125x32xbf16, #tpu.memory_space<vmem>>) dst(%dma_wait3A_431 : memref<125x32xbf16, #tpu.memory_space<vmem_shared>>)
    %dma_wait3A_432 = arith.constant 0 : i32
    %dma_wait3A_433 = arith.constant 0 : i32
    %dma_wait3A_434 = arith.constant 0 : i32
    %dma_wait3A_435 = tpu.memref_slice %arg5[%dma_wait3A_433, %dma_wait3A_434] : memref<50000x32xbf16, #tpu.memory_space<vmem_shared>> -> memref<125x32xbf16, #tpu.memory_space<vmem_shared>>
    %dma_wait3A_436 = tpu.memref_slice %arg11[%dma_wait3A_432] : memref<8x!tpu.dma_semaphore, #tpu.memory_space<semaphore_mem>> -> memref<1x!tpu.dma_semaphore, #tpu.memory_space<semaphore_mem>>
    %dma_wait3A_437 = tpu.memref_squeeze %dma_wait3A_436 : memref<1x!tpu.dma_semaphore, #tpu.memory_space<semaphore_mem>> -> memref<!tpu.dma_semaphore, #tpu.memory_space<semaphore_mem>>
    %dma_wait3A_438 = arith.constant 0 : i32
    %dma_wait3A_439 = arith.constant 0 : i32
    %dma_wait3A_440 = tpu.memref_slice %arg5[%dma_wait3A_438, %dma_wait3A_439] : memref<50000x32xbf16, #tpu.memory_space<vmem_shared>> -> memref<125x32xbf16, #tpu.memory_space<vmem_shared>>
    tpu.wait_dma2 semaphore(%dma_wait3A_437 : memref<!tpu.dma_semaphore, #tpu.memory_space<semaphore_mem>>) src(%arg8 : memref<125x32xbf16, #tpu.memory_space<vmem>>) dst(%dma_wait3A_440 : memref<125x32xbf16, #tpu.memory_space<vmem_shared>>)
    %dma_wait3A_441 = arith.constant 0 : i32
    %dma_wait3A_442 = arith.constant 0 : i32
    %dma_wait3A_443 = arith.constant 0 : i32
    %dma_wait3A_444 = tpu.memref_slice %arg5[%dma_wait3A_442, %dma_wait3A_443] : memref<50000x32xbf16, #tpu.memory_space<vmem_shared>> -> memref<125x32xbf16, #tpu.memory_space<vmem_shared>>
    %dma_wait3A_445 = tpu.memref_slice %arg11[%dma_wait3A_441] : memref<8x!tpu.dma_semaphore, #tpu.memory_space<semaphore_mem>> -> memref<1x!tpu.dma_semaphore, #tpu.memory_space<semaphore_mem>>
    %dma_wait3A_446 = tpu.memref_squeeze %dma_wait3A_445 : memref<1x!tpu.dma_semaphore, #tpu.memory_space<semaphore_mem>> -> memref<!tpu.dma_semaphore, #tpu.memory_space<semaphore_mem>>
    %dma_wait3A_447 = arith.constant 0 : i32
    %dma_wait3A_448 = arith.constant 0 : i32
    %dma_wait3A_449 = tpu.memref_slice %arg5[%dma_wait3A_447, %dma_wait3A_448] : memref<50000x32xbf16, #tpu.memory_space<vmem_shared>> -> memref<125x32xbf16, #tpu.memory_space<vmem_shared>>
    tpu.wait_dma2 semaphore(%dma_wait3A_446 : memref<!tpu.dma_semaphore, #tpu.memory_space<semaphore_mem>>) src(%arg8 : memref<125x32xbf16, #tpu.memory_space<vmem>>) dst(%dma_wait3A_449 : memref<125x32xbf16, #tpu.memory_space<vmem_shared>>)
    %dma_wait3A_450 = arith.constant 0 : i32
    %dma_wait3A_451 = arith.constant 0 : i32
    %dma_wait3A_452 = arith.constant 0 : i32
    %dma_wait3A_453 = tpu.memref_slice %arg5[%dma_wait3A_451, %dma_wait3A_452] : memref<50000x32xbf16, #tpu.memory_space<vmem_shared>> -> memref<125x32xbf16, #tpu.memory_space<vmem_shared>>
    %dma_wait3A_454 = tpu.memref_slice %arg11[%dma_wait3A_450] : memref<8x!tpu.dma_semaphore, #tpu.memory_space<semaphore_mem>> -> memref<1x!tpu.dma_semaphore, #tpu.memory_space<semaphore_mem>>
    %dma_wait3A_455 = tpu.memref_squeeze %dma_wait3A_454 : memref<1x!tpu.dma_semaphore, #tpu.memory_space<semaphore_mem>> -> memref<!tpu.dma_semaphore, #tpu.memory_space<semaphore_mem>>
    %dma_wait3A_456 = arith.constant 0 : i32
    %dma_wait3A_457 = arith.constant 0 : i32
    %dma_wait3A_458 = tpu.memref_slice %arg5[%dma_wait3A_456, %dma_wait3A_457] : memref<50000x32xbf16, #tpu.memory_space<vmem_shared>> -> memref<125x32xbf16, #tpu.memory_space<vmem_shared>>
    tpu.wait_dma2 semaphore(%dma_wait3A_455 : memref<!tpu.dma_semaphore, #tpu.memory_space<semaphore_mem>>) src(%arg8 : memref<125x32xbf16, #tpu.memory_space<vmem>>) dst(%dma_wait3A_458 : memref<125x32xbf16, #tpu.memory_space<vmem_shared>>)
    %dma_wait3A_459 = arith.constant 0 : i32
    %dma_wait3A_460 = arith.constant 0 : i32
    %dma_wait3A_461 = arith.constant 0 : i32
    %dma_wait3A_462 = tpu.memref_slice %arg5[%dma_wait3A_460, %dma_wait3A_461] : memref<50000x32xbf16, #tpu.memory_space<vmem_shared>> -> memref<125x32xbf16, #tpu.memory_space<vmem_shared>>
    %dma_wait3A_463 = tpu.memref_slice %arg11[%dma_wait3A_459] : memref<8x!tpu.dma_semaphore, #tpu.memory_space<semaphore_mem>> -> memref<1x!tpu.dma_semaphore, #tpu.memory_space<semaphore_mem>>
    %dma_wait3A_464 = tpu.memref_squeeze %dma_wait3A_463 : memref<1x!tpu.dma_semaphore, #tpu.memory_space<semaphore_mem>> -> memref<!tpu.dma_semaphore, #tpu.memory_space<semaphore_mem>>
    %dma_wait3A_465 = arith.constant 0 : i32
    %dma_wait3A_466 = arith.constant 0 : i32
    %dma_wait3A_467 = tpu.memref_slice %arg5[%dma_wait3A_465, %dma_wait3A_466] : memref<50000x32xbf16, #tpu.memory_space<vmem_shared>> -> memref<125x32xbf16, #tpu.memory_space<vmem_shared>>
    tpu.wait_dma2 semaphore(%dma_wait3A_464 : memref<!tpu.dma_semaphore, #tpu.memory_space<semaphore_mem>>) src(%arg8 : memref<125x32xbf16, #tpu.memory_space<vmem>>) dst(%dma_wait3A_467 : memref<125x32xbf16, #tpu.memory_space<vmem_shared>>)
    %dma_wait3A_468 = arith.constant 0 : i32
    %dma_wait3A_469 = arith.constant 0 : i32
    %dma_wait3A_470 = arith.constant 0 : i32
    %dma_wait3A_471 = tpu.memref_slice %arg5[%dma_wait3A_469, %dma_wait3A_470] : memref<50000x32xbf16, #tpu.memory_space<vmem_shared>> -> memref<125x32xbf16, #tpu.memory_space<vmem_shared>>
    %dma_wait3A_472 = tpu.memref_slice %arg11[%dma_wait3A_468] : memref<8x!tpu.dma_semaphore, #tpu.memory_space<semaphore_mem>> -> memref<1x!tpu.dma_semaphore, #tpu.memory_space<semaphore_mem>>
    %dma_wait3A_473 = tpu.memref_squeeze %dma_wait3A_472 : memref<1x!tpu.dma_semaphore, #tpu.memory_space<semaphore_mem>> -> memref<!tpu.dma_semaphore, #tpu.memory_space<semaphore_mem>>
    %dma_wait3A_474 = arith.constant 0 : i32
    %dma_wait3A_475 = arith.constant 0 : i32
    %dma_wait3A_476 = tpu.memref_slice %arg5[%dma_wait3A_474, %dma_wait3A_475] : memref<50000x32xbf16, #tpu.memory_space<vmem_shared>> -> memref<125x32xbf16, #tpu.memory_space<vmem_shared>>
    tpu.wait_dma2 semaphore(%dma_wait3A_473 : memref<!tpu.dma_semaphore, #tpu.memory_space<semaphore_mem>>) src(%arg8 : memref<125x32xbf16, #tpu.memory_space<vmem>>) dst(%dma_wait3A_476 : memref<125x32xbf16, #tpu.memory_space<vmem_shared>>)
    %dma_wait3A_477 = arith.constant 0 : i32
    %dma_wait3A_478 = arith.constant 0 : i32
    %dma_wait3A_479 = arith.constant 0 : i32
    %dma_wait3A_480 = tpu.memref_slice %arg5[%dma_wait3A_478, %dma_wait3A_479] : memref<50000x32xbf16, #tpu.memory_space<vmem_shared>> -> memref<125x32xbf16, #tpu.memory_space<vmem_shared>>
    %dma_wait3A_481 = tpu.memref_slice %arg11[%dma_wait3A_477] : memref<8x!tpu.dma_semaphore, #tpu.memory_space<semaphore_mem>> -> memref<1x!tpu.dma_semaphore, #tpu.memory_space<semaphore_mem>>
    %dma_wait3A_482 = tpu.memref_squeeze %dma_wait3A_481 : memref<1x!tpu.dma_semaphore, #tpu.memory_space<semaphore_mem>> -> memref<!tpu.dma_semaphore, #tpu.memory_space<semaphore_mem>>
    %dma_wait3A_483 = arith.constant 0 : i32
    %dma_wait3A_484 = arith.constant 0 : i32
    %dma_wait3A_485 = tpu.memref_slice %arg5[%dma_wait3A_483, %dma_wait3A_484] : memref<50000x32xbf16, #tpu.memory_space<vmem_shared>> -> memref<125x32xbf16, #tpu.memory_space<vmem_shared>>
    tpu.wait_dma2 semaphore(%dma_wait3A_482 : memref<!tpu.dma_semaphore, #tpu.memory_space<semaphore_mem>>) src(%arg8 : memref<125x32xbf16, #tpu.memory_space<vmem>>) dst(%dma_wait3A_485 : memref<125x32xbf16, #tpu.memory_space<vmem_shared>>)
    %dma_wait3A_486 = arith.constant 0 : i32
    %dma_wait3A_487 = arith.constant 0 : i32
    %dma_wait3A_488 = arith.constant 0 : i32
    %dma_wait3A_489 = tpu.memref_slice %arg5[%dma_wait3A_487, %dma_wait3A_488] : memref<50000x32xbf16, #tpu.memory_space<vmem_shared>> -> memref<125x32xbf16, #tpu.memory_space<vmem_shared>>
    %dma_wait3A_490 = tpu.memref_slice %arg11[%dma_wait3A_486] : memref<8x!tpu.dma_semaphore, #tpu.memory_space<semaphore_mem>> -> memref<1x!tpu.dma_semaphore, #tpu.memory_space<semaphore_mem>>
    %dma_wait3A_491 = tpu.memref_squeeze %dma_wait3A_490 : memref<1x!tpu.dma_semaphore, #tpu.memory_space<semaphore_mem>> -> memref<!tpu.dma_semaphore, #tpu.memory_space<semaphore_mem>>
    %dma_wait3A_492 = arith.constant 0 : i32
    %dma_wait3A_493 = arith.constant 0 : i32
    %dma_wait3A_494 = tpu.memref_slice %arg5[%dma_wait3A_492, %dma_wait3A_493] : memref<50000x32xbf16, #tpu.memory_space<vmem_shared>> -> memref<125x32xbf16, #tpu.memory_space<vmem_shared>>
    tpu.wait_dma2 semaphore(%dma_wait3A_491 : memref<!tpu.dma_semaphore, #tpu.memory_space<semaphore_mem>>) src(%arg8 : memref<125x32xbf16, #tpu.memory_space<vmem>>) dst(%dma_wait3A_494 : memref<125x32xbf16, #tpu.memory_space<vmem_shared>>)
    %dma_wait3A_495 = arith.constant 0 : i32
    %dma_wait3A_496 = arith.constant 0 : i32
    %dma_wait3A_497 = arith.constant 0 : i32
    %dma_wait3A_498 = tpu.memref_slice %arg5[%dma_wait3A_496, %dma_wait3A_497] : memref<50000x32xbf16, #tpu.memory_space<vmem_shared>> -> memref<125x32xbf16, #tpu.memory_space<vmem_shared>>
    %dma_wait3A_499 = tpu.memref_slice %arg11[%dma_wait3A_495] : memref<8x!tpu.dma_semaphore, #tpu.memory_space<semaphore_mem>> -> memref<1x!tpu.dma_semaphore, #tpu.memory_space<semaphore_mem>>
    %dma_wait3A_500 = tpu.memref_squeeze %dma_wait3A_499 : memref<1x!tpu.dma_semaphore, #tpu.memory_space<semaphore_mem>> -> memref<!tpu.dma_semaphore, #tpu.memory_space<semaphore_mem>>
    %dma_wait3A_501 = arith.constant 0 : i32
    %dma_wait3A_502 = arith.constant 0 : i32
    %dma_wait3A_503 = tpu.memref_slice %arg5[%dma_wait3A_501, %dma_wait3A_502] : memref<50000x32xbf16, #tpu.memory_space<vmem_shared>> -> memref<125x32xbf16, #tpu.memory_space<vmem_shared>>
    tpu.wait_dma2 semaphore(%dma_wait3A_500 : memref<!tpu.dma_semaphore, #tpu.memory_space<semaphore_mem>>) src(%arg8 : memref<125x32xbf16, #tpu.memory_space<vmem>>) dst(%dma_wait3A_503 : memref<125x32xbf16, #tpu.memory_space<vmem_shared>>)
    %barrier3A = arith.constant 0 : index
    tpu.barrier barrier_id(%barrier3A)
    %rem3A = arith.constant 0 : i32
    %rem3A_504 = arith.constant 8 : i32
    %rem3A_505 = arith.remsi %rem3A, %rem3A_504 : i32
    %mul3A_506 = arith.constant 16 : i32
    %mul3A_507 = arith.constant 0 : i32
    %mul3A_508 = arith.muli %mul3A_506, %mul3A_507 : i32
    %add3A_509 = arith.addi %arg1, %mul3A_508 : i32
    %dma_start3A_510 = arith.constant 0 : i32
    %dma_start3A_511 = arith.constant 0 : i32
    %dma_start3A_512 = tpu.memref_slice %arg6[%rem3A_505, %dma_start3A_510, %dma_start3A_511] : memref<8x4x128xi32, #tpu.memory_space<vmem>> -> memref<1x4x128xi32, #tpu.memory_space<vmem>>
    %dma_start3A_513 = tpu.memref_squeeze %dma_start3A_512 : memref<1x4x128xi32, #tpu.memory_space<vmem>> -> memref<4x128xi32, #tpu.memory_space<vmem>>
    %dma_start3A_514 = arith.constant 0 : i32
    %dma_start3A_515 = arith.constant 0 : i32
    %dma_start3A_516 = tpu.memref_slice %arg2[%arg0, %add3A_509, %dma_start3A_514, %dma_start3A_515] : memref<2x3125x4x128xi32, #tpu.memory_space<hbm>> -> memref<1x1x4x128xi32, #tpu.memory_space<hbm>>
    %dma_start3A_517 = tpu.memref_squeeze %dma_start3A_516 : memref<1x1x4x128xi32, #tpu.memory_space<hbm>> -> memref<4x128xi32, #tpu.memory_space<hbm>>
    %dma_start3A_518 = tpu.memref_slice %arg9[%rem3A_505] : memref<8x!tpu.dma_semaphore, #tpu.memory_space<semaphore_mem>> -> memref<1x!tpu.dma_semaphore, #tpu.memory_space<semaphore_mem>>
    %dma_start3A_519 = tpu.memref_squeeze %dma_start3A_518 : memref<1x!tpu.dma_semaphore, #tpu.memory_space<semaphore_mem>> -> memref<!tpu.dma_semaphore, #tpu.memory_space<semaphore_mem>>
    %dma_start3A_520 = arith.constant 0 : i32
    %dma_start3A_521 = arith.constant 0 : i32
    %dma_start3A_522 = tpu.memref_slice %arg6[%rem3A_505, %dma_start3A_520, %dma_start3A_521] : memref<8x4x128xi32, #tpu.memory_space<vmem>> -> memref<1x4x128xi32, #tpu.memory_space<vmem>>
    %dma_start3A_523 = tpu.memref_squeeze %dma_start3A_522 : memref<1x4x128xi32, #tpu.memory_space<vmem>> -> memref<4x128xi32, #tpu.memory_space<vmem>>
    %dma_start3A_524 = arith.constant 0 : i32
    %dma_start3A_525 = arith.constant 0 : i32
    %dma_start3A_526 = tpu.memref_slice %arg2[%arg0, %add3A_509, %dma_start3A_524, %dma_start3A_525] : memref<2x3125x4x128xi32, #tpu.memory_space<hbm>> -> memref<1x1x4x128xi32, #tpu.memory_space<hbm>>
    %dma_start3A_527 = tpu.memref_squeeze %dma_start3A_526 : memref<1x1x4x128xi32, #tpu.memory_space<hbm>> -> memref<4x128xi32, #tpu.memory_space<hbm>>
    tpu.enqueue_dma source(%dma_start3A_527 : memref<4x128xi32, #tpu.memory_space<hbm>>) target(%dma_start3A_523 : memref<4x128xi32, #tpu.memory_space<vmem>>) target_semaphore(%dma_start3A_519 : memref<!tpu.dma_semaphore, #tpu.memory_space<semaphore_mem>>)
    %rem3A_528 = arith.constant 1 : i32
    %rem3A_529 = arith.constant 8 : i32
    %rem3A_530 = arith.remsi %rem3A_528, %rem3A_529 : i32
    %mul3A_531 = arith.constant 16 : i32
    %mul3A_532 = arith.constant 1 : i32
    %mul3A_533 = arith.muli %mul3A_531, %mul3A_532 : i32
    %add3A_534 = arith.addi %arg1, %mul3A_533 : i32
    %dma_start3A_535 = arith.constant 0 : i32
    %dma_start3A_536 = arith.constant 0 : i32
    %dma_start3A_537 = tpu.memref_slice %arg6[%rem3A_530, %dma_start3A_535, %dma_start3A_536] : memref<8x4x128xi32, #tpu.memory_space<vmem>> -> memref<1x4x128xi32, #tpu.memory_space<vmem>>
    %dma_start3A_538 = tpu.memref_squeeze %dma_start3A_537 : memref<1x4x128xi32, #tpu.memory_space<vmem>> -> memref<4x128xi32, #tpu.memory_space<vmem>>
    %dma_start3A_539 = arith.constant 0 : i32
    %dma_start3A_540 = arith.constant 0 : i32
    %dma_start3A_541 = tpu.memref_slice %arg2[%arg0, %add3A_534, %dma_start3A_539, %dma_start3A_540] : memref<2x3125x4x128xi32, #tpu.memory_space<hbm>> -> memref<1x1x4x128xi32, #tpu.memory_space<hbm>>
    %dma_start3A_542 = tpu.memref_squeeze %dma_start3A_541 : memref<1x1x4x128xi32, #tpu.memory_space<hbm>> -> memref<4x128xi32, #tpu.memory_space<hbm>>
    %dma_start3A_543 = tpu.memref_slice %arg9[%rem3A_530] : memref<8x!tpu.dma_semaphore, #tpu.memory_space<semaphore_mem>> -> memref<1x!tpu.dma_semaphore, #tpu.memory_space<semaphore_mem>>
    %dma_start3A_544 = tpu.memref_squeeze %dma_start3A_543 : memref<1x!tpu.dma_semaphore, #tpu.memory_space<semaphore_mem>> -> memref<!tpu.dma_semaphore, #tpu.memory_space<semaphore_mem>>
    %dma_start3A_545 = arith.constant 0 : i32
    %dma_start3A_546 = arith.constant 0 : i32
    %dma_start3A_547 = tpu.memref_slice %arg6[%rem3A_530, %dma_start3A_545, %dma_start3A_546] : memref<8x4x128xi32, #tpu.memory_space<vmem>> -> memref<1x4x128xi32, #tpu.memory_space<vmem>>
    %dma_start3A_548 = tpu.memref_squeeze %dma_start3A_547 : memref<1x4x128xi32, #tpu.memory_space<vmem>> -> memref<4x128xi32, #tpu.memory_space<vmem>>
    %dma_start3A_549 = arith.constant 0 : i32
    %dma_start3A_550 = arith.constant 0 : i32
    %dma_start3A_551 = tpu.memref_slice %arg2[%arg0, %add3A_534, %dma_start3A_549, %dma_start3A_550] : memref<2x3125x4x128xi32, #tpu.memory_space<hbm>> -> memref<1x1x4x128xi32, #tpu.memory_space<hbm>>
    %dma_start3A_552 = tpu.memref_squeeze %dma_start3A_551 : memref<1x1x4x128xi32, #tpu.memory_space<hbm>> -> memref<4x128xi32, #tpu.memory_space<hbm>>
    tpu.enqueue_dma source(%dma_start3A_552 : memref<4x128xi32, #tpu.memory_space<hbm>>) target(%dma_start3A_548 : memref<4x128xi32, #tpu.memory_space<vmem>>) target_semaphore(%dma_start3A_544 : memref<!tpu.dma_semaphore, #tpu.memory_space<semaphore_mem>>)
    %rem3A_553 = arith.constant 2 : i32
    %rem3A_554 = arith.constant 8 : i32
    %rem3A_555 = arith.remsi %rem3A_553, %rem3A_554 : i32
    %mul3A_556 = arith.constant 16 : i32
    %mul3A_557 = arith.constant 2 : i32
    %mul3A_558 = arith.muli %mul3A_556, %mul3A_557 : i32
    %add3A_559 = arith.addi %arg1, %mul3A_558 : i32
    %dma_start3A_560 = arith.constant 0 : i32
    %dma_start3A_561 = arith.constant 0 : i32
    %dma_start3A_562 = tpu.memref_slice %arg6[%rem3A_555, %dma_start3A_560, %dma_start3A_561] : memref<8x4x128xi32, #tpu.memory_space<vmem>> -> memref<1x4x128xi32, #tpu.memory_space<vmem>>
    %dma_start3A_563 = tpu.memref_squeeze %dma_start3A_562 : memref<1x4x128xi32, #tpu.memory_space<vmem>> -> memref<4x128xi32, #tpu.memory_space<vmem>>
    %dma_start3A_564 = arith.constant 0 : i32
    %dma_start3A_565 = arith.constant 0 : i32
    %dma_start3A_566 = tpu.memref_slice %arg2[%arg0, %add3A_559, %dma_start3A_564, %dma_start3A_565] : memref<2x3125x4x128xi32, #tpu.memory_space<hbm>> -> memref<1x1x4x128xi32, #tpu.memory_space<hbm>>
    %dma_start3A_567 = tpu.memref_squeeze %dma_start3A_566 : memref<1x1x4x128xi32, #tpu.memory_space<hbm>> -> memref<4x128xi32, #tpu.memory_space<hbm>>
    %dma_start3A_568 = tpu.memref_slice %arg9[%rem3A_555] : memref<8x!tpu.dma_semaphore, #tpu.memory_space<semaphore_mem>> -> memref<1x!tpu.dma_semaphore, #tpu.memory_space<semaphore_mem>>
    %dma_start3A_569 = tpu.memref_squeeze %dma_start3A_568 : memref<1x!tpu.dma_semaphore, #tpu.memory_space<semaphore_mem>> -> memref<!tpu.dma_semaphore, #tpu.memory_space<semaphore_mem>>
    %dma_start3A_570 = arith.constant 0 : i32
    %dma_start3A_571 = arith.constant 0 : i32
    %dma_start3A_572 = tpu.memref_slice %arg6[%rem3A_555, %dma_start3A_570, %dma_start3A_571] : memref<8x4x128xi32, #tpu.memory_space<vmem>> -> memref<1x4x128xi32, #tpu.memory_space<vmem>>
    %dma_start3A_573 = tpu.memref_squeeze %dma_start3A_572 : memref<1x4x128xi32, #tpu.memory_space<vmem>> -> memref<4x128xi32, #tpu.memory_space<vmem>>
    %dma_start3A_574 = arith.constant 0 : i32
    %dma_start3A_575 = arith.constant 0 : i32
    %dma_start3A_576 = tpu.memref_slice %arg2[%arg0, %add3A_559, %dma_start3A_574, %dma_start3A_575] : memref<2x3125x4x128xi32, #tpu.memory_space<hbm>> -> memref<1x1x4x128xi32, #tpu.memory_space<hbm>>
    %dma_start3A_577 = tpu.memref_squeeze %dma_start3A_576 : memref<1x1x4x128xi32, #tpu.memory_space<hbm>> -> memref<4x128xi32, #tpu.memory_space<hbm>>
    tpu.enqueue_dma source(%dma_start3A_577 : memref<4x128xi32, #tpu.memory_space<hbm>>) target(%dma_start3A_573 : memref<4x128xi32, #tpu.memory_space<vmem>>) target_semaphore(%dma_start3A_569 : memref<!tpu.dma_semaphore, #tpu.memory_space<semaphore_mem>>)
    %rem3A_578 = arith.constant 3 : i32
    %rem3A_579 = arith.constant 8 : i32
    %rem3A_580 = arith.remsi %rem3A_578, %rem3A_579 : i32
    %mul3A_581 = arith.constant 16 : i32
    %mul3A_582 = arith.constant 3 : i32
    %mul3A_583 = arith.muli %mul3A_581, %mul3A_582 : i32
    %add3A_584 = arith.addi %arg1, %mul3A_583 : i32
    %dma_start3A_585 = arith.constant 0 : i32
    %dma_start3A_586 = arith.constant 0 : i32
    %dma_start3A_587 = tpu.memref_slice %arg6[%rem3A_580, %dma_start3A_585, %dma_start3A_586] : memref<8x4x128xi32, #tpu.memory_space<vmem>> -> memref<1x4x128xi32, #tpu.memory_space<vmem>>
    %dma_start3A_588 = tpu.memref_squeeze %dma_start3A_587 : memref<1x4x128xi32, #tpu.memory_space<vmem>> -> memref<4x128xi32, #tpu.memory_space<vmem>>
    %dma_start3A_589 = arith.constant 0 : i32
    %dma_start3A_590 = arith.constant 0 : i32
    %dma_start3A_591 = tpu.memref_slice %arg2[%arg0, %add3A_584, %dma_start3A_589, %dma_start3A_590] : memref<2x3125x4x128xi32, #tpu.memory_space<hbm>> -> memref<1x1x4x128xi32, #tpu.memory_space<hbm>>
    %dma_start3A_592 = tpu.memref_squeeze %dma_start3A_591 : memref<1x1x4x128xi32, #tpu.memory_space<hbm>> -> memref<4x128xi32, #tpu.memory_space<hbm>>
    %dma_start3A_593 = tpu.memref_slice %arg9[%rem3A_580] : memref<8x!tpu.dma_semaphore, #tpu.memory_space<semaphore_mem>> -> memref<1x!tpu.dma_semaphore, #tpu.memory_space<semaphore_mem>>
    %dma_start3A_594 = tpu.memref_squeeze %dma_start3A_593 : memref<1x!tpu.dma_semaphore, #tpu.memory_space<semaphore_mem>> -> memref<!tpu.dma_semaphore, #tpu.memory_space<semaphore_mem>>
    %dma_start3A_595 = arith.constant 0 : i32
    %dma_start3A_596 = arith.constant 0 : i32
    %dma_start3A_597 = tpu.memref_slice %arg6[%rem3A_580, %dma_start3A_595, %dma_start3A_596] : memref<8x4x128xi32, #tpu.memory_space<vmem>> -> memref<1x4x128xi32, #tpu.memory_space<vmem>>
    %dma_start3A_598 = tpu.memref_squeeze %dma_start3A_597 : memref<1x4x128xi32, #tpu.memory_space<vmem>> -> memref<4x128xi32, #tpu.memory_space<vmem>>
    %dma_start3A_599 = arith.constant 0 : i32
    %dma_start3A_600 = arith.constant 0 : i32
    %dma_start3A_601 = tpu.memref_slice %arg2[%arg0, %add3A_584, %dma_start3A_599, %dma_start3A_600] : memref<2x3125x4x128xi32, #tpu.memory_space<hbm>> -> memref<1x1x4x128xi32, #tpu.memory_space<hbm>>
    %dma_start3A_602 = tpu.memref_squeeze %dma_start3A_601 : memref<1x1x4x128xi32, #tpu.memory_space<hbm>> -> memref<4x128xi32, #tpu.memory_space<hbm>>
    tpu.enqueue_dma source(%dma_start3A_602 : memref<4x128xi32, #tpu.memory_space<hbm>>) target(%dma_start3A_598 : memref<4x128xi32, #tpu.memory_space<vmem>>) target_semaphore(%dma_start3A_594 : memref<!tpu.dma_semaphore, #tpu.memory_space<semaphore_mem>>)
    %rem3A_603 = arith.constant 0 : i32
    %rem3A_604 = arith.constant 8 : i32
    %rem3A_605 = arith.remsi %rem3A_603, %rem3A_604 : i32
    %mul3A_606 = arith.constant 16 : i32
    %mul3A_607 = arith.constant 0 : i32
    %mul3A_608 = arith.muli %mul3A_606, %mul3A_607 : i32
    %add3A_609 = arith.addi %arg1, %mul3A_608 : i32
    %dma_wait3A_610 = arith.constant 0 : i32
    %dma_wait3A_611 = arith.constant 0 : i32
    %dma_wait3A_612 = tpu.memref_slice %arg6[%rem3A_605, %dma_wait3A_610, %dma_wait3A_611] : memref<8x4x128xi32, #tpu.memory_space<vmem>> -> memref<1x4x128xi32, #tpu.memory_space<vmem>>
    %dma_wait3A_613 = tpu.memref_squeeze %dma_wait3A_612 : memref<1x4x128xi32, #tpu.memory_space<vmem>> -> memref<4x128xi32, #tpu.memory_space<vmem>>
    %dma_wait3A_614 = arith.constant 0 : i32
    %dma_wait3A_615 = arith.constant 0 : i32
    %dma_wait3A_616 = tpu.memref_slice %arg2[%arg0, %add3A_609, %dma_wait3A_614, %dma_wait3A_615] : memref<2x3125x4x128xi32, #tpu.memory_space<hbm>> -> memref<1x1x4x128xi32, #tpu.memory_space<hbm>>
    %dma_wait3A_617 = tpu.memref_squeeze %dma_wait3A_616 : memref<1x1x4x128xi32, #tpu.memory_space<hbm>> -> memref<4x128xi32, #tpu.memory_space<hbm>>
    %dma_wait3A_618 = tpu.memref_slice %arg9[%rem3A_605] : memref<8x!tpu.dma_semaphore, #tpu.memory_space<semaphore_mem>> -> memref<1x!tpu.dma_semaphore, #tpu.memory_space<semaphore_mem>>
    %dma_wait3A_619 = tpu.memref_squeeze %dma_wait3A_618 : memref<1x!tpu.dma_semaphore, #tpu.memory_space<semaphore_mem>> -> memref<!tpu.dma_semaphore, #tpu.memory_space<semaphore_mem>>
    %dma_wait3A_620 = arith.constant 0 : i32
    %dma_wait3A_621 = arith.constant 0 : i32
    %dma_wait3A_622 = tpu.memref_slice %arg6[%rem3A_605, %dma_wait3A_620, %dma_wait3A_621] : memref<8x4x128xi32, #tpu.memory_space<vmem>> -> memref<1x4x128xi32, #tpu.memory_space<vmem>>
    %dma_wait3A_623 = tpu.memref_squeeze %dma_wait3A_622 : memref<1x4x128xi32, #tpu.memory_space<vmem>> -> memref<4x128xi32, #tpu.memory_space<vmem>>
    %dma_wait3A_624 = arith.constant 0 : i32
    %dma_wait3A_625 = arith.constant 0 : i32
    %dma_wait3A_626 = tpu.memref_slice %arg2[%arg0, %add3A_609, %dma_wait3A_624, %dma_wait3A_625] : memref<2x3125x4x128xi32, #tpu.memory_space<hbm>> -> memref<1x1x4x128xi32, #tpu.memory_space<hbm>>
    %dma_wait3A_627 = tpu.memref_squeeze %dma_wait3A_626 : memref<1x1x4x128xi32, #tpu.memory_space<hbm>> -> memref<4x128xi32, #tpu.memory_space<hbm>>
    tpu.wait_dma2 semaphore(%dma_wait3A_619 : memref<!tpu.dma_semaphore, #tpu.memory_space<semaphore_mem>>) src(%dma_wait3A_627 : memref<4x128xi32, #tpu.memory_space<hbm>>) dst(%dma_wait3A_623 : memref<4x128xi32, #tpu.memory_space<vmem>>)
    %rem3A_628 = arith.constant 0 : i32
    %rem3A_629 = arith.constant 8 : i32
    %rem3A_630 = arith.remsi %rem3A_628, %rem3A_629 : i32
    %rem3A_631 = arith.constant 0 : i32
    %rem3A_632 = arith.constant 8 : i32
    %rem3A_633 = arith.remsi %rem3A_631, %rem3A_632 : i32
    %dma_start3A_634 = arith.constant 0 : i32
    %dma_start3A_635 = arith.constant 0 : i32
    %dma_start3A_636 = arith.constant 0 : i32
    %dma_start3A_637 = arith.constant 0 : i32
    %dma_start3A_638 = tpu.memref_slice %arg7[%rem3A_633, %dma_start3A_635, %dma_start3A_636, %dma_start3A_637] : memref<8x2x128x32xbf16, #tpu.memory_space<vmem>> -> memref<1x1x128x32xbf16, #tpu.memory_space<vmem>>
    %dma_start3A_639 = tpu.memref_squeeze %dma_start3A_638 : memref<1x1x128x32xbf16, #tpu.memory_space<vmem>> -> memref<128x32xbf16, #tpu.memory_space<vmem>>
    %dma_start3A_640 = arith.constant 0 : i32
    %dma_start3A_641 = tpu.memref_slice %arg6[%rem3A_630, %dma_start3A_634, %dma_start3A_640] : memref<8x4x128xi32, #tpu.memory_space<vmem>> -> memref<1x1x128xi32, #tpu.memory_space<vmem>>
    %dma_start3A_642 = tpu.memref_squeeze %dma_start3A_641 : memref<1x1x128xi32, #tpu.memory_space<vmem>> -> memref<128xi32, #tpu.memory_space<vmem>>
    %dma_start3A_643 = arith.constant 0 : i32
    %dma_start3A_644 = arith.constant 0 : i32
    %dma_start3A_645 = tpu.memref_slice %arg3[%dma_start3A_643, %dma_start3A_644] : memref<100352x32xbf16, #tpu.memory_space<hbm>> -> memref<100352x32xbf16, #tpu.memory_space<hbm>>
    %dma_start3A_646 = tpu.memref_slice %arg10[%rem3A_633] : memref<8x!tpu.dma_semaphore, #tpu.memory_space<semaphore_mem>> -> memref<1x!tpu.dma_semaphore, #tpu.memory_space<semaphore_mem>>
    %dma_start3A_647 = tpu.memref_squeeze %dma_start3A_646 : memref<1x!tpu.dma_semaphore, #tpu.memory_space<semaphore_mem>> -> memref<!tpu.dma_semaphore, #tpu.memory_space<semaphore_mem>>
    tpu.enqueue_indirect_dma source(%dma_start3A_645 : memref<100352x32xbf16, #tpu.memory_space<hbm>>) target(%dma_start3A_639 : memref<128x32xbf16, #tpu.memory_space<vmem>>) offsets(%dma_start3A_642 : memref<128xi32, #tpu.memory_space<vmem>>) semaphore(%dma_start3A_647 : memref<!tpu.dma_semaphore, #tpu.memory_space<semaphore_mem>>)
    %dma_start3A_648 = arith.constant 1 : i32
    %dma_start3A_649 = arith.constant 1 : i32
    %dma_start3A_650 = arith.constant 0 : i32
    %dma_start3A_651 = arith.constant 0 : i32
    %dma_start3A_652 = tpu.memref_slice %arg7[%rem3A_633, %dma_start3A_649, %dma_start3A_650, %dma_start3A_651] : memref<8x2x128x32xbf16, #tpu.memory_space<vmem>> -> memref<1x1x128x32xbf16, #tpu.memory_space<vmem>>
    %dma_start3A_653 = tpu.memref_squeeze %dma_start3A_652 : memref<1x1x128x32xbf16, #tpu.memory_space<vmem>> -> memref<128x32xbf16, #tpu.memory_space<vmem>>
    %dma_start3A_654 = arith.constant 0 : i32
    %dma_start3A_655 = tpu.memref_slice %arg6[%rem3A_630, %dma_start3A_648, %dma_start3A_654] : memref<8x4x128xi32, #tpu.memory_space<vmem>> -> memref<1x1x128xi32, #tpu.memory_space<vmem>>
    %dma_start3A_656 = tpu.memref_squeeze %dma_start3A_655 : memref<1x1x128xi32, #tpu.memory_space<vmem>> -> memref<128xi32, #tpu.memory_space<vmem>>
    %dma_start3A_657 = arith.constant 0 : i32
    %dma_start3A_658 = arith.constant 0 : i32
    %dma_start3A_659 = tpu.memref_slice %arg3[%dma_start3A_657, %dma_start3A_658] : memref<100352x32xbf16, #tpu.memory_space<hbm>> -> memref<100352x32xbf16, #tpu.memory_space<hbm>>
    %dma_start3A_660 = tpu.memref_slice %arg10[%rem3A_633] : memref<8x!tpu.dma_semaphore, #tpu.memory_space<semaphore_mem>> -> memref<1x!tpu.dma_semaphore, #tpu.memory_space<semaphore_mem>>
    %dma_start3A_661 = tpu.memref_squeeze %dma_start3A_660 : memref<1x!tpu.dma_semaphore, #tpu.memory_space<semaphore_mem>> -> memref<!tpu.dma_semaphore, #tpu.memory_space<semaphore_mem>>
    tpu.enqueue_indirect_dma source(%dma_start3A_659 : memref<100352x32xbf16, #tpu.memory_space<hbm>>) target(%dma_start3A_653 : memref<128x32xbf16, #tpu.memory_space<vmem>>) offsets(%dma_start3A_656 : memref<128xi32, #tpu.memory_space<vmem>>) semaphore(%dma_start3A_661 : memref<!tpu.dma_semaphore, #tpu.memory_space<semaphore_mem>>)
    %rem3A_662 = arith.constant 1 : i32
    %rem3A_663 = arith.constant 8 : i32
    %rem3A_664 = arith.remsi %rem3A_662, %rem3A_663 : i32
    %mul3A_665 = arith.constant 16 : i32
    %mul3A_666 = arith.constant 1 : i32
    %mul3A_667 = arith.muli %mul3A_665, %mul3A_666 : i32
    %add3A_668 = arith.addi %arg1, %mul3A_667 : i32
    %dma_wait3A_669 = arith.constant 0 : i32
    %dma_wait3A_670 = arith.constant 0 : i32
    %dma_wait3A_671 = tpu.memref_slice %arg6[%rem3A_664, %dma_wait3A_669, %dma_wait3A_670] : memref<8x4x128xi32, #tpu.memory_space<vmem>> -> memref<1x4x128xi32, #tpu.memory_space<vmem>>
    %dma_wait3A_672 = tpu.memref_squeeze %dma_wait3A_671 : memref<1x4x128xi32, #tpu.memory_space<vmem>> -> memref<4x128xi32, #tpu.memory_space<vmem>>
    %dma_wait3A_673 = arith.constant 0 : i32
    %dma_wait3A_674 = arith.constant 0 : i32
    %dma_wait3A_675 = tpu.memref_slice %arg2[%arg0, %add3A_668, %dma_wait3A_673, %dma_wait3A_674] : memref<2x3125x4x128xi32, #tpu.memory_space<hbm>> -> memref<1x1x4x128xi32, #tpu.memory_space<hbm>>
    %dma_wait3A_676 = tpu.memref_squeeze %dma_wait3A_675 : memref<1x1x4x128xi32, #tpu.memory_space<hbm>> -> memref<4x128xi32, #tpu.memory_space<hbm>>
    %dma_wait3A_677 = tpu.memref_slice %arg9[%rem3A_664] : memref<8x!tpu.dma_semaphore, #tpu.memory_space<semaphore_mem>> -> memref<1x!tpu.dma_semaphore, #tpu.memory_space<semaphore_mem>>
    %dma_wait3A_678 = tpu.memref_squeeze %dma_wait3A_677 : memref<1x!tpu.dma_semaphore, #tpu.memory_space<semaphore_mem>> -> memref<!tpu.dma_semaphore, #tpu.memory_space<semaphore_mem>>
    %dma_wait3A_679 = arith.constant 0 : i32
    %dma_wait3A_680 = arith.constant 0 : i32
    %dma_wait3A_681 = tpu.memref_slice %arg6[%rem3A_664, %dma_wait3A_679, %dma_wait3A_680] : memref<8x4x128xi32, #tpu.memory_space<vmem>> -> memref<1x4x128xi32, #tpu.memory_space<vmem>>
    %dma_wait3A_682 = tpu.memref_squeeze %dma_wait3A_681 : memref<1x4x128xi32, #tpu.memory_space<vmem>> -> memref<4x128xi32, #tpu.memory_space<vmem>>
    %dma_wait3A_683 = arith.constant 0 : i32
    %dma_wait3A_684 = arith.constant 0 : i32
    %dma_wait3A_685 = tpu.memref_slice %arg2[%arg0, %add3A_668, %dma_wait3A_683, %dma_wait3A_684] : memref<2x3125x4x128xi32, #tpu.memory_space<hbm>> -> memref<1x1x4x128xi32, #tpu.memory_space<hbm>>
    %dma_wait3A_686 = tpu.memref_squeeze %dma_wait3A_685 : memref<1x1x4x128xi32, #tpu.memory_space<hbm>> -> memref<4x128xi32, #tpu.memory_space<hbm>>
    tpu.wait_dma2 semaphore(%dma_wait3A_678 : memref<!tpu.dma_semaphore, #tpu.memory_space<semaphore_mem>>) src(%dma_wait3A_686 : memref<4x128xi32, #tpu.memory_space<hbm>>) dst(%dma_wait3A_682 : memref<4x128xi32, #tpu.memory_space<vmem>>)
    %rem3A_687 = arith.constant 1 : i32
    %rem3A_688 = arith.constant 8 : i32
    %rem3A_689 = arith.remsi %rem3A_687, %rem3A_688 : i32
    %rem3A_690 = arith.constant 1 : i32
    %rem3A_691 = arith.constant 8 : i32
    %rem3A_692 = arith.remsi %rem3A_690, %rem3A_691 : i32
    %dma_start3A_693 = arith.constant 0 : i32
    %dma_start3A_694 = arith.constant 0 : i32
    %dma_start3A_695 = arith.constant 0 : i32
    %dma_start3A_696 = arith.constant 0 : i32
    %dma_start3A_697 = tpu.memref_slice %arg7[%rem3A_692, %dma_start3A_694, %dma_start3A_695, %dma_start3A_696] : memref<8x2x128x32xbf16, #tpu.memory_space<vmem>> -> memref<1x1x128x32xbf16, #tpu.memory_space<vmem>>
    %dma_start3A_698 = tpu.memref_squeeze %dma_start3A_697 : memref<1x1x128x32xbf16, #tpu.memory_space<vmem>> -> memref<128x32xbf16, #tpu.memory_space<vmem>>
    %dma_start3A_699 = arith.constant 0 : i32
    %dma_start3A_700 = tpu.memref_slice %arg6[%rem3A_689, %dma_start3A_693, %dma_start3A_699] : memref<8x4x128xi32, #tpu.memory_space<vmem>> -> memref<1x1x128xi32, #tpu.memory_space<vmem>>
    %dma_start3A_701 = tpu.memref_squeeze %dma_start3A_700 : memref<1x1x128xi32, #tpu.memory_space<vmem>> -> memref<128xi32, #tpu.memory_space<vmem>>
    %dma_start3A_702 = arith.constant 0 : i32
    %dma_start3A_703 = arith.constant 0 : i32
    %dma_start3A_704 = tpu.memref_slice %arg3[%dma_start3A_702, %dma_start3A_703] : memref<100352x32xbf16, #tpu.memory_space<hbm>> -> memref<100352x32xbf16, #tpu.memory_space<hbm>>
    %dma_start3A_705 = tpu.memref_slice %arg10[%rem3A_692] : memref<8x!tpu.dma_semaphore, #tpu.memory_space<semaphore_mem>> -> memref<1x!tpu.dma_semaphore, #tpu.memory_space<semaphore_mem>>
    %dma_start3A_706 = tpu.memref_squeeze %dma_start3A_705 : memref<1x!tpu.dma_semaphore, #tpu.memory_space<semaphore_mem>> -> memref<!tpu.dma_semaphore, #tpu.memory_space<semaphore_mem>>
    tpu.enqueue_indirect_dma source(%dma_start3A_704 : memref<100352x32xbf16, #tpu.memory_space<hbm>>) target(%dma_start3A_698 : memref<128x32xbf16, #tpu.memory_space<vmem>>) offsets(%dma_start3A_701 : memref<128xi32, #tpu.memory_space<vmem>>) semaphore(%dma_start3A_706 : memref<!tpu.dma_semaphore, #tpu.memory_space<semaphore_mem>>)
    %dma_start3A_707 = arith.constant 1 : i32
    %dma_start3A_708 = arith.constant 1 : i32
    %dma_start3A_709 = arith.constant 0 : i32
    %dma_start3A_710 = arith.constant 0 : i32
    %dma_start3A_711 = tpu.memref_slice %arg7[%rem3A_692, %dma_start3A_708, %dma_start3A_709, %dma_start3A_710] : memref<8x2x128x32xbf16, #tpu.memory_space<vmem>> -> memref<1x1x128x32xbf16, #tpu.memory_space<vmem>>
    %dma_start3A_712 = tpu.memref_squeeze %dma_start3A_711 : memref<1x1x128x32xbf16, #tpu.memory_space<vmem>> -> memref<128x32xbf16, #tpu.memory_space<vmem>>
    %dma_start3A_713 = arith.constant 0 : i32
    %dma_start3A_714 = tpu.memref_slice %arg6[%rem3A_689, %dma_start3A_707, %dma_start3A_713] : memref<8x4x128xi32, #tpu.memory_space<vmem>> -> memref<1x1x128xi32, #tpu.memory_space<vmem>>
    %dma_start3A_715 = tpu.memref_squeeze %dma_start3A_714 : memref<1x1x128xi32, #tpu.memory_space<vmem>> -> memref<128xi32, #tpu.memory_space<vmem>>
    %dma_start3A_716 = arith.constant 0 : i32
    %dma_start3A_717 = arith.constant 0 : i32
    %dma_start3A_718 = tpu.memref_slice %arg3[%dma_start3A_716, %dma_start3A_717] : memref<100352x32xbf16, #tpu.memory_space<hbm>> -> memref<100352x32xbf16, #tpu.memory_space<hbm>>
    %dma_start3A_719 = tpu.memref_slice %arg10[%rem3A_692] : memref<8x!tpu.dma_semaphore, #tpu.memory_space<semaphore_mem>> -> memref<1x!tpu.dma_semaphore, #tpu.memory_space<semaphore_mem>>
    %dma_start3A_720 = tpu.memref_squeeze %dma_start3A_719 : memref<1x!tpu.dma_semaphore, #tpu.memory_space<semaphore_mem>> -> memref<!tpu.dma_semaphore, #tpu.memory_space<semaphore_mem>>
    tpu.enqueue_indirect_dma source(%dma_start3A_718 : memref<100352x32xbf16, #tpu.memory_space<hbm>>) target(%dma_start3A_712 : memref<128x32xbf16, #tpu.memory_space<vmem>>) offsets(%dma_start3A_715 : memref<128xi32, #tpu.memory_space<vmem>>) semaphore(%dma_start3A_720 : memref<!tpu.dma_semaphore, #tpu.memory_space<semaphore_mem>>)
    %rem3A_721 = arith.constant 2 : i32
    %rem3A_722 = arith.constant 8 : i32
    %rem3A_723 = arith.remsi %rem3A_721, %rem3A_722 : i32
    %mul3A_724 = arith.constant 16 : i32
    %mul3A_725 = arith.constant 2 : i32
    %mul3A_726 = arith.muli %mul3A_724, %mul3A_725 : i32
    %add3A_727 = arith.addi %arg1, %mul3A_726 : i32
    %dma_wait3A_728 = arith.constant 0 : i32
    %dma_wait3A_729 = arith.constant 0 : i32
    %dma_wait3A_730 = tpu.memref_slice %arg6[%rem3A_723, %dma_wait3A_728, %dma_wait3A_729] : memref<8x4x128xi32, #tpu.memory_space<vmem>> -> memref<1x4x128xi32, #tpu.memory_space<vmem>>
    %dma_wait3A_731 = tpu.memref_squeeze %dma_wait3A_730 : memref<1x4x128xi32, #tpu.memory_space<vmem>> -> memref<4x128xi32, #tpu.memory_space<vmem>>
    %dma_wait3A_732 = arith.constant 0 : i32
    %dma_wait3A_733 = arith.constant 0 : i32
    %dma_wait3A_734 = tpu.memref_slice %arg2[%arg0, %add3A_727, %dma_wait3A_732, %dma_wait3A_733] : memref<2x3125x4x128xi32, #tpu.memory_space<hbm>> -> memref<1x1x4x128xi32, #tpu.memory_space<hbm>>
    %dma_wait3A_735 = tpu.memref_squeeze %dma_wait3A_734 : memref<1x1x4x128xi32, #tpu.memory_space<hbm>> -> memref<4x128xi32, #tpu.memory_space<hbm>>
    %dma_wait3A_736 = tpu.memref_slice %arg9[%rem3A_723] : memref<8x!tpu.dma_semaphore, #tpu.memory_space<semaphore_mem>> -> memref<1x!tpu.dma_semaphore, #tpu.memory_space<semaphore_mem>>
    %dma_wait3A_737 = tpu.memref_squeeze %dma_wait3A_736 : memref<1x!tpu.dma_semaphore, #tpu.memory_space<semaphore_mem>> -> memref<!tpu.dma_semaphore, #tpu.memory_space<semaphore_mem>>
    %dma_wait3A_738 = arith.constant 0 : i32
    %dma_wait3A_739 = arith.constant 0 : i32
    %dma_wait3A_740 = tpu.memref_slice %arg6[%rem3A_723, %dma_wait3A_738, %dma_wait3A_739] : memref<8x4x128xi32, #tpu.memory_space<vmem>> -> memref<1x4x128xi32, #tpu.memory_space<vmem>>
    %dma_wait3A_741 = tpu.memref_squeeze %dma_wait3A_740 : memref<1x4x128xi32, #tpu.memory_space<vmem>> -> memref<4x128xi32, #tpu.memory_space<vmem>>
    %dma_wait3A_742 = arith.constant 0 : i32
    %dma_wait3A_743 = arith.constant 0 : i32
    %dma_wait3A_744 = tpu.memref_slice %arg2[%arg0, %add3A_727, %dma_wait3A_742, %dma_wait3A_743] : memref<2x3125x4x128xi32, #tpu.memory_space<hbm>> -> memref<1x1x4x128xi32, #tpu.memory_space<hbm>>
    %dma_wait3A_745 = tpu.memref_squeeze %dma_wait3A_744 : memref<1x1x4x128xi32, #tpu.memory_space<hbm>> -> memref<4x128xi32, #tpu.memory_space<hbm>>
    tpu.wait_dma2 semaphore(%dma_wait3A_737 : memref<!tpu.dma_semaphore, #tpu.memory_space<semaphore_mem>>) src(%dma_wait3A_745 : memref<4x128xi32, #tpu.memory_space<hbm>>) dst(%dma_wait3A_741 : memref<4x128xi32, #tpu.memory_space<vmem>>)
    %rem3A_746 = arith.constant 2 : i32
    %rem3A_747 = arith.constant 8 : i32
    %rem3A_748 = arith.remsi %rem3A_746, %rem3A_747 : i32
    %rem3A_749 = arith.constant 2 : i32
    %rem3A_750 = arith.constant 8 : i32
    %rem3A_751 = arith.remsi %rem3A_749, %rem3A_750 : i32
    %dma_start3A_752 = arith.constant 0 : i32
    %dma_start3A_753 = arith.constant 0 : i32
    %dma_start3A_754 = arith.constant 0 : i32
    %dma_start3A_755 = arith.constant 0 : i32
    %dma_start3A_756 = tpu.memref_slice %arg7[%rem3A_751, %dma_start3A_753, %dma_start3A_754, %dma_start3A_755] : memref<8x2x128x32xbf16, #tpu.memory_space<vmem>> -> memref<1x1x128x32xbf16, #tpu.memory_space<vmem>>
    %dma_start3A_757 = tpu.memref_squeeze %dma_start3A_756 : memref<1x1x128x32xbf16, #tpu.memory_space<vmem>> -> memref<128x32xbf16, #tpu.memory_space<vmem>>
    %dma_start3A_758 = arith.constant 0 : i32
    %dma_start3A_759 = tpu.memref_slice %arg6[%rem3A_748, %dma_start3A_752, %dma_start3A_758] : memref<8x4x128xi32, #tpu.memory_space<vmem>> -> memref<1x1x128xi32, #tpu.memory_space<vmem>>
    %dma_start3A_760 = tpu.memref_squeeze %dma_start3A_759 : memref<1x1x128xi32, #tpu.memory_space<vmem>> -> memref<128xi32, #tpu.memory_space<vmem>>
    %dma_start3A_761 = arith.constant 0 : i32
    %dma_start3A_762 = arith.constant 0 : i32
    %dma_start3A_763 = tpu.memref_slice %arg3[%dma_start3A_761, %dma_start3A_762] : memref<100352x32xbf16, #tpu.memory_space<hbm>> -> memref<100352x32xbf16, #tpu.memory_space<hbm>>
    %dma_start3A_764 = tpu.memref_slice %arg10[%rem3A_751] : memref<8x!tpu.dma_semaphore, #tpu.memory_space<semaphore_mem>> -> memref<1x!tpu.dma_semaphore, #tpu.memory_space<semaphore_mem>>
    %dma_start3A_765 = tpu.memref_squeeze %dma_start3A_764 : memref<1x!tpu.dma_semaphore, #tpu.memory_space<semaphore_mem>> -> memref<!tpu.dma_semaphore, #tpu.memory_space<semaphore_mem>>
    tpu.enqueue_indirect_dma source(%dma_start3A_763 : memref<100352x32xbf16, #tpu.memory_space<hbm>>) target(%dma_start3A_757 : memref<128x32xbf16, #tpu.memory_space<vmem>>) offsets(%dma_start3A_760 : memref<128xi32, #tpu.memory_space<vmem>>) semaphore(%dma_start3A_765 : memref<!tpu.dma_semaphore, #tpu.memory_space<semaphore_mem>>)
    %dma_start3A_766 = arith.constant 1 : i32
    %dma_start3A_767 = arith.constant 1 : i32
    %dma_start3A_768 = arith.constant 0 : i32
    %dma_start3A_769 = arith.constant 0 : i32
    %dma_start3A_770 = tpu.memref_slice %arg7[%rem3A_751, %dma_start3A_767, %dma_start3A_768, %dma_start3A_769] : memref<8x2x128x32xbf16, #tpu.memory_space<vmem>> -> memref<1x1x128x32xbf16, #tpu.memory_space<vmem>>
    %dma_start3A_771 = tpu.memref_squeeze %dma_start3A_770 : memref<1x1x128x32xbf16, #tpu.memory_space<vmem>> -> memref<128x32xbf16, #tpu.memory_space<vmem>>
    %dma_start3A_772 = arith.constant 0 : i32
    %dma_start3A_773 = tpu.memref_slice %arg6[%rem3A_748, %dma_start3A_766, %dma_start3A_772] : memref<8x4x128xi32, #tpu.memory_space<vmem>> -> memref<1x1x128xi32, #tpu.memory_space<vmem>>
    %dma_start3A_774 = tpu.memref_squeeze %dma_start3A_773 : memref<1x1x128xi32, #tpu.memory_space<vmem>> -> memref<128xi32, #tpu.memory_space<vmem>>
    %dma_start3A_775 = arith.constant 0 : i32
    %dma_start3A_776 = arith.constant 0 : i32
    %dma_start3A_777 = tpu.memref_slice %arg3[%dma_start3A_775, %dma_start3A_776] : memref<100352x32xbf16, #tpu.memory_space<hbm>> -> memref<100352x32xbf16, #tpu.memory_space<hbm>>
    %dma_start3A_778 = tpu.memref_slice %arg10[%rem3A_751] : memref<8x!tpu.dma_semaphore, #tpu.memory_space<semaphore_mem>> -> memref<1x!tpu.dma_semaphore, #tpu.memory_space<semaphore_mem>>
    %dma_start3A_779 = tpu.memref_squeeze %dma_start3A_778 : memref<1x!tpu.dma_semaphore, #tpu.memory_space<semaphore_mem>> -> memref<!tpu.dma_semaphore, #tpu.memory_space<semaphore_mem>>
    tpu.enqueue_indirect_dma source(%dma_start3A_777 : memref<100352x32xbf16, #tpu.memory_space<hbm>>) target(%dma_start3A_771 : memref<128x32xbf16, #tpu.memory_space<vmem>>) offsets(%dma_start3A_774 : memref<128xi32, #tpu.memory_space<vmem>>) semaphore(%dma_start3A_779 : memref<!tpu.dma_semaphore, #tpu.memory_space<semaphore_mem>>)
    %scan3A_780 = arith.constant 0 : i32
    %scan3A_781 = arith.constant 0 : i32
    %scan3A_782 = arith.constant 196 : i32
    %scan3A_783 = arith.addi %scan3A_781, %scan3A_782 : i32
    %scan3A_784 = arith.constant 1 : i32
    scf.for %scan3A_816 = %scan3A_781 to %scan3A_783 step %scan3A_784  : i32 {
      %lt3A_817 = arith.cmpi slt, %scan3A_816, %select_n3A : i32
      %convert_element_type3A_818 = arith.extui %lt3A_817 : i1 to i32
      %cond3A_819 = arith.constant 0 : i32
      %cond3A_820 = arith.cmpi ne, %convert_element_type3A_818, %cond3A_819 : i32
      scf.if %cond3A_820 {
        %rem3A_821 = arith.constant 8 : i32
        %rem3A_822 = arith.remsi %scan3A_816, %rem3A_821 : i32
        %rem3A_823 = arith.constant 8 : i32
        %rem3A_824 = arith.remsi %scan3A_816, %rem3A_823 : i32
        %dma_wait3A_825 = arith.constant 0 : i32
        %dma_wait3A_826 = arith.constant 0 : i32
        %dma_wait3A_827 = arith.constant 0 : i32
        %dma_wait3A_828 = arith.constant 0 : i32
        %dma_wait3A_829 = tpu.memref_slice %arg7[%rem3A_824, %dma_wait3A_826, %dma_wait3A_827, %dma_wait3A_828] : memref<8x2x128x32xbf16, #tpu.memory_space<vmem>> -> memref<1x1x128x32xbf16, #tpu.memory_space<vmem>>
        %dma_wait3A_830 = tpu.memref_squeeze %dma_wait3A_829 : memref<1x1x128x32xbf16, #tpu.memory_space<vmem>> -> memref<128x32xbf16, #tpu.memory_space<vmem>>
        %dma_wait3A_831 = arith.constant 0 : i32
        %dma_wait3A_832 = tpu.memref_slice %arg6[%rem3A_822, %dma_wait3A_825, %dma_wait3A_831] : memref<8x4x128xi32, #tpu.memory_space<vmem>> -> memref<1x1x128xi32, #tpu.memory_space<vmem>>
        %dma_wait3A_833 = tpu.memref_squeeze %dma_wait3A_832 : memref<1x1x128xi32, #tpu.memory_space<vmem>> -> memref<128xi32, #tpu.memory_space<vmem>>
        %dma_wait3A_834 = arith.constant 0 : i32
        %dma_wait3A_835 = arith.constant 0 : i32
        %dma_wait3A_836 = tpu.memref_slice %arg3[%dma_wait3A_834, %dma_wait3A_835] : memref<100352x32xbf16, #tpu.memory_space<hbm>> -> memref<100352x32xbf16, #tpu.memory_space<hbm>>
        %dma_wait3A_837 = tpu.memref_slice %arg10[%rem3A_824] : memref<8x!tpu.dma_semaphore, #tpu.memory_space<semaphore_mem>> -> memref<1x!tpu.dma_semaphore, #tpu.memory_space<semaphore_mem>>
        %dma_wait3A_838 = tpu.memref_squeeze %dma_wait3A_837 : memref<1x!tpu.dma_semaphore, #tpu.memory_space<semaphore_mem>> -> memref<!tpu.dma_semaphore, #tpu.memory_space<semaphore_mem>>
        tpu.wait_indirect_dma semaphore(%dma_wait3A_838 : memref<!tpu.dma_semaphore, #tpu.memory_space<semaphore_mem>>) src(%dma_wait3A_836 : memref<100352x32xbf16, #tpu.memory_space<hbm>>) dst(%dma_wait3A_830 : memref<128x32xbf16, #tpu.memory_space<vmem>>)
        %dma_wait3A_839 = arith.constant 1 : i32
        %dma_wait3A_840 = arith.constant 1 : i32
        %dma_wait3A_841 = arith.constant 0 : i32
        %dma_wait3A_842 = arith.constant 0 : i32
        %dma_wait3A_843 = tpu.memref_slice %arg7[%rem3A_824, %dma_wait3A_840, %dma_wait3A_841, %dma_wait3A_842] : memref<8x2x128x32xbf16, #tpu.memory_space<vmem>> -> memref<1x1x128x32xbf16, #tpu.memory_space<vmem>>
        %dma_wait3A_844 = tpu.memref_squeeze %dma_wait3A_843 : memref<1x1x128x32xbf16, #tpu.memory_space<vmem>> -> memref<128x32xbf16, #tpu.memory_space<vmem>>
        %dma_wait3A_845 = arith.constant 0 : i32
        %dma_wait3A_846 = tpu.memref_slice %arg6[%rem3A_822, %dma_wait3A_839, %dma_wait3A_845] : memref<8x4x128xi32, #tpu.memory_space<vmem>> -> memref<1x1x128xi32, #tpu.memory_space<vmem>>
        %dma_wait3A_847 = tpu.memref_squeeze %dma_wait3A_846 : memref<1x1x128xi32, #tpu.memory_space<vmem>> -> memref<128xi32, #tpu.memory_space<vmem>>
        %dma_wait3A_848 = arith.constant 0 : i32
        %dma_wait3A_849 = arith.constant 0 : i32
        %dma_wait3A_850 = tpu.memref_slice %arg3[%dma_wait3A_848, %dma_wait3A_849] : memref<100352x32xbf16, #tpu.memory_space<hbm>> -> memref<100352x32xbf16, #tpu.memory_space<hbm>>
        %dma_wait3A_851 = tpu.memref_slice %arg10[%rem3A_824] : memref<8x!tpu.dma_semaphore, #tpu.memory_space<semaphore_mem>> -> memref<1x!tpu.dma_semaphore, #tpu.memory_space<semaphore_mem>>
        %dma_wait3A_852 = tpu.memref_squeeze %dma_wait3A_851 : memref<1x!tpu.dma_semaphore, #tpu.memory_space<semaphore_mem>> -> memref<!tpu.dma_semaphore, #tpu.memory_space<semaphore_mem>>
        tpu.wait_indirect_dma semaphore(%dma_wait3A_852 : memref<!tpu.dma_semaphore, #tpu.memory_space<semaphore_mem>>) src(%dma_wait3A_850 : memref<100352x32xbf16, #tpu.memory_space<hbm>>) dst(%dma_wait3A_844 : memref<128x32xbf16, #tpu.memory_space<vmem>>)
        %rem3A_853 = arith.constant 8 : i32
        %rem3A_854 = arith.remsi %scan3A_816, %rem3A_853 : i32
        %rem3A_855 = arith.constant 8 : i32
        %rem3A_856 = arith.remsi %scan3A_816, %rem3A_855 : i32
        %dma_start3A_857 = arith.constant 0 : i32
        %dma_start3A_858 = arith.constant 2 : i32
        %dma_start3A_859 = arith.constant 0 : i32
        %dma_start3A_860 = arith.constant 0 : i32
        %dma_start3A_861 = tpu.memref_slice %arg7[%rem3A_856, %dma_start3A_857, %dma_start3A_859, %dma_start3A_860] : memref<8x2x128x32xbf16, #tpu.memory_space<vmem>> -> memref<1x1x128x32xbf16, #tpu.memory_space<vmem>>
        %dma_start3A_862 = tpu.memref_squeeze %dma_start3A_861 : memref<1x1x128x32xbf16, #tpu.memory_space<vmem>> -> memref<128x32xbf16, #tpu.memory_space<vmem>>
        %dma_start3A_863 = arith.constant 0 : i32
        %dma_start3A_864 = tpu.memref_slice %arg6[%rem3A_854, %dma_start3A_858, %dma_start3A_863] : memref<8x4x128xi32, #tpu.memory_space<vmem>> -> memref<1x1x128xi32, #tpu.memory_space<vmem>>
        %dma_start3A_865 = tpu.memref_squeeze %dma_start3A_864 : memref<1x1x128xi32, #tpu.memory_space<vmem>> -> memref<128xi32, #tpu.memory_space<vmem>>
        %dma_start3A_866 = arith.constant 0 : i32
        %dma_start3A_867 = arith.constant 0 : i32
        %dma_start3A_868 = tpu.memref_slice %arg5[%dma_start3A_866, %dma_start3A_867] : memref<50000x32xbf16, #tpu.memory_space<vmem_shared>> -> memref<50000x32xbf16, #tpu.memory_space<vmem_shared>>
        %dma_start3A_869 = tpu.memref_slice %arg11[%rem3A_856] : memref<8x!tpu.dma_semaphore, #tpu.memory_space<semaphore_mem>> -> memref<1x!tpu.dma_semaphore, #tpu.memory_space<semaphore_mem>>
        %dma_start3A_870 = tpu.memref_squeeze %dma_start3A_869 : memref<1x!tpu.dma_semaphore, #tpu.memory_space<semaphore_mem>> -> memref<!tpu.dma_semaphore, #tpu.memory_space<semaphore_mem>>
        tpu.enqueue_indirect_dma source(%dma_start3A_862 : memref<128x32xbf16, #tpu.memory_space<vmem>>) target(%dma_start3A_868 : memref<50000x32xbf16, #tpu.memory_space<vmem_shared>>) offsets(%dma_start3A_865 : memref<128xi32, #tpu.memory_space<vmem>>) semaphore(%dma_start3A_870 : memref<!tpu.dma_semaphore, #tpu.memory_space<semaphore_mem>>) {add = true}
        %dma_start3A_871 = arith.constant 1 : i32
        %dma_start3A_872 = arith.constant 3 : i32
        %dma_start3A_873 = arith.constant 0 : i32
        %dma_start3A_874 = arith.constant 0 : i32
        %dma_start3A_875 = tpu.memref_slice %arg7[%rem3A_856, %dma_start3A_871, %dma_start3A_873, %dma_start3A_874] : memref<8x2x128x32xbf16, #tpu.memory_space<vmem>> -> memref<1x1x128x32xbf16, #tpu.memory_space<vmem>>
        %dma_start3A_876 = tpu.memref_squeeze %dma_start3A_875 : memref<1x1x128x32xbf16, #tpu.memory_space<vmem>> -> memref<128x32xbf16, #tpu.memory_space<vmem>>
        %dma_start3A_877 = arith.constant 0 : i32
        %dma_start3A_878 = tpu.memref_slice %arg6[%rem3A_854, %dma_start3A_872, %dma_start3A_877] : memref<8x4x128xi32, #tpu.memory_space<vmem>> -> memref<1x1x128xi32, #tpu.memory_space<vmem>>
        %dma_start3A_879 = tpu.memref_squeeze %dma_start3A_878 : memref<1x1x128xi32, #tpu.memory_space<vmem>> -> memref<128xi32, #tpu.memory_space<vmem>>
        %dma_start3A_880 = arith.constant 0 : i32
        %dma_start3A_881 = arith.constant 0 : i32
        %dma_start3A_882 = tpu.memref_slice %arg5[%dma_start3A_880, %dma_start3A_881] : memref<50000x32xbf16, #tpu.memory_space<vmem_shared>> -> memref<50000x32xbf16, #tpu.memory_space<vmem_shared>>
        %dma_start3A_883 = tpu.memref_slice %arg11[%rem3A_856] : memref<8x!tpu.dma_semaphore, #tpu.memory_space<semaphore_mem>> -> memref<1x!tpu.dma_semaphore, #tpu.memory_space<semaphore_mem>>
        %dma_start3A_884 = tpu.memref_squeeze %dma_start3A_883 : memref<1x!tpu.dma_semaphore, #tpu.memory_space<semaphore_mem>> -> memref<!tpu.dma_semaphore, #tpu.memory_space<semaphore_mem>>
        tpu.enqueue_indirect_dma source(%dma_start3A_876 : memref<128x32xbf16, #tpu.memory_space<vmem>>) target(%dma_start3A_882 : memref<50000x32xbf16, #tpu.memory_space<vmem_shared>>) offsets(%dma_start3A_879 : memref<128xi32, #tpu.memory_space<vmem>>) semaphore(%dma_start3A_884 : memref<!tpu.dma_semaphore, #tpu.memory_space<semaphore_mem>>) {add = true}
        %add3A_885 = arith.constant 4 : i32
        %add3A_886 = arith.addi %scan3A_816, %add3A_885 : i32
        %lt3A_887 = arith.cmpi slt, %add3A_886, %select_n3A : i32
        %convert_element_type3A_888 = arith.extui %lt3A_887 : i1 to i32
        %cond3A_889 = arith.constant 0 : i32
        %cond3A_890 = arith.cmpi ne, %convert_element_type3A_888, %cond3A_889 : i32
        scf.if %cond3A_890 {
          %add3A_897 = arith.constant 4 : i32
          %add3A_898 = arith.addi %scan3A_816, %add3A_897 : i32
          %rem3A_899 = arith.constant 8 : i32
          %rem3A_900 = arith.remsi %add3A_898, %rem3A_899 : i32
          %mul3A_901 = arith.constant 16 : i32
          %mul3A_902 = arith.muli %mul3A_901, %add3A_898 : i32
          %add3A_903 = arith.addi %arg1, %mul3A_902 : i32
          %dma_start3A_904 = arith.constant 0 : i32
          %dma_start3A_905 = arith.constant 0 : i32
          %dma_start3A_906 = tpu.memref_slice %arg6[%rem3A_900, %dma_start3A_904, %dma_start3A_905] : memref<8x4x128xi32, #tpu.memory_space<vmem>> -> memref<1x4x128xi32, #tpu.memory_space<vmem>>
          %dma_start3A_907 = tpu.memref_squeeze %dma_start3A_906 : memref<1x4x128xi32, #tpu.memory_space<vmem>> -> memref<4x128xi32, #tpu.memory_space<vmem>>
          %dma_start3A_908 = arith.constant 0 : i32
          %dma_start3A_909 = arith.constant 0 : i32
          %dma_start3A_910 = tpu.memref_slice %arg2[%arg0, %add3A_903, %dma_start3A_908, %dma_start3A_909] : memref<2x3125x4x128xi32, #tpu.memory_space<hbm>> -> memref<1x1x4x128xi32, #tpu.memory_space<hbm>>
          %dma_start3A_911 = tpu.memref_squeeze %dma_start3A_910 : memref<1x1x4x128xi32, #tpu.memory_space<hbm>> -> memref<4x128xi32, #tpu.memory_space<hbm>>
          %dma_start3A_912 = tpu.memref_slice %arg9[%rem3A_900] : memref<8x!tpu.dma_semaphore, #tpu.memory_space<semaphore_mem>> -> memref<1x!tpu.dma_semaphore, #tpu.memory_space<semaphore_mem>>
          %dma_start3A_913 = tpu.memref_squeeze %dma_start3A_912 : memref<1x!tpu.dma_semaphore, #tpu.memory_space<semaphore_mem>> -> memref<!tpu.dma_semaphore, #tpu.memory_space<semaphore_mem>>
          %dma_start3A_914 = arith.constant 0 : i32
          %dma_start3A_915 = arith.constant 0 : i32
          %dma_start3A_916 = tpu.memref_slice %arg6[%rem3A_900, %dma_start3A_914, %dma_start3A_915] : memref<8x4x128xi32, #tpu.memory_space<vmem>> -> memref<1x4x128xi32, #tpu.memory_space<vmem>>
          %dma_start3A_917 = tpu.memref_squeeze %dma_start3A_916 : memref<1x4x128xi32, #tpu.memory_space<vmem>> -> memref<4x128xi32, #tpu.memory_space<vmem>>
          %dma_start3A_918 = arith.constant 0 : i32
          %dma_start3A_919 = arith.constant 0 : i32
          %dma_start3A_920 = tpu.memref_slice %arg2[%arg0, %add3A_903, %dma_start3A_918, %dma_start3A_919] : memref<2x3125x4x128xi32, #tpu.memory_space<hbm>> -> memref<1x1x4x128xi32, #tpu.memory_space<hbm>>
          %dma_start3A_921 = tpu.memref_squeeze %dma_start3A_920 : memref<1x1x4x128xi32, #tpu.memory_space<hbm>> -> memref<4x128xi32, #tpu.memory_space<hbm>>
          tpu.enqueue_dma source(%dma_start3A_921 : memref<4x128xi32, #tpu.memory_space<hbm>>) target(%dma_start3A_917 : memref<4x128xi32, #tpu.memory_space<vmem>>) target_semaphore(%dma_start3A_913 : memref<!tpu.dma_semaphore, #tpu.memory_space<semaphore_mem>>)
        } else {
        }
        %add3A_891 = arith.constant 3 : i32
        %add3A_892 = arith.addi %scan3A_816, %add3A_891 : i32
        %lt3A_893 = arith.cmpi slt, %add3A_892, %select_n3A : i32
        %convert_element_type3A_894 = arith.extui %lt3A_893 : i1 to i32
        %cond3A_895 = arith.constant 0 : i32
        %cond3A_896 = arith.cmpi ne, %convert_element_type3A_894, %cond3A_895 : i32
        scf.if %cond3A_896 {
          %add3A_897 = arith.constant 3 : i32
          %add3A_898 = arith.addi %scan3A_816, %add3A_897 : i32
          %rem3A_899 = arith.constant 8 : i32
          %rem3A_900 = arith.remsi %add3A_898, %rem3A_899 : i32
          %mul3A_901 = arith.constant 16 : i32
          %mul3A_902 = arith.muli %mul3A_901, %add3A_898 : i32
          %add3A_903 = arith.addi %arg1, %mul3A_902 : i32
          %dma_wait3A_904 = arith.constant 0 : i32
          %dma_wait3A_905 = arith.constant 0 : i32
          %dma_wait3A_906 = tpu.memref_slice %arg6[%rem3A_900, %dma_wait3A_904, %dma_wait3A_905] : memref<8x4x128xi32, #tpu.memory_space<vmem>> -> memref<1x4x128xi32, #tpu.memory_space<vmem>>
          %dma_wait3A_907 = tpu.memref_squeeze %dma_wait3A_906 : memref<1x4x128xi32, #tpu.memory_space<vmem>> -> memref<4x128xi32, #tpu.memory_space<vmem>>
          %dma_wait3A_908 = arith.constant 0 : i32
          %dma_wait3A_909 = arith.constant 0 : i32
          %dma_wait3A_910 = tpu.memref_slice %arg2[%arg0, %add3A_903, %dma_wait3A_908, %dma_wait3A_909] : memref<2x3125x4x128xi32, #tpu.memory_space<hbm>> -> memref<1x1x4x128xi32, #tpu.memory_space<hbm>>
          %dma_wait3A_911 = tpu.memref_squeeze %dma_wait3A_910 : memref<1x1x4x128xi32, #tpu.memory_space<hbm>> -> memref<4x128xi32, #tpu.memory_space<hbm>>
          %dma_wait3A_912 = tpu.memref_slice %arg9[%rem3A_900] : memref<8x!tpu.dma_semaphore, #tpu.memory_space<semaphore_mem>> -> memref<1x!tpu.dma_semaphore, #tpu.memory_space<semaphore_mem>>
          %dma_wait3A_913 = tpu.memref_squeeze %dma_wait3A_912 : memref<1x!tpu.dma_semaphore, #tpu.memory_space<semaphore_mem>> -> memref<!tpu.dma_semaphore, #tpu.memory_space<semaphore_mem>>
          %dma_wait3A_914 = arith.constant 0 : i32
          %dma_wait3A_915 = arith.constant 0 : i32
          %dma_wait3A_916 = tpu.memref_slice %arg6[%rem3A_900, %dma_wait3A_914, %dma_wait3A_915] : memref<8x4x128xi32, #tpu.memory_space<vmem>> -> memref<1x4x128xi32, #tpu.memory_space<vmem>>
          %dma_wait3A_917 = tpu.memref_squeeze %dma_wait3A_916 : memref<1x4x128xi32, #tpu.memory_space<vmem>> -> memref<4x128xi32, #tpu.memory_space<vmem>>
          %dma_wait3A_918 = arith.constant 0 : i32
          %dma_wait3A_919 = arith.constant 0 : i32
          %dma_wait3A_920 = tpu.memref_slice %arg2[%arg0, %add3A_903, %dma_wait3A_918, %dma_wait3A_919] : memref<2x3125x4x128xi32, #tpu.memory_space<hbm>> -> memref<1x1x4x128xi32, #tpu.memory_space<hbm>>
          %dma_wait3A_921 = tpu.memref_squeeze %dma_wait3A_920 : memref<1x1x4x128xi32, #tpu.memory_space<hbm>> -> memref<4x128xi32, #tpu.memory_space<hbm>>
          tpu.wait_dma2 semaphore(%dma_wait3A_913 : memref<!tpu.dma_semaphore, #tpu.memory_space<semaphore_mem>>) src(%dma_wait3A_921 : memref<4x128xi32, #tpu.memory_space<hbm>>) dst(%dma_wait3A_917 : memref<4x128xi32, #tpu.memory_space<vmem>>)
          %ge3A_922 = arith.constant 2 : i32
          %ge3A_923 = arith.cmpi sge, %scan3A_816, %ge3A_922 : i32
          %convert_element_type3A_924 = arith.extui %ge3A_923 : i1 to i32
          %cond3A_925 = arith.constant 0 : i32
          %cond3A_926 = arith.cmpi ne, %convert_element_type3A_924, %cond3A_925 : i32
          scf.if %cond3A_926 {
            %sub3A = arith.constant 2 : i32
            %sub3A_961 = arith.subi %scan3A_816, %sub3A : i32
            %rem3A_962 = arith.constant 8 : i32
            %rem3A_963 = arith.remsi %sub3A_961, %rem3A_962 : i32
            %rem3A_964 = arith.constant 8 : i32
            %rem3A_965 = arith.remsi %sub3A_961, %rem3A_964 : i32
            %dma_wait3A_966 = arith.constant 0 : i32
            %dma_wait3A_967 = arith.constant 2 : i32
            %dma_wait3A_968 = arith.constant 0 : i32
            %dma_wait3A_969 = arith.constant 0 : i32
            %dma_wait3A_970 = tpu.memref_slice %arg7[%rem3A_965, %dma_wait3A_966, %dma_wait3A_968, %dma_wait3A_969] : memref<8x2x128x32xbf16, #tpu.memory_space<vmem>> -> memref<1x1x128x32xbf16, #tpu.memory_space<vmem>>
            %dma_wait3A_971 = tpu.memref_squeeze %dma_wait3A_970 : memref<1x1x128x32xbf16, #tpu.memory_space<vmem>> -> memref<128x32xbf16, #tpu.memory_space<vmem>>
            %dma_wait3A_972 = arith.constant 0 : i32
            %dma_wait3A_973 = tpu.memref_slice %arg6[%rem3A_963, %dma_wait3A_967, %dma_wait3A_972] : memref<8x4x128xi32, #tpu.memory_space<vmem>> -> memref<1x1x128xi32, #tpu.memory_space<vmem>>
            %dma_wait3A_974 = tpu.memref_squeeze %dma_wait3A_973 : memref<1x1x128xi32, #tpu.memory_space<vmem>> -> memref<128xi32, #tpu.memory_space<vmem>>
            %dma_wait3A_975 = arith.constant 0 : i32
            %dma_wait3A_976 = arith.constant 0 : i32
            %dma_wait3A_977 = tpu.memref_slice %arg5[%dma_wait3A_975, %dma_wait3A_976] : memref<50000x32xbf16, #tpu.memory_space<vmem_shared>> -> memref<50000x32xbf16, #tpu.memory_space<vmem_shared>>
            %dma_wait3A_978 = tpu.memref_slice %arg11[%rem3A_965] : memref<8x!tpu.dma_semaphore, #tpu.memory_space<semaphore_mem>> -> memref<1x!tpu.dma_semaphore, #tpu.memory_space<semaphore_mem>>
            %dma_wait3A_979 = tpu.memref_squeeze %dma_wait3A_978 : memref<1x!tpu.dma_semaphore, #tpu.memory_space<semaphore_mem>> -> memref<!tpu.dma_semaphore, #tpu.memory_space<semaphore_mem>>
            tpu.wait_indirect_dma semaphore(%dma_wait3A_979 : memref<!tpu.dma_semaphore, #tpu.memory_space<semaphore_mem>>) src(%dma_wait3A_971 : memref<128x32xbf16, #tpu.memory_space<vmem>>) dst(%dma_wait3A_977 : memref<50000x32xbf16, #tpu.memory_space<vmem_shared>>)
            %dma_wait3A_980 = arith.constant 1 : i32
            %dma_wait3A_981 = arith.constant 3 : i32
            %dma_wait3A_982 = arith.constant 0 : i32
            %dma_wait3A_983 = arith.constant 0 : i32
            %dma_wait3A_984 = tpu.memref_slice %arg7[%rem3A_965, %dma_wait3A_980, %dma_wait3A_982, %dma_wait3A_983] : memref<8x2x128x32xbf16, #tpu.memory_space<vmem>> -> memref<1x1x128x32xbf16, #tpu.memory_space<vmem>>
            %dma_wait3A_985 = tpu.memref_squeeze %dma_wait3A_984 : memref<1x1x128x32xbf16, #tpu.memory_space<vmem>> -> memref<128x32xbf16, #tpu.memory_space<vmem>>
            %dma_wait3A_986 = arith.constant 0 : i32
            %dma_wait3A_987 = tpu.memref_slice %arg6[%rem3A_963, %dma_wait3A_981, %dma_wait3A_986] : memref<8x4x128xi32, #tpu.memory_space<vmem>> -> memref<1x1x128xi32, #tpu.memory_space<vmem>>
            %dma_wait3A_988 = tpu.memref_squeeze %dma_wait3A_987 : memref<1x1x128xi32, #tpu.memory_space<vmem>> -> memref<128xi32, #tpu.memory_space<vmem>>
            %dma_wait3A_989 = arith.constant 0 : i32
            %dma_wait3A_990 = arith.constant 0 : i32
            %dma_wait3A_991 = tpu.memref_slice %arg5[%dma_wait3A_989, %dma_wait3A_990] : memref<50000x32xbf16, #tpu.memory_space<vmem_shared>> -> memref<50000x32xbf16, #tpu.memory_space<vmem_shared>>
            %dma_wait3A_992 = tpu.memref_slice %arg11[%rem3A_965] : memref<8x!tpu.dma_semaphore, #tpu.memory_space<semaphore_mem>> -> memref<1x!tpu.dma_semaphore, #tpu.memory_space<semaphore_mem>>
            %dma_wait3A_993 = tpu.memref_squeeze %dma_wait3A_992 : memref<1x!tpu.dma_semaphore, #tpu.memory_space<semaphore_mem>> -> memref<!tpu.dma_semaphore, #tpu.memory_space<semaphore_mem>>
            tpu.wait_indirect_dma semaphore(%dma_wait3A_993 : memref<!tpu.dma_semaphore, #tpu.memory_space<semaphore_mem>>) src(%dma_wait3A_985 : memref<128x32xbf16, #tpu.memory_space<vmem>>) dst(%dma_wait3A_991 : memref<50000x32xbf16, #tpu.memory_space<vmem_shared>>)
          } else {
          }
          %add3A_927 = arith.constant 3 : i32
          %add3A_928 = arith.addi %scan3A_816, %add3A_927 : i32
          %rem3A_929 = arith.constant 8 : i32
          %rem3A_930 = arith.remsi %add3A_928, %rem3A_929 : i32
          %rem3A_931 = arith.constant 8 : i32
          %rem3A_932 = arith.remsi %add3A_928, %rem3A_931 : i32
          %dma_start3A_933 = arith.constant 0 : i32
          %dma_start3A_934 = arith.constant 0 : i32
          %dma_start3A_935 = arith.constant 0 : i32
          %dma_start3A_936 = arith.constant 0 : i32
          %dma_start3A_937 = tpu.memref_slice %arg7[%rem3A_932, %dma_start3A_934, %dma_start3A_935, %dma_start3A_936] : memref<8x2x128x32xbf16, #tpu.memory_space<vmem>> -> memref<1x1x128x32xbf16, #tpu.memory_space<vmem>>
          %dma_start3A_938 = tpu.memref_squeeze %dma_start3A_937 : memref<1x1x128x32xbf16, #tpu.memory_space<vmem>> -> memref<128x32xbf16, #tpu.memory_space<vmem>>
          %dma_start3A_939 = arith.constant 0 : i32
          %dma_start3A_940 = tpu.memref_slice %arg6[%rem3A_930, %dma_start3A_933, %dma_start3A_939] : memref<8x4x128xi32, #tpu.memory_space<vmem>> -> memref<1x1x128xi32, #tpu.memory_space<vmem>>
          %dma_start3A_941 = tpu.memref_squeeze %dma_start3A_940 : memref<1x1x128xi32, #tpu.memory_space<vmem>> -> memref<128xi32, #tpu.memory_space<vmem>>
          %dma_start3A_942 = arith.constant 0 : i32
          %dma_start3A_943 = arith.constant 0 : i32
          %dma_start3A_944 = tpu.memref_slice %arg3[%dma_start3A_942, %dma_start3A_943] : memref<100352x32xbf16, #tpu.memory_space<hbm>> -> memref<100352x32xbf16, #tpu.memory_space<hbm>>
          %dma_start3A_945 = tpu.memref_slice %arg10[%rem3A_932] : memref<8x!tpu.dma_semaphore, #tpu.memory_space<semaphore_mem>> -> memref<1x!tpu.dma_semaphore, #tpu.memory_space<semaphore_mem>>
          %dma_start3A_946 = tpu.memref_squeeze %dma_start3A_945 : memref<1x!tpu.dma_semaphore, #tpu.memory_space<semaphore_mem>> -> memref<!tpu.dma_semaphore, #tpu.memory_space<semaphore_mem>>
          tpu.enqueue_indirect_dma source(%dma_start3A_944 : memref<100352x32xbf16, #tpu.memory_space<hbm>>) target(%dma_start3A_938 : memref<128x32xbf16, #tpu.memory_space<vmem>>) offsets(%dma_start3A_941 : memref<128xi32, #tpu.memory_space<vmem>>) semaphore(%dma_start3A_946 : memref<!tpu.dma_semaphore, #tpu.memory_space<semaphore_mem>>)
          %dma_start3A_947 = arith.constant 1 : i32
          %dma_start3A_948 = arith.constant 1 : i32
          %dma_start3A_949 = arith.constant 0 : i32
          %dma_start3A_950 = arith.constant 0 : i32
          %dma_start3A_951 = tpu.memref_slice %arg7[%rem3A_932, %dma_start3A_948, %dma_start3A_949, %dma_start3A_950] : memref<8x2x128x32xbf16, #tpu.memory_space<vmem>> -> memref<1x1x128x32xbf16, #tpu.memory_space<vmem>>
          %dma_start3A_952 = tpu.memref_squeeze %dma_start3A_951 : memref<1x1x128x32xbf16, #tpu.memory_space<vmem>> -> memref<128x32xbf16, #tpu.memory_space<vmem>>
          %dma_start3A_953 = arith.constant 0 : i32
          %dma_start3A_954 = tpu.memref_slice %arg6[%rem3A_930, %dma_start3A_947, %dma_start3A_953] : memref<8x4x128xi32, #tpu.memory_space<vmem>> -> memref<1x1x128xi32, #tpu.memory_space<vmem>>
          %dma_start3A_955 = tpu.memref_squeeze %dma_start3A_954 : memref<1x1x128xi32, #tpu.memory_space<vmem>> -> memref<128xi32, #tpu.memory_space<vmem>>
          %dma_start3A_956 = arith.constant 0 : i32
          %dma_start3A_957 = arith.constant 0 : i32
          %dma_start3A_958 = tpu.memref_slice %arg3[%dma_start3A_956, %dma_start3A_957] : memref<100352x32xbf16, #tpu.memory_space<hbm>> -> memref<100352x32xbf16, #tpu.memory_space<hbm>>
          %dma_start3A_959 = tpu.memref_slice %arg10[%rem3A_932] : memref<8x!tpu.dma_semaphore, #tpu.memory_space<semaphore_mem>> -> memref<1x!tpu.dma_semaphore, #tpu.memory_space<semaphore_mem>>
          %dma_start3A_960 = tpu.memref_squeeze %dma_start3A_959 : memref<1x!tpu.dma_semaphore, #tpu.memory_space<semaphore_mem>> -> memref<!tpu.dma_semaphore, #tpu.memory_space<semaphore_mem>>
          tpu.enqueue_indirect_dma source(%dma_start3A_958 : memref<100352x32xbf16, #tpu.memory_space<hbm>>) target(%dma_start3A_952 : memref<128x32xbf16, #tpu.memory_space<vmem>>) offsets(%dma_start3A_955 : memref<128xi32, #tpu.memory_space<vmem>>) semaphore(%dma_start3A_960 : memref<!tpu.dma_semaphore, #tpu.memory_space<semaphore_mem>>)
        } else {
        }
      } else {
      }
    }
    %scan3A_785 = arith.constant 196 : i32
    %ge3A = arith.constant 5 : i32
    %ge3A_786 = arith.cmpi sge, %select_n3A, %ge3A : i32
    %convert_element_type3A = arith.extui %ge3A_786 : i1 to i32
    %cond3A = arith.constant 5 : i32
    %cond3A_787 = arith.constant 0 : i32
    %cond3A_788 = arith.cmpi ne, %convert_element_type3A, %cond3A_787 : i32
    scf.if %cond3A_788 {
      %sub3A = arith.subi %select_n3A, %cond3A : i32
      %rem3A_816 = arith.constant 8 : i32
      %rem3A_817 = arith.remsi %sub3A, %rem3A_816 : i32
      %rem3A_818 = arith.constant 8 : i32
      %rem3A_819 = arith.remsi %sub3A, %rem3A_818 : i32
      %dma_wait3A_820 = arith.constant 0 : i32
      %dma_wait3A_821 = arith.constant 2 : i32
      %dma_wait3A_822 = arith.constant 0 : i32
      %dma_wait3A_823 = arith.constant 0 : i32
      %dma_wait3A_824 = tpu.memref_slice %arg7[%rem3A_819, %dma_wait3A_820, %dma_wait3A_822, %dma_wait3A_823] : memref<8x2x128x32xbf16, #tpu.memory_space<vmem>> -> memref<1x1x128x32xbf16, #tpu.memory_space<vmem>>
      %dma_wait3A_825 = tpu.memref_squeeze %dma_wait3A_824 : memref<1x1x128x32xbf16, #tpu.memory_space<vmem>> -> memref<128x32xbf16, #tpu.memory_space<vmem>>
      %dma_wait3A_826 = arith.constant 0 : i32
      %dma_wait3A_827 = tpu.memref_slice %arg6[%rem3A_817, %dma_wait3A_821, %dma_wait3A_826] : memref<8x4x128xi32, #tpu.memory_space<vmem>> -> memref<1x1x128xi32, #tpu.memory_space<vmem>>
      %dma_wait3A_828 = tpu.memref_squeeze %dma_wait3A_827 : memref<1x1x128xi32, #tpu.memory_space<vmem>> -> memref<128xi32, #tpu.memory_space<vmem>>
      %dma_wait3A_829 = arith.constant 0 : i32
      %dma_wait3A_830 = arith.constant 0 : i32
      %dma_wait3A_831 = tpu.memref_slice %arg5[%dma_wait3A_829, %dma_wait3A_830] : memref<50000x32xbf16, #tpu.memory_space<vmem_shared>> -> memref<50000x32xbf16, #tpu.memory_space<vmem_shared>>
      %dma_wait3A_832 = tpu.memref_slice %arg11[%rem3A_819] : memref<8x!tpu.dma_semaphore, #tpu.memory_space<semaphore_mem>> -> memref<1x!tpu.dma_semaphore, #tpu.memory_space<semaphore_mem>>
      %dma_wait3A_833 = tpu.memref_squeeze %dma_wait3A_832 : memref<1x!tpu.dma_semaphore, #tpu.memory_space<semaphore_mem>> -> memref<!tpu.dma_semaphore, #tpu.memory_space<semaphore_mem>>
      tpu.wait_indirect_dma semaphore(%dma_wait3A_833 : memref<!tpu.dma_semaphore, #tpu.memory_space<semaphore_mem>>) src(%dma_wait3A_825 : memref<128x32xbf16, #tpu.memory_space<vmem>>) dst(%dma_wait3A_831 : memref<50000x32xbf16, #tpu.memory_space<vmem_shared>>)
      %dma_wait3A_834 = arith.constant 1 : i32
      %dma_wait3A_835 = arith.constant 3 : i32
      %dma_wait3A_836 = arith.constant 0 : i32
      %dma_wait3A_837 = arith.constant 0 : i32
      %dma_wait3A_838 = tpu.memref_slice %arg7[%rem3A_819, %dma_wait3A_834, %dma_wait3A_836, %dma_wait3A_837] : memref<8x2x128x32xbf16, #tpu.memory_space<vmem>> -> memref<1x1x128x32xbf16, #tpu.memory_space<vmem>>
      %dma_wait3A_839 = tpu.memref_squeeze %dma_wait3A_838 : memref<1x1x128x32xbf16, #tpu.memory_space<vmem>> -> memref<128x32xbf16, #tpu.memory_space<vmem>>
      %dma_wait3A_840 = arith.constant 0 : i32
      %dma_wait3A_841 = tpu.memref_slice %arg6[%rem3A_817, %dma_wait3A_835, %dma_wait3A_840] : memref<8x4x128xi32, #tpu.memory_space<vmem>> -> memref<1x1x128xi32, #tpu.memory_space<vmem>>
      %dma_wait3A_842 = tpu.memref_squeeze %dma_wait3A_841 : memref<1x1x128xi32, #tpu.memory_space<vmem>> -> memref<128xi32, #tpu.memory_space<vmem>>
      %dma_wait3A_843 = arith.constant 0 : i32
      %dma_wait3A_844 = arith.constant 0 : i32
      %dma_wait3A_845 = tpu.memref_slice %arg5[%dma_wait3A_843, %dma_wait3A_844] : memref<50000x32xbf16, #tpu.memory_space<vmem_shared>> -> memref<50000x32xbf16, #tpu.memory_space<vmem_shared>>
      %dma_wait3A_846 = tpu.memref_slice %arg11[%rem3A_819] : memref<8x!tpu.dma_semaphore, #tpu.memory_space<semaphore_mem>> -> memref<1x!tpu.dma_semaphore, #tpu.memory_space<semaphore_mem>>
      %dma_wait3A_847 = tpu.memref_squeeze %dma_wait3A_846 : memref<1x!tpu.dma_semaphore, #tpu.memory_space<semaphore_mem>> -> memref<!tpu.dma_semaphore, #tpu.memory_space<semaphore_mem>>
      tpu.wait_indirect_dma semaphore(%dma_wait3A_847 : memref<!tpu.dma_semaphore, #tpu.memory_space<semaphore_mem>>) src(%dma_wait3A_839 : memref<128x32xbf16, #tpu.memory_space<vmem>>) dst(%dma_wait3A_845 : memref<50000x32xbf16, #tpu.memory_space<vmem_shared>>)
    } else {
    }
    %ge3A_789 = arith.constant 4 : i32
    %ge3A_790 = arith.cmpi sge, %select_n3A, %ge3A_789 : i32
    %convert_element_type3A_791 = arith.extui %ge3A_790 : i1 to i32
    %cond3A_792 = arith.constant 4 : i32
    %cond3A_793 = arith.constant 0 : i32
    %cond3A_794 = arith.cmpi ne, %convert_element_type3A_791, %cond3A_793 : i32
    scf.if %cond3A_794 {
      %sub3A = arith.subi %select_n3A, %cond3A_792 : i32
      %rem3A_816 = arith.constant 8 : i32
      %rem3A_817 = arith.remsi %sub3A, %rem3A_816 : i32
      %rem3A_818 = arith.constant 8 : i32
      %rem3A_819 = arith.remsi %sub3A, %rem3A_818 : i32
      %dma_wait3A_820 = arith.constant 0 : i32
      %dma_wait3A_821 = arith.constant 2 : i32
      %dma_wait3A_822 = arith.constant 0 : i32
      %dma_wait3A_823 = arith.constant 0 : i32
      %dma_wait3A_824 = tpu.memref_slice %arg7[%rem3A_819, %dma_wait3A_820, %dma_wait3A_822, %dma_wait3A_823] : memref<8x2x128x32xbf16, #tpu.memory_space<vmem>> -> memref<1x1x128x32xbf16, #tpu.memory_space<vmem>>
      %dma_wait3A_825 = tpu.memref_squeeze %dma_wait3A_824 : memref<1x1x128x32xbf16, #tpu.memory_space<vmem>> -> memref<128x32xbf16, #tpu.memory_space<vmem>>
      %dma_wait3A_826 = arith.constant 0 : i32
      %dma_wait3A_827 = tpu.memref_slice %arg6[%rem3A_817, %dma_wait3A_821, %dma_wait3A_826] : memref<8x4x128xi32, #tpu.memory_space<vmem>> -> memref<1x1x128xi32, #tpu.memory_space<vmem>>
      %dma_wait3A_828 = tpu.memref_squeeze %dma_wait3A_827 : memref<1x1x128xi32, #tpu.memory_space<vmem>> -> memref<128xi32, #tpu.memory_space<vmem>>
      %dma_wait3A_829 = arith.constant 0 : i32
      %dma_wait3A_830 = arith.constant 0 : i32
      %dma_wait3A_831 = tpu.memref_slice %arg5[%dma_wait3A_829, %dma_wait3A_830] : memref<50000x32xbf16, #tpu.memory_space<vmem_shared>> -> memref<50000x32xbf16, #tpu.memory_space<vmem_shared>>
      %dma_wait3A_832 = tpu.memref_slice %arg11[%rem3A_819] : memref<8x!tpu.dma_semaphore, #tpu.memory_space<semaphore_mem>> -> memref<1x!tpu.dma_semaphore, #tpu.memory_space<semaphore_mem>>
      %dma_wait3A_833 = tpu.memref_squeeze %dma_wait3A_832 : memref<1x!tpu.dma_semaphore, #tpu.memory_space<semaphore_mem>> -> memref<!tpu.dma_semaphore, #tpu.memory_space<semaphore_mem>>
      tpu.wait_indirect_dma semaphore(%dma_wait3A_833 : memref<!tpu.dma_semaphore, #tpu.memory_space<semaphore_mem>>) src(%dma_wait3A_825 : memref<128x32xbf16, #tpu.memory_space<vmem>>) dst(%dma_wait3A_831 : memref<50000x32xbf16, #tpu.memory_space<vmem_shared>>)
      %dma_wait3A_834 = arith.constant 1 : i32
      %dma_wait3A_835 = arith.constant 3 : i32
      %dma_wait3A_836 = arith.constant 0 : i32
      %dma_wait3A_837 = arith.constant 0 : i32
      %dma_wait3A_838 = tpu.memref_slice %arg7[%rem3A_819, %dma_wait3A_834, %dma_wait3A_836, %dma_wait3A_837] : memref<8x2x128x32xbf16, #tpu.memory_space<vmem>> -> memref<1x1x128x32xbf16, #tpu.memory_space<vmem>>
      %dma_wait3A_839 = tpu.memref_squeeze %dma_wait3A_838 : memref<1x1x128x32xbf16, #tpu.memory_space<vmem>> -> memref<128x32xbf16, #tpu.memory_space<vmem>>
      %dma_wait3A_840 = arith.constant 0 : i32
      %dma_wait3A_841 = tpu.memref_slice %arg6[%rem3A_817, %dma_wait3A_835, %dma_wait3A_840] : memref<8x4x128xi32, #tpu.memory_space<vmem>> -> memref<1x1x128xi32, #tpu.memory_space<vmem>>
      %dma_wait3A_842 = tpu.memref_squeeze %dma_wait3A_841 : memref<1x1x128xi32, #tpu.memory_space<vmem>> -> memref<128xi32, #tpu.memory_space<vmem>>
      %dma_wait3A_843 = arith.constant 0 : i32
      %dma_wait3A_844 = arith.constant 0 : i32
      %dma_wait3A_845 = tpu.memref_slice %arg5[%dma_wait3A_843, %dma_wait3A_844] : memref<50000x32xbf16, #tpu.memory_space<vmem_shared>> -> memref<50000x32xbf16, #tpu.memory_space<vmem_shared>>
      %dma_wait3A_846 = tpu.memref_slice %arg11[%rem3A_819] : memref<8x!tpu.dma_semaphore, #tpu.memory_space<semaphore_mem>> -> memref<1x!tpu.dma_semaphore, #tpu.memory_space<semaphore_mem>>
      %dma_wait3A_847 = tpu.memref_squeeze %dma_wait3A_846 : memref<1x!tpu.dma_semaphore, #tpu.memory_space<semaphore_mem>> -> memref<!tpu.dma_semaphore, #tpu.memory_space<semaphore_mem>>
      tpu.wait_indirect_dma semaphore(%dma_wait3A_847 : memref<!tpu.dma_semaphore, #tpu.memory_space<semaphore_mem>>) src(%dma_wait3A_839 : memref<128x32xbf16, #tpu.memory_space<vmem>>) dst(%dma_wait3A_845 : memref<50000x32xbf16, #tpu.memory_space<vmem_shared>>)
    } else {
    }
    %ge3A_795 = arith.constant 3 : i32
    %ge3A_796 = arith.cmpi sge, %select_n3A, %ge3A_795 : i32
    %convert_element_type3A_797 = arith.extui %ge3A_796 : i1 to i32
    %cond3A_798 = arith.constant 3 : i32
    %cond3A_799 = arith.constant 0 : i32
    %cond3A_800 = arith.cmpi ne, %convert_element_type3A_797, %cond3A_799 : i32
    scf.if %cond3A_800 {
      %sub3A = arith.subi %select_n3A, %cond3A_798 : i32
      %rem3A_816 = arith.constant 8 : i32
      %rem3A_817 = arith.remsi %sub3A, %rem3A_816 : i32
      %rem3A_818 = arith.constant 8 : i32
      %rem3A_819 = arith.remsi %sub3A, %rem3A_818 : i32
      %dma_wait3A_820 = arith.constant 0 : i32
      %dma_wait3A_821 = arith.constant 2 : i32
      %dma_wait3A_822 = arith.constant 0 : i32
      %dma_wait3A_823 = arith.constant 0 : i32
      %dma_wait3A_824 = tpu.memref_slice %arg7[%rem3A_819, %dma_wait3A_820, %dma_wait3A_822, %dma_wait3A_823] : memref<8x2x128x32xbf16, #tpu.memory_space<vmem>> -> memref<1x1x128x32xbf16, #tpu.memory_space<vmem>>
      %dma_wait3A_825 = tpu.memref_squeeze %dma_wait3A_824 : memref<1x1x128x32xbf16, #tpu.memory_space<vmem>> -> memref<128x32xbf16, #tpu.memory_space<vmem>>
      %dma_wait3A_826 = arith.constant 0 : i32
      %dma_wait3A_827 = tpu.memref_slice %arg6[%rem3A_817, %dma_wait3A_821, %dma_wait3A_826] : memref<8x4x128xi32, #tpu.memory_space<vmem>> -> memref<1x1x128xi32, #tpu.memory_space<vmem>>
      %dma_wait3A_828 = tpu.memref_squeeze %dma_wait3A_827 : memref<1x1x128xi32, #tpu.memory_space<vmem>> -> memref<128xi32, #tpu.memory_space<vmem>>
      %dma_wait3A_829 = arith.constant 0 : i32
      %dma_wait3A_830 = arith.constant 0 : i32
      %dma_wait3A_831 = tpu.memref_slice %arg5[%dma_wait3A_829, %dma_wait3A_830] : memref<50000x32xbf16, #tpu.memory_space<vmem_shared>> -> memref<50000x32xbf16, #tpu.memory_space<vmem_shared>>
      %dma_wait3A_832 = tpu.memref_slice %arg11[%rem3A_819] : memref<8x!tpu.dma_semaphore, #tpu.memory_space<semaphore_mem>> -> memref<1x!tpu.dma_semaphore, #tpu.memory_space<semaphore_mem>>
      %dma_wait3A_833 = tpu.memref_squeeze %dma_wait3A_832 : memref<1x!tpu.dma_semaphore, #tpu.memory_space<semaphore_mem>> -> memref<!tpu.dma_semaphore, #tpu.memory_space<semaphore_mem>>
      tpu.wait_indirect_dma semaphore(%dma_wait3A_833 : memref<!tpu.dma_semaphore, #tpu.memory_space<semaphore_mem>>) src(%dma_wait3A_825 : memref<128x32xbf16, #tpu.memory_space<vmem>>) dst(%dma_wait3A_831 : memref<50000x32xbf16, #tpu.memory_space<vmem_shared>>)
      %dma_wait3A_834 = arith.constant 1 : i32
      %dma_wait3A_835 = arith.constant 3 : i32
      %dma_wait3A_836 = arith.constant 0 : i32
      %dma_wait3A_837 = arith.constant 0 : i32
      %dma_wait3A_838 = tpu.memref_slice %arg7[%rem3A_819, %dma_wait3A_834, %dma_wait3A_836, %dma_wait3A_837] : memref<8x2x128x32xbf16, #tpu.memory_space<vmem>> -> memref<1x1x128x32xbf16, #tpu.memory_space<vmem>>
      %dma_wait3A_839 = tpu.memref_squeeze %dma_wait3A_838 : memref<1x1x128x32xbf16, #tpu.memory_space<vmem>> -> memref<128x32xbf16, #tpu.memory_space<vmem>>
      %dma_wait3A_840 = arith.constant 0 : i32
      %dma_wait3A_841 = tpu.memref_slice %arg6[%rem3A_817, %dma_wait3A_835, %dma_wait3A_840] : memref<8x4x128xi32, #tpu.memory_space<vmem>> -> memref<1x1x128xi32, #tpu.memory_space<vmem>>
      %dma_wait3A_842 = tpu.memref_squeeze %dma_wait3A_841 : memref<1x1x128xi32, #tpu.memory_space<vmem>> -> memref<128xi32, #tpu.memory_space<vmem>>
      %dma_wait3A_843 = arith.constant 0 : i32
      %dma_wait3A_844 = arith.constant 0 : i32
      %dma_wait3A_845 = tpu.memref_slice %arg5[%dma_wait3A_843, %dma_wait3A_844] : memref<50000x32xbf16, #tpu.memory_space<vmem_shared>> -> memref<50000x32xbf16, #tpu.memory_space<vmem_shared>>
      %dma_wait3A_846 = tpu.memref_slice %arg11[%rem3A_819] : memref<8x!tpu.dma_semaphore, #tpu.memory_space<semaphore_mem>> -> memref<1x!tpu.dma_semaphore, #tpu.memory_space<semaphore_mem>>
      %dma_wait3A_847 = tpu.memref_squeeze %dma_wait3A_846 : memref<1x!tpu.dma_semaphore, #tpu.memory_space<semaphore_mem>> -> memref<!tpu.dma_semaphore, #tpu.memory_space<semaphore_mem>>
      tpu.wait_indirect_dma semaphore(%dma_wait3A_847 : memref<!tpu.dma_semaphore, #tpu.memory_space<semaphore_mem>>) src(%dma_wait3A_839 : memref<128x32xbf16, #tpu.memory_space<vmem>>) dst(%dma_wait3A_845 : memref<50000x32xbf16, #tpu.memory_space<vmem_shared>>)
    } else {
    }
    %ge3A_801 = arith.constant 2 : i32
    %ge3A_802 = arith.cmpi sge, %select_n3A, %ge3A_801 : i32
    %convert_element_type3A_803 = arith.extui %ge3A_802 : i1 to i32
    %cond3A_804 = arith.constant 2 : i32
    %cond3A_805 = arith.constant 0 : i32
    %cond3A_806 = arith.cmpi ne, %convert_element_type3A_803, %cond3A_805 : i32
    scf.if %cond3A_806 {
      %sub3A = arith.subi %select_n3A, %cond3A_804 : i32
      %rem3A_816 = arith.constant 8 : i32
      %rem3A_817 = arith.remsi %sub3A, %rem3A_816 : i32
      %rem3A_818 = arith.constant 8 : i32
      %rem3A_819 = arith.remsi %sub3A, %rem3A_818 : i32
      %dma_wait3A_820 = arith.constant 0 : i32
      %dma_wait3A_821 = arith.constant 2 : i32
      %dma_wait3A_822 = arith.constant 0 : i32
      %dma_wait3A_823 = arith.constant 0 : i32
      %dma_wait3A_824 = tpu.memref_slice %arg7[%rem3A_819, %dma_wait3A_820, %dma_wait3A_822, %dma_wait3A_823] : memref<8x2x128x32xbf16, #tpu.memory_space<vmem>> -> memref<1x1x128x32xbf16, #tpu.memory_space<vmem>>
      %dma_wait3A_825 = tpu.memref_squeeze %dma_wait3A_824 : memref<1x1x128x32xbf16, #tpu.memory_space<vmem>> -> memref<128x32xbf16, #tpu.memory_space<vmem>>
      %dma_wait3A_826 = arith.constant 0 : i32
      %dma_wait3A_827 = tpu.memref_slice %arg6[%rem3A_817, %dma_wait3A_821, %dma_wait3A_826] : memref<8x4x128xi32, #tpu.memory_space<vmem>> -> memref<1x1x128xi32, #tpu.memory_space<vmem>>
      %dma_wait3A_828 = tpu.memref_squeeze %dma_wait3A_827 : memref<1x1x128xi32, #tpu.memory_space<vmem>> -> memref<128xi32, #tpu.memory_space<vmem>>
      %dma_wait3A_829 = arith.constant 0 : i32
      %dma_wait3A_830 = arith.constant 0 : i32
      %dma_wait3A_831 = tpu.memref_slice %arg5[%dma_wait3A_829, %dma_wait3A_830] : memref<50000x32xbf16, #tpu.memory_space<vmem_shared>> -> memref<50000x32xbf16, #tpu.memory_space<vmem_shared>>
      %dma_wait3A_832 = tpu.memref_slice %arg11[%rem3A_819] : memref<8x!tpu.dma_semaphore, #tpu.memory_space<semaphore_mem>> -> memref<1x!tpu.dma_semaphore, #tpu.memory_space<semaphore_mem>>
      %dma_wait3A_833 = tpu.memref_squeeze %dma_wait3A_832 : memref<1x!tpu.dma_semaphore, #tpu.memory_space<semaphore_mem>> -> memref<!tpu.dma_semaphore, #tpu.memory_space<semaphore_mem>>
      tpu.wait_indirect_dma semaphore(%dma_wait3A_833 : memref<!tpu.dma_semaphore, #tpu.memory_space<semaphore_mem>>) src(%dma_wait3A_825 : memref<128x32xbf16, #tpu.memory_space<vmem>>) dst(%dma_wait3A_831 : memref<50000x32xbf16, #tpu.memory_space<vmem_shared>>)
      %dma_wait3A_834 = arith.constant 1 : i32
      %dma_wait3A_835 = arith.constant 3 : i32
      %dma_wait3A_836 = arith.constant 0 : i32
      %dma_wait3A_837 = arith.constant 0 : i32
      %dma_wait3A_838 = tpu.memref_slice %arg7[%rem3A_819, %dma_wait3A_834, %dma_wait3A_836, %dma_wait3A_837] : memref<8x2x128x32xbf16, #tpu.memory_space<vmem>> -> memref<1x1x128x32xbf16, #tpu.memory_space<vmem>>
      %dma_wait3A_839 = tpu.memref_squeeze %dma_wait3A_838 : memref<1x1x128x32xbf16, #tpu.memory_space<vmem>> -> memref<128x32xbf16, #tpu.memory_space<vmem>>
      %dma_wait3A_840 = arith.constant 0 : i32
      %dma_wait3A_841 = tpu.memref_slice %arg6[%rem3A_817, %dma_wait3A_835, %dma_wait3A_840] : memref<8x4x128xi32, #tpu.memory_space<vmem>> -> memref<1x1x128xi32, #tpu.memory_space<vmem>>
      %dma_wait3A_842 = tpu.memref_squeeze %dma_wait3A_841 : memref<1x1x128xi32, #tpu.memory_space<vmem>> -> memref<128xi32, #tpu.memory_space<vmem>>
      %dma_wait3A_843 = arith.constant 0 : i32
      %dma_wait3A_844 = arith.constant 0 : i32
      %dma_wait3A_845 = tpu.memref_slice %arg5[%dma_wait3A_843, %dma_wait3A_844] : memref<50000x32xbf16, #tpu.memory_space<vmem_shared>> -> memref<50000x32xbf16, #tpu.memory_space<vmem_shared>>
      %dma_wait3A_846 = tpu.memref_slice %arg11[%rem3A_819] : memref<8x!tpu.dma_semaphore, #tpu.memory_space<semaphore_mem>> -> memref<1x!tpu.dma_semaphore, #tpu.memory_space<semaphore_mem>>
      %dma_wait3A_847 = tpu.memref_squeeze %dma_wait3A_846 : memref<1x!tpu.dma_semaphore, #tpu.memory_space<semaphore_mem>> -> memref<!tpu.dma_semaphore, #tpu.memory_space<semaphore_mem>>
      tpu.wait_indirect_dma semaphore(%dma_wait3A_847 : memref<!tpu.dma_semaphore, #tpu.memory_space<semaphore_mem>>) src(%dma_wait3A_839 : memref<128x32xbf16, #tpu.memory_space<vmem>>) dst(%dma_wait3A_845 : memref<50000x32xbf16, #tpu.memory_space<vmem_shared>>)
    } else {
    }
    %ge3A_807 = arith.constant 1 : i32
    %ge3A_808 = arith.cmpi sge, %select_n3A, %ge3A_807 : i32
    %convert_element_type3A_809 = arith.extui %ge3A_808 : i1 to i32
    %cond3A_810 = arith.constant 1 : i32
    %cond3A_811 = arith.constant 0 : i32
    %cond3A_812 = arith.cmpi ne, %convert_element_type3A_809, %cond3A_811 : i32
    scf.if %cond3A_812 {
      %sub3A = arith.subi %select_n3A, %cond3A_810 : i32
      %rem3A_816 = arith.constant 8 : i32
      %rem3A_817 = arith.remsi %sub3A, %rem3A_816 : i32
      %rem3A_818 = arith.constant 8 : i32
      %rem3A_819 = arith.remsi %sub3A, %rem3A_818 : i32
      %dma_wait3A_820 = arith.constant 0 : i32
      %dma_wait3A_821 = arith.constant 2 : i32
      %dma_wait3A_822 = arith.constant 0 : i32
      %dma_wait3A_823 = arith.constant 0 : i32
      %dma_wait3A_824 = tpu.memref_slice %arg7[%rem3A_819, %dma_wait3A_820, %dma_wait3A_822, %dma_wait3A_823] : memref<8x2x128x32xbf16, #tpu.memory_space<vmem>> -> memref<1x1x128x32xbf16, #tpu.memory_space<vmem>>
      %dma_wait3A_825 = tpu.memref_squeeze %dma_wait3A_824 : memref<1x1x128x32xbf16, #tpu.memory_space<vmem>> -> memref<128x32xbf16, #tpu.memory_space<vmem>>
      %dma_wait3A_826 = arith.constant 0 : i32
      %dma_wait3A_827 = tpu.memref_slice %arg6[%rem3A_817, %dma_wait3A_821, %dma_wait3A_826] : memref<8x4x128xi32, #tpu.memory_space<vmem>> -> memref<1x1x128xi32, #tpu.memory_space<vmem>>
      %dma_wait3A_828 = tpu.memref_squeeze %dma_wait3A_827 : memref<1x1x128xi32, #tpu.memory_space<vmem>> -> memref<128xi32, #tpu.memory_space<vmem>>
      %dma_wait3A_829 = arith.constant 0 : i32
      %dma_wait3A_830 = arith.constant 0 : i32
      %dma_wait3A_831 = tpu.memref_slice %arg5[%dma_wait3A_829, %dma_wait3A_830] : memref<50000x32xbf16, #tpu.memory_space<vmem_shared>> -> memref<50000x32xbf16, #tpu.memory_space<vmem_shared>>
      %dma_wait3A_832 = tpu.memref_slice %arg11[%rem3A_819] : memref<8x!tpu.dma_semaphore, #tpu.memory_space<semaphore_mem>> -> memref<1x!tpu.dma_semaphore, #tpu.memory_space<semaphore_mem>>
      %dma_wait3A_833 = tpu.memref_squeeze %dma_wait3A_832 : memref<1x!tpu.dma_semaphore, #tpu.memory_space<semaphore_mem>> -> memref<!tpu.dma_semaphore, #tpu.memory_space<semaphore_mem>>
      tpu.wait_indirect_dma semaphore(%dma_wait3A_833 : memref<!tpu.dma_semaphore, #tpu.memory_space<semaphore_mem>>) src(%dma_wait3A_825 : memref<128x32xbf16, #tpu.memory_space<vmem>>) dst(%dma_wait3A_831 : memref<50000x32xbf16, #tpu.memory_space<vmem_shared>>)
      %dma_wait3A_834 = arith.constant 1 : i32
      %dma_wait3A_835 = arith.constant 3 : i32
      %dma_wait3A_836 = arith.constant 0 : i32
      %dma_wait3A_837 = arith.constant 0 : i32
      %dma_wait3A_838 = tpu.memref_slice %arg7[%rem3A_819, %dma_wait3A_834, %dma_wait3A_836, %dma_wait3A_837] : memref<8x2x128x32xbf16, #tpu.memory_space<vmem>> -> memref<1x1x128x32xbf16, #tpu.memory_space<vmem>>
      %dma_wait3A_839 = tpu.memref_squeeze %dma_wait3A_838 : memref<1x1x128x32xbf16, #tpu.memory_space<vmem>> -> memref<128x32xbf16, #tpu.memory_space<vmem>>
      %dma_wait3A_840 = arith.constant 0 : i32
      %dma_wait3A_841 = tpu.memref_slice %arg6[%rem3A_817, %dma_wait3A_835, %dma_wait3A_840] : memref<8x4x128xi32, #tpu.memory_space<vmem>> -> memref<1x1x128xi32, #tpu.memory_space<vmem>>
      %dma_wait3A_842 = tpu.memref_squeeze %dma_wait3A_841 : memref<1x1x128xi32, #tpu.memory_space<vmem>> -> memref<128xi32, #tpu.memory_space<vmem>>
      %dma_wait3A_843 = arith.constant 0 : i32
      %dma_wait3A_844 = arith.constant 0 : i32
      %dma_wait3A_845 = tpu.memref_slice %arg5[%dma_wait3A_843, %dma_wait3A_844] : memref<50000x32xbf16, #tpu.memory_space<vmem_shared>> -> memref<50000x32xbf16, #tpu.memory_space<vmem_shared>>
      %dma_wait3A_846 = tpu.memref_slice %arg11[%rem3A_819] : memref<8x!tpu.dma_semaphore, #tpu.memory_space<semaphore_mem>> -> memref<1x!tpu.dma_semaphore, #tpu.memory_space<semaphore_mem>>
      %dma_wait3A_847 = tpu.memref_squeeze %dma_wait3A_846 : memref<1x!tpu.dma_semaphore, #tpu.memory_space<semaphore_mem>> -> memref<!tpu.dma_semaphore, #tpu.memory_space<semaphore_mem>>
      tpu.wait_indirect_dma semaphore(%dma_wait3A_847 : memref<!tpu.dma_semaphore, #tpu.memory_space<semaphore_mem>>) src(%dma_wait3A_839 : memref<128x32xbf16, #tpu.memory_space<vmem>>) dst(%dma_wait3A_845 : memref<50000x32xbf16, #tpu.memory_space<vmem_shared>>)
    } else {
    }
    %barrier3A_813 = arith.constant 0 : index
    tpu.barrier barrier_id(%barrier3A_813)
    %mul3A_814 = arith.constant 3125 : i32
    %mul3A_815 = arith.muli %arg1, %mul3A_814 : i32
    "tpu.region"() ({
      %run_scoped3A = tpu.sem_alloc : memref<!tpu.dma_semaphore, #tpu.memory_space<semaphore_mem>>
      %dma_start3A_816 = arith.constant 0 : i32
      %dma_start3A_817 = tpu.memref_slice %arg4[%arg0, %mul3A_815, %dma_start3A_816] : memref<2x50000x32xbf16, #tpu.memory_space<hbm>> -> memref<1x3125x32xbf16, #tpu.memory_space<hbm>>
      %dma_start3A_818 = tpu.memref_squeeze %dma_start3A_817 : memref<1x3125x32xbf16, #tpu.memory_space<hbm>> -> memref<3125x32xbf16, #tpu.memory_space<hbm>>
      %dma_start3A_819 = arith.constant 0 : i32
      %dma_start3A_820 = tpu.memref_slice %arg5[%mul3A_815, %dma_start3A_819] : memref<50000x32xbf16, #tpu.memory_space<vmem_shared>> -> memref<3125x32xbf16, #tpu.memory_space<vmem_shared>>
      tpu.enqueue_dma source(%dma_start3A_820 : memref<3125x32xbf16, #tpu.memory_space<vmem_shared>>) target(%dma_start3A_818 : memref<3125x32xbf16, #tpu.memory_space<hbm>>) target_semaphore(%run_scoped3A : memref<!tpu.dma_semaphore, #tpu.memory_space<semaphore_mem>>)
      %dma_wait3A_821 = arith.constant 0 : i32
      %dma_wait3A_822 = tpu.memref_slice %arg4[%arg0, %mul3A_815, %dma_wait3A_821] : memref<2x50000x32xbf16, #tpu.memory_space<hbm>> -> memref<1x3125x32xbf16, #tpu.memory_space<hbm>>
      %dma_wait3A_823 = tpu.memref_squeeze %dma_wait3A_822 : memref<1x3125x32xbf16, #tpu.memory_space<hbm>> -> memref<3125x32xbf16, #tpu.memory_space<hbm>>
      %dma_wait3A_824 = arith.constant 0 : i32
      %dma_wait3A_825 = tpu.memref_slice %arg5[%mul3A_815, %dma_wait3A_824] : memref<50000x32xbf16, #tpu.memory_space<vmem_shared>> -> memref<3125x32xbf16, #tpu.memory_space<vmem_shared>>
      tpu.wait_dma2 semaphore(%run_scoped3A : memref<!tpu.dma_semaphore, #tpu.memory_space<semaphore_mem>>) src(%dma_wait3A_825 : memref<3125x32xbf16, #tpu.memory_space<vmem_shared>>) dst(%dma_wait3A_823 : memref<3125x32xbf16, #tpu.memory_space<hbm>>)
      tpu.yield
    }) : () -> ()
    return
  }
}

#map = affine_map<(d0, d1) -> (0, 0)>
module attributes {stable_mosaic.version = 14 : i64} {
  func.func @_deg_kernel(%arg0: i32, %arg1: i32, %arg2: memref<2x800000xi32, #tpu.memory_space<hbm>>, %arg3: memref<32x51200xf32, #tpu.memory_space<hbm>>, %arg4: memref<51200xf32, #tpu.memory_space<vmem>>, %arg5: memref<25016xi32, #tpu.memory_space<vmem>>) attributes {dimension_semantics = [#tpu.dimension_semantics<core_parallel>, #tpu.dimension_semantics<subcore_parallel>], iteration_bounds = array<i64: 2, 16>, scalar_prefetch = 0 : i64, scratch_operands = 2 : i64, tpu.core_type = #tpu.core_type<sc_vector_subcore>, window_params = [{transform_indices = #map}, {transform_indices = #map}]} {
    %mul3A = arith.constant 16 : i32
    %mul3A_0 = arith.muli %arg0, %mul3A : i32
    %add3A = arith.addi %mul3A_0, %arg1 : i32
    %broadcast_in_dim3A = arith.constant 0.000000e+00 : f32
    %broadcast_in_dim3A_1 = vector.broadcast %broadcast_in_dim3A : f32 to vector<16xf32>
    %scan3A = arith.constant 0 : i32
    %scan3A_2 = arith.constant 0 : i32
    %scan3A_3 = arith.constant 3200 : i32
    %scan3A_4 = arith.addi %scan3A_2, %scan3A_3 : i32
    %scan3A_5 = arith.constant 1 : i32
    scf.for %scan3A_20 = %scan3A_2 to %scan3A_4 step %scan3A_5  : i32 {
      %mul3A_21 = arith.constant 16 : i32
      %mul3A_22 = arith.muli %scan3A_20, %mul3A_21 : i32
      %swap3A = arith.index_cast %mul3A_22 : i32 to index
      %swap3A_23 = tpu.vector_load %arg4[%swap3A] {strides = array<i32>} : memref<51200xf32, #tpu.memory_space<vmem>>, vector<16xf32>,
      tpu.vector_store %arg4[%swap3A], %broadcast_in_dim3A_1 {strides = array<i32>} : memref<51200xf32, #tpu.memory_space<vmem>>, vector<16xf32>,
    }
    %scan3A_6 = arith.constant 3200 : i32
    %mul3A_7 = arith.constant 25000 : i32
    %mul3A_8 = arith.muli %add3A, %mul3A_7 : i32
    %run_scoped3A = arith.constant 1 : i32
    "tpu.region"() ({
      %run_scoped3A_20 = tpu.sem_alloc : memref<!tpu.dma_semaphore, #tpu.memory_space<semaphore_mem>>
      %dma_start3A = arith.constant 0 : i32
      %dma_start3A_21 = tpu.memref_slice %arg5[%dma_start3A] : memref<25016xi32, #tpu.memory_space<vmem>> -> memref<25000xi32, #tpu.memory_space<vmem>>
      %dma_start3A_22 = tpu.memref_slice %arg2[%run_scoped3A, %mul3A_8] : memref<2x800000xi32, #tpu.memory_space<hbm>> -> memref<1x25000xi32, #tpu.memory_space<hbm>>
      %dma_start3A_23 = tpu.memref_squeeze %dma_start3A_22 : memref<1x25000xi32, #tpu.memory_space<hbm>> -> memref<25000xi32, #tpu.memory_space<hbm>>
      %dma_start3A_24 = arith.constant 0 : i32
      %dma_start3A_25 = tpu.memref_slice %arg5[%dma_start3A_24] : memref<25016xi32, #tpu.memory_space<vmem>> -> memref<25000xi32, #tpu.memory_space<vmem>>
      %dma_start3A_26 = tpu.memref_slice %arg2[%run_scoped3A, %mul3A_8] : memref<2x800000xi32, #tpu.memory_space<hbm>> -> memref<1x25000xi32, #tpu.memory_space<hbm>>
      %dma_start3A_27 = tpu.memref_squeeze %dma_start3A_26 : memref<1x25000xi32, #tpu.memory_space<hbm>> -> memref<25000xi32, #tpu.memory_space<hbm>>
      tpu.enqueue_dma source(%dma_start3A_27 : memref<25000xi32, #tpu.memory_space<hbm>>) target(%dma_start3A_25 : memref<25000xi32, #tpu.memory_space<vmem>>) target_semaphore(%run_scoped3A_20 : memref<!tpu.dma_semaphore, #tpu.memory_space<semaphore_mem>>)
      %dma_wait3A = arith.constant 0 : i32
      %dma_wait3A_28 = tpu.memref_slice %arg5[%dma_wait3A] : memref<25016xi32, #tpu.memory_space<vmem>> -> memref<25000xi32, #tpu.memory_space<vmem>>
      %dma_wait3A_29 = tpu.memref_slice %arg2[%run_scoped3A, %mul3A_8] : memref<2x800000xi32, #tpu.memory_space<hbm>> -> memref<1x25000xi32, #tpu.memory_space<hbm>>
      %dma_wait3A_30 = tpu.memref_squeeze %dma_wait3A_29 : memref<1x25000xi32, #tpu.memory_space<hbm>> -> memref<25000xi32, #tpu.memory_space<hbm>>
      %dma_wait3A_31 = arith.constant 0 : i32
      %dma_wait3A_32 = tpu.memref_slice %arg5[%dma_wait3A_31] : memref<25016xi32, #tpu.memory_space<vmem>> -> memref<25000xi32, #tpu.memory_space<vmem>>
      %dma_wait3A_33 = tpu.memref_slice %arg2[%run_scoped3A, %mul3A_8] : memref<2x800000xi32, #tpu.memory_space<hbm>> -> memref<1x25000xi32, #tpu.memory_space<hbm>>
      %dma_wait3A_34 = tpu.memref_squeeze %dma_wait3A_33 : memref<1x25000xi32, #tpu.memory_space<hbm>> -> memref<25000xi32, #tpu.memory_space<hbm>>
      tpu.wait_dma2 semaphore(%run_scoped3A_20 : memref<!tpu.dma_semaphore, #tpu.memory_space<semaphore_mem>>) src(%dma_wait3A_34 : memref<25000xi32, #tpu.memory_space<hbm>>) dst(%dma_wait3A_32 : memref<25000xi32, #tpu.memory_space<vmem>>)
      tpu.yield
    }) : () -> ()
    %broadcast_in_dim3A_9 = arith.constant 1.000000e+00 : f32
    %broadcast_in_dim3A_10 = vector.broadcast %broadcast_in_dim3A_9 : f32 to vector<16xf32>
    %scan3A_11 = arith.constant 0 : i32
    %scan3A_12 = arith.constant 0 : i32
    %scan3A_13 = arith.constant 1562 : i32
    %scan3A_14 = arith.addi %scan3A_12, %scan3A_13 : i32
    %scan3A_15 = arith.constant 1 : i32
    scf.for %scan3A_20 = %scan3A_12 to %scan3A_14 step %scan3A_15  : i32 {
      %mul3A_21 = arith.constant 16 : i32
      %mul3A_22 = arith.muli %scan3A_20, %mul3A_21 : i32
      %get3A_23 = arith.index_cast %mul3A_22 : i32 to index
      %get3A_24 = tpu.vector_load %arg5[%get3A_23] {strides = array<i32>} : memref<25016xi32, #tpu.memory_space<vmem>>, vector<16xi32>,
      tpu.vector_store_idx %arg4[%get3A_24], %broadcast_in_dim3A_10 {add = true} : memref<51200xf32, #tpu.memory_space<vmem>>[vector<16xi32>], vector<16xf32>,
    }
    %scan3A_16 = arith.constant 1562 : i32
    %get3A = arith.constant 24992 : index
    %get3A_17 = tpu.vector_load %arg5[%get3A] {strides = array<i32>} : memref<25016xi32, #tpu.memory_space<vmem>>, vector<16xi32>,
    %iota3A = tpu.iota {dimensions = array<i32: 0>} : vector<16xi32>
    %lt3A = arith.constant 8 : i32
    %lt3A_18 = vector.broadcast %lt3A : i32 to vector<16xi32>
    %lt3A_19 = arith.cmpi slt, %iota3A, %lt3A_18 : vector<16xi32>
    tpu.vector_store_idx %arg4[%get3A_17], %broadcast_in_dim3A_10 masked %lt3A_19 {add = true} : memref<51200xf32, #tpu.memory_space<vmem>>[vector<16xi32>], vector<16xf32>, vector<16xi1>
    "tpu.region"() ({
      %run_scoped3A_20 = tpu.sem_alloc : memref<!tpu.dma_semaphore, #tpu.memory_space<semaphore_mem>>
      %dma_start3A = arith.constant 0 : i32
      %dma_start3A_21 = tpu.memref_slice %arg3[%add3A, %dma_start3A] : memref<32x51200xf32, #tpu.memory_space<hbm>> -> memref<1x51200xf32, #tpu.memory_space<hbm>>
      %dma_start3A_22 = tpu.memref_squeeze %dma_start3A_21 : memref<1x51200xf32, #tpu.memory_space<hbm>> -> memref<51200xf32, #tpu.memory_space<hbm>>
      %dma_start3A_23 = arith.constant 0 : i32
      %dma_start3A_24 = tpu.memref_slice %arg3[%add3A, %dma_start3A_23] : memref<32x51200xf32, #tpu.memory_space<hbm>> -> memref<1x51200xf32, #tpu.memory_space<hbm>>
      %dma_start3A_25 = tpu.memref_squeeze %dma_start3A_24 : memref<1x51200xf32, #tpu.memory_space<hbm>> -> memref<51200xf32, #tpu.memory_space<hbm>>
      tpu.enqueue_dma source(%arg4 : memref<51200xf32, #tpu.memory_space<vmem>>) target(%dma_start3A_25 : memref<51200xf32, #tpu.memory_space<hbm>>) target_semaphore(%run_scoped3A_20 : memref<!tpu.dma_semaphore, #tpu.memory_space<semaphore_mem>>)
      %dma_wait3A = arith.constant 0 : i32
      %dma_wait3A_26 = tpu.memref_slice %arg3[%add3A, %dma_wait3A] : memref<32x51200xf32, #tpu.memory_space<hbm>> -> memref<1x51200xf32, #tpu.memory_space<hbm>>
      %dma_wait3A_27 = tpu.memref_squeeze %dma_wait3A_26 : memref<1x51200xf32, #tpu.memory_space<hbm>> -> memref<51200xf32, #tpu.memory_space<hbm>>
      %dma_wait3A_28 = arith.constant 0 : i32
      %dma_wait3A_29 = tpu.memref_slice %arg3[%add3A, %dma_wait3A_28] : memref<32x51200xf32, #tpu.memory_space<hbm>> -> memref<1x51200xf32, #tpu.memory_space<hbm>>
      %dma_wait3A_30 = tpu.memref_squeeze %dma_wait3A_29 : memref<1x51200xf32, #tpu.memory_space<hbm>> -> memref<51200xf32, #tpu.memory_space<hbm>>
      tpu.wait_dma2 semaphore(%run_scoped3A_20 : memref<!tpu.dma_semaphore, #tpu.memory_space<semaphore_mem>>) src(%arg4 : memref<51200xf32, #tpu.memory_space<vmem>>) dst(%dma_wait3A_30 : memref<51200xf32, #tpu.memory_space<hbm>>)
      tpu.yield
    }) : () -> ()
    return
  }
}

#map = affine_map<(d0, d1) -> (0, 0, 0, 0)>
#map1 = affine_map<(d0, d1) -> (0, 0)>
#map2 = affine_map<(d0, d1) -> (0, 0, 0)>
module attributes {stable_mosaic.version = 14 : i64} {
  func.func @_prop_kernel(%arg0: i32, %arg1: i32, %arg2: memref<2x3125x4x128xi32, #tpu.memory_space<hbm>>, %arg3: memref<100352x32xbf16, #tpu.memory_space<hbm>>, %arg4: memref<2x50000x32xbf16, #tpu.memory_space<hbm>>, %arg5: memref<50000x32xbf16, #tpu.memory_space<vmem_shared>>, %arg6: memref<8x4x128xi32, #tpu.memory_space<vmem>>, %arg7: memref<8x2x128x32xbf16, #tpu.memory_space<vmem>>, %arg8: memref<125x32xbf16, #tpu.memory_space<vmem>>, %arg9: memref<8x!tpu.dma_semaphore, #tpu.memory_space<semaphore_mem>>, %arg10: memref<8x!tpu.dma_semaphore, #tpu.memory_space<semaphore_mem>>, %arg11: memref<8x!tpu.dma_semaphore, #tpu.memory_space<semaphore_mem>>) attributes {dimension_semantics = [#tpu.dimension_semantics<core_parallel>, #tpu.dimension_semantics<subcore_parallel>], iteration_bounds = array<i64: 2, 16>, scalar_prefetch = 0 : i64, scratch_operands = 7 : i64, tpu.core_type = #tpu.core_type<sc_vector_subcore>, window_params = [{transform_indices = #map}, {transform_indices = #map1}, {transform_indices = #map2}]} {
    %lt3A = arith.constant 5 : i32
    %lt3A_0 = arith.cmpi slt, %arg1, %lt3A : i32
    %jit3A = arith.constant 196 : i32
    %jit3A_1 = arith.constant 195 : i32
    %select_n3A = arith.select %lt3A_0, %jit3A, %jit3A_1 : i32
    %broadcast_in_dim3A = arith.constant 0.000000e+00 : bf16
    %broadcast_in_dim3A_2 = vector.broadcast %broadcast_in_dim3A : bf16 to vector<32xbf16>
    %scan3A = arith.constant 0 : i32
    %scan3A_3 = arith.constant 0 : i32
    %scan3A_4 = arith.constant 125 : i32
    %scan3A_5 = arith.addi %scan3A_3, %scan3A_4 : i32
    %scan3A_6 = arith.constant 1 : i32
    scf.for %scan3A_816 = %scan3A_3 to %scan3A_5 step %scan3A_6  : i32 {
      %swap3A = arith.index_cast %scan3A_816 : i32 to index
      %swap3A_817 = arith.constant 0 : index
      %swap3A_818 = tpu.vector_load %arg8[%swap3A, %swap3A_817] {strides = array<i32>} : memref<125x32xbf16, #tpu.memory_space<vmem>>, vector<32xbf16>,
      tpu.vector_store %arg8[%swap3A, %swap3A_817], %broadcast_in_dim3A_2 {strides = array<i32>} : memref<125x32xbf16, #tpu.memory_space<vmem>>, vector<32xbf16>,
    }
    %scan3A_7 = arith.constant 125 : i32
    %mul3A = arith.constant 3125 : i32
    %mul3A_8 = arith.muli %arg1, %mul3A : i32
    %add3A = arith.constant 0 : i32
    %add3A_9 = arith.addi %mul3A_8, %add3A : i32
    %dma_start3A = arith.constant 0 : i32
    %dma_start3A_10 = arith.constant 0 : i32
    %dma_start3A_11 = tpu.memref_slice %arg5[%add3A_9, %dma_start3A_10] : memref<50000x32xbf16, #tpu.memory_space<vmem_shared>> -> memref<125x32xbf16, #tpu.memory_space<vmem_shared>>
    %dma_start3A_12 = tpu.memref_slice %arg11[%dma_start3A] : memref<8x!tpu.dma_semaphore, #tpu.memory_space<semaphore_mem>> -> memref<1x!tpu.dma_semaphore, #tpu.memory_space<semaphore_mem>>
    %dma_start3A_13 = tpu.memref_squeeze %dma_start3A_12 : memref<1x!tpu.dma_semaphore, #tpu.memory_space<semaphore_mem>> -> memref<!tpu.dma_semaphore, #tpu.memory_space<semaphore_mem>>
    %dma_start3A_14 = arith.constant 0 : i32
    %dma_start3A_15 = tpu.memref_slice %arg5[%add3A_9, %dma_start3A_14] : memref<50000x32xbf16, #tpu.memory_space<vmem_shared>> -> memref<125x32xbf16, #tpu.memory_space<vmem_shared>>
    tpu.enqueue_dma source(%arg8 : memref<125x32xbf16, #tpu.memory_space<vmem>>) target(%dma_start3A_15 : memref<125x32xbf16, #tpu.memory_space<vmem_shared>>) target_semaphore(%dma_start3A_13 : memref<!tpu.dma_semaphore, #tpu.memory_space<semaphore_mem>>)
    %mul3A_16 = arith.constant 3125 : i32
    %mul3A_17 = arith.muli %arg1, %mul3A_16 : i32
    %add3A_18 = arith.constant 125 : i32
    %add3A_19 = arith.addi %mul3A_17, %add3A_18 : i32
    %dma_start3A_20 = arith.constant 0 : i32
    %dma_start3A_21 = arith.constant 0 : i32
    %dma_start3A_22 = tpu.memref_slice %arg5[%add3A_19, %dma_start3A_21] : memref<50000x32xbf16, #tpu.memory_space<vmem_shared>> -> memref<125x32xbf16, #tpu.memory_space<vmem_shared>>
    %dma_start3A_23 = tpu.memref_slice %arg11[%dma_start3A_20] : memref<8x!tpu.dma_semaphore, #tpu.memory_space<semaphore_mem>> -> memref<1x!tpu.dma_semaphore, #tpu.memory_space<semaphore_mem>>
    %dma_start3A_24 = tpu.memref_squeeze %dma_start3A_23 : memref<1x!tpu.dma_semaphore, #tpu.memory_space<semaphore_mem>> -> memref<!tpu.dma_semaphore, #tpu.memory_space<semaphore_mem>>
    %dma_start3A_25 = arith.constant 0 : i32
    %dma_start3A_26 = tpu.memref_slice %arg5[%add3A_19, %dma_start3A_25] : memref<50000x32xbf16, #tpu.memory_space<vmem_shared>> -> memref<125x32xbf16, #tpu.memory_space<vmem_shared>>
    tpu.enqueue_dma source(%arg8 : memref<125x32xbf16, #tpu.memory_space<vmem>>) target(%dma_start3A_26 : memref<125x32xbf16, #tpu.memory_space<vmem_shared>>) target_semaphore(%dma_start3A_24 : memref<!tpu.dma_semaphore, #tpu.memory_space<semaphore_mem>>)
    %mul3A_27 = arith.constant 3125 : i32
    %mul3A_28 = arith.muli %arg1, %mul3A_27 : i32
    %add3A_29 = arith.constant 250 : i32
    %add3A_30 = arith.addi %mul3A_28, %add3A_29 : i32
    %dma_start3A_31 = arith.constant 0 : i32
    %dma_start3A_32 = arith.constant 0 : i32
    %dma_start3A_33 = tpu.memref_slice %arg5[%add3A_30, %dma_start3A_32] : memref<50000x32xbf16, #tpu.memory_space<vmem_shared>> -> memref<125x32xbf16, #tpu.memory_space<vmem_shared>>
    %dma_start3A_34 = tpu.memref_slice %arg11[%dma_start3A_31] : memref<8x!tpu.dma_semaphore, #tpu.memory_space<semaphore_mem>> -> memref<1x!tpu.dma_semaphore, #tpu.memory_space<semaphore_mem>>
    %dma_start3A_35 = tpu.memref_squeeze %dma_start3A_34 : memref<1x!tpu.dma_semaphore, #tpu.memory_space<semaphore_mem>> -> memref<!tpu.dma_semaphore, #tpu.memory_space<semaphore_mem>>
    %dma_start3A_36 = arith.constant 0 : i32
    %dma_start3A_37 = tpu.memref_slice %arg5[%add3A_30, %dma_start3A_36] : memref<50000x32xbf16, #tpu.memory_space<vmem_shared>> -> memref<125x32xbf16, #tpu.memory_space<vmem_shared>>
    tpu.enqueue_dma source(%arg8 : memref<125x32xbf16, #tpu.memory_space<vmem>>) target(%dma_start3A_37 : memref<125x32xbf16, #tpu.memory_space<vmem_shared>>) target_semaphore(%dma_start3A_35 : memref<!tpu.dma_semaphore, #tpu.memory_space<semaphore_mem>>)
    %mul3A_38 = arith.constant 3125 : i32
    %mul3A_39 = arith.muli %arg1, %mul3A_38 : i32
    %add3A_40 = arith.constant 375 : i32
    %add3A_41 = arith.addi %mul3A_39, %add3A_40 : i32
    %dma_start3A_42 = arith.constant 0 : i32
    %dma_start3A_43 = arith.constant 0 : i32
    %dma_start3A_44 = tpu.memref_slice %arg5[%add3A_41, %dma_start3A_43] : memref<50000x32xbf16, #tpu.memory_space<vmem_shared>> -> memref<125x32xbf16, #tpu.memory_space<vmem_shared>>
    %dma_start3A_45 = tpu.memref_slice %arg11[%dma_start3A_42] : memref<8x!tpu.dma_semaphore, #tpu.memory_space<semaphore_mem>> -> memref<1x!tpu.dma_semaphore, #tpu.memory_space<semaphore_mem>>
    %dma_start3A_46 = tpu.memref_squeeze %dma_start3A_45 : memref<1x!tpu.dma_semaphore, #tpu.memory_space<semaphore_mem>> -> memref<!tpu.dma_semaphore, #tpu.memory_space<semaphore_mem>>
    %dma_start3A_47 = arith.constant 0 : i32
    %dma_start3A_48 = tpu.memref_slice %arg5[%add3A_41, %dma_start3A_47] : memref<50000x32xbf16, #tpu.memory_space<vmem_shared>> -> memref<125x32xbf16, #tpu.memory_space<vmem_shared>>
    tpu.enqueue_dma source(%arg8 : memref<125x32xbf16, #tpu.memory_space<vmem>>) target(%dma_start3A_48 : memref<125x32xbf16, #tpu.memory_space<vmem_shared>>) target_semaphore(%dma_start3A_46 : memref<!tpu.dma_semaphore, #tpu.memory_space<semaphore_mem>>)
    %mul3A_49 = arith.constant 3125 : i32
    %mul3A_50 = arith.muli %arg1, %mul3A_49 : i32
    %add3A_51 = arith.constant 500 : i32
    %add3A_52 = arith.addi %mul3A_50, %add3A_51 : i32
    %dma_start3A_53 = arith.constant 0 : i32
    %dma_start3A_54 = arith.constant 0 : i32
    %dma_start3A_55 = tpu.memref_slice %arg5[%add3A_52, %dma_start3A_54] : memref<50000x32xbf16, #tpu.memory_space<vmem_shared>> -> memref<125x32xbf16, #tpu.memory_space<vmem_shared>>
    %dma_start3A_56 = tpu.memref_slice %arg11[%dma_start3A_53] : memref<8x!tpu.dma_semaphore, #tpu.memory_space<semaphore_mem>> -> memref<1x!tpu.dma_semaphore, #tpu.memory_space<semaphore_mem>>
    %dma_start3A_57 = tpu.memref_squeeze %dma_start3A_56 : memref<1x!tpu.dma_semaphore, #tpu.memory_space<semaphore_mem>> -> memref<!tpu.dma_semaphore, #tpu.memory_space<semaphore_mem>>
    %dma_start3A_58 = arith.constant 0 : i32
    %dma_start3A_59 = tpu.memref_slice %arg5[%add3A_52, %dma_start3A_58] : memref<50000x32xbf16, #tpu.memory_space<vmem_shared>> -> memref<125x32xbf16, #tpu.memory_space<vmem_shared>>
    tpu.enqueue_dma source(%arg8 : memref<125x32xbf16, #tpu.memory_space<vmem>>) target(%dma_start3A_59 : memref<125x32xbf16, #tpu.memory_space<vmem_shared>>) target_semaphore(%dma_start3A_57 : memref<!tpu.dma_semaphore, #tpu.memory_space<semaphore_mem>>)
    %mul3A_60 = arith.constant 3125 : i32
    %mul3A_61 = arith.muli %arg1, %mul3A_60 : i32
    %add3A_62 = arith.constant 625 : i32
    %add3A_63 = arith.addi %mul3A_61, %add3A_62 : i32
    %dma_start3A_64 = arith.constant 0 : i32
    %dma_start3A_65 = arith.constant 0 : i32
    %dma_start3A_66 = tpu.memref_slice %arg5[%add3A_63, %dma_start3A_65] : memref<50000x32xbf16, #tpu.memory_space<vmem_shared>> -> memref<125x32xbf16, #tpu.memory_space<vmem_shared>>
    %dma_start3A_67 = tpu.memref_slice %arg11[%dma_start3A_64] : memref<8x!tpu.dma_semaphore, #tpu.memory_space<semaphore_mem>> -> memref<1x!tpu.dma_semaphore, #tpu.memory_space<semaphore_mem>>
    %dma_start3A_68 = tpu.memref_squeeze %dma_start3A_67 : memref<1x!tpu.dma_semaphore, #tpu.memory_space<semaphore_mem>> -> memref<!tpu.dma_semaphore, #tpu.memory_space<semaphore_mem>>
    %dma_start3A_69 = arith.constant 0 : i32
    %dma_start3A_70 = tpu.memref_slice %arg5[%add3A_63, %dma_start3A_69] : memref<50000x32xbf16, #tpu.memory_space<vmem_shared>> -> memref<125x32xbf16, #tpu.memory_space<vmem_shared>>
    tpu.enqueue_dma source(%arg8 : memref<125x32xbf16, #tpu.memory_space<vmem>>) target(%dma_start3A_70 : memref<125x32xbf16, #tpu.memory_space<vmem_shared>>) target_semaphore(%dma_start3A_68 : memref<!tpu.dma_semaphore, #tpu.memory_space<semaphore_mem>>)
    %mul3A_71 = arith.constant 3125 : i32
    %mul3A_72 = arith.muli %arg1, %mul3A_71 : i32
    %add3A_73 = arith.constant 750 : i32
    %add3A_74 = arith.addi %mul3A_72, %add3A_73 : i32
    %dma_start3A_75 = arith.constant 0 : i32
    %dma_start3A_76 = arith.constant 0 : i32
    %dma_start3A_77 = tpu.memref_slice %arg5[%add3A_74, %dma_start3A_76] : memref<50000x32xbf16, #tpu.memory_space<vmem_shared>> -> memref<125x32xbf16, #tpu.memory_space<vmem_shared>>
    %dma_start3A_78 = tpu.memref_slice %arg11[%dma_start3A_75] : memref<8x!tpu.dma_semaphore, #tpu.memory_space<semaphore_mem>> -> memref<1x!tpu.dma_semaphore, #tpu.memory_space<semaphore_mem>>
    %dma_start3A_79 = tpu.memref_squeeze %dma_start3A_78 : memref<1x!tpu.dma_semaphore, #tpu.memory_space<semaphore_mem>> -> memref<!tpu.dma_semaphore, #tpu.memory_space<semaphore_mem>>
    %dma_start3A_80 = arith.constant 0 : i32
    %dma_start3A_81 = tpu.memref_slice %arg5[%add3A_74, %dma_start3A_80] : memref<50000x32xbf16, #tpu.memory_space<vmem_shared>> -> memref<125x32xbf16, #tpu.memory_space<vmem_shared>>
    tpu.enqueue_dma source(%arg8 : memref<125x32xbf16, #tpu.memory_space<vmem>>) target(%dma_start3A_81 : memref<125x32xbf16, #tpu.memory_space<vmem_shared>>) target_semaphore(%dma_start3A_79 : memref<!tpu.dma_semaphore, #tpu.memory_space<semaphore_mem>>)
    %mul3A_82 = arith.constant 3125 : i32
    %mul3A_83 = arith.muli %arg1, %mul3A_82 : i32
    %add3A_84 = arith.constant 875 : i32
    %add3A_85 = arith.addi %mul3A_83, %add3A_84 : i32
    %dma_start3A_86 = arith.constant 0 : i32
    %dma_start3A_87 = arith.constant 0 : i32
    %dma_start3A_88 = tpu.memref_slice %arg5[%add3A_85, %dma_start3A_87] : memref<50000x32xbf16, #tpu.memory_space<vmem_shared>> -> memref<125x32xbf16, #tpu.memory_space<vmem_shared>>
    %dma_start3A_89 = tpu.memref_slice %arg11[%dma_start3A_86] : memref<8x!tpu.dma_semaphore, #tpu.memory_space<semaphore_mem>> -> memref<1x!tpu.dma_semaphore, #tpu.memory_space<semaphore_mem>>
    %dma_start3A_90 = tpu.memref_squeeze %dma_start3A_89 : memref<1x!tpu.dma_semaphore, #tpu.memory_space<semaphore_mem>> -> memref<!tpu.dma_semaphore, #tpu.memory_space<semaphore_mem>>
    %dma_start3A_91 = arith.constant 0 : i32
    %dma_start3A_92 = tpu.memref_slice %arg5[%add3A_85, %dma_start3A_91] : memref<50000x32xbf16, #tpu.memory_space<vmem_shared>> -> memref<125x32xbf16, #tpu.memory_space<vmem_shared>>
    tpu.enqueue_dma source(%arg8 : memref<125x32xbf16, #tpu.memory_space<vmem>>) target(%dma_start3A_92 : memref<125x32xbf16, #tpu.memory_space<vmem_shared>>) target_semaphore(%dma_start3A_90 : memref<!tpu.dma_semaphore, #tpu.memory_space<semaphore_mem>>)
    %mul3A_93 = arith.constant 3125 : i32
    %mul3A_94 = arith.muli %arg1, %mul3A_93 : i32
    %add3A_95 = arith.constant 1000 : i32
    %add3A_96 = arith.addi %mul3A_94, %add3A_95 : i32
    %dma_start3A_97 = arith.constant 0 : i32
    %dma_start3A_98 = arith.constant 0 : i32
    %dma_start3A_99 = tpu.memref_slice %arg5[%add3A_96, %dma_start3A_98] : memref<50000x32xbf16, #tpu.memory_space<vmem_shared>> -> memref<125x32xbf16, #tpu.memory_space<vmem_shared>>
    %dma_start3A_100 = tpu.memref_slice %arg11[%dma_start3A_97] : memref<8x!tpu.dma_semaphore, #tpu.memory_space<semaphore_mem>> -> memref<1x!tpu.dma_semaphore, #tpu.memory_space<semaphore_mem>>
    %dma_start3A_101 = tpu.memref_squeeze %dma_start3A_100 : memref<1x!tpu.dma_semaphore, #tpu.memory_space<semaphore_mem>> -> memref<!tpu.dma_semaphore, #tpu.memory_space<semaphore_mem>>
    %dma_start3A_102 = arith.constant 0 : i32
    %dma_start3A_103 = tpu.memref_slice %arg5[%add3A_96, %dma_start3A_102] : memref<50000x32xbf16, #tpu.memory_space<vmem_shared>> -> memref<125x32xbf16, #tpu.memory_space<vmem_shared>>
    tpu.enqueue_dma source(%arg8 : memref<125x32xbf16, #tpu.memory_space<vmem>>) target(%dma_start3A_103 : memref<125x32xbf16, #tpu.memory_space<vmem_shared>>) target_semaphore(%dma_start3A_101 : memref<!tpu.dma_semaphore, #tpu.memory_space<semaphore_mem>>)
    %mul3A_104 = arith.constant 3125 : i32
    %mul3A_105 = arith.muli %arg1, %mul3A_104 : i32
    %add3A_106 = arith.constant 1125 : i32
    %add3A_107 = arith.addi %mul3A_105, %add3A_106 : i32
    %dma_start3A_108 = arith.constant 0 : i32
    %dma_start3A_109 = arith.constant 0 : i32
    %dma_start3A_110 = tpu.memref_slice %arg5[%add3A_107, %dma_start3A_109] : memref<50000x32xbf16, #tpu.memory_space<vmem_shared>> -> memref<125x32xbf16, #tpu.memory_space<vmem_shared>>
    %dma_start3A_111 = tpu.memref_slice %arg11[%dma_start3A_108] : memref<8x!tpu.dma_semaphore, #tpu.memory_space<semaphore_mem>> -> memref<1x!tpu.dma_semaphore, #tpu.memory_space<semaphore_mem>>
    %dma_start3A_112 = tpu.memref_squeeze %dma_start3A_111 : memref<1x!tpu.dma_semaphore, #tpu.memory_space<semaphore_mem>> -> memref<!tpu.dma_semaphore, #tpu.memory_space<semaphore_mem>>
    %dma_start3A_113 = arith.constant 0 : i32
    %dma_start3A_114 = tpu.memref_slice %arg5[%add3A_107, %dma_start3A_113] : memref<50000x32xbf16, #tpu.memory_space<vmem_shared>> -> memref<125x32xbf16, #tpu.memory_space<vmem_shared>>
    tpu.enqueue_dma source(%arg8 : memref<125x32xbf16, #tpu.memory_space<vmem>>) target(%dma_start3A_114 : memref<125x32xbf16, #tpu.memory_space<vmem_shared>>) target_semaphore(%dma_start3A_112 : memref<!tpu.dma_semaphore, #tpu.memory_space<semaphore_mem>>)
    %mul3A_115 = arith.constant 3125 : i32
    %mul3A_116 = arith.muli %arg1, %mul3A_115 : i32
    %add3A_117 = arith.constant 1250 : i32
    %add3A_118 = arith.addi %mul3A_116, %add3A_117 : i32
    %dma_start3A_119 = arith.constant 0 : i32
    %dma_start3A_120 = arith.constant 0 : i32
    %dma_start3A_121 = tpu.memref_slice %arg5[%add3A_118, %dma_start3A_120] : memref<50000x32xbf16, #tpu.memory_space<vmem_shared>> -> memref<125x32xbf16, #tpu.memory_space<vmem_shared>>
    %dma_start3A_122 = tpu.memref_slice %arg11[%dma_start3A_119] : memref<8x!tpu.dma_semaphore, #tpu.memory_space<semaphore_mem>> -> memref<1x!tpu.dma_semaphore, #tpu.memory_space<semaphore_mem>>
    %dma_start3A_123 = tpu.memref_squeeze %dma_start3A_122 : memref<1x!tpu.dma_semaphore, #tpu.memory_space<semaphore_mem>> -> memref<!tpu.dma_semaphore, #tpu.memory_space<semaphore_mem>>
    %dma_start3A_124 = arith.constant 0 : i32
    %dma_start3A_125 = tpu.memref_slice %arg5[%add3A_118, %dma_start3A_124] : memref<50000x32xbf16, #tpu.memory_space<vmem_shared>> -> memref<125x32xbf16, #tpu.memory_space<vmem_shared>>
    tpu.enqueue_dma source(%arg8 : memref<125x32xbf16, #tpu.memory_space<vmem>>) target(%dma_start3A_125 : memref<125x32xbf16, #tpu.memory_space<vmem_shared>>) target_semaphore(%dma_start3A_123 : memref<!tpu.dma_semaphore, #tpu.memory_space<semaphore_mem>>)
    %mul3A_126 = arith.constant 3125 : i32
    %mul3A_127 = arith.muli %arg1, %mul3A_126 : i32
    %add3A_128 = arith.constant 1375 : i32
    %add3A_129 = arith.addi %mul3A_127, %add3A_128 : i32
    %dma_start3A_130 = arith.constant 0 : i32
    %dma_start3A_131 = arith.constant 0 : i32
    %dma_start3A_132 = tpu.memref_slice %arg5[%add3A_129, %dma_start3A_131] : memref<50000x32xbf16, #tpu.memory_space<vmem_shared>> -> memref<125x32xbf16, #tpu.memory_space<vmem_shared>>
    %dma_start3A_133 = tpu.memref_slice %arg11[%dma_start3A_130] : memref<8x!tpu.dma_semaphore, #tpu.memory_space<semaphore_mem>> -> memref<1x!tpu.dma_semaphore, #tpu.memory_space<semaphore_mem>>
    %dma_start3A_134 = tpu.memref_squeeze %dma_start3A_133 : memref<1x!tpu.dma_semaphore, #tpu.memory_space<semaphore_mem>> -> memref<!tpu.dma_semaphore, #tpu.memory_space<semaphore_mem>>
    %dma_start3A_135 = arith.constant 0 : i32
    %dma_start3A_136 = tpu.memref_slice %arg5[%add3A_129, %dma_start3A_135] : memref<50000x32xbf16, #tpu.memory_space<vmem_shared>> -> memref<125x32xbf16, #tpu.memory_space<vmem_shared>>
    tpu.enqueue_dma source(%arg8 : memref<125x32xbf16, #tpu.memory_space<vmem>>) target(%dma_start3A_136 : memref<125x32xbf16, #tpu.memory_space<vmem_shared>>) target_semaphore(%dma_start3A_134 : memref<!tpu.dma_semaphore, #tpu.memory_space<semaphore_mem>>)
    %mul3A_137 = arith.constant 3125 : i32
    %mul3A_138 = arith.muli %arg1, %mul3A_137 : i32
    %add3A_139 = arith.constant 1500 : i32
    %add3A_140 = arith.addi %mul3A_138, %add3A_139 : i32
    %dma_start3A_141 = arith.constant 0 : i32
    %dma_start3A_142 = arith.constant 0 : i32
    %dma_start3A_143 = tpu.memref_slice %arg5[%add3A_140, %dma_start3A_142] : memref<50000x32xbf16, #tpu.memory_space<vmem_shared>> -> memref<125x32xbf16, #tpu.memory_space<vmem_shared>>
    %dma_start3A_144 = tpu.memref_slice %arg11[%dma_start3A_141] : memref<8x!tpu.dma_semaphore, #tpu.memory_space<semaphore_mem>> -> memref<1x!tpu.dma_semaphore, #tpu.memory_space<semaphore_mem>>
    %dma_start3A_145 = tpu.memref_squeeze %dma_start3A_144 : memref<1x!tpu.dma_semaphore, #tpu.memory_space<semaphore_mem>> -> memref<!tpu.dma_semaphore, #tpu.memory_space<semaphore_mem>>
    %dma_start3A_146 = arith.constant 0 : i32
    %dma_start3A_147 = tpu.memref_slice %arg5[%add3A_140, %dma_start3A_146] : memref<50000x32xbf16, #tpu.memory_space<vmem_shared>> -> memref<125x32xbf16, #tpu.memory_space<vmem_shared>>
    tpu.enqueue_dma source(%arg8 : memref<125x32xbf16, #tpu.memory_space<vmem>>) target(%dma_start3A_147 : memref<125x32xbf16, #tpu.memory_space<vmem_shared>>) target_semaphore(%dma_start3A_145 : memref<!tpu.dma_semaphore, #tpu.memory_space<semaphore_mem>>)
    %mul3A_148 = arith.constant 3125 : i32
    %mul3A_149 = arith.muli %arg1, %mul3A_148 : i32
    %add3A_150 = arith.constant 1625 : i32
    %add3A_151 = arith.addi %mul3A_149, %add3A_150 : i32
    %dma_start3A_152 = arith.constant 0 : i32
    %dma_start3A_153 = arith.constant 0 : i32
    %dma_start3A_154 = tpu.memref_slice %arg5[%add3A_151, %dma_start3A_153] : memref<50000x32xbf16, #tpu.memory_space<vmem_shared>> -> memref<125x32xbf16, #tpu.memory_space<vmem_shared>>
    %dma_start3A_155 = tpu.memref_slice %arg11[%dma_start3A_152] : memref<8x!tpu.dma_semaphore, #tpu.memory_space<semaphore_mem>> -> memref<1x!tpu.dma_semaphore, #tpu.memory_space<semaphore_mem>>
    %dma_start3A_156 = tpu.memref_squeeze %dma_start3A_155 : memref<1x!tpu.dma_semaphore, #tpu.memory_space<semaphore_mem>> -> memref<!tpu.dma_semaphore, #tpu.memory_space<semaphore_mem>>
    %dma_start3A_157 = arith.constant 0 : i32
    %dma_start3A_158 = tpu.memref_slice %arg5[%add3A_151, %dma_start3A_157] : memref<50000x32xbf16, #tpu.memory_space<vmem_shared>> -> memref<125x32xbf16, #tpu.memory_space<vmem_shared>>
    tpu.enqueue_dma source(%arg8 : memref<125x32xbf16, #tpu.memory_space<vmem>>) target(%dma_start3A_158 : memref<125x32xbf16, #tpu.memory_space<vmem_shared>>) target_semaphore(%dma_start3A_156 : memref<!tpu.dma_semaphore, #tpu.memory_space<semaphore_mem>>)
    %mul3A_159 = arith.constant 3125 : i32
    %mul3A_160 = arith.muli %arg1, %mul3A_159 : i32
    %add3A_161 = arith.constant 1750 : i32
    %add3A_162 = arith.addi %mul3A_160, %add3A_161 : i32
    %dma_start3A_163 = arith.constant 0 : i32
    %dma_start3A_164 = arith.constant 0 : i32
    %dma_start3A_165 = tpu.memref_slice %arg5[%add3A_162, %dma_start3A_164] : memref<50000x32xbf16, #tpu.memory_space<vmem_shared>> -> memref<125x32xbf16, #tpu.memory_space<vmem_shared>>
    %dma_start3A_166 = tpu.memref_slice %arg11[%dma_start3A_163] : memref<8x!tpu.dma_semaphore, #tpu.memory_space<semaphore_mem>> -> memref<1x!tpu.dma_semaphore, #tpu.memory_space<semaphore_mem>>
    %dma_start3A_167 = tpu.memref_squeeze %dma_start3A_166 : memref<1x!tpu.dma_semaphore, #tpu.memory_space<semaphore_mem>> -> memref<!tpu.dma_semaphore, #tpu.memory_space<semaphore_mem>>
    %dma_start3A_168 = arith.constant 0 : i32
    %dma_start3A_169 = tpu.memref_slice %arg5[%add3A_162, %dma_start3A_168] : memref<50000x32xbf16, #tpu.memory_space<vmem_shared>> -> memref<125x32xbf16, #tpu.memory_space<vmem_shared>>
    tpu.enqueue_dma source(%arg8 : memref<125x32xbf16, #tpu.memory_space<vmem>>) target(%dma_start3A_169 : memref<125x32xbf16, #tpu.memory_space<vmem_shared>>) target_semaphore(%dma_start3A_167 : memref<!tpu.dma_semaphore, #tpu.memory_space<semaphore_mem>>)
    %mul3A_170 = arith.constant 3125 : i32
    %mul3A_171 = arith.muli %arg1, %mul3A_170 : i32
    %add3A_172 = arith.constant 1875 : i32
    %add3A_173 = arith.addi %mul3A_171, %add3A_172 : i32
    %dma_start3A_174 = arith.constant 0 : i32
    %dma_start3A_175 = arith.constant 0 : i32
    %dma_start3A_176 = tpu.memref_slice %arg5[%add3A_173, %dma_start3A_175] : memref<50000x32xbf16, #tpu.memory_space<vmem_shared>> -> memref<125x32xbf16, #tpu.memory_space<vmem_shared>>
    %dma_start3A_177 = tpu.memref_slice %arg11[%dma_start3A_174] : memref<8x!tpu.dma_semaphore, #tpu.memory_space<semaphore_mem>> -> memref<1x!tpu.dma_semaphore, #tpu.memory_space<semaphore_mem>>
    %dma_start3A_178 = tpu.memref_squeeze %dma_start3A_177 : memref<1x!tpu.dma_semaphore, #tpu.memory_space<semaphore_mem>> -> memref<!tpu.dma_semaphore, #tpu.memory_space<semaphore_mem>>
    %dma_start3A_179 = arith.constant 0 : i32
    %dma_start3A_180 = tpu.memref_slice %arg5[%add3A_173, %dma_start3A_179] : memref<50000x32xbf16, #tpu.memory_space<vmem_shared>> -> memref<125x32xbf16, #tpu.memory_space<vmem_shared>>
    tpu.enqueue_dma source(%arg8 : memref<125x32xbf16, #tpu.memory_space<vmem>>) target(%dma_start3A_180 : memref<125x32xbf16, #tpu.memory_space<vmem_shared>>) target_semaphore(%dma_start3A_178 : memref<!tpu.dma_semaphore, #tpu.memory_space<semaphore_mem>>)
    %mul3A_181 = arith.constant 3125 : i32
    %mul3A_182 = arith.muli %arg1, %mul3A_181 : i32
    %add3A_183 = arith.constant 2000 : i32
    %add3A_184 = arith.addi %mul3A_182, %add3A_183 : i32
    %dma_start3A_185 = arith.constant 0 : i32
    %dma_start3A_186 = arith.constant 0 : i32
    %dma_start3A_187 = tpu.memref_slice %arg5[%add3A_184, %dma_start3A_186] : memref<50000x32xbf16, #tpu.memory_space<vmem_shared>> -> memref<125x32xbf16, #tpu.memory_space<vmem_shared>>
    %dma_start3A_188 = tpu.memref_slice %arg11[%dma_start3A_185] : memref<8x!tpu.dma_semaphore, #tpu.memory_space<semaphore_mem>> -> memref<1x!tpu.dma_semaphore, #tpu.memory_space<semaphore_mem>>
    %dma_start3A_189 = tpu.memref_squeeze %dma_start3A_188 : memref<1x!tpu.dma_semaphore, #tpu.memory_space<semaphore_mem>> -> memref<!tpu.dma_semaphore, #tpu.memory_space<semaphore_mem>>
    %dma_start3A_190 = arith.constant 0 : i32
    %dma_start3A_191 = tpu.memref_slice %arg5[%add3A_184, %dma_start3A_190] : memref<50000x32xbf16, #tpu.memory_space<vmem_shared>> -> memref<125x32xbf16, #tpu.memory_space<vmem_shared>>
    tpu.enqueue_dma source(%arg8 : memref<125x32xbf16, #tpu.memory_space<vmem>>) target(%dma_start3A_191 : memref<125x32xbf16, #tpu.memory_space<vmem_shared>>) target_semaphore(%dma_start3A_189 : memref<!tpu.dma_semaphore, #tpu.memory_space<semaphore_mem>>)
    %mul3A_192 = arith.constant 3125 : i32
    %mul3A_193 = arith.muli %arg1, %mul3A_192 : i32
    %add3A_194 = arith.constant 2125 : i32
    %add3A_195 = arith.addi %mul3A_193, %add3A_194 : i32
    %dma_start3A_196 = arith.constant 0 : i32
    %dma_start3A_197 = arith.constant 0 : i32
    %dma_start3A_198 = tpu.memref_slice %arg5[%add3A_195, %dma_start3A_197] : memref<50000x32xbf16, #tpu.memory_space<vmem_shared>> -> memref<125x32xbf16, #tpu.memory_space<vmem_shared>>
    %dma_start3A_199 = tpu.memref_slice %arg11[%dma_start3A_196] : memref<8x!tpu.dma_semaphore, #tpu.memory_space<semaphore_mem>> -> memref<1x!tpu.dma_semaphore, #tpu.memory_space<semaphore_mem>>
    %dma_start3A_200 = tpu.memref_squeeze %dma_start3A_199 : memref<1x!tpu.dma_semaphore, #tpu.memory_space<semaphore_mem>> -> memref<!tpu.dma_semaphore, #tpu.memory_space<semaphore_mem>>
    %dma_start3A_201 = arith.constant 0 : i32
    %dma_start3A_202 = tpu.memref_slice %arg5[%add3A_195, %dma_start3A_201] : memref<50000x32xbf16, #tpu.memory_space<vmem_shared>> -> memref<125x32xbf16, #tpu.memory_space<vmem_shared>>
    tpu.enqueue_dma source(%arg8 : memref<125x32xbf16, #tpu.memory_space<vmem>>) target(%dma_start3A_202 : memref<125x32xbf16, #tpu.memory_space<vmem_shared>>) target_semaphore(%dma_start3A_200 : memref<!tpu.dma_semaphore, #tpu.memory_space<semaphore_mem>>)
    %mul3A_203 = arith.constant 3125 : i32
    %mul3A_204 = arith.muli %arg1, %mul3A_203 : i32
    %add3A_205 = arith.constant 2250 : i32
    %add3A_206 = arith.addi %mul3A_204, %add3A_205 : i32
    %dma_start3A_207 = arith.constant 0 : i32
    %dma_start3A_208 = arith.constant 0 : i32
    %dma_start3A_209 = tpu.memref_slice %arg5[%add3A_206, %dma_start3A_208] : memref<50000x32xbf16, #tpu.memory_space<vmem_shared>> -> memref<125x32xbf16, #tpu.memory_space<vmem_shared>>
    %dma_start3A_210 = tpu.memref_slice %arg11[%dma_start3A_207] : memref<8x!tpu.dma_semaphore, #tpu.memory_space<semaphore_mem>> -> memref<1x!tpu.dma_semaphore, #tpu.memory_space<semaphore_mem>>
    %dma_start3A_211 = tpu.memref_squeeze %dma_start3A_210 : memref<1x!tpu.dma_semaphore, #tpu.memory_space<semaphore_mem>> -> memref<!tpu.dma_semaphore, #tpu.memory_space<semaphore_mem>>
    %dma_start3A_212 = arith.constant 0 : i32
    %dma_start3A_213 = tpu.memref_slice %arg5[%add3A_206, %dma_start3A_212] : memref<50000x32xbf16, #tpu.memory_space<vmem_shared>> -> memref<125x32xbf16, #tpu.memory_space<vmem_shared>>
    tpu.enqueue_dma source(%arg8 : memref<125x32xbf16, #tpu.memory_space<vmem>>) target(%dma_start3A_213 : memref<125x32xbf16, #tpu.memory_space<vmem_shared>>) target_semaphore(%dma_start3A_211 : memref<!tpu.dma_semaphore, #tpu.memory_space<semaphore_mem>>)
    %mul3A_214 = arith.constant 3125 : i32
    %mul3A_215 = arith.muli %arg1, %mul3A_214 : i32
    %add3A_216 = arith.constant 2375 : i32
    %add3A_217 = arith.addi %mul3A_215, %add3A_216 : i32
    %dma_start3A_218 = arith.constant 0 : i32
    %dma_start3A_219 = arith.constant 0 : i32
    %dma_start3A_220 = tpu.memref_slice %arg5[%add3A_217, %dma_start3A_219] : memref<50000x32xbf16, #tpu.memory_space<vmem_shared>> -> memref<125x32xbf16, #tpu.memory_space<vmem_shared>>
    %dma_start3A_221 = tpu.memref_slice %arg11[%dma_start3A_218] : memref<8x!tpu.dma_semaphore, #tpu.memory_space<semaphore_mem>> -> memref<1x!tpu.dma_semaphore, #tpu.memory_space<semaphore_mem>>
    %dma_start3A_222 = tpu.memref_squeeze %dma_start3A_221 : memref<1x!tpu.dma_semaphore, #tpu.memory_space<semaphore_mem>> -> memref<!tpu.dma_semaphore, #tpu.memory_space<semaphore_mem>>
    %dma_start3A_223 = arith.constant 0 : i32
    %dma_start3A_224 = tpu.memref_slice %arg5[%add3A_217, %dma_start3A_223] : memref<50000x32xbf16, #tpu.memory_space<vmem_shared>> -> memref<125x32xbf16, #tpu.memory_space<vmem_shared>>
    tpu.enqueue_dma source(%arg8 : memref<125x32xbf16, #tpu.memory_space<vmem>>) target(%dma_start3A_224 : memref<125x32xbf16, #tpu.memory_space<vmem_shared>>) target_semaphore(%dma_start3A_222 : memref<!tpu.dma_semaphore, #tpu.memory_space<semaphore_mem>>)
    %mul3A_225 = arith.constant 3125 : i32
    %mul3A_226 = arith.muli %arg1, %mul3A_225 : i32
    %add3A_227 = arith.constant 2500 : i32
    %add3A_228 = arith.addi %mul3A_226, %add3A_227 : i32
    %dma_start3A_229 = arith.constant 0 : i32
    %dma_start3A_230 = arith.constant 0 : i32
    %dma_start3A_231 = tpu.memref_slice %arg5[%add3A_228, %dma_start3A_230] : memref<50000x32xbf16, #tpu.memory_space<vmem_shared>> -> memref<125x32xbf16, #tpu.memory_space<vmem_shared>>
    %dma_start3A_232 = tpu.memref_slice %arg11[%dma_start3A_229] : memref<8x!tpu.dma_semaphore, #tpu.memory_space<semaphore_mem>> -> memref<1x!tpu.dma_semaphore, #tpu.memory_space<semaphore_mem>>
    %dma_start3A_233 = tpu.memref_squeeze %dma_start3A_232 : memref<1x!tpu.dma_semaphore, #tpu.memory_space<semaphore_mem>> -> memref<!tpu.dma_semaphore, #tpu.memory_space<semaphore_mem>>
    %dma_start3A_234 = arith.constant 0 : i32
    %dma_start3A_235 = tpu.memref_slice %arg5[%add3A_228, %dma_start3A_234] : memref<50000x32xbf16, #tpu.memory_space<vmem_shared>> -> memref<125x32xbf16, #tpu.memory_space<vmem_shared>>
    tpu.enqueue_dma source(%arg8 : memref<125x32xbf16, #tpu.memory_space<vmem>>) target(%dma_start3A_235 : memref<125x32xbf16, #tpu.memory_space<vmem_shared>>) target_semaphore(%dma_start3A_233 : memref<!tpu.dma_semaphore, #tpu.memory_space<semaphore_mem>>)
    %mul3A_236 = arith.constant 3125 : i32
    %mul3A_237 = arith.muli %arg1, %mul3A_236 : i32
    %add3A_238 = arith.constant 2625 : i32
    %add3A_239 = arith.addi %mul3A_237, %add3A_238 : i32
    %dma_start3A_240 = arith.constant 0 : i32
    %dma_start3A_241 = arith.constant 0 : i32
    %dma_start3A_242 = tpu.memref_slice %arg5[%add3A_239, %dma_start3A_241] : memref<50000x32xbf16, #tpu.memory_space<vmem_shared>> -> memref<125x32xbf16, #tpu.memory_space<vmem_shared>>
    %dma_start3A_243 = tpu.memref_slice %arg11[%dma_start3A_240] : memref<8x!tpu.dma_semaphore, #tpu.memory_space<semaphore_mem>> -> memref<1x!tpu.dma_semaphore, #tpu.memory_space<semaphore_mem>>
    %dma_start3A_244 = tpu.memref_squeeze %dma_start3A_243 : memref<1x!tpu.dma_semaphore, #tpu.memory_space<semaphore_mem>> -> memref<!tpu.dma_semaphore, #tpu.memory_space<semaphore_mem>>
    %dma_start3A_245 = arith.constant 0 : i32
    %dma_start3A_246 = tpu.memref_slice %arg5[%add3A_239, %dma_start3A_245] : memref<50000x32xbf16, #tpu.memory_space<vmem_shared>> -> memref<125x32xbf16, #tpu.memory_space<vmem_shared>>
    tpu.enqueue_dma source(%arg8 : memref<125x32xbf16, #tpu.memory_space<vmem>>) target(%dma_start3A_246 : memref<125x32xbf16, #tpu.memory_space<vmem_shared>>) target_semaphore(%dma_start3A_244 : memref<!tpu.dma_semaphore, #tpu.memory_space<semaphore_mem>>)
    %mul3A_247 = arith.constant 3125 : i32
    %mul3A_248 = arith.muli %arg1, %mul3A_247 : i32
    %add3A_249 = arith.constant 2750 : i32
    %add3A_250 = arith.addi %mul3A_248, %add3A_249 : i32
    %dma_start3A_251 = arith.constant 0 : i32
    %dma_start3A_252 = arith.constant 0 : i32
    %dma_start3A_253 = tpu.memref_slice %arg5[%add3A_250, %dma_start3A_252] : memref<50000x32xbf16, #tpu.memory_space<vmem_shared>> -> memref<125x32xbf16, #tpu.memory_space<vmem_shared>>
    %dma_start3A_254 = tpu.memref_slice %arg11[%dma_start3A_251] : memref<8x!tpu.dma_semaphore, #tpu.memory_space<semaphore_mem>> -> memref<1x!tpu.dma_semaphore, #tpu.memory_space<semaphore_mem>>
    %dma_start3A_255 = tpu.memref_squeeze %dma_start3A_254 : memref<1x!tpu.dma_semaphore, #tpu.memory_space<semaphore_mem>> -> memref<!tpu.dma_semaphore, #tpu.memory_space<semaphore_mem>>
    %dma_start3A_256 = arith.constant 0 : i32
    %dma_start3A_257 = tpu.memref_slice %arg5[%add3A_250, %dma_start3A_256] : memref<50000x32xbf16, #tpu.memory_space<vmem_shared>> -> memref<125x32xbf16, #tpu.memory_space<vmem_shared>>
    tpu.enqueue_dma source(%arg8 : memref<125x32xbf16, #tpu.memory_space<vmem>>) target(%dma_start3A_257 : memref<125x32xbf16, #tpu.memory_space<vmem_shared>>) target_semaphore(%dma_start3A_255 : memref<!tpu.dma_semaphore, #tpu.memory_space<semaphore_mem>>)
    %mul3A_258 = arith.constant 3125 : i32
    %mul3A_259 = arith.muli %arg1, %mul3A_258 : i32
    %add3A_260 = arith.constant 2875 : i32
    %add3A_261 = arith.addi %mul3A_259, %add3A_260 : i32
    %dma_start3A_262 = arith.constant 0 : i32
    %dma_start3A_263 = arith.constant 0 : i32
    %dma_start3A_264 = tpu.memref_slice %arg5[%add3A_261, %dma_start3A_263] : memref<50000x32xbf16, #tpu.memory_space<vmem_shared>> -> memref<125x32xbf16, #tpu.memory_space<vmem_shared>>
    %dma_start3A_265 = tpu.memref_slice %arg11[%dma_start3A_262] : memref<8x!tpu.dma_semaphore, #tpu.memory_space<semaphore_mem>> -> memref<1x!tpu.dma_semaphore, #tpu.memory_space<semaphore_mem>>
    %dma_start3A_266 = tpu.memref_squeeze %dma_start3A_265 : memref<1x!tpu.dma_semaphore, #tpu.memory_space<semaphore_mem>> -> memref<!tpu.dma_semaphore, #tpu.memory_space<semaphore_mem>>
    %dma_start3A_267 = arith.constant 0 : i32
    %dma_start3A_268 = tpu.memref_slice %arg5[%add3A_261, %dma_start3A_267] : memref<50000x32xbf16, #tpu.memory_space<vmem_shared>> -> memref<125x32xbf16, #tpu.memory_space<vmem_shared>>
    tpu.enqueue_dma source(%arg8 : memref<125x32xbf16, #tpu.memory_space<vmem>>) target(%dma_start3A_268 : memref<125x32xbf16, #tpu.memory_space<vmem_shared>>) target_semaphore(%dma_start3A_266 : memref<!tpu.dma_semaphore, #tpu.memory_space<semaphore_mem>>)
    %mul3A_269 = arith.constant 3125 : i32
    %mul3A_270 = arith.muli %arg1, %mul3A_269 : i32
    %add3A_271 = arith.constant 3000 : i32
    %add3A_272 = arith.addi %mul3A_270, %add3A_271 : i32
    %dma_start3A_273 = arith.constant 0 : i32
    %dma_start3A_274 = arith.constant 0 : i32
    %dma_start3A_275 = tpu.memref_slice %arg5[%add3A_272, %dma_start3A_274] : memref<50000x32xbf16, #tpu.memory_space<vmem_shared>> -> memref<125x32xbf16, #tpu.memory_space<vmem_shared>>
    %dma_start3A_276 = tpu.memref_slice %arg11[%dma_start3A_273] : memref<8x!tpu.dma_semaphore, #tpu.memory_space<semaphore_mem>> -> memref<1x!tpu.dma_semaphore, #tpu.memory_space<semaphore_mem>>
    %dma_start3A_277 = tpu.memref_squeeze %dma_start3A_276 : memref<1x!tpu.dma_semaphore, #tpu.memory_space<semaphore_mem>> -> memref<!tpu.dma_semaphore, #tpu.memory_space<semaphore_mem>>
    %dma_start3A_278 = arith.constant 0 : i32
    %dma_start3A_279 = tpu.memref_slice %arg5[%add3A_272, %dma_start3A_278] : memref<50000x32xbf16, #tpu.memory_space<vmem_shared>> -> memref<125x32xbf16, #tpu.memory_space<vmem_shared>>
    tpu.enqueue_dma source(%arg8 : memref<125x32xbf16, #tpu.memory_space<vmem>>) target(%dma_start3A_279 : memref<125x32xbf16, #tpu.memory_space<vmem_shared>>) target_semaphore(%dma_start3A_277 : memref<!tpu.dma_semaphore, #tpu.memory_space<semaphore_mem>>)
    %dma_wait3A = arith.constant 0 : i32
    %dma_wait3A_280 = arith.constant 0 : i32
    %dma_wait3A_281 = arith.constant 0 : i32
    %dma_wait3A_282 = tpu.memref_slice %arg5[%dma_wait3A_280, %dma_wait3A_281] : memref<50000x32xbf16, #tpu.memory_space<vmem_shared>> -> memref<125x32xbf16, #tpu.memory_space<vmem_shared>>
    %dma_wait3A_283 = tpu.memref_slice %arg11[%dma_wait3A] : memref<8x!tpu.dma_semaphore, #tpu.memory_space<semaphore_mem>> -> memref<1x!tpu.dma_semaphore, #tpu.memory_space<semaphore_mem>>
    %dma_wait3A_284 = tpu.memref_squeeze %dma_wait3A_283 : memref<1x!tpu.dma_semaphore, #tpu.memory_space<semaphore_mem>> -> memref<!tpu.dma_semaphore, #tpu.memory_space<semaphore_mem>>
    %dma_wait3A_285 = arith.constant 0 : i32
    %dma_wait3A_286 = arith.constant 0 : i32
    %dma_wait3A_287 = tpu.memref_slice %arg5[%dma_wait3A_285, %dma_wait3A_286] : memref<50000x32xbf16, #tpu.memory_space<vmem_shared>> -> memref<125x32xbf16, #tpu.memory_space<vmem_shared>>
    tpu.wait_dma2 semaphore(%dma_wait3A_284 : memref<!tpu.dma_semaphore, #tpu.memory_space<semaphore_mem>>) src(%arg8 : memref<125x32xbf16, #tpu.memory_space<vmem>>) dst(%dma_wait3A_287 : memref<125x32xbf16, #tpu.memory_space<vmem_shared>>)
    %dma_wait3A_288 = arith.constant 0 : i32
    %dma_wait3A_289 = arith.constant 0 : i32
    %dma_wait3A_290 = arith.constant 0 : i32
    %dma_wait3A_291 = tpu.memref_slice %arg5[%dma_wait3A_289, %dma_wait3A_290] : memref<50000x32xbf16, #tpu.memory_space<vmem_shared>> -> memref<125x32xbf16, #tpu.memory_space<vmem_shared>>
    %dma_wait3A_292 = tpu.memref_slice %arg11[%dma_wait3A_288] : memref<8x!tpu.dma_semaphore, #tpu.memory_space<semaphore_mem>> -> memref<1x!tpu.dma_semaphore, #tpu.memory_space<semaphore_mem>>
    %dma_wait3A_293 = tpu.memref_squeeze %dma_wait3A_292 : memref<1x!tpu.dma_semaphore, #tpu.memory_space<semaphore_mem>> -> memref<!tpu.dma_semaphore, #tpu.memory_space<semaphore_mem>>
    %dma_wait3A_294 = arith.constant 0 : i32
    %dma_wait3A_295 = arith.constant 0 : i32
    %dma_wait3A_296 = tpu.memref_slice %arg5[%dma_wait3A_294, %dma_wait3A_295] : memref<50000x32xbf16, #tpu.memory_space<vmem_shared>> -> memref<125x32xbf16, #tpu.memory_space<vmem_shared>>
    tpu.wait_dma2 semaphore(%dma_wait3A_293 : memref<!tpu.dma_semaphore, #tpu.memory_space<semaphore_mem>>) src(%arg8 : memref<125x32xbf16, #tpu.memory_space<vmem>>) dst(%dma_wait3A_296 : memref<125x32xbf16, #tpu.memory_space<vmem_shared>>)
    %dma_wait3A_297 = arith.constant 0 : i32
    %dma_wait3A_298 = arith.constant 0 : i32
    %dma_wait3A_299 = arith.constant 0 : i32
    %dma_wait3A_300 = tpu.memref_slice %arg5[%dma_wait3A_298, %dma_wait3A_299] : memref<50000x32xbf16, #tpu.memory_space<vmem_shared>> -> memref<125x32xbf16, #tpu.memory_space<vmem_shared>>
    %dma_wait3A_301 = tpu.memref_slice %arg11[%dma_wait3A_297] : memref<8x!tpu.dma_semaphore, #tpu.memory_space<semaphore_mem>> -> memref<1x!tpu.dma_semaphore, #tpu.memory_space<semaphore_mem>>
    %dma_wait3A_302 = tpu.memref_squeeze %dma_wait3A_301 : memref<1x!tpu.dma_semaphore, #tpu.memory_space<semaphore_mem>> -> memref<!tpu.dma_semaphore, #tpu.memory_space<semaphore_mem>>
    %dma_wait3A_303 = arith.constant 0 : i32
    %dma_wait3A_304 = arith.constant 0 : i32
    %dma_wait3A_305 = tpu.memref_slice %arg5[%dma_wait3A_303, %dma_wait3A_304] : memref<50000x32xbf16, #tpu.memory_space<vmem_shared>> -> memref<125x32xbf16, #tpu.memory_space<vmem_shared>>
    tpu.wait_dma2 semaphore(%dma_wait3A_302 : memref<!tpu.dma_semaphore, #tpu.memory_space<semaphore_mem>>) src(%arg8 : memref<125x32xbf16, #tpu.memory_space<vmem>>) dst(%dma_wait3A_305 : memref<125x32xbf16, #tpu.memory_space<vmem_shared>>)
    %dma_wait3A_306 = arith.constant 0 : i32
    %dma_wait3A_307 = arith.constant 0 : i32
    %dma_wait3A_308 = arith.constant 0 : i32
    %dma_wait3A_309 = tpu.memref_slice %arg5[%dma_wait3A_307, %dma_wait3A_308] : memref<50000x32xbf16, #tpu.memory_space<vmem_shared>> -> memref<125x32xbf16, #tpu.memory_space<vmem_shared>>
    %dma_wait3A_310 = tpu.memref_slice %arg11[%dma_wait3A_306] : memref<8x!tpu.dma_semaphore, #tpu.memory_space<semaphore_mem>> -> memref<1x!tpu.dma_semaphore, #tpu.memory_space<semaphore_mem>>
    %dma_wait3A_311 = tpu.memref_squeeze %dma_wait3A_310 : memref<1x!tpu.dma_semaphore, #tpu.memory_space<semaphore_mem>> -> memref<!tpu.dma_semaphore, #tpu.memory_space<semaphore_mem>>
    %dma_wait3A_312 = arith.constant 0 : i32
    %dma_wait3A_313 = arith.constant 0 : i32
    %dma_wait3A_314 = tpu.memref_slice %arg5[%dma_wait3A_312, %dma_wait3A_313] : memref<50000x32xbf16, #tpu.memory_space<vmem_shared>> -> memref<125x32xbf16, #tpu.memory_space<vmem_shared>>
    tpu.wait_dma2 semaphore(%dma_wait3A_311 : memref<!tpu.dma_semaphore, #tpu.memory_space<semaphore_mem>>) src(%arg8 : memref<125x32xbf16, #tpu.memory_space<vmem>>) dst(%dma_wait3A_314 : memref<125x32xbf16, #tpu.memory_space<vmem_shared>>)
    %dma_wait3A_315 = arith.constant 0 : i32
    %dma_wait3A_316 = arith.constant 0 : i32
    %dma_wait3A_317 = arith.constant 0 : i32
    %dma_wait3A_318 = tpu.memref_slice %arg5[%dma_wait3A_316, %dma_wait3A_317] : memref<50000x32xbf16, #tpu.memory_space<vmem_shared>> -> memref<125x32xbf16, #tpu.memory_space<vmem_shared>>
    %dma_wait3A_319 = tpu.memref_slice %arg11[%dma_wait3A_315] : memref<8x!tpu.dma_semaphore, #tpu.memory_space<semaphore_mem>> -> memref<1x!tpu.dma_semaphore, #tpu.memory_space<semaphore_mem>>
    %dma_wait3A_320 = tpu.memref_squeeze %dma_wait3A_319 : memref<1x!tpu.dma_semaphore, #tpu.memory_space<semaphore_mem>> -> memref<!tpu.dma_semaphore, #tpu.memory_space<semaphore_mem>>
    %dma_wait3A_321 = arith.constant 0 : i32
    %dma_wait3A_322 = arith.constant 0 : i32
    %dma_wait3A_323 = tpu.memref_slice %arg5[%dma_wait3A_321, %dma_wait3A_322] : memref<50000x32xbf16, #tpu.memory_space<vmem_shared>> -> memref<125x32xbf16, #tpu.memory_space<vmem_shared>>
    tpu.wait_dma2 semaphore(%dma_wait3A_320 : memref<!tpu.dma_semaphore, #tpu.memory_space<semaphore_mem>>) src(%arg8 : memref<125x32xbf16, #tpu.memory_space<vmem>>) dst(%dma_wait3A_323 : memref<125x32xbf16, #tpu.memory_space<vmem_shared>>)
    %dma_wait3A_324 = arith.constant 0 : i32
    %dma_wait3A_325 = arith.constant 0 : i32
    %dma_wait3A_326 = arith.constant 0 : i32
    %dma_wait3A_327 = tpu.memref_slice %arg5[%dma_wait3A_325, %dma_wait3A_326] : memref<50000x32xbf16, #tpu.memory_space<vmem_shared>> -> memref<125x32xbf16, #tpu.memory_space<vmem_shared>>
    %dma_wait3A_328 = tpu.memref_slice %arg11[%dma_wait3A_324] : memref<8x!tpu.dma_semaphore, #tpu.memory_space<semaphore_mem>> -> memref<1x!tpu.dma_semaphore, #tpu.memory_space<semaphore_mem>>
    %dma_wait3A_329 = tpu.memref_squeeze %dma_wait3A_328 : memref<1x!tpu.dma_semaphore, #tpu.memory_space<semaphore_mem>> -> memref<!tpu.dma_semaphore, #tpu.memory_space<semaphore_mem>>
    %dma_wait3A_330 = arith.constant 0 : i32
    %dma_wait3A_331 = arith.constant 0 : i32
    %dma_wait3A_332 = tpu.memref_slice %arg5[%dma_wait3A_330, %dma_wait3A_331] : memref<50000x32xbf16, #tpu.memory_space<vmem_shared>> -> memref<125x32xbf16, #tpu.memory_space<vmem_shared>>
    tpu.wait_dma2 semaphore(%dma_wait3A_329 : memref<!tpu.dma_semaphore, #tpu.memory_space<semaphore_mem>>) src(%arg8 : memref<125x32xbf16, #tpu.memory_space<vmem>>) dst(%dma_wait3A_332 : memref<125x32xbf16, #tpu.memory_space<vmem_shared>>)
    %dma_wait3A_333 = arith.constant 0 : i32
    %dma_wait3A_334 = arith.constant 0 : i32
    %dma_wait3A_335 = arith.constant 0 : i32
    %dma_wait3A_336 = tpu.memref_slice %arg5[%dma_wait3A_334, %dma_wait3A_335] : memref<50000x32xbf16, #tpu.memory_space<vmem_shared>> -> memref<125x32xbf16, #tpu.memory_space<vmem_shared>>
    %dma_wait3A_337 = tpu.memref_slice %arg11[%dma_wait3A_333] : memref<8x!tpu.dma_semaphore, #tpu.memory_space<semaphore_mem>> -> memref<1x!tpu.dma_semaphore, #tpu.memory_space<semaphore_mem>>
    %dma_wait3A_338 = tpu.memref_squeeze %dma_wait3A_337 : memref<1x!tpu.dma_semaphore, #tpu.memory_space<semaphore_mem>> -> memref<!tpu.dma_semaphore, #tpu.memory_space<semaphore_mem>>
    %dma_wait3A_339 = arith.constant 0 : i32
    %dma_wait3A_340 = arith.constant 0 : i32
    %dma_wait3A_341 = tpu.memref_slice %arg5[%dma_wait3A_339, %dma_wait3A_340] : memref<50000x32xbf16, #tpu.memory_space<vmem_shared>> -> memref<125x32xbf16, #tpu.memory_space<vmem_shared>>
    tpu.wait_dma2 semaphore(%dma_wait3A_338 : memref<!tpu.dma_semaphore, #tpu.memory_space<semaphore_mem>>) src(%arg8 : memref<125x32xbf16, #tpu.memory_space<vmem>>) dst(%dma_wait3A_341 : memref<125x32xbf16, #tpu.memory_space<vmem_shared>>)
    %dma_wait3A_342 = arith.constant 0 : i32
    %dma_wait3A_343 = arith.constant 0 : i32
    %dma_wait3A_344 = arith.constant 0 : i32
    %dma_wait3A_345 = tpu.memref_slice %arg5[%dma_wait3A_343, %dma_wait3A_344] : memref<50000x32xbf16, #tpu.memory_space<vmem_shared>> -> memref<125x32xbf16, #tpu.memory_space<vmem_shared>>
    %dma_wait3A_346 = tpu.memref_slice %arg11[%dma_wait3A_342] : memref<8x!tpu.dma_semaphore, #tpu.memory_space<semaphore_mem>> -> memref<1x!tpu.dma_semaphore, #tpu.memory_space<semaphore_mem>>
    %dma_wait3A_347 = tpu.memref_squeeze %dma_wait3A_346 : memref<1x!tpu.dma_semaphore, #tpu.memory_space<semaphore_mem>> -> memref<!tpu.dma_semaphore, #tpu.memory_space<semaphore_mem>>
    %dma_wait3A_348 = arith.constant 0 : i32
    %dma_wait3A_349 = arith.constant 0 : i32
    %dma_wait3A_350 = tpu.memref_slice %arg5[%dma_wait3A_348, %dma_wait3A_349] : memref<50000x32xbf16, #tpu.memory_space<vmem_shared>> -> memref<125x32xbf16, #tpu.memory_space<vmem_shared>>
    tpu.wait_dma2 semaphore(%dma_wait3A_347 : memref<!tpu.dma_semaphore, #tpu.memory_space<semaphore_mem>>) src(%arg8 : memref<125x32xbf16, #tpu.memory_space<vmem>>) dst(%dma_wait3A_350 : memref<125x32xbf16, #tpu.memory_space<vmem_shared>>)
    %dma_wait3A_351 = arith.constant 0 : i32
    %dma_wait3A_352 = arith.constant 0 : i32
    %dma_wait3A_353 = arith.constant 0 : i32
    %dma_wait3A_354 = tpu.memref_slice %arg5[%dma_wait3A_352, %dma_wait3A_353] : memref<50000x32xbf16, #tpu.memory_space<vmem_shared>> -> memref<125x32xbf16, #tpu.memory_space<vmem_shared>>
    %dma_wait3A_355 = tpu.memref_slice %arg11[%dma_wait3A_351] : memref<8x!tpu.dma_semaphore, #tpu.memory_space<semaphore_mem>> -> memref<1x!tpu.dma_semaphore, #tpu.memory_space<semaphore_mem>>
    %dma_wait3A_356 = tpu.memref_squeeze %dma_wait3A_355 : memref<1x!tpu.dma_semaphore, #tpu.memory_space<semaphore_mem>> -> memref<!tpu.dma_semaphore, #tpu.memory_space<semaphore_mem>>
    %dma_wait3A_357 = arith.constant 0 : i32
    %dma_wait3A_358 = arith.constant 0 : i32
    %dma_wait3A_359 = tpu.memref_slice %arg5[%dma_wait3A_357, %dma_wait3A_358] : memref<50000x32xbf16, #tpu.memory_space<vmem_shared>> -> memref<125x32xbf16, #tpu.memory_space<vmem_shared>>
    tpu.wait_dma2 semaphore(%dma_wait3A_356 : memref<!tpu.dma_semaphore, #tpu.memory_space<semaphore_mem>>) src(%arg8 : memref<125x32xbf16, #tpu.memory_space<vmem>>) dst(%dma_wait3A_359 : memref<125x32xbf16, #tpu.memory_space<vmem_shared>>)
    %dma_wait3A_360 = arith.constant 0 : i32
    %dma_wait3A_361 = arith.constant 0 : i32
    %dma_wait3A_362 = arith.constant 0 : i32
    %dma_wait3A_363 = tpu.memref_slice %arg5[%dma_wait3A_361, %dma_wait3A_362] : memref<50000x32xbf16, #tpu.memory_space<vmem_shared>> -> memref<125x32xbf16, #tpu.memory_space<vmem_shared>>
    %dma_wait3A_364 = tpu.memref_slice %arg11[%dma_wait3A_360] : memref<8x!tpu.dma_semaphore, #tpu.memory_space<semaphore_mem>> -> memref<1x!tpu.dma_semaphore, #tpu.memory_space<semaphore_mem>>
    %dma_wait3A_365 = tpu.memref_squeeze %dma_wait3A_364 : memref<1x!tpu.dma_semaphore, #tpu.memory_space<semaphore_mem>> -> memref<!tpu.dma_semaphore, #tpu.memory_space<semaphore_mem>>
    %dma_wait3A_366 = arith.constant 0 : i32
    %dma_wait3A_367 = arith.constant 0 : i32
    %dma_wait3A_368 = tpu.memref_slice %arg5[%dma_wait3A_366, %dma_wait3A_367] : memref<50000x32xbf16, #tpu.memory_space<vmem_shared>> -> memref<125x32xbf16, #tpu.memory_space<vmem_shared>>
    tpu.wait_dma2 semaphore(%dma_wait3A_365 : memref<!tpu.dma_semaphore, #tpu.memory_space<semaphore_mem>>) src(%arg8 : memref<125x32xbf16, #tpu.memory_space<vmem>>) dst(%dma_wait3A_368 : memref<125x32xbf16, #tpu.memory_space<vmem_shared>>)
    %dma_wait3A_369 = arith.constant 0 : i32
    %dma_wait3A_370 = arith.constant 0 : i32
    %dma_wait3A_371 = arith.constant 0 : i32
    %dma_wait3A_372 = tpu.memref_slice %arg5[%dma_wait3A_370, %dma_wait3A_371] : memref<50000x32xbf16, #tpu.memory_space<vmem_shared>> -> memref<125x32xbf16, #tpu.memory_space<vmem_shared>>
    %dma_wait3A_373 = tpu.memref_slice %arg11[%dma_wait3A_369] : memref<8x!tpu.dma_semaphore, #tpu.memory_space<semaphore_mem>> -> memref<1x!tpu.dma_semaphore, #tpu.memory_space<semaphore_mem>>
    %dma_wait3A_374 = tpu.memref_squeeze %dma_wait3A_373 : memref<1x!tpu.dma_semaphore, #tpu.memory_space<semaphore_mem>> -> memref<!tpu.dma_semaphore, #tpu.memory_space<semaphore_mem>>
    %dma_wait3A_375 = arith.constant 0 : i32
    %dma_wait3A_376 = arith.constant 0 : i32
    %dma_wait3A_377 = tpu.memref_slice %arg5[%dma_wait3A_375, %dma_wait3A_376] : memref<50000x32xbf16, #tpu.memory_space<vmem_shared>> -> memref<125x32xbf16, #tpu.memory_space<vmem_shared>>
    tpu.wait_dma2 semaphore(%dma_wait3A_374 : memref<!tpu.dma_semaphore, #tpu.memory_space<semaphore_mem>>) src(%arg8 : memref<125x32xbf16, #tpu.memory_space<vmem>>) dst(%dma_wait3A_377 : memref<125x32xbf16, #tpu.memory_space<vmem_shared>>)
    %dma_wait3A_378 = arith.constant 0 : i32
    %dma_wait3A_379 = arith.constant 0 : i32
    %dma_wait3A_380 = arith.constant 0 : i32
    %dma_wait3A_381 = tpu.memref_slice %arg5[%dma_wait3A_379, %dma_wait3A_380] : memref<50000x32xbf16, #tpu.memory_space<vmem_shared>> -> memref<125x32xbf16, #tpu.memory_space<vmem_shared>>
    %dma_wait3A_382 = tpu.memref_slice %arg11[%dma_wait3A_378] : memref<8x!tpu.dma_semaphore, #tpu.memory_space<semaphore_mem>> -> memref<1x!tpu.dma_semaphore, #tpu.memory_space<semaphore_mem>>
    %dma_wait3A_383 = tpu.memref_squeeze %dma_wait3A_382 : memref<1x!tpu.dma_semaphore, #tpu.memory_space<semaphore_mem>> -> memref<!tpu.dma_semaphore, #tpu.memory_space<semaphore_mem>>
    %dma_wait3A_384 = arith.constant 0 : i32
    %dma_wait3A_385 = arith.constant 0 : i32
    %dma_wait3A_386 = tpu.memref_slice %arg5[%dma_wait3A_384, %dma_wait3A_385] : memref<50000x32xbf16, #tpu.memory_space<vmem_shared>> -> memref<125x32xbf16, #tpu.memory_space<vmem_shared>>
    tpu.wait_dma2 semaphore(%dma_wait3A_383 : memref<!tpu.dma_semaphore, #tpu.memory_space<semaphore_mem>>) src(%arg8 : memref<125x32xbf16, #tpu.memory_space<vmem>>) dst(%dma_wait3A_386 : memref<125x32xbf16, #tpu.memory_space<vmem_shared>>)
    %dma_wait3A_387 = arith.constant 0 : i32
    %dma_wait3A_388 = arith.constant 0 : i32
    %dma_wait3A_389 = arith.constant 0 : i32
    %dma_wait3A_390 = tpu.memref_slice %arg5[%dma_wait3A_388, %dma_wait3A_389] : memref<50000x32xbf16, #tpu.memory_space<vmem_shared>> -> memref<125x32xbf16, #tpu.memory_space<vmem_shared>>
    %dma_wait3A_391 = tpu.memref_slice %arg11[%dma_wait3A_387] : memref<8x!tpu.dma_semaphore, #tpu.memory_space<semaphore_mem>> -> memref<1x!tpu.dma_semaphore, #tpu.memory_space<semaphore_mem>>
    %dma_wait3A_392 = tpu.memref_squeeze %dma_wait3A_391 : memref<1x!tpu.dma_semaphore, #tpu.memory_space<semaphore_mem>> -> memref<!tpu.dma_semaphore, #tpu.memory_space<semaphore_mem>>
    %dma_wait3A_393 = arith.constant 0 : i32
    %dma_wait3A_394 = arith.constant 0 : i32
    %dma_wait3A_395 = tpu.memref_slice %arg5[%dma_wait3A_393, %dma_wait3A_394] : memref<50000x32xbf16, #tpu.memory_space<vmem_shared>> -> memref<125x32xbf16, #tpu.memory_space<vmem_shared>>
    tpu.wait_dma2 semaphore(%dma_wait3A_392 : memref<!tpu.dma_semaphore, #tpu.memory_space<semaphore_mem>>) src(%arg8 : memref<125x32xbf16, #tpu.memory_space<vmem>>) dst(%dma_wait3A_395 : memref<125x32xbf16, #tpu.memory_space<vmem_shared>>)
    %dma_wait3A_396 = arith.constant 0 : i32
    %dma_wait3A_397 = arith.constant 0 : i32
    %dma_wait3A_398 = arith.constant 0 : i32
    %dma_wait3A_399 = tpu.memref_slice %arg5[%dma_wait3A_397, %dma_wait3A_398] : memref<50000x32xbf16, #tpu.memory_space<vmem_shared>> -> memref<125x32xbf16, #tpu.memory_space<vmem_shared>>
    %dma_wait3A_400 = tpu.memref_slice %arg11[%dma_wait3A_396] : memref<8x!tpu.dma_semaphore, #tpu.memory_space<semaphore_mem>> -> memref<1x!tpu.dma_semaphore, #tpu.memory_space<semaphore_mem>>
    %dma_wait3A_401 = tpu.memref_squeeze %dma_wait3A_400 : memref<1x!tpu.dma_semaphore, #tpu.memory_space<semaphore_mem>> -> memref<!tpu.dma_semaphore, #tpu.memory_space<semaphore_mem>>
    %dma_wait3A_402 = arith.constant 0 : i32
    %dma_wait3A_403 = arith.constant 0 : i32
    %dma_wait3A_404 = tpu.memref_slice %arg5[%dma_wait3A_402, %dma_wait3A_403] : memref<50000x32xbf16, #tpu.memory_space<vmem_shared>> -> memref<125x32xbf16, #tpu.memory_space<vmem_shared>>
    tpu.wait_dma2 semaphore(%dma_wait3A_401 : memref<!tpu.dma_semaphore, #tpu.memory_space<semaphore_mem>>) src(%arg8 : memref<125x32xbf16, #tpu.memory_space<vmem>>) dst(%dma_wait3A_404 : memref<125x32xbf16, #tpu.memory_space<vmem_shared>>)
    %dma_wait3A_405 = arith.constant 0 : i32
    %dma_wait3A_406 = arith.constant 0 : i32
    %dma_wait3A_407 = arith.constant 0 : i32
    %dma_wait3A_408 = tpu.memref_slice %arg5[%dma_wait3A_406, %dma_wait3A_407] : memref<50000x32xbf16, #tpu.memory_space<vmem_shared>> -> memref<125x32xbf16, #tpu.memory_space<vmem_shared>>
    %dma_wait3A_409 = tpu.memref_slice %arg11[%dma_wait3A_405] : memref<8x!tpu.dma_semaphore, #tpu.memory_space<semaphore_mem>> -> memref<1x!tpu.dma_semaphore, #tpu.memory_space<semaphore_mem>>
    %dma_wait3A_410 = tpu.memref_squeeze %dma_wait3A_409 : memref<1x!tpu.dma_semaphore, #tpu.memory_space<semaphore_mem>> -> memref<!tpu.dma_semaphore, #tpu.memory_space<semaphore_mem>>
    %dma_wait3A_411 = arith.constant 0 : i32
    %dma_wait3A_412 = arith.constant 0 : i32
    %dma_wait3A_413 = tpu.memref_slice %arg5[%dma_wait3A_411, %dma_wait3A_412] : memref<50000x32xbf16, #tpu.memory_space<vmem_shared>> -> memref<125x32xbf16, #tpu.memory_space<vmem_shared>>
    tpu.wait_dma2 semaphore(%dma_wait3A_410 : memref<!tpu.dma_semaphore, #tpu.memory_space<semaphore_mem>>) src(%arg8 : memref<125x32xbf16, #tpu.memory_space<vmem>>) dst(%dma_wait3A_413 : memref<125x32xbf16, #tpu.memory_space<vmem_shared>>)
    %dma_wait3A_414 = arith.constant 0 : i32
    %dma_wait3A_415 = arith.constant 0 : i32
    %dma_wait3A_416 = arith.constant 0 : i32
    %dma_wait3A_417 = tpu.memref_slice %arg5[%dma_wait3A_415, %dma_wait3A_416] : memref<50000x32xbf16, #tpu.memory_space<vmem_shared>> -> memref<125x32xbf16, #tpu.memory_space<vmem_shared>>
    %dma_wait3A_418 = tpu.memref_slice %arg11[%dma_wait3A_414] : memref<8x!tpu.dma_semaphore, #tpu.memory_space<semaphore_mem>> -> memref<1x!tpu.dma_semaphore, #tpu.memory_space<semaphore_mem>>
    %dma_wait3A_419 = tpu.memref_squeeze %dma_wait3A_418 : memref<1x!tpu.dma_semaphore, #tpu.memory_space<semaphore_mem>> -> memref<!tpu.dma_semaphore, #tpu.memory_space<semaphore_mem>>
    %dma_wait3A_420 = arith.constant 0 : i32
    %dma_wait3A_421 = arith.constant 0 : i32
    %dma_wait3A_422 = tpu.memref_slice %arg5[%dma_wait3A_420, %dma_wait3A_421] : memref<50000x32xbf16, #tpu.memory_space<vmem_shared>> -> memref<125x32xbf16, #tpu.memory_space<vmem_shared>>
    tpu.wait_dma2 semaphore(%dma_wait3A_419 : memref<!tpu.dma_semaphore, #tpu.memory_space<semaphore_mem>>) src(%arg8 : memref<125x32xbf16, #tpu.memory_space<vmem>>) dst(%dma_wait3A_422 : memref<125x32xbf16, #tpu.memory_space<vmem_shared>>)
    %dma_wait3A_423 = arith.constant 0 : i32
    %dma_wait3A_424 = arith.constant 0 : i32
    %dma_wait3A_425 = arith.constant 0 : i32
    %dma_wait3A_426 = tpu.memref_slice %arg5[%dma_wait3A_424, %dma_wait3A_425] : memref<50000x32xbf16, #tpu.memory_space<vmem_shared>> -> memref<125x32xbf16, #tpu.memory_space<vmem_shared>>
    %dma_wait3A_427 = tpu.memref_slice %arg11[%dma_wait3A_423] : memref<8x!tpu.dma_semaphore, #tpu.memory_space<semaphore_mem>> -> memref<1x!tpu.dma_semaphore, #tpu.memory_space<semaphore_mem>>
    %dma_wait3A_428 = tpu.memref_squeeze %dma_wait3A_427 : memref<1x!tpu.dma_semaphore, #tpu.memory_space<semaphore_mem>> -> memref<!tpu.dma_semaphore, #tpu.memory_space<semaphore_mem>>
    %dma_wait3A_429 = arith.constant 0 : i32
    %dma_wait3A_430 = arith.constant 0 : i32
    %dma_wait3A_431 = tpu.memref_slice %arg5[%dma_wait3A_429, %dma_wait3A_430] : memref<50000x32xbf16, #tpu.memory_space<vmem_shared>> -> memref<125x32xbf16, #tpu.memory_space<vmem_shared>>
    tpu.wait_dma2 semaphore(%dma_wait3A_428 : memref<!tpu.dma_semaphore, #tpu.memory_space<semaphore_mem>>) src(%arg8 : memref<125x32xbf16, #tpu.memory_space<vmem>>) dst(%dma_wait3A_431 : memref<125x32xbf16, #tpu.memory_space<vmem_shared>>)
    %dma_wait3A_432 = arith.constant 0 : i32
    %dma_wait3A_433 = arith.constant 0 : i32
    %dma_wait3A_434 = arith.constant 0 : i32
    %dma_wait3A_435 = tpu.memref_slice %arg5[%dma_wait3A_433, %dma_wait3A_434] : memref<50000x32xbf16, #tpu.memory_space<vmem_shared>> -> memref<125x32xbf16, #tpu.memory_space<vmem_shared>>
    %dma_wait3A_436 = tpu.memref_slice %arg11[%dma_wait3A_432] : memref<8x!tpu.dma_semaphore, #tpu.memory_space<semaphore_mem>> -> memref<1x!tpu.dma_semaphore, #tpu.memory_space<semaphore_mem>>
    %dma_wait3A_437 = tpu.memref_squeeze %dma_wait3A_436 : memref<1x!tpu.dma_semaphore, #tpu.memory_space<semaphore_mem>> -> memref<!tpu.dma_semaphore, #tpu.memory_space<semaphore_mem>>
    %dma_wait3A_438 = arith.constant 0 : i32
    %dma_wait3A_439 = arith.constant 0 : i32
    %dma_wait3A_440 = tpu.memref_slice %arg5[%dma_wait3A_438, %dma_wait3A_439] : memref<50000x32xbf16, #tpu.memory_space<vmem_shared>> -> memref<125x32xbf16, #tpu.memory_space<vmem_shared>>
    tpu.wait_dma2 semaphore(%dma_wait3A_437 : memref<!tpu.dma_semaphore, #tpu.memory_space<semaphore_mem>>) src(%arg8 : memref<125x32xbf16, #tpu.memory_space<vmem>>) dst(%dma_wait3A_440 : memref<125x32xbf16, #tpu.memory_space<vmem_shared>>)
    %dma_wait3A_441 = arith.constant 0 : i32
    %dma_wait3A_442 = arith.constant 0 : i32
    %dma_wait3A_443 = arith.constant 0 : i32
    %dma_wait3A_444 = tpu.memref_slice %arg5[%dma_wait3A_442, %dma_wait3A_443] : memref<50000x32xbf16, #tpu.memory_space<vmem_shared>> -> memref<125x32xbf16, #tpu.memory_space<vmem_shared>>
    %dma_wait3A_445 = tpu.memref_slice %arg11[%dma_wait3A_441] : memref<8x!tpu.dma_semaphore, #tpu.memory_space<semaphore_mem>> -> memref<1x!tpu.dma_semaphore, #tpu.memory_space<semaphore_mem>>
    %dma_wait3A_446 = tpu.memref_squeeze %dma_wait3A_445 : memref<1x!tpu.dma_semaphore, #tpu.memory_space<semaphore_mem>> -> memref<!tpu.dma_semaphore, #tpu.memory_space<semaphore_mem>>
    %dma_wait3A_447 = arith.constant 0 : i32
    %dma_wait3A_448 = arith.constant 0 : i32
    %dma_wait3A_449 = tpu.memref_slice %arg5[%dma_wait3A_447, %dma_wait3A_448] : memref<50000x32xbf16, #tpu.memory_space<vmem_shared>> -> memref<125x32xbf16, #tpu.memory_space<vmem_shared>>
    tpu.wait_dma2 semaphore(%dma_wait3A_446 : memref<!tpu.dma_semaphore, #tpu.memory_space<semaphore_mem>>) src(%arg8 : memref<125x32xbf16, #tpu.memory_space<vmem>>) dst(%dma_wait3A_449 : memref<125x32xbf16, #tpu.memory_space<vmem_shared>>)
    %dma_wait3A_450 = arith.constant 0 : i32
    %dma_wait3A_451 = arith.constant 0 : i32
    %dma_wait3A_452 = arith.constant 0 : i32
    %dma_wait3A_453 = tpu.memref_slice %arg5[%dma_wait3A_451, %dma_wait3A_452] : memref<50000x32xbf16, #tpu.memory_space<vmem_shared>> -> memref<125x32xbf16, #tpu.memory_space<vmem_shared>>
    %dma_wait3A_454 = tpu.memref_slice %arg11[%dma_wait3A_450] : memref<8x!tpu.dma_semaphore, #tpu.memory_space<semaphore_mem>> -> memref<1x!tpu.dma_semaphore, #tpu.memory_space<semaphore_mem>>
    %dma_wait3A_455 = tpu.memref_squeeze %dma_wait3A_454 : memref<1x!tpu.dma_semaphore, #tpu.memory_space<semaphore_mem>> -> memref<!tpu.dma_semaphore, #tpu.memory_space<semaphore_mem>>
    %dma_wait3A_456 = arith.constant 0 : i32
    %dma_wait3A_457 = arith.constant 0 : i32
    %dma_wait3A_458 = tpu.memref_slice %arg5[%dma_wait3A_456, %dma_wait3A_457] : memref<50000x32xbf16, #tpu.memory_space<vmem_shared>> -> memref<125x32xbf16, #tpu.memory_space<vmem_shared>>
    tpu.wait_dma2 semaphore(%dma_wait3A_455 : memref<!tpu.dma_semaphore, #tpu.memory_space<semaphore_mem>>) src(%arg8 : memref<125x32xbf16, #tpu.memory_space<vmem>>) dst(%dma_wait3A_458 : memref<125x32xbf16, #tpu.memory_space<vmem_shared>>)
    %dma_wait3A_459 = arith.constant 0 : i32
    %dma_wait3A_460 = arith.constant 0 : i32
    %dma_wait3A_461 = arith.constant 0 : i32
    %dma_wait3A_462 = tpu.memref_slice %arg5[%dma_wait3A_460, %dma_wait3A_461] : memref<50000x32xbf16, #tpu.memory_space<vmem_shared>> -> memref<125x32xbf16, #tpu.memory_space<vmem_shared>>
    %dma_wait3A_463 = tpu.memref_slice %arg11[%dma_wait3A_459] : memref<8x!tpu.dma_semaphore, #tpu.memory_space<semaphore_mem>> -> memref<1x!tpu.dma_semaphore, #tpu.memory_space<semaphore_mem>>
    %dma_wait3A_464 = tpu.memref_squeeze %dma_wait3A_463 : memref<1x!tpu.dma_semaphore, #tpu.memory_space<semaphore_mem>> -> memref<!tpu.dma_semaphore, #tpu.memory_space<semaphore_mem>>
    %dma_wait3A_465 = arith.constant 0 : i32
    %dma_wait3A_466 = arith.constant 0 : i32
    %dma_wait3A_467 = tpu.memref_slice %arg5[%dma_wait3A_465, %dma_wait3A_466] : memref<50000x32xbf16, #tpu.memory_space<vmem_shared>> -> memref<125x32xbf16, #tpu.memory_space<vmem_shared>>
    tpu.wait_dma2 semaphore(%dma_wait3A_464 : memref<!tpu.dma_semaphore, #tpu.memory_space<semaphore_mem>>) src(%arg8 : memref<125x32xbf16, #tpu.memory_space<vmem>>) dst(%dma_wait3A_467 : memref<125x32xbf16, #tpu.memory_space<vmem_shared>>)
    %dma_wait3A_468 = arith.constant 0 : i32
    %dma_wait3A_469 = arith.constant 0 : i32
    %dma_wait3A_470 = arith.constant 0 : i32
    %dma_wait3A_471 = tpu.memref_slice %arg5[%dma_wait3A_469, %dma_wait3A_470] : memref<50000x32xbf16, #tpu.memory_space<vmem_shared>> -> memref<125x32xbf16, #tpu.memory_space<vmem_shared>>
    %dma_wait3A_472 = tpu.memref_slice %arg11[%dma_wait3A_468] : memref<8x!tpu.dma_semaphore, #tpu.memory_space<semaphore_mem>> -> memref<1x!tpu.dma_semaphore, #tpu.memory_space<semaphore_mem>>
    %dma_wait3A_473 = tpu.memref_squeeze %dma_wait3A_472 : memref<1x!tpu.dma_semaphore, #tpu.memory_space<semaphore_mem>> -> memref<!tpu.dma_semaphore, #tpu.memory_space<semaphore_mem>>
    %dma_wait3A_474 = arith.constant 0 : i32
    %dma_wait3A_475 = arith.constant 0 : i32
    %dma_wait3A_476 = tpu.memref_slice %arg5[%dma_wait3A_474, %dma_wait3A_475] : memref<50000x32xbf16, #tpu.memory_space<vmem_shared>> -> memref<125x32xbf16, #tpu.memory_space<vmem_shared>>
    tpu.wait_dma2 semaphore(%dma_wait3A_473 : memref<!tpu.dma_semaphore, #tpu.memory_space<semaphore_mem>>) src(%arg8 : memref<125x32xbf16, #tpu.memory_space<vmem>>) dst(%dma_wait3A_476 : memref<125x32xbf16, #tpu.memory_space<vmem_shared>>)
    %dma_wait3A_477 = arith.constant 0 : i32
    %dma_wait3A_478 = arith.constant 0 : i32
    %dma_wait3A_479 = arith.constant 0 : i32
    %dma_wait3A_480 = tpu.memref_slice %arg5[%dma_wait3A_478, %dma_wait3A_479] : memref<50000x32xbf16, #tpu.memory_space<vmem_shared>> -> memref<125x32xbf16, #tpu.memory_space<vmem_shared>>
    %dma_wait3A_481 = tpu.memref_slice %arg11[%dma_wait3A_477] : memref<8x!tpu.dma_semaphore, #tpu.memory_space<semaphore_mem>> -> memref<1x!tpu.dma_semaphore, #tpu.memory_space<semaphore_mem>>
    %dma_wait3A_482 = tpu.memref_squeeze %dma_wait3A_481 : memref<1x!tpu.dma_semaphore, #tpu.memory_space<semaphore_mem>> -> memref<!tpu.dma_semaphore, #tpu.memory_space<semaphore_mem>>
    %dma_wait3A_483 = arith.constant 0 : i32
    %dma_wait3A_484 = arith.constant 0 : i32
    %dma_wait3A_485 = tpu.memref_slice %arg5[%dma_wait3A_483, %dma_wait3A_484] : memref<50000x32xbf16, #tpu.memory_space<vmem_shared>> -> memref<125x32xbf16, #tpu.memory_space<vmem_shared>>
    tpu.wait_dma2 semaphore(%dma_wait3A_482 : memref<!tpu.dma_semaphore, #tpu.memory_space<semaphore_mem>>) src(%arg8 : memref<125x32xbf16, #tpu.memory_space<vmem>>) dst(%dma_wait3A_485 : memref<125x32xbf16, #tpu.memory_space<vmem_shared>>)
    %dma_wait3A_486 = arith.constant 0 : i32
    %dma_wait3A_487 = arith.constant 0 : i32
    %dma_wait3A_488 = arith.constant 0 : i32
    %dma_wait3A_489 = tpu.memref_slice %arg5[%dma_wait3A_487, %dma_wait3A_488] : memref<50000x32xbf16, #tpu.memory_space<vmem_shared>> -> memref<125x32xbf16, #tpu.memory_space<vmem_shared>>
    %dma_wait3A_490 = tpu.memref_slice %arg11[%dma_wait3A_486] : memref<8x!tpu.dma_semaphore, #tpu.memory_space<semaphore_mem>> -> memref<1x!tpu.dma_semaphore, #tpu.memory_space<semaphore_mem>>
    %dma_wait3A_491 = tpu.memref_squeeze %dma_wait3A_490 : memref<1x!tpu.dma_semaphore, #tpu.memory_space<semaphore_mem>> -> memref<!tpu.dma_semaphore, #tpu.memory_space<semaphore_mem>>
    %dma_wait3A_492 = arith.constant 0 : i32
    %dma_wait3A_493 = arith.constant 0 : i32
    %dma_wait3A_494 = tpu.memref_slice %arg5[%dma_wait3A_492, %dma_wait3A_493] : memref<50000x32xbf16, #tpu.memory_space<vmem_shared>> -> memref<125x32xbf16, #tpu.memory_space<vmem_shared>>
    tpu.wait_dma2 semaphore(%dma_wait3A_491 : memref<!tpu.dma_semaphore, #tpu.memory_space<semaphore_mem>>) src(%arg8 : memref<125x32xbf16, #tpu.memory_space<vmem>>) dst(%dma_wait3A_494 : memref<125x32xbf16, #tpu.memory_space<vmem_shared>>)
    %dma_wait3A_495 = arith.constant 0 : i32
    %dma_wait3A_496 = arith.constant 0 : i32
    %dma_wait3A_497 = arith.constant 0 : i32
    %dma_wait3A_498 = tpu.memref_slice %arg5[%dma_wait3A_496, %dma_wait3A_497] : memref<50000x32xbf16, #tpu.memory_space<vmem_shared>> -> memref<125x32xbf16, #tpu.memory_space<vmem_shared>>
    %dma_wait3A_499 = tpu.memref_slice %arg11[%dma_wait3A_495] : memref<8x!tpu.dma_semaphore, #tpu.memory_space<semaphore_mem>> -> memref<1x!tpu.dma_semaphore, #tpu.memory_space<semaphore_mem>>
    %dma_wait3A_500 = tpu.memref_squeeze %dma_wait3A_499 : memref<1x!tpu.dma_semaphore, #tpu.memory_space<semaphore_mem>> -> memref<!tpu.dma_semaphore, #tpu.memory_space<semaphore_mem>>
    %dma_wait3A_501 = arith.constant 0 : i32
    %dma_wait3A_502 = arith.constant 0 : i32
    %dma_wait3A_503 = tpu.memref_slice %arg5[%dma_wait3A_501, %dma_wait3A_502] : memref<50000x32xbf16, #tpu.memory_space<vmem_shared>> -> memref<125x32xbf16, #tpu.memory_space<vmem_shared>>
    tpu.wait_dma2 semaphore(%dma_wait3A_500 : memref<!tpu.dma_semaphore, #tpu.memory_space<semaphore_mem>>) src(%arg8 : memref<125x32xbf16, #tpu.memory_space<vmem>>) dst(%dma_wait3A_503 : memref<125x32xbf16, #tpu.memory_space<vmem_shared>>)
    %barrier3A = arith.constant 0 : index
    tpu.barrier barrier_id(%barrier3A)
    %rem3A = arith.constant 0 : i32
    %rem3A_504 = arith.constant 8 : i32
    %rem3A_505 = arith.remsi %rem3A, %rem3A_504 : i32
    %mul3A_506 = arith.constant 16 : i32
    %mul3A_507 = arith.constant 0 : i32
    %mul3A_508 = arith.muli %mul3A_506, %mul3A_507 : i32
    %add3A_509 = arith.addi %arg1, %mul3A_508 : i32
    %dma_start3A_510 = arith.constant 0 : i32
    %dma_start3A_511 = arith.constant 0 : i32
    %dma_start3A_512 = tpu.memref_slice %arg6[%rem3A_505, %dma_start3A_510, %dma_start3A_511] : memref<8x4x128xi32, #tpu.memory_space<vmem>> -> memref<1x4x128xi32, #tpu.memory_space<vmem>>
    %dma_start3A_513 = tpu.memref_squeeze %dma_start3A_512 : memref<1x4x128xi32, #tpu.memory_space<vmem>> -> memref<4x128xi32, #tpu.memory_space<vmem>>
    %dma_start3A_514 = arith.constant 0 : i32
    %dma_start3A_515 = arith.constant 0 : i32
    %dma_start3A_516 = tpu.memref_slice %arg2[%arg0, %add3A_509, %dma_start3A_514, %dma_start3A_515] : memref<2x3125x4x128xi32, #tpu.memory_space<hbm>> -> memref<1x1x4x128xi32, #tpu.memory_space<hbm>>
    %dma_start3A_517 = tpu.memref_squeeze %dma_start3A_516 : memref<1x1x4x128xi32, #tpu.memory_space<hbm>> -> memref<4x128xi32, #tpu.memory_space<hbm>>
    %dma_start3A_518 = tpu.memref_slice %arg9[%rem3A_505] : memref<8x!tpu.dma_semaphore, #tpu.memory_space<semaphore_mem>> -> memref<1x!tpu.dma_semaphore, #tpu.memory_space<semaphore_mem>>
    %dma_start3A_519 = tpu.memref_squeeze %dma_start3A_518 : memref<1x!tpu.dma_semaphore, #tpu.memory_space<semaphore_mem>> -> memref<!tpu.dma_semaphore, #tpu.memory_space<semaphore_mem>>
    %dma_start3A_520 = arith.constant 0 : i32
    %dma_start3A_521 = arith.constant 0 : i32
    %dma_start3A_522 = tpu.memref_slice %arg6[%rem3A_505, %dma_start3A_520, %dma_start3A_521] : memref<8x4x128xi32, #tpu.memory_space<vmem>> -> memref<1x4x128xi32, #tpu.memory_space<vmem>>
    %dma_start3A_523 = tpu.memref_squeeze %dma_start3A_522 : memref<1x4x128xi32, #tpu.memory_space<vmem>> -> memref<4x128xi32, #tpu.memory_space<vmem>>
    %dma_start3A_524 = arith.constant 0 : i32
    %dma_start3A_525 = arith.constant 0 : i32
    %dma_start3A_526 = tpu.memref_slice %arg2[%arg0, %add3A_509, %dma_start3A_524, %dma_start3A_525] : memref<2x3125x4x128xi32, #tpu.memory_space<hbm>> -> memref<1x1x4x128xi32, #tpu.memory_space<hbm>>
    %dma_start3A_527 = tpu.memref_squeeze %dma_start3A_526 : memref<1x1x4x128xi32, #tpu.memory_space<hbm>> -> memref<4x128xi32, #tpu.memory_space<hbm>>
    tpu.enqueue_dma source(%dma_start3A_527 : memref<4x128xi32, #tpu.memory_space<hbm>>) target(%dma_start3A_523 : memref<4x128xi32, #tpu.memory_space<vmem>>) target_semaphore(%dma_start3A_519 : memref<!tpu.dma_semaphore, #tpu.memory_space<semaphore_mem>>)
    %rem3A_528 = arith.constant 1 : i32
    %rem3A_529 = arith.constant 8 : i32
    %rem3A_530 = arith.remsi %rem3A_528, %rem3A_529 : i32
    %mul3A_531 = arith.constant 16 : i32
    %mul3A_532 = arith.constant 1 : i32
    %mul3A_533 = arith.muli %mul3A_531, %mul3A_532 : i32
    %add3A_534 = arith.addi %arg1, %mul3A_533 : i32
    %dma_start3A_535 = arith.constant 0 : i32
    %dma_start3A_536 = arith.constant 0 : i32
    %dma_start3A_537 = tpu.memref_slice %arg6[%rem3A_530, %dma_start3A_535, %dma_start3A_536] : memref<8x4x128xi32, #tpu.memory_space<vmem>> -> memref<1x4x128xi32, #tpu.memory_space<vmem>>
    %dma_start3A_538 = tpu.memref_squeeze %dma_start3A_537 : memref<1x4x128xi32, #tpu.memory_space<vmem>> -> memref<4x128xi32, #tpu.memory_space<vmem>>
    %dma_start3A_539 = arith.constant 0 : i32
    %dma_start3A_540 = arith.constant 0 : i32
    %dma_start3A_541 = tpu.memref_slice %arg2[%arg0, %add3A_534, %dma_start3A_539, %dma_start3A_540] : memref<2x3125x4x128xi32, #tpu.memory_space<hbm>> -> memref<1x1x4x128xi32, #tpu.memory_space<hbm>>
    %dma_start3A_542 = tpu.memref_squeeze %dma_start3A_541 : memref<1x1x4x128xi32, #tpu.memory_space<hbm>> -> memref<4x128xi32, #tpu.memory_space<hbm>>
    %dma_start3A_543 = tpu.memref_slice %arg9[%rem3A_530] : memref<8x!tpu.dma_semaphore, #tpu.memory_space<semaphore_mem>> -> memref<1x!tpu.dma_semaphore, #tpu.memory_space<semaphore_mem>>
    %dma_start3A_544 = tpu.memref_squeeze %dma_start3A_543 : memref<1x!tpu.dma_semaphore, #tpu.memory_space<semaphore_mem>> -> memref<!tpu.dma_semaphore, #tpu.memory_space<semaphore_mem>>
    %dma_start3A_545 = arith.constant 0 : i32
    %dma_start3A_546 = arith.constant 0 : i32
    %dma_start3A_547 = tpu.memref_slice %arg6[%rem3A_530, %dma_start3A_545, %dma_start3A_546] : memref<8x4x128xi32, #tpu.memory_space<vmem>> -> memref<1x4x128xi32, #tpu.memory_space<vmem>>
    %dma_start3A_548 = tpu.memref_squeeze %dma_start3A_547 : memref<1x4x128xi32, #tpu.memory_space<vmem>> -> memref<4x128xi32, #tpu.memory_space<vmem>>
    %dma_start3A_549 = arith.constant 0 : i32
    %dma_start3A_550 = arith.constant 0 : i32
    %dma_start3A_551 = tpu.memref_slice %arg2[%arg0, %add3A_534, %dma_start3A_549, %dma_start3A_550] : memref<2x3125x4x128xi32, #tpu.memory_space<hbm>> -> memref<1x1x4x128xi32, #tpu.memory_space<hbm>>
    %dma_start3A_552 = tpu.memref_squeeze %dma_start3A_551 : memref<1x1x4x128xi32, #tpu.memory_space<hbm>> -> memref<4x128xi32, #tpu.memory_space<hbm>>
    tpu.enqueue_dma source(%dma_start3A_552 : memref<4x128xi32, #tpu.memory_space<hbm>>) target(%dma_start3A_548 : memref<4x128xi32, #tpu.memory_space<vmem>>) target_semaphore(%dma_start3A_544 : memref<!tpu.dma_semaphore, #tpu.memory_space<semaphore_mem>>)
    %rem3A_553 = arith.constant 2 : i32
    %rem3A_554 = arith.constant 8 : i32
    %rem3A_555 = arith.remsi %rem3A_553, %rem3A_554 : i32
    %mul3A_556 = arith.constant 16 : i32
    %mul3A_557 = arith.constant 2 : i32
    %mul3A_558 = arith.muli %mul3A_556, %mul3A_557 : i32
    %add3A_559 = arith.addi %arg1, %mul3A_558 : i32
    %dma_start3A_560 = arith.constant 0 : i32
    %dma_start3A_561 = arith.constant 0 : i32
    %dma_start3A_562 = tpu.memref_slice %arg6[%rem3A_555, %dma_start3A_560, %dma_start3A_561] : memref<8x4x128xi32, #tpu.memory_space<vmem>> -> memref<1x4x128xi32, #tpu.memory_space<vmem>>
    %dma_start3A_563 = tpu.memref_squeeze %dma_start3A_562 : memref<1x4x128xi32, #tpu.memory_space<vmem>> -> memref<4x128xi32, #tpu.memory_space<vmem>>
    %dma_start3A_564 = arith.constant 0 : i32
    %dma_start3A_565 = arith.constant 0 : i32
    %dma_start3A_566 = tpu.memref_slice %arg2[%arg0, %add3A_559, %dma_start3A_564, %dma_start3A_565] : memref<2x3125x4x128xi32, #tpu.memory_space<hbm>> -> memref<1x1x4x128xi32, #tpu.memory_space<hbm>>
    %dma_start3A_567 = tpu.memref_squeeze %dma_start3A_566 : memref<1x1x4x128xi32, #tpu.memory_space<hbm>> -> memref<4x128xi32, #tpu.memory_space<hbm>>
    %dma_start3A_568 = tpu.memref_slice %arg9[%rem3A_555] : memref<8x!tpu.dma_semaphore, #tpu.memory_space<semaphore_mem>> -> memref<1x!tpu.dma_semaphore, #tpu.memory_space<semaphore_mem>>
    %dma_start3A_569 = tpu.memref_squeeze %dma_start3A_568 : memref<1x!tpu.dma_semaphore, #tpu.memory_space<semaphore_mem>> -> memref<!tpu.dma_semaphore, #tpu.memory_space<semaphore_mem>>
    %dma_start3A_570 = arith.constant 0 : i32
    %dma_start3A_571 = arith.constant 0 : i32
    %dma_start3A_572 = tpu.memref_slice %arg6[%rem3A_555, %dma_start3A_570, %dma_start3A_571] : memref<8x4x128xi32, #tpu.memory_space<vmem>> -> memref<1x4x128xi32, #tpu.memory_space<vmem>>
    %dma_start3A_573 = tpu.memref_squeeze %dma_start3A_572 : memref<1x4x128xi32, #tpu.memory_space<vmem>> -> memref<4x128xi32, #tpu.memory_space<vmem>>
    %dma_start3A_574 = arith.constant 0 : i32
    %dma_start3A_575 = arith.constant 0 : i32
    %dma_start3A_576 = tpu.memref_slice %arg2[%arg0, %add3A_559, %dma_start3A_574, %dma_start3A_575] : memref<2x3125x4x128xi32, #tpu.memory_space<hbm>> -> memref<1x1x4x128xi32, #tpu.memory_space<hbm>>
    %dma_start3A_577 = tpu.memref_squeeze %dma_start3A_576 : memref<1x1x4x128xi32, #tpu.memory_space<hbm>> -> memref<4x128xi32, #tpu.memory_space<hbm>>
    tpu.enqueue_dma source(%dma_start3A_577 : memref<4x128xi32, #tpu.memory_space<hbm>>) target(%dma_start3A_573 : memref<4x128xi32, #tpu.memory_space<vmem>>) target_semaphore(%dma_start3A_569 : memref<!tpu.dma_semaphore, #tpu.memory_space<semaphore_mem>>)
    %rem3A_578 = arith.constant 3 : i32
    %rem3A_579 = arith.constant 8 : i32
    %rem3A_580 = arith.remsi %rem3A_578, %rem3A_579 : i32
    %mul3A_581 = arith.constant 16 : i32
    %mul3A_582 = arith.constant 3 : i32
    %mul3A_583 = arith.muli %mul3A_581, %mul3A_582 : i32
    %add3A_584 = arith.addi %arg1, %mul3A_583 : i32
    %dma_start3A_585 = arith.constant 0 : i32
    %dma_start3A_586 = arith.constant 0 : i32
    %dma_start3A_587 = tpu.memref_slice %arg6[%rem3A_580, %dma_start3A_585, %dma_start3A_586] : memref<8x4x128xi32, #tpu.memory_space<vmem>> -> memref<1x4x128xi32, #tpu.memory_space<vmem>>
    %dma_start3A_588 = tpu.memref_squeeze %dma_start3A_587 : memref<1x4x128xi32, #tpu.memory_space<vmem>> -> memref<4x128xi32, #tpu.memory_space<vmem>>
    %dma_start3A_589 = arith.constant 0 : i32
    %dma_start3A_590 = arith.constant 0 : i32
    %dma_start3A_591 = tpu.memref_slice %arg2[%arg0, %add3A_584, %dma_start3A_589, %dma_start3A_590] : memref<2x3125x4x128xi32, #tpu.memory_space<hbm>> -> memref<1x1x4x128xi32, #tpu.memory_space<hbm>>
    %dma_start3A_592 = tpu.memref_squeeze %dma_start3A_591 : memref<1x1x4x128xi32, #tpu.memory_space<hbm>> -> memref<4x128xi32, #tpu.memory_space<hbm>>
    %dma_start3A_593 = tpu.memref_slice %arg9[%rem3A_580] : memref<8x!tpu.dma_semaphore, #tpu.memory_space<semaphore_mem>> -> memref<1x!tpu.dma_semaphore, #tpu.memory_space<semaphore_mem>>
    %dma_start3A_594 = tpu.memref_squeeze %dma_start3A_593 : memref<1x!tpu.dma_semaphore, #tpu.memory_space<semaphore_mem>> -> memref<!tpu.dma_semaphore, #tpu.memory_space<semaphore_mem>>
    %dma_start3A_595 = arith.constant 0 : i32
    %dma_start3A_596 = arith.constant 0 : i32
    %dma_start3A_597 = tpu.memref_slice %arg6[%rem3A_580, %dma_start3A_595, %dma_start3A_596] : memref<8x4x128xi32, #tpu.memory_space<vmem>> -> memref<1x4x128xi32, #tpu.memory_space<vmem>>
    %dma_start3A_598 = tpu.memref_squeeze %dma_start3A_597 : memref<1x4x128xi32, #tpu.memory_space<vmem>> -> memref<4x128xi32, #tpu.memory_space<vmem>>
    %dma_start3A_599 = arith.constant 0 : i32
    %dma_start3A_600 = arith.constant 0 : i32
    %dma_start3A_601 = tpu.memref_slice %arg2[%arg0, %add3A_584, %dma_start3A_599, %dma_start3A_600] : memref<2x3125x4x128xi32, #tpu.memory_space<hbm>> -> memref<1x1x4x128xi32, #tpu.memory_space<hbm>>
    %dma_start3A_602 = tpu.memref_squeeze %dma_start3A_601 : memref<1x1x4x128xi32, #tpu.memory_space<hbm>> -> memref<4x128xi32, #tpu.memory_space<hbm>>
    tpu.enqueue_dma source(%dma_start3A_602 : memref<4x128xi32, #tpu.memory_space<hbm>>) target(%dma_start3A_598 : memref<4x128xi32, #tpu.memory_space<vmem>>) target_semaphore(%dma_start3A_594 : memref<!tpu.dma_semaphore, #tpu.memory_space<semaphore_mem>>)
    %rem3A_603 = arith.constant 0 : i32
    %rem3A_604 = arith.constant 8 : i32
    %rem3A_605 = arith.remsi %rem3A_603, %rem3A_604 : i32
    %mul3A_606 = arith.constant 16 : i32
    %mul3A_607 = arith.constant 0 : i32
    %mul3A_608 = arith.muli %mul3A_606, %mul3A_607 : i32
    %add3A_609 = arith.addi %arg1, %mul3A_608 : i32
    %dma_wait3A_610 = arith.constant 0 : i32
    %dma_wait3A_611 = arith.constant 0 : i32
    %dma_wait3A_612 = tpu.memref_slice %arg6[%rem3A_605, %dma_wait3A_610, %dma_wait3A_611] : memref<8x4x128xi32, #tpu.memory_space<vmem>> -> memref<1x4x128xi32, #tpu.memory_space<vmem>>
    %dma_wait3A_613 = tpu.memref_squeeze %dma_wait3A_612 : memref<1x4x128xi32, #tpu.memory_space<vmem>> -> memref<4x128xi32, #tpu.memory_space<vmem>>
    %dma_wait3A_614 = arith.constant 0 : i32
    %dma_wait3A_615 = arith.constant 0 : i32
    %dma_wait3A_616 = tpu.memref_slice %arg2[%arg0, %add3A_609, %dma_wait3A_614, %dma_wait3A_615] : memref<2x3125x4x128xi32, #tpu.memory_space<hbm>> -> memref<1x1x4x128xi32, #tpu.memory_space<hbm>>
    %dma_wait3A_617 = tpu.memref_squeeze %dma_wait3A_616 : memref<1x1x4x128xi32, #tpu.memory_space<hbm>> -> memref<4x128xi32, #tpu.memory_space<hbm>>
    %dma_wait3A_618 = tpu.memref_slice %arg9[%rem3A_605] : memref<8x!tpu.dma_semaphore, #tpu.memory_space<semaphore_mem>> -> memref<1x!tpu.dma_semaphore, #tpu.memory_space<semaphore_mem>>
    %dma_wait3A_619 = tpu.memref_squeeze %dma_wait3A_618 : memref<1x!tpu.dma_semaphore, #tpu.memory_space<semaphore_mem>> -> memref<!tpu.dma_semaphore, #tpu.memory_space<semaphore_mem>>
    %dma_wait3A_620 = arith.constant 0 : i32
    %dma_wait3A_621 = arith.constant 0 : i32
    %dma_wait3A_622 = tpu.memref_slice %arg6[%rem3A_605, %dma_wait3A_620, %dma_wait3A_621] : memref<8x4x128xi32, #tpu.memory_space<vmem>> -> memref<1x4x128xi32, #tpu.memory_space<vmem>>
    %dma_wait3A_623 = tpu.memref_squeeze %dma_wait3A_622 : memref<1x4x128xi32, #tpu.memory_space<vmem>> -> memref<4x128xi32, #tpu.memory_space<vmem>>
    %dma_wait3A_624 = arith.constant 0 : i32
    %dma_wait3A_625 = arith.constant 0 : i32
    %dma_wait3A_626 = tpu.memref_slice %arg2[%arg0, %add3A_609, %dma_wait3A_624, %dma_wait3A_625] : memref<2x3125x4x128xi32, #tpu.memory_space<hbm>> -> memref<1x1x4x128xi32, #tpu.memory_space<hbm>>
    %dma_wait3A_627 = tpu.memref_squeeze %dma_wait3A_626 : memref<1x1x4x128xi32, #tpu.memory_space<hbm>> -> memref<4x128xi32, #tpu.memory_space<hbm>>
    tpu.wait_dma2 semaphore(%dma_wait3A_619 : memref<!tpu.dma_semaphore, #tpu.memory_space<semaphore_mem>>) src(%dma_wait3A_627 : memref<4x128xi32, #tpu.memory_space<hbm>>) dst(%dma_wait3A_623 : memref<4x128xi32, #tpu.memory_space<vmem>>)
    %rem3A_628 = arith.constant 0 : i32
    %rem3A_629 = arith.constant 8 : i32
    %rem3A_630 = arith.remsi %rem3A_628, %rem3A_629 : i32
    %rem3A_631 = arith.constant 0 : i32
    %rem3A_632 = arith.constant 8 : i32
    %rem3A_633 = arith.remsi %rem3A_631, %rem3A_632 : i32
    %dma_start3A_634 = arith.constant 0 : i32
    %dma_start3A_635 = arith.constant 0 : i32
    %dma_start3A_636 = arith.constant 0 : i32
    %dma_start3A_637 = arith.constant 0 : i32
    %dma_start3A_638 = tpu.memref_slice %arg7[%rem3A_633, %dma_start3A_635, %dma_start3A_636, %dma_start3A_637] : memref<8x2x128x32xbf16, #tpu.memory_space<vmem>> -> memref<1x1x128x32xbf16, #tpu.memory_space<vmem>>
    %dma_start3A_639 = tpu.memref_squeeze %dma_start3A_638 : memref<1x1x128x32xbf16, #tpu.memory_space<vmem>> -> memref<128x32xbf16, #tpu.memory_space<vmem>>
    %dma_start3A_640 = arith.constant 0 : i32
    %dma_start3A_641 = tpu.memref_slice %arg6[%rem3A_630, %dma_start3A_634, %dma_start3A_640] : memref<8x4x128xi32, #tpu.memory_space<vmem>> -> memref<1x1x128xi32, #tpu.memory_space<vmem>>
    %dma_start3A_642 = tpu.memref_squeeze %dma_start3A_641 : memref<1x1x128xi32, #tpu.memory_space<vmem>> -> memref<128xi32, #tpu.memory_space<vmem>>
    %dma_start3A_643 = arith.constant 0 : i32
    %dma_start3A_644 = arith.constant 0 : i32
    %dma_start3A_645 = tpu.memref_slice %arg3[%dma_start3A_643, %dma_start3A_644] : memref<100352x32xbf16, #tpu.memory_space<hbm>> -> memref<100352x32xbf16, #tpu.memory_space<hbm>>
    %dma_start3A_646 = tpu.memref_slice %arg10[%rem3A_633] : memref<8x!tpu.dma_semaphore, #tpu.memory_space<semaphore_mem>> -> memref<1x!tpu.dma_semaphore, #tpu.memory_space<semaphore_mem>>
    %dma_start3A_647 = tpu.memref_squeeze %dma_start3A_646 : memref<1x!tpu.dma_semaphore, #tpu.memory_space<semaphore_mem>> -> memref<!tpu.dma_semaphore, #tpu.memory_space<semaphore_mem>>
    tpu.enqueue_indirect_dma source(%dma_start3A_645 : memref<100352x32xbf16, #tpu.memory_space<hbm>>) target(%dma_start3A_639 : memref<128x32xbf16, #tpu.memory_space<vmem>>) offsets(%dma_start3A_642 : memref<128xi32, #tpu.memory_space<vmem>>) semaphore(%dma_start3A_647 : memref<!tpu.dma_semaphore, #tpu.memory_space<semaphore_mem>>)
    %dma_start3A_648 = arith.constant 1 : i32
    %dma_start3A_649 = arith.constant 1 : i32
    %dma_start3A_650 = arith.constant 0 : i32
    %dma_start3A_651 = arith.constant 0 : i32
    %dma_start3A_652 = tpu.memref_slice %arg7[%rem3A_633, %dma_start3A_649, %dma_start3A_650, %dma_start3A_651] : memref<8x2x128x32xbf16, #tpu.memory_space<vmem>> -> memref<1x1x128x32xbf16, #tpu.memory_space<vmem>>
    %dma_start3A_653 = tpu.memref_squeeze %dma_start3A_652 : memref<1x1x128x32xbf16, #tpu.memory_space<vmem>> -> memref<128x32xbf16, #tpu.memory_space<vmem>>
    %dma_start3A_654 = arith.constant 0 : i32
    %dma_start3A_655 = tpu.memref_slice %arg6[%rem3A_630, %dma_start3A_648, %dma_start3A_654] : memref<8x4x128xi32, #tpu.memory_space<vmem>> -> memref<1x1x128xi32, #tpu.memory_space<vmem>>
    %dma_start3A_656 = tpu.memref_squeeze %dma_start3A_655 : memref<1x1x128xi32, #tpu.memory_space<vmem>> -> memref<128xi32, #tpu.memory_space<vmem>>
    %dma_start3A_657 = arith.constant 0 : i32
    %dma_start3A_658 = arith.constant 0 : i32
    %dma_start3A_659 = tpu.memref_slice %arg3[%dma_start3A_657, %dma_start3A_658] : memref<100352x32xbf16, #tpu.memory_space<hbm>> -> memref<100352x32xbf16, #tpu.memory_space<hbm>>
    %dma_start3A_660 = tpu.memref_slice %arg10[%rem3A_633] : memref<8x!tpu.dma_semaphore, #tpu.memory_space<semaphore_mem>> -> memref<1x!tpu.dma_semaphore, #tpu.memory_space<semaphore_mem>>
    %dma_start3A_661 = tpu.memref_squeeze %dma_start3A_660 : memref<1x!tpu.dma_semaphore, #tpu.memory_space<semaphore_mem>> -> memref<!tpu.dma_semaphore, #tpu.memory_space<semaphore_mem>>
    tpu.enqueue_indirect_dma source(%dma_start3A_659 : memref<100352x32xbf16, #tpu.memory_space<hbm>>) target(%dma_start3A_653 : memref<128x32xbf16, #tpu.memory_space<vmem>>) offsets(%dma_start3A_656 : memref<128xi32, #tpu.memory_space<vmem>>) semaphore(%dma_start3A_661 : memref<!tpu.dma_semaphore, #tpu.memory_space<semaphore_mem>>)
    %rem3A_662 = arith.constant 1 : i32
    %rem3A_663 = arith.constant 8 : i32
    %rem3A_664 = arith.remsi %rem3A_662, %rem3A_663 : i32
    %mul3A_665 = arith.constant 16 : i32
    %mul3A_666 = arith.constant 1 : i32
    %mul3A_667 = arith.muli %mul3A_665, %mul3A_666 : i32
    %add3A_668 = arith.addi %arg1, %mul3A_667 : i32
    %dma_wait3A_669 = arith.constant 0 : i32
    %dma_wait3A_670 = arith.constant 0 : i32
    %dma_wait3A_671 = tpu.memref_slice %arg6[%rem3A_664, %dma_wait3A_669, %dma_wait3A_670] : memref<8x4x128xi32, #tpu.memory_space<vmem>> -> memref<1x4x128xi32, #tpu.memory_space<vmem>>
    %dma_wait3A_672 = tpu.memref_squeeze %dma_wait3A_671 : memref<1x4x128xi32, #tpu.memory_space<vmem>> -> memref<4x128xi32, #tpu.memory_space<vmem>>
    %dma_wait3A_673 = arith.constant 0 : i32
    %dma_wait3A_674 = arith.constant 0 : i32
    %dma_wait3A_675 = tpu.memref_slice %arg2[%arg0, %add3A_668, %dma_wait3A_673, %dma_wait3A_674] : memref<2x3125x4x128xi32, #tpu.memory_space<hbm>> -> memref<1x1x4x128xi32, #tpu.memory_space<hbm>>
    %dma_wait3A_676 = tpu.memref_squeeze %dma_wait3A_675 : memref<1x1x4x128xi32, #tpu.memory_space<hbm>> -> memref<4x128xi32, #tpu.memory_space<hbm>>
    %dma_wait3A_677 = tpu.memref_slice %arg9[%rem3A_664] : memref<8x!tpu.dma_semaphore, #tpu.memory_space<semaphore_mem>> -> memref<1x!tpu.dma_semaphore, #tpu.memory_space<semaphore_mem>>
    %dma_wait3A_678 = tpu.memref_squeeze %dma_wait3A_677 : memref<1x!tpu.dma_semaphore, #tpu.memory_space<semaphore_mem>> -> memref<!tpu.dma_semaphore, #tpu.memory_space<semaphore_mem>>
    %dma_wait3A_679 = arith.constant 0 : i32
    %dma_wait3A_680 = arith.constant 0 : i32
    %dma_wait3A_681 = tpu.memref_slice %arg6[%rem3A_664, %dma_wait3A_679, %dma_wait3A_680] : memref<8x4x128xi32, #tpu.memory_space<vmem>> -> memref<1x4x128xi32, #tpu.memory_space<vmem>>
    %dma_wait3A_682 = tpu.memref_squeeze %dma_wait3A_681 : memref<1x4x128xi32, #tpu.memory_space<vmem>> -> memref<4x128xi32, #tpu.memory_space<vmem>>
    %dma_wait3A_683 = arith.constant 0 : i32
    %dma_wait3A_684 = arith.constant 0 : i32
    %dma_wait3A_685 = tpu.memref_slice %arg2[%arg0, %add3A_668, %dma_wait3A_683, %dma_wait3A_684] : memref<2x3125x4x128xi32, #tpu.memory_space<hbm>> -> memref<1x1x4x128xi32, #tpu.memory_space<hbm>>
    %dma_wait3A_686 = tpu.memref_squeeze %dma_wait3A_685 : memref<1x1x4x128xi32, #tpu.memory_space<hbm>> -> memref<4x128xi32, #tpu.memory_space<hbm>>
    tpu.wait_dma2 semaphore(%dma_wait3A_678 : memref<!tpu.dma_semaphore, #tpu.memory_space<semaphore_mem>>) src(%dma_wait3A_686 : memref<4x128xi32, #tpu.memory_space<hbm>>) dst(%dma_wait3A_682 : memref<4x128xi32, #tpu.memory_space<vmem>>)
    %rem3A_687 = arith.constant 1 : i32
    %rem3A_688 = arith.constant 8 : i32
    %rem3A_689 = arith.remsi %rem3A_687, %rem3A_688 : i32
    %rem3A_690 = arith.constant 1 : i32
    %rem3A_691 = arith.constant 8 : i32
    %rem3A_692 = arith.remsi %rem3A_690, %rem3A_691 : i32
    %dma_start3A_693 = arith.constant 0 : i32
    %dma_start3A_694 = arith.constant 0 : i32
    %dma_start3A_695 = arith.constant 0 : i32
    %dma_start3A_696 = arith.constant 0 : i32
    %dma_start3A_697 = tpu.memref_slice %arg7[%rem3A_692, %dma_start3A_694, %dma_start3A_695, %dma_start3A_696] : memref<8x2x128x32xbf16, #tpu.memory_space<vmem>> -> memref<1x1x128x32xbf16, #tpu.memory_space<vmem>>
    %dma_start3A_698 = tpu.memref_squeeze %dma_start3A_697 : memref<1x1x128x32xbf16, #tpu.memory_space<vmem>> -> memref<128x32xbf16, #tpu.memory_space<vmem>>
    %dma_start3A_699 = arith.constant 0 : i32
    %dma_start3A_700 = tpu.memref_slice %arg6[%rem3A_689, %dma_start3A_693, %dma_start3A_699] : memref<8x4x128xi32, #tpu.memory_space<vmem>> -> memref<1x1x128xi32, #tpu.memory_space<vmem>>
    %dma_start3A_701 = tpu.memref_squeeze %dma_start3A_700 : memref<1x1x128xi32, #tpu.memory_space<vmem>> -> memref<128xi32, #tpu.memory_space<vmem>>
    %dma_start3A_702 = arith.constant 0 : i32
    %dma_start3A_703 = arith.constant 0 : i32
    %dma_start3A_704 = tpu.memref_slice %arg3[%dma_start3A_702, %dma_start3A_703] : memref<100352x32xbf16, #tpu.memory_space<hbm>> -> memref<100352x32xbf16, #tpu.memory_space<hbm>>
    %dma_start3A_705 = tpu.memref_slice %arg10[%rem3A_692] : memref<8x!tpu.dma_semaphore, #tpu.memory_space<semaphore_mem>> -> memref<1x!tpu.dma_semaphore, #tpu.memory_space<semaphore_mem>>
    %dma_start3A_706 = tpu.memref_squeeze %dma_start3A_705 : memref<1x!tpu.dma_semaphore, #tpu.memory_space<semaphore_mem>> -> memref<!tpu.dma_semaphore, #tpu.memory_space<semaphore_mem>>
    tpu.enqueue_indirect_dma source(%dma_start3A_704 : memref<100352x32xbf16, #tpu.memory_space<hbm>>) target(%dma_start3A_698 : memref<128x32xbf16, #tpu.memory_space<vmem>>) offsets(%dma_start3A_701 : memref<128xi32, #tpu.memory_space<vmem>>) semaphore(%dma_start3A_706 : memref<!tpu.dma_semaphore, #tpu.memory_space<semaphore_mem>>)
    %dma_start3A_707 = arith.constant 1 : i32
    %dma_start3A_708 = arith.constant 1 : i32
    %dma_start3A_709 = arith.constant 0 : i32
    %dma_start3A_710 = arith.constant 0 : i32
    %dma_start3A_711 = tpu.memref_slice %arg7[%rem3A_692, %dma_start3A_708, %dma_start3A_709, %dma_start3A_710] : memref<8x2x128x32xbf16, #tpu.memory_space<vmem>> -> memref<1x1x128x32xbf16, #tpu.memory_space<vmem>>
    %dma_start3A_712 = tpu.memref_squeeze %dma_start3A_711 : memref<1x1x128x32xbf16, #tpu.memory_space<vmem>> -> memref<128x32xbf16, #tpu.memory_space<vmem>>
    %dma_start3A_713 = arith.constant 0 : i32
    %dma_start3A_714 = tpu.memref_slice %arg6[%rem3A_689, %dma_start3A_707, %dma_start3A_713] : memref<8x4x128xi32, #tpu.memory_space<vmem>> -> memref<1x1x128xi32, #tpu.memory_space<vmem>>
    %dma_start3A_715 = tpu.memref_squeeze %dma_start3A_714 : memref<1x1x128xi32, #tpu.memory_space<vmem>> -> memref<128xi32, #tpu.memory_space<vmem>>
    %dma_start3A_716 = arith.constant 0 : i32
    %dma_start3A_717 = arith.constant 0 : i32
    %dma_start3A_718 = tpu.memref_slice %arg3[%dma_start3A_716, %dma_start3A_717] : memref<100352x32xbf16, #tpu.memory_space<hbm>> -> memref<100352x32xbf16, #tpu.memory_space<hbm>>
    %dma_start3A_719 = tpu.memref_slice %arg10[%rem3A_692] : memref<8x!tpu.dma_semaphore, #tpu.memory_space<semaphore_mem>> -> memref<1x!tpu.dma_semaphore, #tpu.memory_space<semaphore_mem>>
    %dma_start3A_720 = tpu.memref_squeeze %dma_start3A_719 : memref<1x!tpu.dma_semaphore, #tpu.memory_space<semaphore_mem>> -> memref<!tpu.dma_semaphore, #tpu.memory_space<semaphore_mem>>
    tpu.enqueue_indirect_dma source(%dma_start3A_718 : memref<100352x32xbf16, #tpu.memory_space<hbm>>) target(%dma_start3A_712 : memref<128x32xbf16, #tpu.memory_space<vmem>>) offsets(%dma_start3A_715 : memref<128xi32, #tpu.memory_space<vmem>>) semaphore(%dma_start3A_720 : memref<!tpu.dma_semaphore, #tpu.memory_space<semaphore_mem>>)
    %rem3A_721 = arith.constant 2 : i32
    %rem3A_722 = arith.constant 8 : i32
    %rem3A_723 = arith.remsi %rem3A_721, %rem3A_722 : i32
    %mul3A_724 = arith.constant 16 : i32
    %mul3A_725 = arith.constant 2 : i32
    %mul3A_726 = arith.muli %mul3A_724, %mul3A_725 : i32
    %add3A_727 = arith.addi %arg1, %mul3A_726 : i32
    %dma_wait3A_728 = arith.constant 0 : i32
    %dma_wait3A_729 = arith.constant 0 : i32
    %dma_wait3A_730 = tpu.memref_slice %arg6[%rem3A_723, %dma_wait3A_728, %dma_wait3A_729] : memref<8x4x128xi32, #tpu.memory_space<vmem>> -> memref<1x4x128xi32, #tpu.memory_space<vmem>>
    %dma_wait3A_731 = tpu.memref_squeeze %dma_wait3A_730 : memref<1x4x128xi32, #tpu.memory_space<vmem>> -> memref<4x128xi32, #tpu.memory_space<vmem>>
    %dma_wait3A_732 = arith.constant 0 : i32
    %dma_wait3A_733 = arith.constant 0 : i32
    %dma_wait3A_734 = tpu.memref_slice %arg2[%arg0, %add3A_727, %dma_wait3A_732, %dma_wait3A_733] : memref<2x3125x4x128xi32, #tpu.memory_space<hbm>> -> memref<1x1x4x128xi32, #tpu.memory_space<hbm>>
    %dma_wait3A_735 = tpu.memref_squeeze %dma_wait3A_734 : memref<1x1x4x128xi32, #tpu.memory_space<hbm>> -> memref<4x128xi32, #tpu.memory_space<hbm>>
    %dma_wait3A_736 = tpu.memref_slice %arg9[%rem3A_723] : memref<8x!tpu.dma_semaphore, #tpu.memory_space<semaphore_mem>> -> memref<1x!tpu.dma_semaphore, #tpu.memory_space<semaphore_mem>>
    %dma_wait3A_737 = tpu.memref_squeeze %dma_wait3A_736 : memref<1x!tpu.dma_semaphore, #tpu.memory_space<semaphore_mem>> -> memref<!tpu.dma_semaphore, #tpu.memory_space<semaphore_mem>>
    %dma_wait3A_738 = arith.constant 0 : i32
    %dma_wait3A_739 = arith.constant 0 : i32
    %dma_wait3A_740 = tpu.memref_slice %arg6[%rem3A_723, %dma_wait3A_738, %dma_wait3A_739] : memref<8x4x128xi32, #tpu.memory_space<vmem>> -> memref<1x4x128xi32, #tpu.memory_space<vmem>>
    %dma_wait3A_741 = tpu.memref_squeeze %dma_wait3A_740 : memref<1x4x128xi32, #tpu.memory_space<vmem>> -> memref<4x128xi32, #tpu.memory_space<vmem>>
    %dma_wait3A_742 = arith.constant 0 : i32
    %dma_wait3A_743 = arith.constant 0 : i32
    %dma_wait3A_744 = tpu.memref_slice %arg2[%arg0, %add3A_727, %dma_wait3A_742, %dma_wait3A_743] : memref<2x3125x4x128xi32, #tpu.memory_space<hbm>> -> memref<1x1x4x128xi32, #tpu.memory_space<hbm>>
    %dma_wait3A_745 = tpu.memref_squeeze %dma_wait3A_744 : memref<1x1x4x128xi32, #tpu.memory_space<hbm>> -> memref<4x128xi32, #tpu.memory_space<hbm>>
    tpu.wait_dma2 semaphore(%dma_wait3A_737 : memref<!tpu.dma_semaphore, #tpu.memory_space<semaphore_mem>>) src(%dma_wait3A_745 : memref<4x128xi32, #tpu.memory_space<hbm>>) dst(%dma_wait3A_741 : memref<4x128xi32, #tpu.memory_space<vmem>>)
    %rem3A_746 = arith.constant 2 : i32
    %rem3A_747 = arith.constant 8 : i32
    %rem3A_748 = arith.remsi %rem3A_746, %rem3A_747 : i32
    %rem3A_749 = arith.constant 2 : i32
    %rem3A_750 = arith.constant 8 : i32
    %rem3A_751 = arith.remsi %rem3A_749, %rem3A_750 : i32
    %dma_start3A_752 = arith.constant 0 : i32
    %dma_start3A_753 = arith.constant 0 : i32
    %dma_start3A_754 = arith.constant 0 : i32
    %dma_start3A_755 = arith.constant 0 : i32
    %dma_start3A_756 = tpu.memref_slice %arg7[%rem3A_751, %dma_start3A_753, %dma_start3A_754, %dma_start3A_755] : memref<8x2x128x32xbf16, #tpu.memory_space<vmem>> -> memref<1x1x128x32xbf16, #tpu.memory_space<vmem>>
    %dma_start3A_757 = tpu.memref_squeeze %dma_start3A_756 : memref<1x1x128x32xbf16, #tpu.memory_space<vmem>> -> memref<128x32xbf16, #tpu.memory_space<vmem>>
    %dma_start3A_758 = arith.constant 0 : i32
    %dma_start3A_759 = tpu.memref_slice %arg6[%rem3A_748, %dma_start3A_752, %dma_start3A_758] : memref<8x4x128xi32, #tpu.memory_space<vmem>> -> memref<1x1x128xi32, #tpu.memory_space<vmem>>
    %dma_start3A_760 = tpu.memref_squeeze %dma_start3A_759 : memref<1x1x128xi32, #tpu.memory_space<vmem>> -> memref<128xi32, #tpu.memory_space<vmem>>
    %dma_start3A_761 = arith.constant 0 : i32
    %dma_start3A_762 = arith.constant 0 : i32
    %dma_start3A_763 = tpu.memref_slice %arg3[%dma_start3A_761, %dma_start3A_762] : memref<100352x32xbf16, #tpu.memory_space<hbm>> -> memref<100352x32xbf16, #tpu.memory_space<hbm>>
    %dma_start3A_764 = tpu.memref_slice %arg10[%rem3A_751] : memref<8x!tpu.dma_semaphore, #tpu.memory_space<semaphore_mem>> -> memref<1x!tpu.dma_semaphore, #tpu.memory_space<semaphore_mem>>
    %dma_start3A_765 = tpu.memref_squeeze %dma_start3A_764 : memref<1x!tpu.dma_semaphore, #tpu.memory_space<semaphore_mem>> -> memref<!tpu.dma_semaphore, #tpu.memory_space<semaphore_mem>>
    tpu.enqueue_indirect_dma source(%dma_start3A_763 : memref<100352x32xbf16, #tpu.memory_space<hbm>>) target(%dma_start3A_757 : memref<128x32xbf16, #tpu.memory_space<vmem>>) offsets(%dma_start3A_760 : memref<128xi32, #tpu.memory_space<vmem>>) semaphore(%dma_start3A_765 : memref<!tpu.dma_semaphore, #tpu.memory_space<semaphore_mem>>)
    %dma_start3A_766 = arith.constant 1 : i32
    %dma_start3A_767 = arith.constant 1 : i32
    %dma_start3A_768 = arith.constant 0 : i32
    %dma_start3A_769 = arith.constant 0 : i32
    %dma_start3A_770 = tpu.memref_slice %arg7[%rem3A_751, %dma_start3A_767, %dma_start3A_768, %dma_start3A_769] : memref<8x2x128x32xbf16, #tpu.memory_space<vmem>> -> memref<1x1x128x32xbf16, #tpu.memory_space<vmem>>
    %dma_start3A_771 = tpu.memref_squeeze %dma_start3A_770 : memref<1x1x128x32xbf16, #tpu.memory_space<vmem>> -> memref<128x32xbf16, #tpu.memory_space<vmem>>
    %dma_start3A_772 = arith.constant 0 : i32
    %dma_start3A_773 = tpu.memref_slice %arg6[%rem3A_748, %dma_start3A_766, %dma_start3A_772] : memref<8x4x128xi32, #tpu.memory_space<vmem>> -> memref<1x1x128xi32, #tpu.memory_space<vmem>>
    %dma_start3A_774 = tpu.memref_squeeze %dma_start3A_773 : memref<1x1x128xi32, #tpu.memory_space<vmem>> -> memref<128xi32, #tpu.memory_space<vmem>>
    %dma_start3A_775 = arith.constant 0 : i32
    %dma_start3A_776 = arith.constant 0 : i32
    %dma_start3A_777 = tpu.memref_slice %arg3[%dma_start3A_775, %dma_start3A_776] : memref<100352x32xbf16, #tpu.memory_space<hbm>> -> memref<100352x32xbf16, #tpu.memory_space<hbm>>
    %dma_start3A_778 = tpu.memref_slice %arg10[%rem3A_751] : memref<8x!tpu.dma_semaphore, #tpu.memory_space<semaphore_mem>> -> memref<1x!tpu.dma_semaphore, #tpu.memory_space<semaphore_mem>>
    %dma_start3A_779 = tpu.memref_squeeze %dma_start3A_778 : memref<1x!tpu.dma_semaphore, #tpu.memory_space<semaphore_mem>> -> memref<!tpu.dma_semaphore, #tpu.memory_space<semaphore_mem>>
    tpu.enqueue_indirect_dma source(%dma_start3A_777 : memref<100352x32xbf16, #tpu.memory_space<hbm>>) target(%dma_start3A_771 : memref<128x32xbf16, #tpu.memory_space<vmem>>) offsets(%dma_start3A_774 : memref<128xi32, #tpu.memory_space<vmem>>) semaphore(%dma_start3A_779 : memref<!tpu.dma_semaphore, #tpu.memory_space<semaphore_mem>>)
    %scan3A_780 = arith.constant 0 : i32
    %scan3A_781 = arith.constant 0 : i32
    %scan3A_782 = arith.constant 196 : i32
    %scan3A_783 = arith.addi %scan3A_781, %scan3A_782 : i32
    %scan3A_784 = arith.constant 1 : i32
    scf.for %scan3A_816 = %scan3A_781 to %scan3A_783 step %scan3A_784  : i32 {
      %lt3A_817 = arith.cmpi slt, %scan3A_816, %select_n3A : i32
      %convert_element_type3A_818 = arith.extui %lt3A_817 : i1 to i32
      %cond3A_819 = arith.constant 0 : i32
      %cond3A_820 = arith.cmpi ne, %convert_element_type3A_818, %cond3A_819 : i32
      scf.if %cond3A_820 {
        %rem3A_821 = arith.constant 8 : i32
        %rem3A_822 = arith.remsi %scan3A_816, %rem3A_821 : i32
        %rem3A_823 = arith.constant 8 : i32
        %rem3A_824 = arith.remsi %scan3A_816, %rem3A_823 : i32
        %dma_wait3A_825 = arith.constant 0 : i32
        %dma_wait3A_826 = arith.constant 0 : i32
        %dma_wait3A_827 = arith.constant 0 : i32
        %dma_wait3A_828 = arith.constant 0 : i32
        %dma_wait3A_829 = tpu.memref_slice %arg7[%rem3A_824, %dma_wait3A_826, %dma_wait3A_827, %dma_wait3A_828] : memref<8x2x128x32xbf16, #tpu.memory_space<vmem>> -> memref<1x1x128x32xbf16, #tpu.memory_space<vmem>>
        %dma_wait3A_830 = tpu.memref_squeeze %dma_wait3A_829 : memref<1x1x128x32xbf16, #tpu.memory_space<vmem>> -> memref<128x32xbf16, #tpu.memory_space<vmem>>
        %dma_wait3A_831 = arith.constant 0 : i32
        %dma_wait3A_832 = tpu.memref_slice %arg6[%rem3A_822, %dma_wait3A_825, %dma_wait3A_831] : memref<8x4x128xi32, #tpu.memory_space<vmem>> -> memref<1x1x128xi32, #tpu.memory_space<vmem>>
        %dma_wait3A_833 = tpu.memref_squeeze %dma_wait3A_832 : memref<1x1x128xi32, #tpu.memory_space<vmem>> -> memref<128xi32, #tpu.memory_space<vmem>>
        %dma_wait3A_834 = arith.constant 0 : i32
        %dma_wait3A_835 = arith.constant 0 : i32
        %dma_wait3A_836 = tpu.memref_slice %arg3[%dma_wait3A_834, %dma_wait3A_835] : memref<100352x32xbf16, #tpu.memory_space<hbm>> -> memref<100352x32xbf16, #tpu.memory_space<hbm>>
        %dma_wait3A_837 = tpu.memref_slice %arg10[%rem3A_824] : memref<8x!tpu.dma_semaphore, #tpu.memory_space<semaphore_mem>> -> memref<1x!tpu.dma_semaphore, #tpu.memory_space<semaphore_mem>>
        %dma_wait3A_838 = tpu.memref_squeeze %dma_wait3A_837 : memref<1x!tpu.dma_semaphore, #tpu.memory_space<semaphore_mem>> -> memref<!tpu.dma_semaphore, #tpu.memory_space<semaphore_mem>>
        tpu.wait_indirect_dma semaphore(%dma_wait3A_838 : memref<!tpu.dma_semaphore, #tpu.memory_space<semaphore_mem>>) src(%dma_wait3A_836 : memref<100352x32xbf16, #tpu.memory_space<hbm>>) dst(%dma_wait3A_830 : memref<128x32xbf16, #tpu.memory_space<vmem>>)
        %dma_wait3A_839 = arith.constant 1 : i32
        %dma_wait3A_840 = arith.constant 1 : i32
        %dma_wait3A_841 = arith.constant 0 : i32
        %dma_wait3A_842 = arith.constant 0 : i32
        %dma_wait3A_843 = tpu.memref_slice %arg7[%rem3A_824, %dma_wait3A_840, %dma_wait3A_841, %dma_wait3A_842] : memref<8x2x128x32xbf16, #tpu.memory_space<vmem>> -> memref<1x1x128x32xbf16, #tpu.memory_space<vmem>>
        %dma_wait3A_844 = tpu.memref_squeeze %dma_wait3A_843 : memref<1x1x128x32xbf16, #tpu.memory_space<vmem>> -> memref<128x32xbf16, #tpu.memory_space<vmem>>
        %dma_wait3A_845 = arith.constant 0 : i32
        %dma_wait3A_846 = tpu.memref_slice %arg6[%rem3A_822, %dma_wait3A_839, %dma_wait3A_845] : memref<8x4x128xi32, #tpu.memory_space<vmem>> -> memref<1x1x128xi32, #tpu.memory_space<vmem>>
        %dma_wait3A_847 = tpu.memref_squeeze %dma_wait3A_846 : memref<1x1x128xi32, #tpu.memory_space<vmem>> -> memref<128xi32, #tpu.memory_space<vmem>>
        %dma_wait3A_848 = arith.constant 0 : i32
        %dma_wait3A_849 = arith.constant 0 : i32
        %dma_wait3A_850 = tpu.memref_slice %arg3[%dma_wait3A_848, %dma_wait3A_849] : memref<100352x32xbf16, #tpu.memory_space<hbm>> -> memref<100352x32xbf16, #tpu.memory_space<hbm>>
        %dma_wait3A_851 = tpu.memref_slice %arg10[%rem3A_824] : memref<8x!tpu.dma_semaphore, #tpu.memory_space<semaphore_mem>> -> memref<1x!tpu.dma_semaphore, #tpu.memory_space<semaphore_mem>>
        %dma_wait3A_852 = tpu.memref_squeeze %dma_wait3A_851 : memref<1x!tpu.dma_semaphore, #tpu.memory_space<semaphore_mem>> -> memref<!tpu.dma_semaphore, #tpu.memory_space<semaphore_mem>>
        tpu.wait_indirect_dma semaphore(%dma_wait3A_852 : memref<!tpu.dma_semaphore, #tpu.memory_space<semaphore_mem>>) src(%dma_wait3A_850 : memref<100352x32xbf16, #tpu.memory_space<hbm>>) dst(%dma_wait3A_844 : memref<128x32xbf16, #tpu.memory_space<vmem>>)
        %rem3A_853 = arith.constant 8 : i32
        %rem3A_854 = arith.remsi %scan3A_816, %rem3A_853 : i32
        %rem3A_855 = arith.constant 8 : i32
        %rem3A_856 = arith.remsi %scan3A_816, %rem3A_855 : i32
        %dma_start3A_857 = arith.constant 0 : i32
        %dma_start3A_858 = arith.constant 2 : i32
        %dma_start3A_859 = arith.constant 0 : i32
        %dma_start3A_860 = arith.constant 0 : i32
        %dma_start3A_861 = tpu.memref_slice %arg7[%rem3A_856, %dma_start3A_857, %dma_start3A_859, %dma_start3A_860] : memref<8x2x128x32xbf16, #tpu.memory_space<vmem>> -> memref<1x1x128x32xbf16, #tpu.memory_space<vmem>>
        %dma_start3A_862 = tpu.memref_squeeze %dma_start3A_861 : memref<1x1x128x32xbf16, #tpu.memory_space<vmem>> -> memref<128x32xbf16, #tpu.memory_space<vmem>>
        %dma_start3A_863 = arith.constant 0 : i32
        %dma_start3A_864 = tpu.memref_slice %arg6[%rem3A_854, %dma_start3A_858, %dma_start3A_863] : memref<8x4x128xi32, #tpu.memory_space<vmem>> -> memref<1x1x128xi32, #tpu.memory_space<vmem>>
        %dma_start3A_865 = tpu.memref_squeeze %dma_start3A_864 : memref<1x1x128xi32, #tpu.memory_space<vmem>> -> memref<128xi32, #tpu.memory_space<vmem>>
        %dma_start3A_866 = arith.constant 0 : i32
        %dma_start3A_867 = arith.constant 0 : i32
        %dma_start3A_868 = tpu.memref_slice %arg5[%dma_start3A_866, %dma_start3A_867] : memref<50000x32xbf16, #tpu.memory_space<vmem_shared>> -> memref<50000x32xbf16, #tpu.memory_space<vmem_shared>>
        %dma_start3A_869 = tpu.memref_slice %arg11[%rem3A_856] : memref<8x!tpu.dma_semaphore, #tpu.memory_space<semaphore_mem>> -> memref<1x!tpu.dma_semaphore, #tpu.memory_space<semaphore_mem>>
        %dma_start3A_870 = tpu.memref_squeeze %dma_start3A_869 : memref<1x!tpu.dma_semaphore, #tpu.memory_space<semaphore_mem>> -> memref<!tpu.dma_semaphore, #tpu.memory_space<semaphore_mem>>
        tpu.enqueue_indirect_dma source(%dma_start3A_862 : memref<128x32xbf16, #tpu.memory_space<vmem>>) target(%dma_start3A_868 : memref<50000x32xbf16, #tpu.memory_space<vmem_shared>>) offsets(%dma_start3A_865 : memref<128xi32, #tpu.memory_space<vmem>>) semaphore(%dma_start3A_870 : memref<!tpu.dma_semaphore, #tpu.memory_space<semaphore_mem>>) {add = true}
        %dma_start3A_871 = arith.constant 1 : i32
        %dma_start3A_872 = arith.constant 3 : i32
        %dma_start3A_873 = arith.constant 0 : i32
        %dma_start3A_874 = arith.constant 0 : i32
        %dma_start3A_875 = tpu.memref_slice %arg7[%rem3A_856, %dma_start3A_871, %dma_start3A_873, %dma_start3A_874] : memref<8x2x128x32xbf16, #tpu.memory_space<vmem>> -> memref<1x1x128x32xbf16, #tpu.memory_space<vmem>>
        %dma_start3A_876 = tpu.memref_squeeze %dma_start3A_875 : memref<1x1x128x32xbf16, #tpu.memory_space<vmem>> -> memref<128x32xbf16, #tpu.memory_space<vmem>>
        %dma_start3A_877 = arith.constant 0 : i32
        %dma_start3A_878 = tpu.memref_slice %arg6[%rem3A_854, %dma_start3A_872, %dma_start3A_877] : memref<8x4x128xi32, #tpu.memory_space<vmem>> -> memref<1x1x128xi32, #tpu.memory_space<vmem>>
        %dma_start3A_879 = tpu.memref_squeeze %dma_start3A_878 : memref<1x1x128xi32, #tpu.memory_space<vmem>> -> memref<128xi32, #tpu.memory_space<vmem>>
        %dma_start3A_880 = arith.constant 0 : i32
        %dma_start3A_881 = arith.constant 0 : i32
        %dma_start3A_882 = tpu.memref_slice %arg5[%dma_start3A_880, %dma_start3A_881] : memref<50000x32xbf16, #tpu.memory_space<vmem_shared>> -> memref<50000x32xbf16, #tpu.memory_space<vmem_shared>>
        %dma_start3A_883 = tpu.memref_slice %arg11[%rem3A_856] : memref<8x!tpu.dma_semaphore, #tpu.memory_space<semaphore_mem>> -> memref<1x!tpu.dma_semaphore, #tpu.memory_space<semaphore_mem>>
        %dma_start3A_884 = tpu.memref_squeeze %dma_start3A_883 : memref<1x!tpu.dma_semaphore, #tpu.memory_space<semaphore_mem>> -> memref<!tpu.dma_semaphore, #tpu.memory_space<semaphore_mem>>
        tpu.enqueue_indirect_dma source(%dma_start3A_876 : memref<128x32xbf16, #tpu.memory_space<vmem>>) target(%dma_start3A_882 : memref<50000x32xbf16, #tpu.memory_space<vmem_shared>>) offsets(%dma_start3A_879 : memref<128xi32, #tpu.memory_space<vmem>>) semaphore(%dma_start3A_884 : memref<!tpu.dma_semaphore, #tpu.memory_space<semaphore_mem>>) {add = true}
        %add3A_885 = arith.constant 4 : i32
        %add3A_886 = arith.addi %scan3A_816, %add3A_885 : i32
        %lt3A_887 = arith.cmpi slt, %add3A_886, %select_n3A : i32
        %convert_element_type3A_888 = arith.extui %lt3A_887 : i1 to i32
        %cond3A_889 = arith.constant 0 : i32
        %cond3A_890 = arith.cmpi ne, %convert_element_type3A_888, %cond3A_889 : i32
        scf.if %cond3A_890 {
          %add3A_897 = arith.constant 4 : i32
          %add3A_898 = arith.addi %scan3A_816, %add3A_897 : i32
          %rem3A_899 = arith.constant 8 : i32
          %rem3A_900 = arith.remsi %add3A_898, %rem3A_899 : i32
          %mul3A_901 = arith.constant 16 : i32
          %mul3A_902 = arith.muli %mul3A_901, %add3A_898 : i32
          %add3A_903 = arith.addi %arg1, %mul3A_902 : i32
          %dma_start3A_904 = arith.constant 0 : i32
          %dma_start3A_905 = arith.constant 0 : i32
          %dma_start3A_906 = tpu.memref_slice %arg6[%rem3A_900, %dma_start3A_904, %dma_start3A_905] : memref<8x4x128xi32, #tpu.memory_space<vmem>> -> memref<1x4x128xi32, #tpu.memory_space<vmem>>
          %dma_start3A_907 = tpu.memref_squeeze %dma_start3A_906 : memref<1x4x128xi32, #tpu.memory_space<vmem>> -> memref<4x128xi32, #tpu.memory_space<vmem>>
          %dma_start3A_908 = arith.constant 0 : i32
          %dma_start3A_909 = arith.constant 0 : i32
          %dma_start3A_910 = tpu.memref_slice %arg2[%arg0, %add3A_903, %dma_start3A_908, %dma_start3A_909] : memref<2x3125x4x128xi32, #tpu.memory_space<hbm>> -> memref<1x1x4x128xi32, #tpu.memory_space<hbm>>
          %dma_start3A_911 = tpu.memref_squeeze %dma_start3A_910 : memref<1x1x4x128xi32, #tpu.memory_space<hbm>> -> memref<4x128xi32, #tpu.memory_space<hbm>>
          %dma_start3A_912 = tpu.memref_slice %arg9[%rem3A_900] : memref<8x!tpu.dma_semaphore, #tpu.memory_space<semaphore_mem>> -> memref<1x!tpu.dma_semaphore, #tpu.memory_space<semaphore_mem>>
          %dma_start3A_913 = tpu.memref_squeeze %dma_start3A_912 : memref<1x!tpu.dma_semaphore, #tpu.memory_space<semaphore_mem>> -> memref<!tpu.dma_semaphore, #tpu.memory_space<semaphore_mem>>
          %dma_start3A_914 = arith.constant 0 : i32
          %dma_start3A_915 = arith.constant 0 : i32
          %dma_start3A_916 = tpu.memref_slice %arg6[%rem3A_900, %dma_start3A_914, %dma_start3A_915] : memref<8x4x128xi32, #tpu.memory_space<vmem>> -> memref<1x4x128xi32, #tpu.memory_space<vmem>>
          %dma_start3A_917 = tpu.memref_squeeze %dma_start3A_916 : memref<1x4x128xi32, #tpu.memory_space<vmem>> -> memref<4x128xi32, #tpu.memory_space<vmem>>
          %dma_start3A_918 = arith.constant 0 : i32
          %dma_start3A_919 = arith.constant 0 : i32
          %dma_start3A_920 = tpu.memref_slice %arg2[%arg0, %add3A_903, %dma_start3A_918, %dma_start3A_919] : memref<2x3125x4x128xi32, #tpu.memory_space<hbm>> -> memref<1x1x4x128xi32, #tpu.memory_space<hbm>>
          %dma_start3A_921 = tpu.memref_squeeze %dma_start3A_920 : memref<1x1x4x128xi32, #tpu.memory_space<hbm>> -> memref<4x128xi32, #tpu.memory_space<hbm>>
          tpu.enqueue_dma source(%dma_start3A_921 : memref<4x128xi32, #tpu.memory_space<hbm>>) target(%dma_start3A_917 : memref<4x128xi32, #tpu.memory_space<vmem>>) target_semaphore(%dma_start3A_913 : memref<!tpu.dma_semaphore, #tpu.memory_space<semaphore_mem>>)
        } else {
        }
        %add3A_891 = arith.constant 3 : i32
        %add3A_892 = arith.addi %scan3A_816, %add3A_891 : i32
        %lt3A_893 = arith.cmpi slt, %add3A_892, %select_n3A : i32
        %convert_element_type3A_894 = arith.extui %lt3A_893 : i1 to i32
        %cond3A_895 = arith.constant 0 : i32
        %cond3A_896 = arith.cmpi ne, %convert_element_type3A_894, %cond3A_895 : i32
        scf.if %cond3A_896 {
          %add3A_897 = arith.constant 3 : i32
          %add3A_898 = arith.addi %scan3A_816, %add3A_897 : i32
          %rem3A_899 = arith.constant 8 : i32
          %rem3A_900 = arith.remsi %add3A_898, %rem3A_899 : i32
          %mul3A_901 = arith.constant 16 : i32
          %mul3A_902 = arith.muli %mul3A_901, %add3A_898 : i32
          %add3A_903 = arith.addi %arg1, %mul3A_902 : i32
          %dma_wait3A_904 = arith.constant 0 : i32
          %dma_wait3A_905 = arith.constant 0 : i32
          %dma_wait3A_906 = tpu.memref_slice %arg6[%rem3A_900, %dma_wait3A_904, %dma_wait3A_905] : memref<8x4x128xi32, #tpu.memory_space<vmem>> -> memref<1x4x128xi32, #tpu.memory_space<vmem>>
          %dma_wait3A_907 = tpu.memref_squeeze %dma_wait3A_906 : memref<1x4x128xi32, #tpu.memory_space<vmem>> -> memref<4x128xi32, #tpu.memory_space<vmem>>
          %dma_wait3A_908 = arith.constant 0 : i32
          %dma_wait3A_909 = arith.constant 0 : i32
          %dma_wait3A_910 = tpu.memref_slice %arg2[%arg0, %add3A_903, %dma_wait3A_908, %dma_wait3A_909] : memref<2x3125x4x128xi32, #tpu.memory_space<hbm>> -> memref<1x1x4x128xi32, #tpu.memory_space<hbm>>
          %dma_wait3A_911 = tpu.memref_squeeze %dma_wait3A_910 : memref<1x1x4x128xi32, #tpu.memory_space<hbm>> -> memref<4x128xi32, #tpu.memory_space<hbm>>
          %dma_wait3A_912 = tpu.memref_slice %arg9[%rem3A_900] : memref<8x!tpu.dma_semaphore, #tpu.memory_space<semaphore_mem>> -> memref<1x!tpu.dma_semaphore, #tpu.memory_space<semaphore_mem>>
          %dma_wait3A_913 = tpu.memref_squeeze %dma_wait3A_912 : memref<1x!tpu.dma_semaphore, #tpu.memory_space<semaphore_mem>> -> memref<!tpu.dma_semaphore, #tpu.memory_space<semaphore_mem>>
          %dma_wait3A_914 = arith.constant 0 : i32
          %dma_wait3A_915 = arith.constant 0 : i32
          %dma_wait3A_916 = tpu.memref_slice %arg6[%rem3A_900, %dma_wait3A_914, %dma_wait3A_915] : memref<8x4x128xi32, #tpu.memory_space<vmem>> -> memref<1x4x128xi32, #tpu.memory_space<vmem>>
          %dma_wait3A_917 = tpu.memref_squeeze %dma_wait3A_916 : memref<1x4x128xi32, #tpu.memory_space<vmem>> -> memref<4x128xi32, #tpu.memory_space<vmem>>
          %dma_wait3A_918 = arith.constant 0 : i32
          %dma_wait3A_919 = arith.constant 0 : i32
          %dma_wait3A_920 = tpu.memref_slice %arg2[%arg0, %add3A_903, %dma_wait3A_918, %dma_wait3A_919] : memref<2x3125x4x128xi32, #tpu.memory_space<hbm>> -> memref<1x1x4x128xi32, #tpu.memory_space<hbm>>
          %dma_wait3A_921 = tpu.memref_squeeze %dma_wait3A_920 : memref<1x1x4x128xi32, #tpu.memory_space<hbm>> -> memref<4x128xi32, #tpu.memory_space<hbm>>
          tpu.wait_dma2 semaphore(%dma_wait3A_913 : memref<!tpu.dma_semaphore, #tpu.memory_space<semaphore_mem>>) src(%dma_wait3A_921 : memref<4x128xi32, #tpu.memory_space<hbm>>) dst(%dma_wait3A_917 : memref<4x128xi32, #tpu.memory_space<vmem>>)
          %ge3A_922 = arith.constant 2 : i32
          %ge3A_923 = arith.cmpi sge, %scan3A_816, %ge3A_922 : i32
          %convert_element_type3A_924 = arith.extui %ge3A_923 : i1 to i32
          %cond3A_925 = arith.constant 0 : i32
          %cond3A_926 = arith.cmpi ne, %convert_element_type3A_924, %cond3A_925 : i32
          scf.if %cond3A_926 {
            %sub3A = arith.constant 2 : i32
            %sub3A_961 = arith.subi %scan3A_816, %sub3A : i32
            %rem3A_962 = arith.constant 8 : i32
            %rem3A_963 = arith.remsi %sub3A_961, %rem3A_962 : i32
            %rem3A_964 = arith.constant 8 : i32
            %rem3A_965 = arith.remsi %sub3A_961, %rem3A_964 : i32
            %dma_wait3A_966 = arith.constant 0 : i32
            %dma_wait3A_967 = arith.constant 2 : i32
            %dma_wait3A_968 = arith.constant 0 : i32
            %dma_wait3A_969 = arith.constant 0 : i32
            %dma_wait3A_970 = tpu.memref_slice %arg7[%rem3A_965, %dma_wait3A_966, %dma_wait3A_968, %dma_wait3A_969] : memref<8x2x128x32xbf16, #tpu.memory_space<vmem>> -> memref<1x1x128x32xbf16, #tpu.memory_space<vmem>>
            %dma_wait3A_971 = tpu.memref_squeeze %dma_wait3A_970 : memref<1x1x128x32xbf16, #tpu.memory_space<vmem>> -> memref<128x32xbf16, #tpu.memory_space<vmem>>
            %dma_wait3A_972 = arith.constant 0 : i32
            %dma_wait3A_973 = tpu.memref_slice %arg6[%rem3A_963, %dma_wait3A_967, %dma_wait3A_972] : memref<8x4x128xi32, #tpu.memory_space<vmem>> -> memref<1x1x128xi32, #tpu.memory_space<vmem>>
            %dma_wait3A_974 = tpu.memref_squeeze %dma_wait3A_973 : memref<1x1x128xi32, #tpu.memory_space<vmem>> -> memref<128xi32, #tpu.memory_space<vmem>>
            %dma_wait3A_975 = arith.constant 0 : i32
            %dma_wait3A_976 = arith.constant 0 : i32
            %dma_wait3A_977 = tpu.memref_slice %arg5[%dma_wait3A_975, %dma_wait3A_976] : memref<50000x32xbf16, #tpu.memory_space<vmem_shared>> -> memref<50000x32xbf16, #tpu.memory_space<vmem_shared>>
            %dma_wait3A_978 = tpu.memref_slice %arg11[%rem3A_965] : memref<8x!tpu.dma_semaphore, #tpu.memory_space<semaphore_mem>> -> memref<1x!tpu.dma_semaphore, #tpu.memory_space<semaphore_mem>>
            %dma_wait3A_979 = tpu.memref_squeeze %dma_wait3A_978 : memref<1x!tpu.dma_semaphore, #tpu.memory_space<semaphore_mem>> -> memref<!tpu.dma_semaphore, #tpu.memory_space<semaphore_mem>>
            tpu.wait_indirect_dma semaphore(%dma_wait3A_979 : memref<!tpu.dma_semaphore, #tpu.memory_space<semaphore_mem>>) src(%dma_wait3A_971 : memref<128x32xbf16, #tpu.memory_space<vmem>>) dst(%dma_wait3A_977 : memref<50000x32xbf16, #tpu.memory_space<vmem_shared>>)
            %dma_wait3A_980 = arith.constant 1 : i32
            %dma_wait3A_981 = arith.constant 3 : i32
            %dma_wait3A_982 = arith.constant 0 : i32
            %dma_wait3A_983 = arith.constant 0 : i32
            %dma_wait3A_984 = tpu.memref_slice %arg7[%rem3A_965, %dma_wait3A_980, %dma_wait3A_982, %dma_wait3A_983] : memref<8x2x128x32xbf16, #tpu.memory_space<vmem>> -> memref<1x1x128x32xbf16, #tpu.memory_space<vmem>>
            %dma_wait3A_985 = tpu.memref_squeeze %dma_wait3A_984 : memref<1x1x128x32xbf16, #tpu.memory_space<vmem>> -> memref<128x32xbf16, #tpu.memory_space<vmem>>
            %dma_wait3A_986 = arith.constant 0 : i32
            %dma_wait3A_987 = tpu.memref_slice %arg6[%rem3A_963, %dma_wait3A_981, %dma_wait3A_986] : memref<8x4x128xi32, #tpu.memory_space<vmem>> -> memref<1x1x128xi32, #tpu.memory_space<vmem>>
            %dma_wait3A_988 = tpu.memref_squeeze %dma_wait3A_987 : memref<1x1x128xi32, #tpu.memory_space<vmem>> -> memref<128xi32, #tpu.memory_space<vmem>>
            %dma_wait3A_989 = arith.constant 0 : i32
            %dma_wait3A_990 = arith.constant 0 : i32
            %dma_wait3A_991 = tpu.memref_slice %arg5[%dma_wait3A_989, %dma_wait3A_990] : memref<50000x32xbf16, #tpu.memory_space<vmem_shared>> -> memref<50000x32xbf16, #tpu.memory_space<vmem_shared>>
            %dma_wait3A_992 = tpu.memref_slice %arg11[%rem3A_965] : memref<8x!tpu.dma_semaphore, #tpu.memory_space<semaphore_mem>> -> memref<1x!tpu.dma_semaphore, #tpu.memory_space<semaphore_mem>>
            %dma_wait3A_993 = tpu.memref_squeeze %dma_wait3A_992 : memref<1x!tpu.dma_semaphore, #tpu.memory_space<semaphore_mem>> -> memref<!tpu.dma_semaphore, #tpu.memory_space<semaphore_mem>>
            tpu.wait_indirect_dma semaphore(%dma_wait3A_993 : memref<!tpu.dma_semaphore, #tpu.memory_space<semaphore_mem>>) src(%dma_wait3A_985 : memref<128x32xbf16, #tpu.memory_space<vmem>>) dst(%dma_wait3A_991 : memref<50000x32xbf16, #tpu.memory_space<vmem_shared>>)
          } else {
          }
          %add3A_927 = arith.constant 3 : i32
          %add3A_928 = arith.addi %scan3A_816, %add3A_927 : i32
          %rem3A_929 = arith.constant 8 : i32
          %rem3A_930 = arith.remsi %add3A_928, %rem3A_929 : i32
          %rem3A_931 = arith.constant 8 : i32
          %rem3A_932 = arith.remsi %add3A_928, %rem3A_931 : i32
          %dma_start3A_933 = arith.constant 0 : i32
          %dma_start3A_934 = arith.constant 0 : i32
          %dma_start3A_935 = arith.constant 0 : i32
          %dma_start3A_936 = arith.constant 0 : i32
          %dma_start3A_937 = tpu.memref_slice %arg7[%rem3A_932, %dma_start3A_934, %dma_start3A_935, %dma_start3A_936] : memref<8x2x128x32xbf16, #tpu.memory_space<vmem>> -> memref<1x1x128x32xbf16, #tpu.memory_space<vmem>>
          %dma_start3A_938 = tpu.memref_squeeze %dma_start3A_937 : memref<1x1x128x32xbf16, #tpu.memory_space<vmem>> -> memref<128x32xbf16, #tpu.memory_space<vmem>>
          %dma_start3A_939 = arith.constant 0 : i32
          %dma_start3A_940 = tpu.memref_slice %arg6[%rem3A_930, %dma_start3A_933, %dma_start3A_939] : memref<8x4x128xi32, #tpu.memory_space<vmem>> -> memref<1x1x128xi32, #tpu.memory_space<vmem>>
          %dma_start3A_941 = tpu.memref_squeeze %dma_start3A_940 : memref<1x1x128xi32, #tpu.memory_space<vmem>> -> memref<128xi32, #tpu.memory_space<vmem>>
          %dma_start3A_942 = arith.constant 0 : i32
          %dma_start3A_943 = arith.constant 0 : i32
          %dma_start3A_944 = tpu.memref_slice %arg3[%dma_start3A_942, %dma_start3A_943] : memref<100352x32xbf16, #tpu.memory_space<hbm>> -> memref<100352x32xbf16, #tpu.memory_space<hbm>>
          %dma_start3A_945 = tpu.memref_slice %arg10[%rem3A_932] : memref<8x!tpu.dma_semaphore, #tpu.memory_space<semaphore_mem>> -> memref<1x!tpu.dma_semaphore, #tpu.memory_space<semaphore_mem>>
          %dma_start3A_946 = tpu.memref_squeeze %dma_start3A_945 : memref<1x!tpu.dma_semaphore, #tpu.memory_space<semaphore_mem>> -> memref<!tpu.dma_semaphore, #tpu.memory_space<semaphore_mem>>
          tpu.enqueue_indirect_dma source(%dma_start3A_944 : memref<100352x32xbf16, #tpu.memory_space<hbm>>) target(%dma_start3A_938 : memref<128x32xbf16, #tpu.memory_space<vmem>>) offsets(%dma_start3A_941 : memref<128xi32, #tpu.memory_space<vmem>>) semaphore(%dma_start3A_946 : memref<!tpu.dma_semaphore, #tpu.memory_space<semaphore_mem>>)
          %dma_start3A_947 = arith.constant 1 : i32
          %dma_start3A_948 = arith.constant 1 : i32
          %dma_start3A_949 = arith.constant 0 : i32
          %dma_start3A_950 = arith.constant 0 : i32
          %dma_start3A_951 = tpu.memref_slice %arg7[%rem3A_932, %dma_start3A_948, %dma_start3A_949, %dma_start3A_950] : memref<8x2x128x32xbf16, #tpu.memory_space<vmem>> -> memref<1x1x128x32xbf16, #tpu.memory_space<vmem>>
          %dma_start3A_952 = tpu.memref_squeeze %dma_start3A_951 : memref<1x1x128x32xbf16, #tpu.memory_space<vmem>> -> memref<128x32xbf16, #tpu.memory_space<vmem>>
          %dma_start3A_953 = arith.constant 0 : i32
          %dma_start3A_954 = tpu.memref_slice %arg6[%rem3A_930, %dma_start3A_947, %dma_start3A_953] : memref<8x4x128xi32, #tpu.memory_space<vmem>> -> memref<1x1x128xi32, #tpu.memory_space<vmem>>
          %dma_start3A_955 = tpu.memref_squeeze %dma_start3A_954 : memref<1x1x128xi32, #tpu.memory_space<vmem>> -> memref<128xi32, #tpu.memory_space<vmem>>
          %dma_start3A_956 = arith.constant 0 : i32
          %dma_start3A_957 = arith.constant 0 : i32
          %dma_start3A_958 = tpu.memref_slice %arg3[%dma_start3A_956, %dma_start3A_957] : memref<100352x32xbf16, #tpu.memory_space<hbm>> -> memref<100352x32xbf16, #tpu.memory_space<hbm>>
          %dma_start3A_959 = tpu.memref_slice %arg10[%rem3A_932] : memref<8x!tpu.dma_semaphore, #tpu.memory_space<semaphore_mem>> -> memref<1x!tpu.dma_semaphore, #tpu.memory_space<semaphore_mem>>
          %dma_start3A_960 = tpu.memref_squeeze %dma_start3A_959 : memref<1x!tpu.dma_semaphore, #tpu.memory_space<semaphore_mem>> -> memref<!tpu.dma_semaphore, #tpu.memory_space<semaphore_mem>>
          tpu.enqueue_indirect_dma source(%dma_start3A_958 : memref<100352x32xbf16, #tpu.memory_space<hbm>>) target(%dma_start3A_952 : memref<128x32xbf16, #tpu.memory_space<vmem>>) offsets(%dma_start3A_955 : memref<128xi32, #tpu.memory_space<vmem>>) semaphore(%dma_start3A_960 : memref<!tpu.dma_semaphore, #tpu.memory_space<semaphore_mem>>)
        } else {
        }
      } else {
      }
    }
    %scan3A_785 = arith.constant 196 : i32
    %ge3A = arith.constant 5 : i32
    %ge3A_786 = arith.cmpi sge, %select_n3A, %ge3A : i32
    %convert_element_type3A = arith.extui %ge3A_786 : i1 to i32
    %cond3A = arith.constant 5 : i32
    %cond3A_787 = arith.constant 0 : i32
    %cond3A_788 = arith.cmpi ne, %convert_element_type3A, %cond3A_787 : i32
    scf.if %cond3A_788 {
      %sub3A = arith.subi %select_n3A, %cond3A : i32
      %rem3A_816 = arith.constant 8 : i32
      %rem3A_817 = arith.remsi %sub3A, %rem3A_816 : i32
      %rem3A_818 = arith.constant 8 : i32
      %rem3A_819 = arith.remsi %sub3A, %rem3A_818 : i32
      %dma_wait3A_820 = arith.constant 0 : i32
      %dma_wait3A_821 = arith.constant 2 : i32
      %dma_wait3A_822 = arith.constant 0 : i32
      %dma_wait3A_823 = arith.constant 0 : i32
      %dma_wait3A_824 = tpu.memref_slice %arg7[%rem3A_819, %dma_wait3A_820, %dma_wait3A_822, %dma_wait3A_823] : memref<8x2x128x32xbf16, #tpu.memory_space<vmem>> -> memref<1x1x128x32xbf16, #tpu.memory_space<vmem>>
      %dma_wait3A_825 = tpu.memref_squeeze %dma_wait3A_824 : memref<1x1x128x32xbf16, #tpu.memory_space<vmem>> -> memref<128x32xbf16, #tpu.memory_space<vmem>>
      %dma_wait3A_826 = arith.constant 0 : i32
      %dma_wait3A_827 = tpu.memref_slice %arg6[%rem3A_817, %dma_wait3A_821, %dma_wait3A_826] : memref<8x4x128xi32, #tpu.memory_space<vmem>> -> memref<1x1x128xi32, #tpu.memory_space<vmem>>
      %dma_wait3A_828 = tpu.memref_squeeze %dma_wait3A_827 : memref<1x1x128xi32, #tpu.memory_space<vmem>> -> memref<128xi32, #tpu.memory_space<vmem>>
      %dma_wait3A_829 = arith.constant 0 : i32
      %dma_wait3A_830 = arith.constant 0 : i32
      %dma_wait3A_831 = tpu.memref_slice %arg5[%dma_wait3A_829, %dma_wait3A_830] : memref<50000x32xbf16, #tpu.memory_space<vmem_shared>> -> memref<50000x32xbf16, #tpu.memory_space<vmem_shared>>
      %dma_wait3A_832 = tpu.memref_slice %arg11[%rem3A_819] : memref<8x!tpu.dma_semaphore, #tpu.memory_space<semaphore_mem>> -> memref<1x!tpu.dma_semaphore, #tpu.memory_space<semaphore_mem>>
      %dma_wait3A_833 = tpu.memref_squeeze %dma_wait3A_832 : memref<1x!tpu.dma_semaphore, #tpu.memory_space<semaphore_mem>> -> memref<!tpu.dma_semaphore, #tpu.memory_space<semaphore_mem>>
      tpu.wait_indirect_dma semaphore(%dma_wait3A_833 : memref<!tpu.dma_semaphore, #tpu.memory_space<semaphore_mem>>) src(%dma_wait3A_825 : memref<128x32xbf16, #tpu.memory_space<vmem>>) dst(%dma_wait3A_831 : memref<50000x32xbf16, #tpu.memory_space<vmem_shared>>)
      %dma_wait3A_834 = arith.constant 1 : i32
      %dma_wait3A_835 = arith.constant 3 : i32
      %dma_wait3A_836 = arith.constant 0 : i32
      %dma_wait3A_837 = arith.constant 0 : i32
      %dma_wait3A_838 = tpu.memref_slice %arg7[%rem3A_819, %dma_wait3A_834, %dma_wait3A_836, %dma_wait3A_837] : memref<8x2x128x32xbf16, #tpu.memory_space<vmem>> -> memref<1x1x128x32xbf16, #tpu.memory_space<vmem>>
      %dma_wait3A_839 = tpu.memref_squeeze %dma_wait3A_838 : memref<1x1x128x32xbf16, #tpu.memory_space<vmem>> -> memref<128x32xbf16, #tpu.memory_space<vmem>>
      %dma_wait3A_840 = arith.constant 0 : i32
      %dma_wait3A_841 = tpu.memref_slice %arg6[%rem3A_817, %dma_wait3A_835, %dma_wait3A_840] : memref<8x4x128xi32, #tpu.memory_space<vmem>> -> memref<1x1x128xi32, #tpu.memory_space<vmem>>
      %dma_wait3A_842 = tpu.memref_squeeze %dma_wait3A_841 : memref<1x1x128xi32, #tpu.memory_space<vmem>> -> memref<128xi32, #tpu.memory_space<vmem>>
      %dma_wait3A_843 = arith.constant 0 : i32
      %dma_wait3A_844 = arith.constant 0 : i32
      %dma_wait3A_845 = tpu.memref_slice %arg5[%dma_wait3A_843, %dma_wait3A_844] : memref<50000x32xbf16, #tpu.memory_space<vmem_shared>> -> memref<50000x32xbf16, #tpu.memory_space<vmem_shared>>
      %dma_wait3A_846 = tpu.memref_slice %arg11[%rem3A_819] : memref<8x!tpu.dma_semaphore, #tpu.memory_space<semaphore_mem>> -> memref<1x!tpu.dma_semaphore, #tpu.memory_space<semaphore_mem>>
      %dma_wait3A_847 = tpu.memref_squeeze %dma_wait3A_846 : memref<1x!tpu.dma_semaphore, #tpu.memory_space<semaphore_mem>> -> memref<!tpu.dma_semaphore, #tpu.memory_space<semaphore_mem>>
      tpu.wait_indirect_dma semaphore(%dma_wait3A_847 : memref<!tpu.dma_semaphore, #tpu.memory_space<semaphore_mem>>) src(%dma_wait3A_839 : memref<128x32xbf16, #tpu.memory_space<vmem>>) dst(%dma_wait3A_845 : memref<50000x32xbf16, #tpu.memory_space<vmem_shared>>)
    } else {
    }
    %ge3A_789 = arith.constant 4 : i32
    %ge3A_790 = arith.cmpi sge, %select_n3A, %ge3A_789 : i32
    %convert_element_type3A_791 = arith.extui %ge3A_790 : i1 to i32
    %cond3A_792 = arith.constant 4 : i32
    %cond3A_793 = arith.constant 0 : i32
    %cond3A_794 = arith.cmpi ne, %convert_element_type3A_791, %cond3A_793 : i32
    scf.if %cond3A_794 {
      %sub3A = arith.subi %select_n3A, %cond3A_792 : i32
      %rem3A_816 = arith.constant 8 : i32
      %rem3A_817 = arith.remsi %sub3A, %rem3A_816 : i32
      %rem3A_818 = arith.constant 8 : i32
      %rem3A_819 = arith.remsi %sub3A, %rem3A_818 : i32
      %dma_wait3A_820 = arith.constant 0 : i32
      %dma_wait3A_821 = arith.constant 2 : i32
      %dma_wait3A_822 = arith.constant 0 : i32
      %dma_wait3A_823 = arith.constant 0 : i32
      %dma_wait3A_824 = tpu.memref_slice %arg7[%rem3A_819, %dma_wait3A_820, %dma_wait3A_822, %dma_wait3A_823] : memref<8x2x128x32xbf16, #tpu.memory_space<vmem>> -> memref<1x1x128x32xbf16, #tpu.memory_space<vmem>>
      %dma_wait3A_825 = tpu.memref_squeeze %dma_wait3A_824 : memref<1x1x128x32xbf16, #tpu.memory_space<vmem>> -> memref<128x32xbf16, #tpu.memory_space<vmem>>
      %dma_wait3A_826 = arith.constant 0 : i32
      %dma_wait3A_827 = tpu.memref_slice %arg6[%rem3A_817, %dma_wait3A_821, %dma_wait3A_826] : memref<8x4x128xi32, #tpu.memory_space<vmem>> -> memref<1x1x128xi32, #tpu.memory_space<vmem>>
      %dma_wait3A_828 = tpu.memref_squeeze %dma_wait3A_827 : memref<1x1x128xi32, #tpu.memory_space<vmem>> -> memref<128xi32, #tpu.memory_space<vmem>>
      %dma_wait3A_829 = arith.constant 0 : i32
      %dma_wait3A_830 = arith.constant 0 : i32
      %dma_wait3A_831 = tpu.memref_slice %arg5[%dma_wait3A_829, %dma_wait3A_830] : memref<50000x32xbf16, #tpu.memory_space<vmem_shared>> -> memref<50000x32xbf16, #tpu.memory_space<vmem_shared>>
      %dma_wait3A_832 = tpu.memref_slice %arg11[%rem3A_819] : memref<8x!tpu.dma_semaphore, #tpu.memory_space<semaphore_mem>> -> memref<1x!tpu.dma_semaphore, #tpu.memory_space<semaphore_mem>>
      %dma_wait3A_833 = tpu.memref_squeeze %dma_wait3A_832 : memref<1x!tpu.dma_semaphore, #tpu.memory_space<semaphore_mem>> -> memref<!tpu.dma_semaphore, #tpu.memory_space<semaphore_mem>>
      tpu.wait_indirect_dma semaphore(%dma_wait3A_833 : memref<!tpu.dma_semaphore, #tpu.memory_space<semaphore_mem>>) src(%dma_wait3A_825 : memref<128x32xbf16, #tpu.memory_space<vmem>>) dst(%dma_wait3A_831 : memref<50000x32xbf16, #tpu.memory_space<vmem_shared>>)
      %dma_wait3A_834 = arith.constant 1 : i32
      %dma_wait3A_835 = arith.constant 3 : i32
      %dma_wait3A_836 = arith.constant 0 : i32
      %dma_wait3A_837 = arith.constant 0 : i32
      %dma_wait3A_838 = tpu.memref_slice %arg7[%rem3A_819, %dma_wait3A_834, %dma_wait3A_836, %dma_wait3A_837] : memref<8x2x128x32xbf16, #tpu.memory_space<vmem>> -> memref<1x1x128x32xbf16, #tpu.memory_space<vmem>>
      %dma_wait3A_839 = tpu.memref_squeeze %dma_wait3A_838 : memref<1x1x128x32xbf16, #tpu.memory_space<vmem>> -> memref<128x32xbf16, #tpu.memory_space<vmem>>
      %dma_wait3A_840 = arith.constant 0 : i32
      %dma_wait3A_841 = tpu.memref_slice %arg6[%rem3A_817, %dma_wait3A_835, %dma_wait3A_840] : memref<8x4x128xi32, #tpu.memory_space<vmem>> -> memref<1x1x128xi32, #tpu.memory_space<vmem>>
      %dma_wait3A_842 = tpu.memref_squeeze %dma_wait3A_841 : memref<1x1x128xi32, #tpu.memory_space<vmem>> -> memref<128xi32, #tpu.memory_space<vmem>>
      %dma_wait3A_843 = arith.constant 0 : i32
      %dma_wait3A_844 = arith.constant 0 : i32
      %dma_wait3A_845 = tpu.memref_slice %arg5[%dma_wait3A_843, %dma_wait3A_844] : memref<50000x32xbf16, #tpu.memory_space<vmem_shared>> -> memref<50000x32xbf16, #tpu.memory_space<vmem_shared>>
      %dma_wait3A_846 = tpu.memref_slice %arg11[%rem3A_819] : memref<8x!tpu.dma_semaphore, #tpu.memory_space<semaphore_mem>> -> memref<1x!tpu.dma_semaphore, #tpu.memory_space<semaphore_mem>>
      %dma_wait3A_847 = tpu.memref_squeeze %dma_wait3A_846 : memref<1x!tpu.dma_semaphore, #tpu.memory_space<semaphore_mem>> -> memref<!tpu.dma_semaphore, #tpu.memory_space<semaphore_mem>>
      tpu.wait_indirect_dma semaphore(%dma_wait3A_847 : memref<!tpu.dma_semaphore, #tpu.memory_space<semaphore_mem>>) src(%dma_wait3A_839 : memref<128x32xbf16, #tpu.memory_space<vmem>>) dst(%dma_wait3A_845 : memref<50000x32xbf16, #tpu.memory_space<vmem_shared>>)
    } else {
    }
    %ge3A_795 = arith.constant 3 : i32
    %ge3A_796 = arith.cmpi sge, %select_n3A, %ge3A_795 : i32
    %convert_element_type3A_797 = arith.extui %ge3A_796 : i1 to i32
    %cond3A_798 = arith.constant 3 : i32
    %cond3A_799 = arith.constant 0 : i32
    %cond3A_800 = arith.cmpi ne, %convert_element_type3A_797, %cond3A_799 : i32
    scf.if %cond3A_800 {
      %sub3A = arith.subi %select_n3A, %cond3A_798 : i32
      %rem3A_816 = arith.constant 8 : i32
      %rem3A_817 = arith.remsi %sub3A, %rem3A_816 : i32
      %rem3A_818 = arith.constant 8 : i32
      %rem3A_819 = arith.remsi %sub3A, %rem3A_818 : i32
      %dma_wait3A_820 = arith.constant 0 : i32
      %dma_wait3A_821 = arith.constant 2 : i32
      %dma_wait3A_822 = arith.constant 0 : i32
      %dma_wait3A_823 = arith.constant 0 : i32
      %dma_wait3A_824 = tpu.memref_slice %arg7[%rem3A_819, %dma_wait3A_820, %dma_wait3A_822, %dma_wait3A_823] : memref<8x2x128x32xbf16, #tpu.memory_space<vmem>> -> memref<1x1x128x32xbf16, #tpu.memory_space<vmem>>
      %dma_wait3A_825 = tpu.memref_squeeze %dma_wait3A_824 : memref<1x1x128x32xbf16, #tpu.memory_space<vmem>> -> memref<128x32xbf16, #tpu.memory_space<vmem>>
      %dma_wait3A_826 = arith.constant 0 : i32
      %dma_wait3A_827 = tpu.memref_slice %arg6[%rem3A_817, %dma_wait3A_821, %dma_wait3A_826] : memref<8x4x128xi32, #tpu.memory_space<vmem>> -> memref<1x1x128xi32, #tpu.memory_space<vmem>>
      %dma_wait3A_828 = tpu.memref_squeeze %dma_wait3A_827 : memref<1x1x128xi32, #tpu.memory_space<vmem>> -> memref<128xi32, #tpu.memory_space<vmem>>
      %dma_wait3A_829 = arith.constant 0 : i32
      %dma_wait3A_830 = arith.constant 0 : i32
      %dma_wait3A_831 = tpu.memref_slice %arg5[%dma_wait3A_829, %dma_wait3A_830] : memref<50000x32xbf16, #tpu.memory_space<vmem_shared>> -> memref<50000x32xbf16, #tpu.memory_space<vmem_shared>>
      %dma_wait3A_832 = tpu.memref_slice %arg11[%rem3A_819] : memref<8x!tpu.dma_semaphore, #tpu.memory_space<semaphore_mem>> -> memref<1x!tpu.dma_semaphore, #tpu.memory_space<semaphore_mem>>
      %dma_wait3A_833 = tpu.memref_squeeze %dma_wait3A_832 : memref<1x!tpu.dma_semaphore, #tpu.memory_space<semaphore_mem>> -> memref<!tpu.dma_semaphore, #tpu.memory_space<semaphore_mem>>
      tpu.wait_indirect_dma semaphore(%dma_wait3A_833 : memref<!tpu.dma_semaphore, #tpu.memory_space<semaphore_mem>>) src(%dma_wait3A_825 : memref<128x32xbf16, #tpu.memory_space<vmem>>) dst(%dma_wait3A_831 : memref<50000x32xbf16, #tpu.memory_space<vmem_shared>>)
      %dma_wait3A_834 = arith.constant 1 : i32
      %dma_wait3A_835 = arith.constant 3 : i32
      %dma_wait3A_836 = arith.constant 0 : i32
      %dma_wait3A_837 = arith.constant 0 : i32
      %dma_wait3A_838 = tpu.memref_slice %arg7[%rem3A_819, %dma_wait3A_834, %dma_wait3A_836, %dma_wait3A_837] : memref<8x2x128x32xbf16, #tpu.memory_space<vmem>> -> memref<1x1x128x32xbf16, #tpu.memory_space<vmem>>
      %dma_wait3A_839 = tpu.memref_squeeze %dma_wait3A_838 : memref<1x1x128x32xbf16, #tpu.memory_space<vmem>> -> memref<128x32xbf16, #tpu.memory_space<vmem>>
      %dma_wait3A_840 = arith.constant 0 : i32
      %dma_wait3A_841 = tpu.memref_slice %arg6[%rem3A_817, %dma_wait3A_835, %dma_wait3A_840] : memref<8x4x128xi32, #tpu.memory_space<vmem>> -> memref<1x1x128xi32, #tpu.memory_space<vmem>>
      %dma_wait3A_842 = tpu.memref_squeeze %dma_wait3A_841 : memref<1x1x128xi32, #tpu.memory_space<vmem>> -> memref<128xi32, #tpu.memory_space<vmem>>
      %dma_wait3A_843 = arith.constant 0 : i32
      %dma_wait3A_844 = arith.constant 0 : i32
      %dma_wait3A_845 = tpu.memref_slice %arg5[%dma_wait3A_843, %dma_wait3A_844] : memref<50000x32xbf16, #tpu.memory_space<vmem_shared>> -> memref<50000x32xbf16, #tpu.memory_space<vmem_shared>>
      %dma_wait3A_846 = tpu.memref_slice %arg11[%rem3A_819] : memref<8x!tpu.dma_semaphore, #tpu.memory_space<semaphore_mem>> -> memref<1x!tpu.dma_semaphore, #tpu.memory_space<semaphore_mem>>
      %dma_wait3A_847 = tpu.memref_squeeze %dma_wait3A_846 : memref<1x!tpu.dma_semaphore, #tpu.memory_space<semaphore_mem>> -> memref<!tpu.dma_semaphore, #tpu.memory_space<semaphore_mem>>
      tpu.wait_indirect_dma semaphore(%dma_wait3A_847 : memref<!tpu.dma_semaphore, #tpu.memory_space<semaphore_mem>>) src(%dma_wait3A_839 : memref<128x32xbf16, #tpu.memory_space<vmem>>) dst(%dma_wait3A_845 : memref<50000x32xbf16, #tpu.memory_space<vmem_shared>>)
    } else {
    }
    %ge3A_801 = arith.constant 2 : i32
    %ge3A_802 = arith.cmpi sge, %select_n3A, %ge3A_801 : i32
    %convert_element_type3A_803 = arith.extui %ge3A_802 : i1 to i32
    %cond3A_804 = arith.constant 2 : i32
    %cond3A_805 = arith.constant 0 : i32
    %cond3A_806 = arith.cmpi ne, %convert_element_type3A_803, %cond3A_805 : i32
    scf.if %cond3A_806 {
      %sub3A = arith.subi %select_n3A, %cond3A_804 : i32
      %rem3A_816 = arith.constant 8 : i32
      %rem3A_817 = arith.remsi %sub3A, %rem3A_816 : i32
      %rem3A_818 = arith.constant 8 : i32
      %rem3A_819 = arith.remsi %sub3A, %rem3A_818 : i32
      %dma_wait3A_820 = arith.constant 0 : i32
      %dma_wait3A_821 = arith.constant 2 : i32
      %dma_wait3A_822 = arith.constant 0 : i32
      %dma_wait3A_823 = arith.constant 0 : i32
      %dma_wait3A_824 = tpu.memref_slice %arg7[%rem3A_819, %dma_wait3A_820, %dma_wait3A_822, %dma_wait3A_823] : memref<8x2x128x32xbf16, #tpu.memory_space<vmem>> -> memref<1x1x128x32xbf16, #tpu.memory_space<vmem>>
      %dma_wait3A_825 = tpu.memref_squeeze %dma_wait3A_824 : memref<1x1x128x32xbf16, #tpu.memory_space<vmem>> -> memref<128x32xbf16, #tpu.memory_space<vmem>>
      %dma_wait3A_826 = arith.constant 0 : i32
      %dma_wait3A_827 = tpu.memref_slice %arg6[%rem3A_817, %dma_wait3A_821, %dma_wait3A_826] : memref<8x4x128xi32, #tpu.memory_space<vmem>> -> memref<1x1x128xi32, #tpu.memory_space<vmem>>
      %dma_wait3A_828 = tpu.memref_squeeze %dma_wait3A_827 : memref<1x1x128xi32, #tpu.memory_space<vmem>> -> memref<128xi32, #tpu.memory_space<vmem>>
      %dma_wait3A_829 = arith.constant 0 : i32
      %dma_wait3A_830 = arith.constant 0 : i32
      %dma_wait3A_831 = tpu.memref_slice %arg5[%dma_wait3A_829, %dma_wait3A_830] : memref<50000x32xbf16, #tpu.memory_space<vmem_shared>> -> memref<50000x32xbf16, #tpu.memory_space<vmem_shared>>
      %dma_wait3A_832 = tpu.memref_slice %arg11[%rem3A_819] : memref<8x!tpu.dma_semaphore, #tpu.memory_space<semaphore_mem>> -> memref<1x!tpu.dma_semaphore, #tpu.memory_space<semaphore_mem>>
      %dma_wait3A_833 = tpu.memref_squeeze %dma_wait3A_832 : memref<1x!tpu.dma_semaphore, #tpu.memory_space<semaphore_mem>> -> memref<!tpu.dma_semaphore, #tpu.memory_space<semaphore_mem>>
      tpu.wait_indirect_dma semaphore(%dma_wait3A_833 : memref<!tpu.dma_semaphore, #tpu.memory_space<semaphore_mem>>) src(%dma_wait3A_825 : memref<128x32xbf16, #tpu.memory_space<vmem>>) dst(%dma_wait3A_831 : memref<50000x32xbf16, #tpu.memory_space<vmem_shared>>)
      %dma_wait3A_834 = arith.constant 1 : i32
      %dma_wait3A_835 = arith.constant 3 : i32
      %dma_wait3A_836 = arith.constant 0 : i32
      %dma_wait3A_837 = arith.constant 0 : i32
      %dma_wait3A_838 = tpu.memref_slice %arg7[%rem3A_819, %dma_wait3A_834, %dma_wait3A_836, %dma_wait3A_837] : memref<8x2x128x32xbf16, #tpu.memory_space<vmem>> -> memref<1x1x128x32xbf16, #tpu.memory_space<vmem>>
      %dma_wait3A_839 = tpu.memref_squeeze %dma_wait3A_838 : memref<1x1x128x32xbf16, #tpu.memory_space<vmem>> -> memref<128x32xbf16, #tpu.memory_space<vmem>>
      %dma_wait3A_840 = arith.constant 0 : i32
      %dma_wait3A_841 = tpu.memref_slice %arg6[%rem3A_817, %dma_wait3A_835, %dma_wait3A_840] : memref<8x4x128xi32, #tpu.memory_space<vmem>> -> memref<1x1x128xi32, #tpu.memory_space<vmem>>
      %dma_wait3A_842 = tpu.memref_squeeze %dma_wait3A_841 : memref<1x1x128xi32, #tpu.memory_space<vmem>> -> memref<128xi32, #tpu.memory_space<vmem>>
      %dma_wait3A_843 = arith.constant 0 : i32
      %dma_wait3A_844 = arith.constant 0 : i32
      %dma_wait3A_845 = tpu.memref_slice %arg5[%dma_wait3A_843, %dma_wait3A_844] : memref<50000x32xbf16, #tpu.memory_space<vmem_shared>> -> memref<50000x32xbf16, #tpu.memory_space<vmem_shared>>
      %dma_wait3A_846 = tpu.memref_slice %arg11[%rem3A_819] : memref<8x!tpu.dma_semaphore, #tpu.memory_space<semaphore_mem>> -> memref<1x!tpu.dma_semaphore, #tpu.memory_space<semaphore_mem>>
      %dma_wait3A_847 = tpu.memref_squeeze %dma_wait3A_846 : memref<1x!tpu.dma_semaphore, #tpu.memory_space<semaphore_mem>> -> memref<!tpu.dma_semaphore, #tpu.memory_space<semaphore_mem>>
      tpu.wait_indirect_dma semaphore(%dma_wait3A_847 : memref<!tpu.dma_semaphore, #tpu.memory_space<semaphore_mem>>) src(%dma_wait3A_839 : memref<128x32xbf16, #tpu.memory_space<vmem>>) dst(%dma_wait3A_845 : memref<50000x32xbf16, #tpu.memory_space<vmem_shared>>)
    } else {
    }
    %ge3A_807 = arith.constant 1 : i32
    %ge3A_808 = arith.cmpi sge, %select_n3A, %ge3A_807 : i32
    %convert_element_type3A_809 = arith.extui %ge3A_808 : i1 to i32
    %cond3A_810 = arith.constant 1 : i32
    %cond3A_811 = arith.constant 0 : i32
    %cond3A_812 = arith.cmpi ne, %convert_element_type3A_809, %cond3A_811 : i32
    scf.if %cond3A_812 {
      %sub3A = arith.subi %select_n3A, %cond3A_810 : i32
      %rem3A_816 = arith.constant 8 : i32
      %rem3A_817 = arith.remsi %sub3A, %rem3A_816 : i32
      %rem3A_818 = arith.constant 8 : i32
      %rem3A_819 = arith.remsi %sub3A, %rem3A_818 : i32
      %dma_wait3A_820 = arith.constant 0 : i32
      %dma_wait3A_821 = arith.constant 2 : i32
      %dma_wait3A_822 = arith.constant 0 : i32
      %dma_wait3A_823 = arith.constant 0 : i32
      %dma_wait3A_824 = tpu.memref_slice %arg7[%rem3A_819, %dma_wait3A_820, %dma_wait3A_822, %dma_wait3A_823] : memref<8x2x128x32xbf16, #tpu.memory_space<vmem>> -> memref<1x1x128x32xbf16, #tpu.memory_space<vmem>>
      %dma_wait3A_825 = tpu.memref_squeeze %dma_wait3A_824 : memref<1x1x128x32xbf16, #tpu.memory_space<vmem>> -> memref<128x32xbf16, #tpu.memory_space<vmem>>
      %dma_wait3A_826 = arith.constant 0 : i32
      %dma_wait3A_827 = tpu.memref_slice %arg6[%rem3A_817, %dma_wait3A_821, %dma_wait3A_826] : memref<8x4x128xi32, #tpu.memory_space<vmem>> -> memref<1x1x128xi32, #tpu.memory_space<vmem>>
      %dma_wait3A_828 = tpu.memref_squeeze %dma_wait3A_827 : memref<1x1x128xi32, #tpu.memory_space<vmem>> -> memref<128xi32, #tpu.memory_space<vmem>>
      %dma_wait3A_829 = arith.constant 0 : i32
      %dma_wait3A_830 = arith.constant 0 : i32
      %dma_wait3A_831 = tpu.memref_slice %arg5[%dma_wait3A_829, %dma_wait3A_830] : memref<50000x32xbf16, #tpu.memory_space<vmem_shared>> -> memref<50000x32xbf16, #tpu.memory_space<vmem_shared>>
      %dma_wait3A_832 = tpu.memref_slice %arg11[%rem3A_819] : memref<8x!tpu.dma_semaphore, #tpu.memory_space<semaphore_mem>> -> memref<1x!tpu.dma_semaphore, #tpu.memory_space<semaphore_mem>>
      %dma_wait3A_833 = tpu.memref_squeeze %dma_wait3A_832 : memref<1x!tpu.dma_semaphore, #tpu.memory_space<semaphore_mem>> -> memref<!tpu.dma_semaphore, #tpu.memory_space<semaphore_mem>>
      tpu.wait_indirect_dma semaphore(%dma_wait3A_833 : memref<!tpu.dma_semaphore, #tpu.memory_space<semaphore_mem>>) src(%dma_wait3A_825 : memref<128x32xbf16, #tpu.memory_space<vmem>>) dst(%dma_wait3A_831 : memref<50000x32xbf16, #tpu.memory_space<vmem_shared>>)
      %dma_wait3A_834 = arith.constant 1 : i32
      %dma_wait3A_835 = arith.constant 3 : i32
      %dma_wait3A_836 = arith.constant 0 : i32
      %dma_wait3A_837 = arith.constant 0 : i32
      %dma_wait3A_838 = tpu.memref_slice %arg7[%rem3A_819, %dma_wait3A_834, %dma_wait3A_836, %dma_wait3A_837] : memref<8x2x128x32xbf16, #tpu.memory_space<vmem>> -> memref<1x1x128x32xbf16, #tpu.memory_space<vmem>>
      %dma_wait3A_839 = tpu.memref_squeeze %dma_wait3A_838 : memref<1x1x128x32xbf16, #tpu.memory_space<vmem>> -> memref<128x32xbf16, #tpu.memory_space<vmem>>
      %dma_wait3A_840 = arith.constant 0 : i32
      %dma_wait3A_841 = tpu.memref_slice %arg6[%rem3A_817, %dma_wait3A_835, %dma_wait3A_840] : memref<8x4x128xi32, #tpu.memory_space<vmem>> -> memref<1x1x128xi32, #tpu.memory_space<vmem>>
      %dma_wait3A_842 = tpu.memref_squeeze %dma_wait3A_841 : memref<1x1x128xi32, #tpu.memory_space<vmem>> -> memref<128xi32, #tpu.memory_space<vmem>>
      %dma_wait3A_843 = arith.constant 0 : i32
      %dma_wait3A_844 = arith.constant 0 : i32
      %dma_wait3A_845 = tpu.memref_slice %arg5[%dma_wait3A_843, %dma_wait3A_844] : memref<50000x32xbf16, #tpu.memory_space<vmem_shared>> -> memref<50000x32xbf16, #tpu.memory_space<vmem_shared>>
      %dma_wait3A_846 = tpu.memref_slice %arg11[%rem3A_819] : memref<8x!tpu.dma_semaphore, #tpu.memory_space<semaphore_mem>> -> memref<1x!tpu.dma_semaphore, #tpu.memory_space<semaphore_mem>>
      %dma_wait3A_847 = tpu.memref_squeeze %dma_wait3A_846 : memref<1x!tpu.dma_semaphore, #tpu.memory_space<semaphore_mem>> -> memref<!tpu.dma_semaphore, #tpu.memory_space<semaphore_mem>>
      tpu.wait_indirect_dma semaphore(%dma_wait3A_847 : memref<!tpu.dma_semaphore, #tpu.memory_space<semaphore_mem>>) src(%dma_wait3A_839 : memref<128x32xbf16, #tpu.memory_space<vmem>>) dst(%dma_wait3A_845 : memref<50000x32xbf16, #tpu.memory_space<vmem_shared>>)
    } else {
    }
    %barrier3A_813 = arith.constant 0 : index
    tpu.barrier barrier_id(%barrier3A_813)
    %mul3A_814 = arith.constant 3125 : i32
    %mul3A_815 = arith.muli %arg1, %mul3A_814 : i32
    "tpu.region"() ({
      %run_scoped3A = tpu.sem_alloc : memref<!tpu.dma_semaphore, #tpu.memory_space<semaphore_mem>>
      %dma_start3A_816 = arith.constant 0 : i32
      %dma_start3A_817 = tpu.memref_slice %arg4[%arg0, %mul3A_815, %dma_start3A_816] : memref<2x50000x32xbf16, #tpu.memory_space<hbm>> -> memref<1x3125x32xbf16, #tpu.memory_space<hbm>>
      %dma_start3A_818 = tpu.memref_squeeze %dma_start3A_817 : memref<1x3125x32xbf16, #tpu.memory_space<hbm>> -> memref<3125x32xbf16, #tpu.memory_space<hbm>>
      %dma_start3A_819 = arith.constant 0 : i32
      %dma_start3A_820 = tpu.memref_slice %arg5[%mul3A_815, %dma_start3A_819] : memref<50000x32xbf16, #tpu.memory_space<vmem_shared>> -> memref<3125x32xbf16, #tpu.memory_space<vmem_shared>>
      tpu.enqueue_dma source(%dma_start3A_820 : memref<3125x32xbf16, #tpu.memory_space<vmem_shared>>) target(%dma_start3A_818 : memref<3125x32xbf16, #tpu.memory_space<hbm>>) target_semaphore(%run_scoped3A : memref<!tpu.dma_semaphore, #tpu.memory_space<semaphore_mem>>)
      %dma_wait3A_821 = arith.constant 0 : i32
      %dma_wait3A_822 = tpu.memref_slice %arg4[%arg0, %mul3A_815, %dma_wait3A_821] : memref<2x50000x32xbf16, #tpu.memory_space<hbm>> -> memref<1x3125x32xbf16, #tpu.memory_space<hbm>>
      %dma_wait3A_823 = tpu.memref_squeeze %dma_wait3A_822 : memref<1x3125x32xbf16, #tpu.memory_space<hbm>> -> memref<3125x32xbf16, #tpu.memory_space<hbm>>
      %dma_wait3A_824 = arith.constant 0 : i32
      %dma_wait3A_825 = tpu.memref_slice %arg5[%mul3A_815, %dma_wait3A_824] : memref<50000x32xbf16, #tpu.memory_space<vmem_shared>> -> memref<3125x32xbf16, #tpu.memory_space<vmem_shared>>
      tpu.wait_dma2 semaphore(%run_scoped3A : memref<!tpu.dma_semaphore, #tpu.memory_space<semaphore_mem>>) src(%dma_wait3A_825 : memref<3125x32xbf16, #tpu.memory_space<vmem_shared>>) dst(%dma_wait3A_823 : memref<3125x32xbf16, #tpu.memory_space<hbm>>)
      tpu.yield
    }) : () -> ()
    return
  }
}

module attributes {stable_mosaic.version = 14 : i64} {
  func.func @_fusa_body(%arg0: i32, %arg1: memref<1792x128xf32, #tpu.memory_space<vmem>>, %arg2: memref<1792x128xf32, #tpu.memory_space<vmem>>, %arg3: memref<128x64xf32, #tpu.memory_space<vmem>>, %arg4: memref<1x64xf32, #tpu.memory_space<vmem>>, %arg5: memref<64x4xf32, #tpu.memory_space<vmem>>, %arg6: memref<128x64xf32, #tpu.memory_space<vmem>>, %arg7: memref<1x64xf32, #tpu.memory_space<vmem>>, %arg8: memref<64x4xf32, #tpu.memory_space<vmem>>, %arg9: memref<256x64xf32, #tpu.memory_space<vmem>>, %arg10: memref<1x64xf32, #tpu.memory_space<vmem>>, %arg11: memref<64x64xf32, #tpu.memory_space<vmem>>, %arg12: memref<1792x64xf32, #tpu.memory_space<vmem>>) attributes {dimension_semantics = [#tpu.dimension_semantics<arbitrary>], iteration_bounds = array<i64: 28>, scalar_prefetch = 0 : i64, scratch_operands = 0 : i64, tpu.core_type = #tpu.core_type<tc>, window_params = [{transform_indices = @transform_0, window_bounds = array<i64: 1792, 128>}, {transform_indices = @transform_1, window_bounds = array<i64: 1792, 128>}, {pipeline_mode = #tpu.pipeline_mode<synchronous>, transform_indices = @transform_2, window_bounds = array<i64: 128, 64>}, {pipeline_mode = #tpu.pipeline_mode<synchronous>, transform_indices = @transform_3, window_bounds = array<i64: 1, 64>}, {pipeline_mode = #tpu.pipeline_mode<synchronous>, transform_indices = @transform_4, window_bounds = array<i64: 64, 4>}, {pipeline_mode = #tpu.pipeline_mode<synchronous>, transform_indices = @transform_5, window_bounds = array<i64: 128, 64>}, {pipeline_mode = #tpu.pipeline_mode<synchronous>, transform_indices = @transform_6, window_bounds = array<i64: 1, 64>}, {pipeline_mode = #tpu.pipeline_mode<synchronous>, transform_indices = @transform_7, window_bounds = array<i64: 64, 4>}, {pipeline_mode = #tpu.pipeline_mode<synchronous>, transform_indices = @transform_8, window_bounds = array<i64: 256, 64>}, {pipeline_mode = #tpu.pipeline_mode<synchronous>, transform_indices = @transform_9, window_bounds = array<i64: 1, 64>}, {pipeline_mode = #tpu.pipeline_mode<synchronous>, transform_indices = @transform_10, window_bounds = array<i64: 64, 64>}, {transform_indices = @transform_11, window_bounds = array<i64: 1792, 64>}]} {
    %get3A = arith.constant 0 : index
    %get3A_0 = arith.constant 0 : index
    %get3A_1 = vector.load %arg1[%get3A, %get3A_0] : memref<1792x128xf32, #tpu.memory_space<vmem>>, vector<1792x128xf32>
    %get3A_2 = arith.constant 0 : index
    %get3A_3 = arith.constant 0 : index
    %get3A_4 = vector.load %arg3[%get3A_2, %get3A_3] : memref<128x64xf32, #tpu.memory_space<vmem>>, vector<128x64xf32>
    %dot_general3A = arith.constant dense<0.000000e+00> : vector<1792x64xf32>
    %dot_general3A_5 = tpu.matmul %get3A_1, %get3A_4, %dot_general3A {dimension_numbers = #tpu.dot_dimension_numbers<[1], [0], [0], [1], [0, 0, 1, 1], [], []>, transpose_lhs_hint = false} : vector<1792x128xf32>, vector<128x64xf32>, vector<1792x64xf32> -> vector<1792x64xf32>
    %get3A_6 = arith.constant 0 : index
    %get3A_7 = arith.constant 0 : index
    %get3A_8 = vector.load %arg4[%get3A_6, %get3A_7] : memref<1x64xf32, #tpu.memory_space<vmem>>, vector<1x64xf32>
    %add3A = vector.broadcast %get3A_8 : vector<1x64xf32> to vector<1792x64xf32>
    %add3A_9 = arith.addf %dot_general3A_5, %add3A : vector<1792x64xf32>
    %tanh3A = math.tanh %add3A_9 : vector<1792x64xf32>
    %get3A_10 = arith.constant 0 : index
    %get3A_11 = arith.constant 0 : index
    %get3A_12 = vector.load %arg2[%get3A_10, %get3A_11] : memref<1792x128xf32, #tpu.memory_space<vmem>>, vector<1792x128xf32>
    %get3A_13 = arith.constant 0 : index
    %get3A_14 = arith.constant 0 : index
    %get3A_15 = vector.load %arg6[%get3A_13, %get3A_14] : memref<128x64xf32, #tpu.memory_space<vmem>>, vector<128x64xf32>
    %dot_general3A_16 = arith.constant dense<0.000000e+00> : vector<1792x64xf32>
    %dot_general3A_17 = tpu.matmul %get3A_12, %get3A_15, %dot_general3A_16 {dimension_numbers = #tpu.dot_dimension_numbers<[1], [0], [0], [1], [0, 0, 1, 1], [], []>, transpose_lhs_hint = false} : vector<1792x128xf32>, vector<128x64xf32>, vector<1792x64xf32> -> vector<1792x64xf32>
    %get3A_18 = arith.constant 0 : index
    %get3A_19 = arith.constant 0 : index
    %get3A_20 = vector.load %arg7[%get3A_18, %get3A_19] : memref<1x64xf32, #tpu.memory_space<vmem>>, vector<1x64xf32>
    %add3A_21 = vector.broadcast %get3A_20 : vector<1x64xf32> to vector<1792x64xf32>
    %add3A_22 = arith.addf %dot_general3A_17, %add3A_21 : vector<1792x64xf32>
    %tanh3A_23 = math.tanh %add3A_22 : vector<1792x64xf32>
    %get3A_24 = arith.constant 0 : index
    %get3A_25 = arith.constant 0 : index
    %get3A_26 = vector.load %arg5[%get3A_24, %get3A_25] : memref<64x4xf32, #tpu.memory_space<vmem>>, vector<64x4xf32>
    %dot_general3A_27 = arith.constant dense<0.000000e+00> : vector<1792x4xf32>
    %dot_general3A_28 = tpu.matmul %tanh3A, %get3A_26, %dot_general3A_27 {dimension_numbers = #tpu.dot_dimension_numbers<[1], [0], [0], [1], [0, 0, 1, 1], [], []>, transpose_lhs_hint = false} : vector<1792x64xf32>, vector<64x4xf32>, vector<1792x4xf32> -> vector<1792x4xf32>
    %exp3A = math.exp %dot_general3A_28 : vector<1792x4xf32>
    %get3A_29 = arith.constant 0 : index
    %get3A_30 = arith.constant 0 : index
    %get3A_31 = vector.load %arg8[%get3A_29, %get3A_30] : memref<64x4xf32, #tpu.memory_space<vmem>>, vector<64x4xf32>
    %dot_general3A_32 = arith.constant dense<0.000000e+00> : vector<1792x4xf32>
    %dot_general3A_33 = tpu.matmul %tanh3A_23, %get3A_31, %dot_general3A_32 {dimension_numbers = #tpu.dot_dimension_numbers<[1], [0], [0], [1], [0, 0, 1, 1], [], []>, transpose_lhs_hint = false} : vector<1792x64xf32>, vector<64x4xf32>, vector<1792x4xf32> -> vector<1792x4xf32>
    %exp3A_34 = math.exp %dot_general3A_33 : vector<1792x4xf32>
    %add3A_35 = arith.addf %exp3A, %exp3A_34 : vector<1792x4xf32>
    %div3A = arith.divf %exp3A, %add3A_35 : vector<1792x4xf32>
    %div3A_36 = arith.divf %exp3A_34, %add3A_35 : vector<1792x4xf32>
    %slice3A = vector.extract_strided_slice %div3A {offsets = [0, 0], sizes = [1792, 1], strides = [1, 1]} : vector<1792x4xf32> to vector<1792x1xf32>
    %mul3A = vector.broadcast %slice3A : vector<1792x1xf32> to vector<1792x64xf32>
    %mul3A_37 = arith.mulf %mul3A, %tanh3A : vector<1792x64xf32>
    %slice3A_38 = vector.extract_strided_slice %div3A_36 {offsets = [0, 0], sizes = [1792, 1], strides = [1, 1]} : vector<1792x4xf32> to vector<1792x1xf32>
    %mul3A_39 = vector.broadcast %slice3A_38 : vector<1792x1xf32> to vector<1792x64xf32>
    %mul3A_40 = arith.mulf %mul3A_39, %tanh3A_23 : vector<1792x64xf32>
    %add3A_41 = arith.addf %mul3A_37, %mul3A_40 : vector<1792x64xf32>
    %slice3A_42 = vector.extract_strided_slice %div3A {offsets = [0, 1], sizes = [1792, 1], strides = [1, 1]} : vector<1792x4xf32> to vector<1792x1xf32>
    %mul3A_43 = vector.broadcast %slice3A_42 : vector<1792x1xf32> to vector<1792x64xf32>
    %mul3A_44 = arith.mulf %mul3A_43, %tanh3A : vector<1792x64xf32>
    %slice3A_45 = vector.extract_strided_slice %div3A_36 {offsets = [0, 1], sizes = [1792, 1], strides = [1, 1]} : vector<1792x4xf32> to vector<1792x1xf32>
    %mul3A_46 = vector.broadcast %slice3A_45 : vector<1792x1xf32> to vector<1792x64xf32>
    %mul3A_47 = arith.mulf %mul3A_46, %tanh3A_23 : vector<1792x64xf32>
    %add3A_48 = arith.addf %mul3A_44, %mul3A_47 : vector<1792x64xf32>
    %slice3A_49 = vector.extract_strided_slice %div3A {offsets = [0, 2], sizes = [1792, 1], strides = [1, 1]} : vector<1792x4xf32> to vector<1792x1xf32>
    %mul3A_50 = vector.broadcast %slice3A_49 : vector<1792x1xf32> to vector<1792x64xf32>
    %mul3A_51 = arith.mulf %mul3A_50, %tanh3A : vector<1792x64xf32>
    %slice3A_52 = vector.extract_strided_slice %div3A_36 {offsets = [0, 2], sizes = [1792, 1], strides = [1, 1]} : vector<1792x4xf32> to vector<1792x1xf32>
    %mul3A_53 = vector.broadcast %slice3A_52 : vector<1792x1xf32> to vector<1792x64xf32>
    %mul3A_54 = arith.mulf %mul3A_53, %tanh3A_23 : vector<1792x64xf32>
    %add3A_55 = arith.addf %mul3A_51, %mul3A_54 : vector<1792x64xf32>
    %slice3A_56 = vector.extract_strided_slice %div3A {offsets = [0, 3], sizes = [1792, 1], strides = [1, 1]} : vector<1792x4xf32> to vector<1792x1xf32>
    %mul3A_57 = vector.broadcast %slice3A_56 : vector<1792x1xf32> to vector<1792x64xf32>
    %mul3A_58 = arith.mulf %mul3A_57, %tanh3A : vector<1792x64xf32>
    %slice3A_59 = vector.extract_strided_slice %div3A_36 {offsets = [0, 3], sizes = [1792, 1], strides = [1, 1]} : vector<1792x4xf32> to vector<1792x1xf32>
    %mul3A_60 = vector.broadcast %slice3A_59 : vector<1792x1xf32> to vector<1792x64xf32>
    %mul3A_61 = arith.mulf %mul3A_60, %tanh3A_23 : vector<1792x64xf32>
    %add3A_62 = arith.addf %mul3A_58, %mul3A_61 : vector<1792x64xf32>
    %concatenate3A = tpu.concatenate %add3A_41, %add3A_48, %add3A_55, %add3A_62 in 1 : vector<1792x64xf32>, vector<1792x64xf32>, vector<1792x64xf32>, vector<1792x64xf32> -> vector<1792x256xf32>
    %get3A_63 = arith.constant 0 : index
    %get3A_64 = arith.constant 0 : index
    %get3A_65 = vector.load %arg9[%get3A_63, %get3A_64] : memref<256x64xf32, #tpu.memory_space<vmem>>, vector<256x64xf32>
    %dot_general3A_66 = arith.constant dense<0.000000e+00> : vector<1792x64xf32>
    %dot_general3A_67 = tpu.matmul %concatenate3A, %get3A_65, %dot_general3A_66 {dimension_numbers = #tpu.dot_dimension_numbers<[1], [0], [0], [1], [0, 0, 1, 1], [], []>, transpose_lhs_hint = false} : vector<1792x256xf32>, vector<256x64xf32>, vector<1792x64xf32> -> vector<1792x64xf32>
    %get3A_68 = arith.constant 0 : index
    %get3A_69 = arith.constant 0 : index
    %get3A_70 = vector.load %arg10[%get3A_68, %get3A_69] : memref<1x64xf32, #tpu.memory_space<vmem>>, vector<1x64xf32>
    %add3A_71 = vector.broadcast %get3A_70 : vector<1x64xf32> to vector<1792x64xf32>
    %add3A_72 = arith.addf %dot_general3A_67, %add3A_71 : vector<1792x64xf32>
    %get3A_73 = arith.constant 0 : index
    %get3A_74 = arith.constant 0 : index
    %get3A_75 = vector.load %arg11[%get3A_73, %get3A_74] : memref<64x64xf32, #tpu.memory_space<vmem>>, vector<64x64xf32>
    %dot_general3A_76 = arith.constant dense<0.000000e+00> : vector<1792x64xf32>
    %dot_general3A_77 = tpu.matmul %add3A_72, %get3A_75, %dot_general3A_76 {dimension_numbers = #tpu.dot_dimension_numbers<[1], [0], [0], [1], [0, 0, 1, 1], [], []>, transpose_lhs_hint = false} : vector<1792x64xf32>, vector<64x64xf32>, vector<1792x64xf32> -> vector<1792x64xf32>
    %swap3A = arith.constant 0 : index
    %swap3A_78 = arith.constant 0 : index
    %swap3A_79 = vector.load %arg12[%swap3A, %swap3A_78] : memref<1792x64xf32, #tpu.memory_space<vmem>>, vector<1792x64xf32>
    tpu.vector_store %arg12[%swap3A, %swap3A_78], %dot_general3A_77 {strides = array<i32>} : memref<1792x64xf32, #tpu.memory_space<vmem>>, vector<1792x64xf32>,
    return
  }
  func.func @transform_0(%arg0: i32) -> (i32, i32) {
    %c0_i32 = arith.constant 0 : i32
    %c0_i32_0 = arith.constant 0 : i32
    return %arg0, %c0_i32 : i32, i32
  }
  func.func @transform_1(%arg0: i32) -> (i32, i32) {
    %c0_i32 = arith.constant 0 : i32
    %c0_i32_0 = arith.constant 0 : i32
    return %arg0, %c0_i32 : i32, i32
  }
  func.func @transform_2(%arg0: i32) -> (i32, i32) {
    %c0_i32 = arith.constant 0 : i32
    %c0_i32_0 = arith.constant 0 : i32
    %c0_i32_1 = arith.constant 0 : i32
    return %c0_i32, %c0_i32_0 : i32, i32
  }
  func.func @transform_3(%arg0: i32) -> (i32, i32) {
    %c0_i32 = arith.constant 0 : i32
    %c0_i32_0 = arith.constant 0 : i32
    %c0_i32_1 = arith.constant 0 : i32
    return %c0_i32, %c0_i32_0 : i32, i32
  }
  func.func @transform_4(%arg0: i32) -> (i32, i32) {
    %c0_i32 = arith.constant 0 : i32
    %c0_i32_0 = arith.constant 0 : i32
    %c0_i32_1 = arith.constant 0 : i32
    return %c0_i32, %c0_i32_0 : i32, i32
  }
  func.func @transform_5(%arg0: i32) -> (i32, i32) {
    %c0_i32 = arith.constant 0 : i32
    %c0_i32_0 = arith.constant 0 : i32
    %c0_i32_1 = arith.constant 0 : i32
    return %c0_i32, %c0_i32_0 : i32, i32
  }
  func.func @transform_6(%arg0: i32) -> (i32, i32) {
    %c0_i32 = arith.constant 0 : i32
    %c0_i32_0 = arith.constant 0 : i32
    %c0_i32_1 = arith.constant 0 : i32
    return %c0_i32, %c0_i32_0 : i32, i32
  }
  func.func @transform_7(%arg0: i32) -> (i32, i32) {
    %c0_i32 = arith.constant 0 : i32
    %c0_i32_0 = arith.constant 0 : i32
    %c0_i32_1 = arith.constant 0 : i32
    return %c0_i32, %c0_i32_0 : i32, i32
  }
  func.func @transform_8(%arg0: i32) -> (i32, i32) {
    %c0_i32 = arith.constant 0 : i32
    %c0_i32_0 = arith.constant 0 : i32
    %c0_i32_1 = arith.constant 0 : i32
    return %c0_i32, %c0_i32_0 : i32, i32
  }
  func.func @transform_9(%arg0: i32) -> (i32, i32) {
    %c0_i32 = arith.constant 0 : i32
    %c0_i32_0 = arith.constant 0 : i32
    %c0_i32_1 = arith.constant 0 : i32
    return %c0_i32, %c0_i32_0 : i32, i32
  }
  func.func @transform_10(%arg0: i32) -> (i32, i32) {
    %c0_i32 = arith.constant 0 : i32
    %c0_i32_0 = arith.constant 0 : i32
    %c0_i32_1 = arith.constant 0 : i32
    return %c0_i32, %c0_i32_0 : i32, i32
  }
  func.func @transform_11(%arg0: i32) -> (i32, i32) {
    %c0_i32 = arith.constant 0 : i32
    %c0_i32_0 = arith.constant 0 : i32
    return %arg0, %c0_i32 : i32, i32
  }
}

module attributes {stable_mosaic.version = 14 : i64} {
  func.func @_fusb_body(%arg0: i32, %arg1: memref<1792x64xf32, #tpu.memory_space<vmem>>, %arg2: memref<32x1792xf32, #tpu.memory_space<vmem>>, %arg3: memref<2x1792x32xbf16, #tpu.memory_space<vmem>>, %arg4: memref<1792x1xf32, #tpu.memory_space<vmem>>) attributes {dimension_semantics = [#tpu.dimension_semantics<arbitrary>], iteration_bounds = array<i64: 28>, scalar_prefetch = 0 : i64, scratch_operands = 0 : i64, tpu.core_type = #tpu.core_type<tc>, window_params = [{transform_indices = @transform_0, window_bounds = array<i64: 1792, 64>}, {transform_indices = @transform_1, window_bounds = array<i64: 32, 1792>}, {transform_indices = @transform_2, window_bounds = array<i64: 2, 1792, 32>}, {transform_indices = @transform_3, window_bounds = array<i64: 1792, 1>}]} {
    %get3A = arith.constant 0 : index
    %get3A_0 = arith.constant 0 : index
    %get3A_1 = vector.load %arg2[%get3A, %get3A_0] : memref<32x1792xf32, #tpu.memory_space<vmem>>, vector<32x1792xf32>
    %reduce_sum3A = arith.constant dense<0.000000e+00> : vector<1792xf32>
    %reduce_sum3A_2 = vector.multi_reduction <add>, %get3A_1, %reduce_sum3A [0] : vector<32x1792xf32> to vector<1792xf32>
    %add3A = arith.constant 1.000000e+00 : f32
    %add3A_3 = vector.broadcast %add3A : f32 to vector<1792xf32>
    %add3A_4 = arith.addf %reduce_sum3A_2, %add3A_3 : vector<1792xf32>
    %rsqrt3A = math.rsqrt %add3A_4 : vector<1792xf32>
    %broadcast_in_dim3A = vector.shape_cast %rsqrt3A : vector<1792xf32> to vector<1792x1xf32>
    %get3A_5 = arith.constant 0 : index
    %get3A_6 = arith.constant 0 : index
    %get3A_7 = vector.load %arg1[%get3A_5, %get3A_6] : memref<1792x64xf32, #tpu.memory_space<vmem>>, vector<1792x64xf32>
    %mul3A = vector.broadcast %broadcast_in_dim3A : vector<1792x1xf32> to vector<1792x64xf32>
    %mul3A_8 = arith.mulf %get3A_7, %mul3A : vector<1792x64xf32>
    %slice3A = vector.extract_strided_slice %mul3A_8 {offsets = [0, 0], sizes = [1792, 32], strides = [1, 1]} : vector<1792x64xf32> to vector<1792x32xf32>
    %slice3A_9 = vector.extract_strided_slice %mul3A_8 {offsets = [0, 32], sizes = [1792, 32], strides = [1, 1]} : vector<1792x64xf32> to vector<1792x32xf32>
    %stack3A = vector.shape_cast %slice3A : vector<1792x32xf32> to vector<1x1792x32xf32>
    %stack3A_10 = vector.shape_cast %slice3A_9 : vector<1792x32xf32> to vector<1x1792x32xf32>
    %stack3A_11 = tpu.concatenate %stack3A, %stack3A_10 in 0 : vector<1x1792x32xf32>, vector<1x1792x32xf32> -> vector<2x1792x32xf32>
    %convert_element_type3A = arith.truncf %stack3A_11 : vector<2x1792x32xf32> to vector<2x1792x32xbf16>
    %swap3A = arith.constant 0 : index
    %swap3A_12 = arith.constant 0 : index
    %swap3A_13 = arith.constant 0 : index
    %swap3A_14 = vector.load %arg3[%swap3A, %swap3A_12, %swap3A_13] : memref<2x1792x32xbf16, #tpu.memory_space<vmem>>, vector<2x1792x32xbf16>
    tpu.vector_store %arg3[%swap3A, %swap3A_12, %swap3A_13], %convert_element_type3A {strides = array<i32>} : memref<2x1792x32xbf16, #tpu.memory_space<vmem>>, vector<2x1792x32xbf16>,
    %swap3A_15 = arith.constant 0 : index
    %swap3A_16 = arith.constant 0 : index
    %swap3A_17 = vector.load %arg4[%swap3A_15, %swap3A_16] : memref<1792x1xf32, #tpu.memory_space<vmem>>, vector<1792x1xf32>
    tpu.vector_store %arg4[%swap3A_15, %swap3A_16], %broadcast_in_dim3A {strides = array<i32>} : memref<1792x1xf32, #tpu.memory_space<vmem>>, vector<1792x1xf32>,
    return
  }
  func.func @transform_0(%arg0: i32) -> (i32, i32) {
    %c0_i32 = arith.constant 0 : i32
    %c0_i32_0 = arith.constant 0 : i32
    return %arg0, %c0_i32 : i32, i32
  }
  func.func @transform_1(%arg0: i32) -> (i32, i32) {
    %c0_i32 = arith.constant 0 : i32
    %c0_i32_0 = arith.constant 0 : i32
    return %c0_i32, %arg0 : i32, i32
  }
  func.func @transform_2(%arg0: i32) -> (i32, i32, i32) {
    %c0_i32 = arith.constant 0 : i32
    %c0_i32_0 = arith.constant 0 : i32
    %c0_i32_1 = arith.constant 0 : i32
    return %c0_i32, %arg0, %c0_i32_0 : i32, i32, i32
  }
  func.func @transform_3(%arg0: i32) -> (i32, i32) {
    %c0_i32 = arith.constant 0 : i32
    %c0_i32_0 = arith.constant 0 : i32
    return %arg0, %c0_i32 : i32, i32
  }
}

module attributes {stable_mosaic.version = 14 : i64} {
  func.func @_mid_body(%arg0: i32, %arg1: memref<2x1792x32xbf16, #tpu.memory_space<vmem>>, %arg2: memref<2x1792x32xbf16, #tpu.memory_space<vmem>>, %arg3: memref<1792x1xf32, #tpu.memory_space<vmem>>, %arg4: memref<1x64xf32, #tpu.memory_space<vmem>>, %arg5: memref<64x64xf32, #tpu.memory_space<vmem>>, %arg6: memref<2x1792x32xbf16, #tpu.memory_space<vmem>>) attributes {dimension_semantics = [#tpu.dimension_semantics<arbitrary>], iteration_bounds = array<i64: 28>, scalar_prefetch = 0 : i64, scratch_operands = 0 : i64, tpu.core_type = #tpu.core_type<tc>, window_params = [{transform_indices = @transform_0, window_bounds = array<i64: 2, 1792, 32>}, {transform_indices = @transform_1, window_bounds = array<i64: 2, 1792, 32>}, {transform_indices = @transform_2, window_bounds = array<i64: 1792, 1>}, {pipeline_mode = #tpu.pipeline_mode<synchronous>, transform_indices = @transform_3, window_bounds = array<i64: 1, 64>}, {pipeline_mode = #tpu.pipeline_mode<synchronous>, transform_indices = @transform_4, window_bounds = array<i64: 64, 64>}, {transform_indices = @transform_5, window_bounds = array<i64: 2, 1792, 32>}]} {
    %get3A = arith.constant 0 : index
    %get3A_0 = arith.constant 0 : index
    %get3A_1 = vector.load %arg3[%get3A, %get3A_0] : memref<1792x1xf32, #tpu.memory_space<vmem>>, vector<1792x1xf32>
    %get3A_2 = arith.constant 0 : index
    %get3A_3 = arith.constant 0 : index
    %get3A_4 = arith.constant 0 : index
    %get3A_5 = vector.load %arg1[%get3A_2, %get3A_3, %get3A_4] : memref<2x1792x32xbf16, #tpu.memory_space<vmem>>, vector<2x1792x32xbf16>
    %convert_element_type3A = arith.extf %get3A_5 : vector<2x1792x32xbf16> to vector<2x1792x32xf32>
    %get3A_6 = arith.constant 0 : index
    %get3A_7 = arith.constant 0 : index
    %get3A_8 = arith.constant 0 : index
    %get3A_9 = vector.load %arg2[%get3A_6, %get3A_7, %get3A_8] : memref<2x1792x32xbf16, #tpu.memory_space<vmem>>, vector<2x1792x32xbf16>
    %convert_element_type3A_10 = arith.extf %get3A_9 : vector<2x1792x32xbf16> to vector<2x1792x32xf32>
    %slice3A = vector.extract_strided_slice %convert_element_type3A {offsets = [0, 0, 0], sizes = [1, 1792, 32], strides = [1, 1, 1]} : vector<2x1792x32xf32> to vector<1x1792x32xf32>
    %squeeze3A = vector.shape_cast %slice3A : vector<1x1792x32xf32> to vector<1792x32xf32>
    %slice3A_11 = vector.extract_strided_slice %convert_element_type3A_10 {offsets = [0, 0, 0], sizes = [1, 1792, 32], strides = [1, 1, 1]} : vector<2x1792x32xf32> to vector<1x1792x32xf32>
    %squeeze3A_12 = vector.shape_cast %slice3A_11 : vector<1x1792x32xf32> to vector<1792x32xf32>
    %add3A = arith.addf %squeeze3A, %squeeze3A_12 : vector<1792x32xf32>
    %slice3A_13 = vector.extract_strided_slice %convert_element_type3A {offsets = [1, 0, 0], sizes = [1, 1792, 32], strides = [1, 1, 1]} : vector<2x1792x32xf32> to vector<1x1792x32xf32>
    %squeeze3A_14 = vector.shape_cast %slice3A_13 : vector<1x1792x32xf32> to vector<1792x32xf32>
    %slice3A_15 = vector.extract_strided_slice %convert_element_type3A_10 {offsets = [1, 0, 0], sizes = [1, 1792, 32], strides = [1, 1, 1]} : vector<2x1792x32xf32> to vector<1x1792x32xf32>
    %squeeze3A_16 = vector.shape_cast %slice3A_15 : vector<1x1792x32xf32> to vector<1792x32xf32>
    %add3A_17 = arith.addf %squeeze3A_14, %squeeze3A_16 : vector<1792x32xf32>
    %concatenate3A = tpu.concatenate %add3A, %add3A_17 in 1 : vector<1792x32xf32>, vector<1792x32xf32> -> vector<1792x64xf32>
    %mul3A = vector.broadcast %get3A_1 : vector<1792x1xf32> to vector<1792x64xf32>
    %mul3A_18 = arith.mulf %concatenate3A, %mul3A : vector<1792x64xf32>
    %get3A_19 = arith.constant 0 : index
    %get3A_20 = arith.constant 0 : index
    %get3A_21 = vector.load %arg4[%get3A_19, %get3A_20] : memref<1x64xf32, #tpu.memory_space<vmem>>, vector<1x64xf32>
    %add3A_22 = vector.broadcast %get3A_21 : vector<1x64xf32> to vector<1792x64xf32>
    %add3A_23 = arith.addf %mul3A_18, %add3A_22 : vector<1792x64xf32>
    %tanh3A = math.tanh %add3A_23 : vector<1792x64xf32>
    %get3A_24 = arith.constant 0 : index
    %get3A_25 = arith.constant 0 : index
    %get3A_26 = vector.load %arg5[%get3A_24, %get3A_25] : memref<64x64xf32, #tpu.memory_space<vmem>>, vector<64x64xf32>
    %dot_general3A = arith.constant dense<0.000000e+00> : vector<1792x64xf32>
    %dot_general3A_27 = tpu.matmul %tanh3A, %get3A_26, %dot_general3A {dimension_numbers = #tpu.dot_dimension_numbers<[1], [0], [0], [1], [0, 0, 1, 1], [], []>, transpose_lhs_hint = false} : vector<1792x64xf32>, vector<64x64xf32>, vector<1792x64xf32> -> vector<1792x64xf32>
    %mul3A_28 = vector.broadcast %get3A_1 : vector<1792x1xf32> to vector<1792x64xf32>
    %mul3A_29 = arith.mulf %dot_general3A_27, %mul3A_28 : vector<1792x64xf32>
    %slice3A_30 = vector.extract_strided_slice %mul3A_29 {offsets = [0, 0], sizes = [1792, 32], strides = [1, 1]} : vector<1792x64xf32> to vector<1792x32xf32>
    %slice3A_31 = vector.extract_strided_slice %mul3A_29 {offsets = [0, 32], sizes = [1792, 32], strides = [1, 1]} : vector<1792x64xf32> to vector<1792x32xf32>
    %stack3A = vector.shape_cast %slice3A_30 : vector<1792x32xf32> to vector<1x1792x32xf32>
    %stack3A_32 = vector.shape_cast %slice3A_31 : vector<1792x32xf32> to vector<1x1792x32xf32>
    %stack3A_33 = tpu.concatenate %stack3A, %stack3A_32 in 0 : vector<1x1792x32xf32>, vector<1x1792x32xf32> -> vector<2x1792x32xf32>
    %convert_element_type3A_34 = arith.truncf %stack3A_33 : vector<2x1792x32xf32> to vector<2x1792x32xbf16>
    %swap3A = arith.constant 0 : index
    %swap3A_35 = arith.constant 0 : index
    %swap3A_36 = arith.constant 0 : index
    %swap3A_37 = vector.load %arg6[%swap3A, %swap3A_35, %swap3A_36] : memref<2x1792x32xbf16, #tpu.memory_space<vmem>>, vector<2x1792x32xbf16>
    tpu.vector_store %arg6[%swap3A, %swap3A_35, %swap3A_36], %convert_element_type3A_34 {strides = array<i32>} : memref<2x1792x32xbf16, #tpu.memory_space<vmem>>, vector<2x1792x32xbf16>,
    return
  }
  func.func @transform_0(%arg0: i32) -> (i32, i32, i32) {
    %c0_i32 = arith.constant 0 : i32
    %c0_i32_0 = arith.constant 0 : i32
    %c0_i32_1 = arith.constant 0 : i32
    return %c0_i32, %arg0, %c0_i32_0 : i32, i32, i32
  }
  func.func @transform_1(%arg0: i32) -> (i32, i32, i32) {
    %c0_i32 = arith.constant 0 : i32
    %c0_i32_0 = arith.constant 0 : i32
    %c0_i32_1 = arith.constant 0 : i32
    return %c0_i32, %arg0, %c0_i32_0 : i32, i32, i32
  }
  func.func @transform_2(%arg0: i32) -> (i32, i32) {
    %c0_i32 = arith.constant 0 : i32
    %c0_i32_0 = arith.constant 0 : i32
    return %arg0, %c0_i32 : i32, i32
  }
  func.func @transform_3(%arg0: i32) -> (i32, i32) {
    %c0_i32 = arith.constant 0 : i32
    %c0_i32_0 = arith.constant 0 : i32
    %c0_i32_1 = arith.constant 0 : i32
    return %c0_i32, %c0_i32_0 : i32, i32
  }
  func.func @transform_4(%arg0: i32) -> (i32, i32) {
    %c0_i32 = arith.constant 0 : i32
    %c0_i32_0 = arith.constant 0 : i32
    %c0_i32_1 = arith.constant 0 : i32
    return %c0_i32, %c0_i32_0 : i32, i32
  }
  func.func @transform_5(%arg0: i32) -> (i32, i32, i32) {
    %c0_i32 = arith.constant 0 : i32
    %c0_i32_0 = arith.constant 0 : i32
    %c0_i32_1 = arith.constant 0 : i32
    return %c0_i32, %arg0, %c0_i32_0 : i32, i32, i32
  }
}

module attributes {stable_mosaic.version = 14 : i64} {
  func.func @_final_body(%arg0: i32, %arg1: memref<2x1792x32xbf16, #tpu.memory_space<vmem>>, %arg2: memref<2x1792x32xbf16, #tpu.memory_space<vmem>>, %arg3: memref<1792x1xf32, #tpu.memory_space<vmem>>, %arg4: memref<1x64xf32, #tpu.memory_space<vmem>>, %arg5: memref<64x16xf32, #tpu.memory_space<vmem>>, %arg6: memref<1x16xf32, #tpu.memory_space<vmem>>, %arg7: memref<1792x16xf32, #tpu.memory_space<vmem>>) attributes {dimension_semantics = [#tpu.dimension_semantics<arbitrary>], iteration_bounds = array<i64: 28>, scalar_prefetch = 0 : i64, scratch_operands = 0 : i64, tpu.core_type = #tpu.core_type<tc>, window_params = [{transform_indices = @transform_0, window_bounds = array<i64: 2, 1792, 32>}, {transform_indices = @transform_1, window_bounds = array<i64: 2, 1792, 32>}, {transform_indices = @transform_2, window_bounds = array<i64: 1792, 1>}, {pipeline_mode = #tpu.pipeline_mode<synchronous>, transform_indices = @transform_3, window_bounds = array<i64: 1, 64>}, {pipeline_mode = #tpu.pipeline_mode<synchronous>, transform_indices = @transform_4, window_bounds = array<i64: 64, 16>}, {pipeline_mode = #tpu.pipeline_mode<synchronous>, transform_indices = @transform_5, window_bounds = array<i64: 1, 16>}, {transform_indices = @transform_6, window_bounds = array<i64: 1792, 16>}]} {
    %get3A = arith.constant 0 : index
    %get3A_0 = arith.constant 0 : index
    %get3A_1 = vector.load %arg3[%get3A, %get3A_0] : memref<1792x1xf32, #tpu.memory_space<vmem>>, vector<1792x1xf32>
    %get3A_2 = arith.constant 0 : index
    %get3A_3 = arith.constant 0 : index
    %get3A_4 = arith.constant 0 : index
    %get3A_5 = vector.load %arg1[%get3A_2, %get3A_3, %get3A_4] : memref<2x1792x32xbf16, #tpu.memory_space<vmem>>, vector<2x1792x32xbf16>
    %convert_element_type3A = arith.extf %get3A_5 : vector<2x1792x32xbf16> to vector<2x1792x32xf32>
    %get3A_6 = arith.constant 0 : index
    %get3A_7 = arith.constant 0 : index
    %get3A_8 = arith.constant 0 : index
    %get3A_9 = vector.load %arg2[%get3A_6, %get3A_7, %get3A_8] : memref<2x1792x32xbf16, #tpu.memory_space<vmem>>, vector<2x1792x32xbf16>
    %convert_element_type3A_10 = arith.extf %get3A_9 : vector<2x1792x32xbf16> to vector<2x1792x32xf32>
    %slice3A = vector.extract_strided_slice %convert_element_type3A {offsets = [0, 0, 0], sizes = [1, 1792, 32], strides = [1, 1, 1]} : vector<2x1792x32xf32> to vector<1x1792x32xf32>
    %squeeze3A = vector.shape_cast %slice3A : vector<1x1792x32xf32> to vector<1792x32xf32>
    %slice3A_11 = vector.extract_strided_slice %convert_element_type3A_10 {offsets = [0, 0, 0], sizes = [1, 1792, 32], strides = [1, 1, 1]} : vector<2x1792x32xf32> to vector<1x1792x32xf32>
    %squeeze3A_12 = vector.shape_cast %slice3A_11 : vector<1x1792x32xf32> to vector<1792x32xf32>
    %add3A = arith.addf %squeeze3A, %squeeze3A_12 : vector<1792x32xf32>
    %slice3A_13 = vector.extract_strided_slice %convert_element_type3A {offsets = [1, 0, 0], sizes = [1, 1792, 32], strides = [1, 1, 1]} : vector<2x1792x32xf32> to vector<1x1792x32xf32>
    %squeeze3A_14 = vector.shape_cast %slice3A_13 : vector<1x1792x32xf32> to vector<1792x32xf32>
    %slice3A_15 = vector.extract_strided_slice %convert_element_type3A_10 {offsets = [1, 0, 0], sizes = [1, 1792, 32], strides = [1, 1, 1]} : vector<2x1792x32xf32> to vector<1x1792x32xf32>
    %squeeze3A_16 = vector.shape_cast %slice3A_15 : vector<1x1792x32xf32> to vector<1792x32xf32>
    %add3A_17 = arith.addf %squeeze3A_14, %squeeze3A_16 : vector<1792x32xf32>
    %concatenate3A = tpu.concatenate %add3A, %add3A_17 in 1 : vector<1792x32xf32>, vector<1792x32xf32> -> vector<1792x64xf32>
    %mul3A = vector.broadcast %get3A_1 : vector<1792x1xf32> to vector<1792x64xf32>
    %mul3A_18 = arith.mulf %concatenate3A, %mul3A : vector<1792x64xf32>
    %get3A_19 = arith.constant 0 : index
    %get3A_20 = arith.constant 0 : index
    %get3A_21 = vector.load %arg4[%get3A_19, %get3A_20] : memref<1x64xf32, #tpu.memory_space<vmem>>, vector<1x64xf32>
    %add3A_22 = vector.broadcast %get3A_21 : vector<1x64xf32> to vector<1792x64xf32>
    %add3A_23 = arith.addf %mul3A_18, %add3A_22 : vector<1792x64xf32>
    %tanh3A = math.tanh %add3A_23 : vector<1792x64xf32>
    %get3A_24 = arith.constant 0 : index
    %get3A_25 = arith.constant 0 : index
    %get3A_26 = vector.load %arg5[%get3A_24, %get3A_25] : memref<64x16xf32, #tpu.memory_space<vmem>>, vector<64x16xf32>
    %dot_general3A = arith.constant dense<0.000000e+00> : vector<1792x16xf32>
    %dot_general3A_27 = tpu.matmul %tanh3A, %get3A_26, %dot_general3A {dimension_numbers = #tpu.dot_dimension_numbers<[1], [0], [0], [1], [0, 0, 1, 1], [], []>, transpose_lhs_hint = false} : vector<1792x64xf32>, vector<64x16xf32>, vector<1792x16xf32> -> vector<1792x16xf32>
    %get3A_28 = arith.constant 0 : index
    %get3A_29 = arith.constant 0 : index
    %get3A_30 = vector.load %arg6[%get3A_28, %get3A_29] : memref<1x16xf32, #tpu.memory_space<vmem>>, vector<1x16xf32>
    %add3A_31 = vector.broadcast %get3A_30 : vector<1x16xf32> to vector<1792x16xf32>
    %add3A_32 = arith.addf %dot_general3A_27, %add3A_31 : vector<1792x16xf32>
    %reduce_max3A = arith.constant dense<0xFF800000> : vector<1792xf32>
    %reduce_max3A_33 = vector.multi_reduction <maximumf>, %add3A_32, %reduce_max3A [1] : vector<1792x16xf32> to vector<1792xf32>
    %broadcast_in_dim3A = vector.shape_cast %reduce_max3A_33 : vector<1792xf32> to vector<1792x1xf32>
    %sub3A = vector.broadcast %broadcast_in_dim3A : vector<1792x1xf32> to vector<1792x16xf32>
    %sub3A_34 = arith.subf %add3A_32, %sub3A : vector<1792x16xf32>
    %exp3A = math.exp %sub3A_34 : vector<1792x16xf32>
    %reduce_sum3A = arith.constant dense<0.000000e+00> : vector<1792xf32>
    %reduce_sum3A_35 = vector.multi_reduction <add>, %exp3A, %reduce_sum3A [1] : vector<1792x16xf32> to vector<1792xf32>
    %broadcast_in_dim3A_36 = vector.shape_cast %reduce_sum3A_35 : vector<1792xf32> to vector<1792x1xf32>
    %log3A = math.log %broadcast_in_dim3A_36 : vector<1792x1xf32>
    %add3A_37 = arith.addf %log3A, %broadcast_in_dim3A : vector<1792x1xf32>
    %sub3A_38 = vector.broadcast %add3A_37 : vector<1792x1xf32> to vector<1792x16xf32>
    %sub3A_39 = arith.subf %add3A_32, %sub3A_38 : vector<1792x16xf32>
    %swap3A = arith.constant 0 : index
    %swap3A_40 = arith.constant 0 : index
    %swap3A_41 = vector.load %arg7[%swap3A, %swap3A_40] : memref<1792x16xf32, #tpu.memory_space<vmem>>, vector<1792x16xf32>
    tpu.vector_store %arg7[%swap3A, %swap3A_40], %sub3A_39 {strides = array<i32>} : memref<1792x16xf32, #tpu.memory_space<vmem>>, vector<1792x16xf32>,
    return
  }
  func.func @transform_0(%arg0: i32) -> (i32, i32, i32) {
    %c0_i32 = arith.constant 0 : i32
    %c0_i32_0 = arith.constant 0 : i32
    %c0_i32_1 = arith.constant 0 : i32
    return %c0_i32, %arg0, %c0_i32_0 : i32, i32, i32
  }
  func.func @transform_1(%arg0: i32) -> (i32, i32, i32) {
    %c0_i32 = arith.constant 0 : i32
    %c0_i32_0 = arith.constant 0 : i32
    %c0_i32_1 = arith.constant 0 : i32
    return %c0_i32, %arg0, %c0_i32_0 : i32, i32, i32
  }
  func.func @transform_2(%arg0: i32) -> (i32, i32) {
    %c0_i32 = arith.constant 0 : i32
    %c0_i32_0 = arith.constant 0 : i32
    return %arg0, %c0_i32 : i32, i32
  }
  func.func @transform_3(%arg0: i32) -> (i32, i32) {
    %c0_i32 = arith.constant 0 : i32
    %c0_i32_0 = arith.constant 0 : i32
    %c0_i32_1 = arith.constant 0 : i32
    return %c0_i32, %c0_i32_0 : i32, i32
  }
  func.func @transform_4(%arg0: i32) -> (i32, i32) {
    %c0_i32 = arith.constant 0 : i32
    %c0_i32_0 = arith.constant 0 : i32
    %c0_i32_1 = arith.constant 0 : i32
    return %c0_i32, %c0_i32_0 : i32, i32
  }
  func.func @transform_5(%arg0: i32) -> (i32, i32) {
    %c0_i32 = arith.constant 0 : i32
    %c0_i32_0 = arith.constant 0 : i32
    %c0_i32_1 = arith.constant 0 : i32
    return %c0_i32, %c0_i32_0 : i32, i32
  }
  func.func @transform_6(%arg0: i32) -> (i32, i32) {
    %c0_i32 = arith.constant 0 : i32
    %c0_i32_0 = arith.constant 0 : i32
    return %arg0, %c0_i32 : i32, i32
  }
}

</mosaic_0001>

<sc_bundles>
// kernel: kernel.12.cloned.1.call-start
scs
__scs_entry_jumppad:
0x0: {  	(pc) =	sbr.rel $0x88, $3  }
0x1: {  	(tag) =	ssettag $0x0;
	lr =	simm.s32 $0x1  }
0x2: {  	[smem:$0x3F90] =	sst lr;
	_ =	strace $0xD0000000  }
0x3: {  	_ = 	snop  }
0x4: {  	_ = 	snop  }
0x5: {  	_ = 	snop  }
0x6: {  	_ = 	snop  }
0x7: {  	_ = 	snop  }
__scs_overlays_trampoline_lowered:
0x8: {  	[smem:$0x3F9F] =	sst s0  }
0x9: {  	[smem:$0x3FA0] =	sst s1  }
0xa: {  	[smem:$0x3FA1] =	sst s2  }
0xb: {  	[smem:$0x3FA2] =	sst s3  }
0xc: {  	[smem:$0x3FA3] =	sst s4  }
0xd: {  	[smem:$0x3FA4] =	sst s5  }
0xe: {  	[smem:$0x3FA5] =	sst s6  }
0xf: {  	[smem:$0x3FA6] =	sst s7  }
0x10: {  	[smem:$0x3FA7] =	sst s8  }
0x11: {  	[smem:$0x3FA8] =	sst s9;
	s0 =	simm.s32 @!p0 $0x0  }
0x12: {  	s1 =	sld [smem:$0x3F8E];
	s0 =	simm.s32 @p0 $0x1  }
0x13: {  	[smem:$0x3FA9] =	sst s0;
	s0 =	simm.s32 @!p1 $0x0  }
0x14: {  	s2 =	sld [smem:$0x3F8D];
	s0 =	simm.s32 @p1 $0x1  }
0x15: {  	[smem:$0x3FAA] =	sst s0;
	s0 =	simm.s32 @!p2 $0x0  }
0x16: {  	s3 =	sld [smem:$0x3FDB];
	s0 =	simm.s32 @p2 $0x1  }
0x17: {  	s4 =	simm.s32 $0x1BF5;
	[smem:$0x3FAC] =	sst s0  }
0x18: {  	s0 =	sld [smem:$0x3F8F];
	_ =	swait.ge [sflag:s4], $0x0  }
0x19: {  	s7 =	sld [smem:$0x3F90]  }
0x1a: {  	s8 =	sadd.s32 $0xFFFFE003, lr  }
0x1b: {  	s9 =	sadd.s32 $0xFFFFFEF7, lr;
	s5 =	simm.s32 $0xFFFFFFFF;
	p2 =	slt.u32 s8, $0xFFFFF086  }
0x1c: {  	p1 =	slt.u32 s9, $0xF7A;
	s5 =	simm.s32 @!p2 $0x0  }
0x1d: {  	s5 =	simm.s32 @p1 $0x1;
	p0 =	seq.s32 s7, s2  }
0x1e: {  	s7 =	smul.u32 @!p0 $0xF7A, s2;
	p2 =	seq.s32 @!p0 s5, $0x0  }
0x1f: {  	s9 =	smul.u32 $0xF7A, s1;
	s8 =	simm.s32 @!p0 $0x1BF5;
	p2 =	por !p2, p0  }
0x20: {  	[sflag:s8] =	ssyncset.s32 @!p0 $0xFFFFF086;
	s6 =	sadd.s32 @!p0 s3, s7;
	s7 =	simm.s32 @!p0 $0x108  }
0x21: {  	s3 =	sadd.s32 s3, s9;
	s6 =	sadd.s32 @!p0 $0x88, s6;
	s7 =	simm.s32 @p2 $0x1082  }
0x22: {  	[simem:s7], [sflag:s8] =	dma.local @!p0 [hbm:s6], $0xF7A  }
0x23: {  	s9 =	sor.u32 $0xD0000000, s2;
	s6 =	simm.s32 $0x108;
	_ =	swait.ge @!p0 [sflag:s8], $0x0  }
0x24: {  	s3 =	sadd.s32 $0x88, s3;
	s6 =	simm.s32 @!p1 $0x1082;
	[sflag:s4] =	ssyncset.s32 $0xFFFFF086  }
0x25: {  	[simem:s6], [sflag:s4] =	dma.local [hbm:s3], $0xF7A  }
0x26: {  	[smem:$0x3F90] =	sst s1;
	(tag) =	ssettag s2;
	_ =	strace s9  }
0x27: {  	s1 =	sld [smem:$0x3FA0]  }
0x28: {  	s2 =	sld [smem:$0x3FA1]  }
0x29: {  	s4 =	sld [smem:$0x3FA3]  }
0x2a: {  	p0 =	seq.s32 s5, $0x0;
	s5 =	sld [smem:$0x3FA4]  }
0x2b: {  	s6 =	sld [smem:$0x3FA5]  }
0x2c: {  	s7 =	sld [smem:$0x3FA6]  }
0x2d: {  	s3 =	simm.s32 $0x108;
	s8 =	sld [smem:$0x3FA7]  }
0x2e: {  	s3 =	simm.s32 @!p0 $0x1082;
	s9 =	sld [smem:$0x3FA8]  }
0x2f: {  	lr =	sadd.s32 s0, s3;
	s0 =	sld [smem:$0x3F9F]  }
0x30: {  	s3 =	sld [smem:$0x3FA2]  }
0x31: {  	[smem:$0x3FAB] =	sst s10  }
0x32: {  	s10 =	sld [smem:$0x3FA9];
	_ =	sdelay $0x3  }
0x33: {  	p0 =	seq.s32 s10, $0x1;
	s10 =	sld [smem:$0x3FAB];
	_ =	sdelay $0x3  }
0x34: {  	[smem:$0x3FAB] =	sst s10  }
0x35: {  	s10 =	sld [smem:$0x3FAA];
	_ =	sdelay $0x3  }
0x36: {  	p1 =	seq.s32 s10, $0x1;
	s10 =	sld [smem:$0x3FAB];
	_ =	sdelay $0x3  }
0x37: {  	[smem:$0x3FAB] =	sst s10  }
0x38: {  	s10 =	sld [smem:$0x3FAC]  }
0x39: {  	_ = 	snop;
	(pc) =	sbr.ind lr, $3  }
0x3a: {  	_ = 	snop  }
0x3b: {  	_ = 	snop  }
0x3c: {  	p2 =	seq.s32 s10, $0x1;
	s10 =	sld [smem:$0x3FAB]  }
0x3d: {  	_ =	shalt  }
0x3e: {  	_ =	shalt  }
0x3f: {  	_ =	shalt  }
0x40: {  	_ =	shalt  }
0x41: {  	_ =	shalt  }
0x42: {  	_ =	shalt  }
0x43: {  	_ =	shalt  }
0x44: {  	_ =	shalt  }
0x45: {  	_ =	shalt  }
0x46: {  	_ =	shalt  }
0x47: {  	_ =	shalt  }
0x48: {  	_ =	shalt  }
0x49: {  	_ =	shalt  }
0x4a: {  	_ =	shalt  }
0x4b: {  	_ =	shalt  }
0x4c: {  	_ =	shalt  }
0x4d: {  	_ =	shalt  }
0x4e: {  	_ =	shalt  }
0x4f: {  	_ =	shalt  }
0x50: {  	_ =	shalt  }
0x51: {  	_ =	shalt  }
0x52: {  	_ =	shalt  }
0x53: {  	_ =	shalt  }
0x54: {  	_ =	shalt  }
0x55: {  	_ =	shalt  }
0x56: {  	_ =	shalt  }
0x57: {  	_ =	shalt  }
0x58: {  	_ =	shalt  }
0x59: {  	_ =	shalt  }
0x5a: {  	_ =	shalt  }
0x5b: {  	_ =	shalt  }
0x5c: {  	_ =	shalt  }
0x5d: {  	_ =	shalt  }
0x5e: {  	_ =	shalt  }
0x5f: {  	_ =	shalt  }
0x60: {  	_ =	shalt  }
0x61: {  	_ =	shalt  }
0x62: {  	_ =	shalt  }
0x63: {  	_ =	shalt  }
0x64: {  	_ =	shalt  }
0x65: {  	_ =	shalt  }
0x66: {  	_ =	shalt  }
0x67: {  	_ =	shalt  }
0x68: {  	_ =	shalt  }
0x69: {  	_ =	shalt  }
0x6a: {  	_ =	shalt  }
0x6b: {  	_ =	shalt  }
0x6c: {  	_ =	shalt  }
0x6d: {  	_ =	shalt  }
0x6e: {  	_ =	shalt  }
0x6f: {  	_ =	shalt  }
0x70: {  	_ =	shalt  }
0x71: {  	_ =	shalt  }
0x72: {  	_ =	shalt  }
0x73: {  	_ =	shalt  }
0x74: {  	_ =	shalt  }
0x75: {  	_ =	shalt  }
0x76: {  	_ =	shalt  }
0x77: {  	_ =	shalt  }
0x78: {  	_ =	shalt  }
0x79: {  	_ =	shalt  }
0x7a: {  	_ =	shalt  }
0x7b: {  	_ =	shalt  }
0x7c: {  	_ =	shalt  }
0x7d: {  	_ =	shalt  }
0x7e: {  	_ =	shalt  }
0x7f: {  	_ =	shalt  }
0x80: {  	_ =	shalt  }
0x81: {  	_ =	shalt  }
0x82: {  	_ =	shalt  }
0x83: {  	_ =	shalt  }
0x84: {  	_ =	shalt  }
0x85: {  	_ =	shalt  }
0x86: {  	_ =	shalt  }
0x87: {  	_ =	shalt  }
.Lfunc_end0:
.L_simem_size_0:
called_computation.1_lowered:
.L_overlay_start_0:
0x88: {  	s2 =	sld [smem:$0x3FD9]  }
0x89: {  	s3 =	sld [smem:$0x3FFE];
	_ =	sdelay $0x1  }
0x8a: {  	s1 =	srdreg.scid  }
0x8b: {  	s0 =	sand.u32 $0x1, s1  }
0x8c: {  	s16 =	sshll.u32 s0, $0xA;
	s2 =	sadd.s32 s3, s2  }
0x8d: {  	s2 =	sadd.s32 s2, s16  }
0x8e: {  	[smem:$0x3FB7] =	sst s2  }
0x8f: {  	_ = 	snop  }
0x90: {  	(tm) =	ssettm $0x1  }
0x91: {  	s17 =	sld [smem:$0x3FFB];
	_ =	sdelay $0x3  }
0x92: {  	_ =	strace s17  }
0x93: {  	s2 =	sld [smem:$0x3FFC];
	_ =	sdelay $0x3  }
0x94: {  	_ =	strace s2  }
0x95: {  	s2 =	sld [smem:$0x3FFD];
	_ =	sdelay $0x3  }
0x96: {  	_ =	strace s2  }
0x97: {  	_ =	strace $0x8FFFFFFF  }
0x98: {  	s18 =	sld [smem:$0x3FDB];
	_ =	sdelay $0x1  }
0x99: {  	s19 =	simm.s32 $_scs_section_size  }
0x9a: {  	s4 =	simm.s32 $_size__tile_overlayer_lowered;
	s5 =	simm.s32 $_tile_overlayer_lowered  }
0x9b: {  	s22 =	simm.s32 $0x1BFF;
	s21 =	sshll.u32 s5, $0x1;
	s2 =	sadd.s32 s19, s18  }
0x9c: {  	s6 =	simm.s32 $0x0;
	s20 =	sshll.u32 s4, $0x1;
	s4 =	sadd.s32 s21, s2  }
0x9d: {  	[timem:s6], [sflag:s22] =	dma.local [hbm:s4], s20  }
0x9e: {  	_ =	swait.ge [sflag:s22], s20  }
0x9f: {  	s3 =	ssub.s32 $0x0, s20;
	[sflag:s22] =	ssyncset.done $0x0  }
0xa0: {  	[sflag:s22] =	ssyncadd.s32 s3;
	_ =	sdelay $0x1  }
0xa1: {  	s23 =	simm.s32 $0x1B8B  }
0xa2: {  	_ =	swait.ge [sflag:s23], $0x1  }
0xa3: {  	[sflag:s23] =	ssyncset.done $0x0  }
0xa4: {  	s25 =	simm.s32 $0x1B8E;
	s24 =	sld [smem:$0x3FFE];
	[sflag:s23] =	ssyncadd.s32 $0xFFFFFFFF  }
0xa5: {  	s26 =	simm.s32 $execute0_lowered;
	[smem:$0x3FD2] =	sst s25  }
0xa6: {  	s4 =	sshll.u32 s26, $0x1;
	_ =	strace $0x80000049;
	[dreg:$0x1] =	wrdreg $0xFFFFFFFF  }
0xa7: {  	s28 =	simm.s32 $_size_execute0_lowered;
	s2 =	sadd.s32 s2, s4;
	[dreg:$0x0] =	wrdreg $0x0  }
0xa8: {  	s4 =	sshll.u32 s28, $0x1;
	[dreg:$0x2] =	wrdreg s2  }
0xa9: {  	[dreg:$0x3] =	wrdreg s4  }
0xaa: {  	[dreg:$0x4] =	wrdreg $0xC0  }
0xab: {  	_ =	task [dreg:s6], $0x5FFFF  }
0xac: {  	[dreg:$0x1] =	wrdreg $0xFFFFFFFF  }
0xad: {  	[dreg:$0x0] =	wrdreg $0x60  }
0xae: {  	[dreg:$0x2] =	wrdreg s24  }
0xaf: {  	[dreg:$0x3] =	wrdreg $0x0  }
0xb0: {  	[dreg:$0x4] =	wrdreg $0x9  }
0xb1: {  	_ =	task.clear_ibuf [dreg:s6], $0x5FFFF;
	_ =	strace $0x90000049  }
0xb2: {  	s29 =	simm.s32 $0x9;
	_ =	strace $0x8000004B  }
0xb3: {  	_ =	swait.ge [sflag:s29], $0x1  }
0xb4: {  	[sflag:s29] =	ssyncadd.s32 $0xFFFFFFFF  }
0xb5: {  	_ =	strace $0x9000004B  }
0xb6: {  	_ =	sfence  }
0xb7: {  	s30 =	sld [smem:$0x0];
	_ =	sdelay $0x2  }
0xb8: {  	s31 =	sshll.u32 s1, $0xD;
	s1 =	sshrl.u32 s1, $0x2  }
0xb9: {  	s3 =	sand.u32 $0x4000, s31;
	s1 =	sadd.s32 s1, s30  }
0xba: {  	s0 =	sor.u32 s3, s0;
	s1 =	sshll.u32 s1, $0x11  }
0xbb: {  	s0 =	sor.u32 s1, s0  }
0xbc: {  	s0 =	sadd.s32 $0x8F2B, s0  }
0xbd: {  	[sflag:s0] =	ssyncadd.remote.s32 $0x1  }
0xbe: {  	_ =	sfence.sel $0xFFFF  }
0xbf: {  	[dreg:$0x0] =	wrdreg $0xFFFFFFFF;
	(pc) =	sbr.abs _section_cstart, $3  }
0xc0: {  	[dreg:$0x1] =	wrdreg $0xFFFFFFFF  }
0xc1: {  	_ =	task.clear_ibuf [dreg:s6], $0x2FFFF;
	_ =	strace $0x9FFFFFFF  }
0xc2: {  	(tm) =	ssettm $0x7FFFFFFF  }
0xc3: {  	_ =	shalt  }
tec
execute0_lowered:
.L_overlay_start_1:
0x0: {  	(tag) =	ssettag $0x1  }
0x1: {  	s0 =	rddreg [dreg:$0x0]  }
0x2: {  	s1 =	srdreg.scid;
	s11 =	stileid.u32  }
0x3: {  	s2 =	rddreg [dreg:$0x1];
	s1 =	sand.u32 $0x1, s1;
	s10 =	smul.u32 $0x30D40, s11  }
0x4: {  	s3 =	simm.s32 $0x0;
	s7 =	smul.u32 $0x186A00, s1;
	s1 =	ssub.s32 $0x2, s1  }
0x5: {  	s29 =	simm.s32 $0x0;
	s9 =	sshrl.u32 s1, $0x1;
	s10 =	sshrl.u32 s10, $0x2  }
0x6: {  	s6 =	smul.u32 $0x186A0, s11;
	s1 =	ssub.s32 s1, s9;
	s9 =	sadd.s32 s10, s2  }
0x7: {  	[smem:$0x7FF] =	sst s3;
	s8 =	sadd.s32 $0x12A400, s0;
	s12 =	sadd.s32 $0x7D0, s9  }
0x8: {  	_ =	strace $0x8000004A;
	s13 =	sadd.s32 $0xFA0, s9;
	[dreg:$0x3] =	wrdreg s12  }
0x9: {  	s4 =	sadd.s32 $0x3600, s0;
	s14 =	sadd.s32 $0x1770, s9;
	[dreg:$0x4] =	wrdreg s13  }
0xa: {  	p0 =	slt.u32 s11, $0x5;
	s15 =	sadd.s32 $0x1F40, s9;
	[dreg:$0x5] =	wrdreg s14  }
0xb: {  	s17 =	sshll.u32 s11, $0x9;
	s16 =	sadd.s32 $0x2710, s9;
	[dreg:$0x6] =	wrdreg s15  }
0xc: {  	s5 =	sadd.s32 s6, s7;
	s18 =	sadd.s32 $0x2EE0, s9;
	[dreg:$0x7] =	wrdreg s16  }
0xd: {  	s6 =	sshrl.u32 s6, $0x1;
	s19 =	sadd.s32 $0x36B0, s9;
	[dreg:$0x8] =	wrdreg s18  }
0xe: {  	s7 =	sadd.s32 s17, s7;
	s20 =	sadd.s32 $0x3E80, s9;
	[dreg:$0x9] =	wrdreg s19  }
0xf: {  	s5 =	sshrl.u32 s5, $0x4;
	s21 =	sadd.s32 $0x4650, s9;
	[dreg:$0xa] =	wrdreg s20  }
0x10: {  	s6 =	sadd.s32 s6, s2;
	s23 =	sadd.s32 $0x4E20, s9;
	[dreg:$0xb] =	wrdreg s21  }
0x11: {  	s22 =	sadd.s32 $0x2000, s7;
	s31 =	sadd.s32 $0x55F0, s9;
	[dreg:$0xc] =	wrdreg s23  }
0x12: {  	s24 =	sshrl.u32 s7, $0x3;
	s17 =	sadd.s32 $0x9470, s9;
	[dreg:$0x11] =	wrdreg s31  }
0x13: {  	s25 =	sadd.s32 $0x4000, s7;
	s11 =	sadd.s32 s8, s24;
	[dreg:$0x19] =	wrdreg s17  }
0x14: {  	s26 =	sadd.s32 $0x6000, s7;
	s12 =	sadd.s32 $0x6D60, s9;
	[dreg:$0xd] =	wrdreg s11  }
0x15: {  	s7 =	sadd.s32 $0x8000, s7;
	s13 =	sadd.s32 $0x7530, s9;
	[dreg:$0x14] =	wrdreg s12  }
0x16: {  	s0 =	sadd.s32 s5, s0;
	s14 =	sadd.s32 $0x7D00, s9;
	[dreg:$0x15] =	wrdreg s13  }
0x17: {  	s5 =	simm.s32 $0xC4;
	s15 =	sadd.s32 $0x84D0, s9;
	[dreg:$0x16] =	wrdreg s14  }
0x18: {  	s10 =	sshrl.u32 s22, $0x3;
	s16 =	sadd.s32 $0x8CA0, s9;
	[dreg:$0x17] =	wrdreg s15  }
0x19: {  	s28 =	sshrl.u32 s26, $0x3;
	s18 =	sadd.s32 $0x9C40, s9;
	[dreg:$0x18] =	wrdreg s16  }
0x1a: {  	s7 =	sshrl.u32 s7, $0x3;
	s19 =	sadd.s32 $0xA410, s9;
	[dreg:$0x1a] =	wrdreg s18  }
0x1b: {  	s20 =	sadd.s32 $0xABE0, s9;
	s22 =	sadd.s32 $0xB3B0, s9;
	[dreg:$0x1b] =	wrdreg s19  }
0x1c: {  	s31 =	smax.u32 s1, $0x1;
	s17 =	simm.s32 $0x15350;
	[dreg:$0x1c] =	wrdreg s20  }
0x1d: {  	s5 =	simm.s32 @!p0 $0xC3;
	s10 =	sadd.s32 s8, s10;
	[dreg:$0x1d] =	wrdreg s22  }
0x1e: {  	s21 =	sadd.s32 s7, s8;
	s11 =	sadd.s32 $0x6590, s9;
	[smem:$0x7FD] =	sst s31  }
0x1f: {  	s0 =	sadd.s32 $0x34600, s0;
	s18 =	simm.s32 $0x11;
	[dreg:$0xe] =	wrdreg s10  }
0x20: {  	s10 =	sshrl.u32 s25, $0x3;
	s30 =	sadd.s32 $0x3, s5;
	[dreg:$0x13] =	wrdreg s11  }
0x21: {  	s23 =	sand.u32 $0x7, s5;
	s25 =	sadd.s32 $0x5, s5;
	s26 =	sadd.s32 $0x6, s5  }
0x22: {  	[dreg:$0x1f] =	wrdreg s0;
	s10 =	sadd.s32 s8, s10;
	s7 =	sand.u32 $0x7, s30  }
0x23: {  	s24 =	sxor.u32 $0x4, s23;
	[dreg:$0xf] =	wrdreg s10;
	s10 =	sadd.s32 s8, s28  }
0x24: {  	s11 =	sadd.s32 $0x11, s24;
	s8 =	sand.u32 $0x7, s26;
	s28 =	sadd.s32 $0xFFFFFFFF, s5  }
0x25: {  	s24 =	simm.s32 $0x80;
	[dreg:$0x10] =	wrdreg s10;
	s10 =	sadd.s32 $0x5DC0, s9  }
0x26: {  	s9 =	sadd.s32 $0xBB80, s9;
	s13 =	sadd.s32 $0x11, s8;
	s30 =	sand.u32 $0x7, s28  }
0x27: {  	[dreg:$0x12] =	wrdreg s10;
	s10 =	sadd.s32 $0x11, s7;
	s7 =	sand.u32 $0x7, s25  }
0x28: {  	v0 =	vimm.bf16 $0.0e+00;
	[dreg:$0x1e] =	wrdreg s9;
	s14 =	sadd.s32 $0x11, s30;
	s12 =	sadd.s32 $0x11, s7  }
.LBB2_1:
0x29: {  	s0 =	simm.s32 $0x40;
	s1 =	simm.s32 $0x0  }
.LBB2_2:
0x2a: {  	p0 =	sne.s32 s0, $0x1F00;
	[tilespmem:s1+$0x15350] =	vst v0;
	s1 =	smov.u32 s0;
	s0 =	sadd.s32 $0x40, s0  }
.Ltmp0:
0x2b: {  	(pc) =	sbr.rel @p0 .LBB2_2-.Ltmp0, $2  }
0x2c: {  	_ =	sdelay $0x2  }
0x2d: {  	s1 =	sshra.s32 s1, $0x2  }
0x2e: {  	[tilespmem:s1+$0x15350] =	vst v0  }
0x2f: {  	[spmem:s6] =	stream.linear.scatter [tilespmem:s17], [sflag:$0x11], $0x7D0, $0x38;
	[tilespmem:$0x15B20] =	vst v63  }
0x30: {  	s0 =	rddreg [dreg:$0x3]  }
0x31: {  	[spmem:s0] =	stream.linear.scatter [tilespmem:s17], [sflag:$0x11], $0x7D0, $0x38;
	[tilespmem:$0x15B20] =	vst v63  }
0x32: {  	s23 =	rddreg [dreg:$0x4]  }
0x33: {  	[spmem:s23] =	stream.linear.scatter [tilespmem:s17], [sflag:$0x11], $0x7D0, $0x38;
	[tilespmem:$0x15B20] =	vst v63  }
0x34: {  	s25 =	rddreg [dreg:$0x5]  }
0x35: {  	[spmem:s25] =	stream.linear.scatter [tilespmem:s17], [sflag:$0x11], $0x7D0, $0x38;
	[tilespmem:$0x15B20] =	vst v63  }
0x36: {  	s26 =	rddreg [dreg:$0x6]  }
0x37: {  	[spmem:s26] =	stream.linear.scatter [tilespmem:s17], [sflag:$0x11], $0x7D0, $0x38;
	[tilespmem:$0x15B20] =	vst v63  }
0x38: {  	s28 =	rddreg [dreg:$0x7]  }
0x39: {  	[spmem:s28] =	stream.linear.scatter [tilespmem:s17], [sflag:$0x11], $0x7D0, $0x38;
	[tilespmem:$0x15B20] =	vst v63  }
0x3a: {  	s1 =	rddreg [dreg:$0x8]  }
0x3b: {  	[spmem:s1] =	stream.linear.scatter [tilespmem:s17], [sflag:$0x11], $0x7D0, $0x38;
	[tilespmem:$0x15B20] =	vst v63  }
0x3c: {  	s7 =	rddreg [dreg:$0x9]  }
0x3d: {  	[spmem:s7] =	stream.linear.scatter [tilespmem:s17], [sflag:$0x11], $0x7D0, $0x38;
	[tilespmem:$0x15B20] =	vst v63  }
0x3e: {  	s8 =	rddreg [dreg:$0xa]  }
0x3f: {  	[spmem:s8] =	stream.linear.scatter [tilespmem:s17], [sflag:$0x11], $0x7D0, $0x38;
	[tilespmem:$0x15B20] =	vst v63  }
0x40: {  	s9 =	rddreg [dreg:$0xb]  }
0x41: {  	[spmem:s9] =	stream.linear.scatter [tilespmem:s17], [sflag:$0x11], $0x7D0, $0x38;
	[tilespmem:$0x15B20] =	vst v63  }
0x42: {  	s15 =	rddreg [dreg:$0xc]  }
0x43: {  	[spmem:s15] =	stream.linear.scatter [tilespmem:s17], [sflag:$0x11], $0x7D0, $0x38;
	[tilespmem:$0x15B20] =	vst v63  }
0x44: {  	s16 =	rddreg [dreg:$0x11]  }
0x45: {  	[spmem:s16] =	stream.linear.scatter [tilespmem:s17], [sflag:$0x11], $0x7D0, $0x38;
	[tilespmem:$0x15B20] =	vst v63  }
0x46: {  	s19 =	rddreg [dreg:$0x12]  }
0x47: {  	[spmem:s19] =	stream.linear.scatter [tilespmem:s17], [sflag:$0x11], $0x7D0, $0x38;
	[tilespmem:$0x15B20] =	vst v63  }
0x48: {  	s20 =	rddreg [dreg:$0x13]  }
0x49: {  	[spmem:s20] =	stream.linear.scatter [tilespmem:s17], [sflag:$0x11], $0x7D0, $0x38;
	[tilespmem:$0x15B20] =	vst v63  }
0x4a: {  	s22 =	rddreg [dreg:$0x14]  }
0x4b: {  	[spmem:s22] =	stream.linear.scatter [tilespmem:s17], [sflag:$0x11], $0x7D0, $0x38;
	[tilespmem:$0x15B20] =	vst v63  }
0x4c: {  	s23 =	rddreg [dreg:$0x15]  }
0x4d: {  	[spmem:s23] =	stream.linear.scatter [tilespmem:s17], [sflag:$0x11], $0x7D0, $0x38;
	[tilespmem:$0x15B20] =	vst v63  }
0x4e: {  	s25 =	rddreg [dreg:$0x16]  }
0x4f: {  	[spmem:s25] =	stream.linear.scatter [tilespmem:s17], [sflag:$0x11], $0x7D0, $0x38;
	[tilespmem:$0x15B20] =	vst v63  }
0x50: {  	s26 =	rddreg [dreg:$0x17]  }
0x51: {  	[spmem:s26] =	stream.linear.scatter [tilespmem:s17], [sflag:$0x11], $0x7D0, $0x38;
	[tilespmem:$0x15B20] =	vst v63  }
0x52: {  	s28 =	rddreg [dreg:$0x18]  }
0x53: {  	[spmem:s28] =	stream.linear.scatter [tilespmem:s17], [sflag:$0x11], $0x7D0, $0x38;
	[tilespmem:$0x15B20] =	vst v63  }
0x54: {  	s1 =	rddreg [dreg:$0x19]  }
0x55: {  	[spmem:s1] =	stream.linear.scatter [tilespmem:s17], [sflag:$0x11], $0x7D0, $0x38;
	[tilespmem:$0x15B20] =	vst v63  }
0x56: {  	s7 =	rddreg [dreg:$0x1a]  }
0x57: {  	[spmem:s7] =	stream.linear.scatter [tilespmem:s17], [sflag:$0x11], $0x7D0, $0x38;
	[tilespmem:$0x15B20] =	vst v63  }
0x58: {  	s8 =	rddreg [dreg:$0x1b]  }
0x59: {  	[spmem:s8] =	stream.linear.scatter [tilespmem:s17], [sflag:$0x11], $0x7D0, $0x38;
	[tilespmem:$0x15B20] =	vst v63  }
0x5a: {  	s9 =	rddreg [dreg:$0x1c]  }
0x5b: {  	[spmem:s9] =	stream.linear.scatter [tilespmem:s17], [sflag:$0x11], $0x7D0, $0x38;
	[tilespmem:$0x15B20] =	vst v63  }
0x5c: {  	s15 =	rddreg [dreg:$0x1d]  }
0x5d: {  	[spmem:s15] =	stream.linear.scatter [tilespmem:s17], [sflag:$0x11], $0x7D0, $0x38;
	[tilespmem:$0x15B20] =	vst v63  }
0x5e: {  	s16 =	rddreg [dreg:$0x1e]  }
0x5f: {  	[spmem:s16] =	stream.linear.scatter [tilespmem:s17], [sflag:$0x11], $0x7D0, $0x38;
	[tilespmem:$0x15B20] =	vst v63  }
0x60: {  	_ =	swait.ge [sflag:s18], $0x7D0  }
0x61: {  	[sflag:s18] =	ssyncset.done $0x0  }
0x62: {  	[sflag:s18] =	ssyncadd.s32 $0xFFFFF830  }
0x63: {  	_ =	swait.ge [sflag:s18], $0x7D0  }
0x64: {  	[sflag:s18] =	ssyncset.done $0x0  }
0x65: {  	[sflag:s18] =	ssyncadd.s32 $0xFFFFF830  }
0x66: {  	_ =	swait.ge [sflag:s18], $0x7D0  }
0x67: {  	[sflag:s18] =	ssyncset.done $0x0  }
0x68: {  	[sflag:s18] =	ssyncadd.s32 $0xFFFFF830  }
0x69: {  	_ =	swait.ge [sflag:s18], $0x7D0  }
0x6a: {  	[sflag:s18] =	ssyncset.done $0x0  }
0x6b: {  	[sflag:s18] =	ssyncadd.s32 $0xFFFFF830  }
0x6c: {  	_ =	swait.ge [sflag:s18], $0x7D0  }
0x6d: {  	[sflag:s18] =	ssyncset.done $0x0  }
0x6e: {  	[sflag:s18] =	ssyncadd.s32 $0xFFFFF830  }
0x6f: {  	_ =	swait.ge [sflag:s18], $0x7D0  }
0x70: {  	[sflag:s18] =	ssyncset.done $0x0  }
0x71: {  	[sflag:s18] =	ssyncadd.s32 $0xFFFFF830  }
0x72: {  	_ =	swait.ge [sflag:s18], $0x7D0  }
0x73: {  	[sflag:s18] =	ssyncset.done $0x0  }
0x74: {  	[sflag:s18] =	ssyncadd.s32 $0xFFFFF830  }
0x75: {  	_ =	swait.ge [sflag:s18], $0x7D0  }
0x76: {  	[sflag:s18] =	ssyncset.done $0x0  }
0x77: {  	[sflag:s18] =	ssyncadd.s32 $0xFFFFF830  }
0x78: {  	_ =	swait.ge [sflag:s18], $0x7D0  }
0x79: {  	[sflag:s18] =	ssyncset.done $0x0  }
0x7a: {  	[sflag:s18] =	ssyncadd.s32 $0xFFFFF830  }
0x7b: {  	_ =	swait.ge [sflag:s18], $0x7D0  }
0x7c: {  	[sflag:s18] =	ssyncset.done $0x0  }
0x7d: {  	[sflag:s18] =	ssyncadd.s32 $0xFFFFF830  }
0x7e: {  	_ =	swait.ge [sflag:s18], $0x7D0  }
0x7f: {  	[sflag:s18] =	ssyncset.done $0x0  }
0x80: {  	[sflag:s18] =	ssyncadd.s32 $0xFFFFF830  }
0x81: {  	_ =	swait.ge [sflag:s18], $0x7D0  }
0x82: {  	[sflag:s18] =	ssyncset.done $0x0  }
0x83: {  	[sflag:s18] =	ssyncadd.s32 $0xFFFFF830  }
0x84: {  	_ =	swait.ge [sflag:s18], $0x7D0  }
0x85: {  	[sflag:s18] =	ssyncset.done $0x0  }
0x86: {  	[sflag:s18] =	ssyncadd.s32 $0xFFFFF830  }
0x87: {  	_ =	swait.ge [sflag:s18], $0x7D0  }
0x88: {  	[sflag:s18] =	ssyncset.done $0x0  }
0x89: {  	[sflag:s18] =	ssyncadd.s32 $0xFFFFF830  }
0x8a: {  	_ =	swait.ge [sflag:s18], $0x7D0  }
0x8b: {  	[sflag:s18] =	ssyncset.done $0x0  }
0x8c: {  	[sflag:s18] =	ssyncadd.s32 $0xFFFFF830  }
0x8d: {  	_ =	swait.ge [sflag:s18], $0x7D0  }
0x8e: {  	[sflag:s18] =	ssyncset.done $0x0  }
0x8f: {  	[sflag:s18] =	ssyncadd.s32 $0xFFFFF830  }
0x90: {  	_ =	swait.ge [sflag:s18], $0x7D0  }
0x91: {  	[sflag:s18] =	ssyncset.done $0x0  }
0x92: {  	[sflag:s18] =	ssyncadd.s32 $0xFFFFF830  }
0x93: {  	_ =	swait.ge [sflag:s18], $0x7D0  }
0x94: {  	[sflag:s18] =	ssyncset.done $0x0  }
0x95: {  	[sflag:s18] =	ssyncadd.s32 $0xFFFFF830  }
0x96: {  	_ =	swait.ge [sflag:s18], $0x7D0  }
0x97: {  	[sflag:s18] =	ssyncset.done $0x0  }
0x98: {  	[sflag:s18] =	ssyncadd.s32 $0xFFFFF830  }
0x99: {  	_ =	swait.ge [sflag:s18], $0x7D0  }
0x9a: {  	[sflag:s18] =	ssyncset.done $0x0  }
0x9b: {  	[sflag:s18] =	ssyncadd.s32 $0xFFFFF830  }
0x9c: {  	_ =	swait.ge [sflag:s18], $0x7D0  }
0x9d: {  	[sflag:s18] =	ssyncset.done $0x0  }
0x9e: {  	[sflag:s18] =	ssyncadd.s32 $0xFFFFF830  }
0x9f: {  	_ =	swait.ge [sflag:s18], $0x7D0  }
0xa0: {  	[sflag:s18] =	ssyncset.done $0x0  }
0xa1: {  	[sflag:s18] =	ssyncadd.s32 $0xFFFFF830  }
0xa2: {  	_ =	swait.ge [sflag:s18], $0x7D0  }
0xa3: {  	[sflag:s18] =	ssyncset.done $0x0  }
0xa4: {  	[sflag:s18] =	ssyncadd.s32 $0xFFFFF830  }
0xa5: {  	_ =	swait.ge [sflag:s18], $0x7D0  }
0xa6: {  	[sflag:s18] =	ssyncset.done $0x0  }
0xa7: {  	[sflag:s18] =	ssyncadd.s32 $0xFFFFF830  }
0xa8: {  	_ =	swait.ge [sflag:s18], $0x7D0  }
0xa9: {  	[sflag:s18] =	ssyncset.done $0x0  }
0xaa: {  	[sflag:s18] =	ssyncadd.s32 $0xFFFFF830  }
0xab: {  	[bflag:$0x0] =	sbarrier.arrive $0xFFFF  }
0xac: {  	s20 =	simm.s32 $0xC350;
	s19 =	rddreg [dreg:$0xd]  }
0xad: {  	[tilespmem:s20], [sflag:$0x1] =	stream.linear.gather [hbm4b:s19+s3], $0x200, $0x38;
	[tilespmem:$0x15B20] =	vst v63  }
0xae: {  	s7 =	simm.s32 $0xC550;
	s22 =	rddreg [dreg:$0xe]  }
0xaf: {  	[tilespmem:s7], [sflag:$0x2] =	stream.linear.gather [hbm4b:s22+s3], $0x200, $0x38;
	[tilespmem:$0x15B20] =	vst v63  }
0xb0: {  	s8 =	simm.s32 $0xC750;
	s23 =	rddreg [dreg:$0xf]  }
0xb1: {  	[tilespmem:s8], [sflag:$0x3] =	stream.linear.gather [hbm4b:s23+s3], $0x200, $0x38;
	[tilespmem:$0x15B20] =	vst v63  }
0xb2: {  	s26 =	simm.s32 $0x1;
	s9 =	simm.s32 $0xC950;
	s25 =	rddreg [dreg:$0x10]  }
0xb3: {  	[tilespmem:s9], [sflag:$0x4] =	stream.linear.gather [hbm4b:s25+s3], $0x200, $0x38;
	[tilespmem:$0x15B20] =	vst v63  }
0xb4: {  	_ =	swait.ge [sflag:s26], $0x200  }
0xb5: {  	[sflag:s26] =	ssyncset.done $0x0  }
0xb6: {  	s28 =	simm.s32 $0xD350;
	[sflag:s26] =	ssyncadd.s32 $0xFFFFFE00  }
0xb7: {  	[tilespmem:s28], [sflag:$0x9] =	stream.indirect.gather [hbm4b:s4+s24], $0x10, s20, s24, $0xb8;
	[tilespmem:$0x15B20] =	vst v63  }
0xb8: {  	s15 =	simm.s32 $0xDB50;
	s16 =	simm.s32 $0x2;
	s9 =	simm.s32 $0xC3D0  }
0xb9: {  	[tilespmem:s15], [sflag:$0x9] =	stream.indirect.gather [hbm4b:s4+s24], $0x10, s9, s24, $0xb8;
	[tilespmem:$0x15B20] =	vst v63  }
0xba: {  	p0 =	sle.u32 s5, $0x0;
	_ =	swait.ge [sflag:s16], $0x200  }
0xbb: {  	p1 =	sle.u32 @!p0 s5, $0x4;
	[sflag:s16] =	ssyncset.done $0x0  }
0xbc: {  	p3 =	sle.u32 @!p0 s5, $0x3;
	s19 =	simm.s32 $0xE350;
	[sflag:s16] =	ssyncadd.s32 $0xFFFFFE00  }
0xbd: {  	[tilespmem:s19], [sflag:$0xA] =	stream.indirect.gather [hbm4b:s4+s24], $0x10, s7, s24, $0xb8;
	[tilespmem:$0x15B20] =	vst v63  }
0xbe: {  	s22 =	simm.s32 $0xEB50;
	s23 =	simm.s32 $0x3;
	s20 =	simm.s32 $0xC5D0  }
0xbf: {  	[tilespmem:s22], [sflag:$0xA] =	stream.indirect.gather [hbm4b:s4+s24], $0x10, s20, s24, $0xb8;
	[tilespmem:$0x15B20] =	vst v63  }
0xc0: {  	p2 =	por p1, p0;
	p1 =	por p3, p0;
	_ =	swait.ge [sflag:s23], $0x200  }
0xc1: {  	s0 =	simm.s32 $0x0;
	p4 =	por @!p1 $0x1, $0x1;
	[sflag:s23] =	ssyncset.done $0x0  }
0xc2: {  	s1 =	sand.u32 @!p0 $0x7, s0;
	s25 =	simm.s32 $0xF350;
	[sflag:s23] =	ssyncadd.s32 $0xFFFFFE00  }
0xc3: {  	[tilespmem:s25], [sflag:$0xB] =	stream.indirect.gather [hbm4b:s4+s24], $0x10, s8, s24, $0xb8;
	[tilespmem:$0x15B20] =	vst v63  }
0xc4: {  	s26 =	simm.s32 $0xC7D0;
	s28 =	simm.s32 $0xFB50;
	s7 =	sadd.s32 @!p0 $0x9, s1  }
0xc5: {  	[tilespmem:s28], [sflag:$0xB] =	stream.indirect.gather [hbm4b:s4+s24], $0x10, s26, s24, $0xb8;
	[tilespmem:$0x15B20] =	vst v63  }
0xc6: {  	s30 =	simm.s32 $0x7;
	p3 =	por @!p0 p4, p3;
	_ =	swait.ge @!p0 [sflag:s7], $0x800  }
0xc7: {  	s31 =	simm.s32 @!p0 $0x80;
	p3 =	por p3, p0;
	[sflag:s7] =	ssyncset.done @!p0 $0x0  }
0xc8: {  	s0 =	simm.s32 $0x8;
	s9 =	sshll.u32 @!p0 s1, $0xC;
	[sflag:s7] =	ssyncadd.s32 @!p0 $0xFFFFF800  }
0xc9: {  	s15 =	sshll.u32 @!p0 s1, $0x9;
	s19 =	sadd.s32 @!p0 $0xD350, s9;
	_ =	swait.ge @!p0 [sflag:s7], $0x800  }
0xca: {  	s9 =	sadd.s32 @!p0 $0xDB50, s9;
	s1 =	sadd.s32 @!p0 $0x11, s1;
	[sflag:s7] =	ssyncset.done @!p0 $0x0  }
0xcb: {  	s20 =	sadd.s32 @!p0 $0xC450, s15;
	s22 =	simm.s32 @!p0 $0x4;
	[sflag:s7] =	ssyncadd.s32 @!p0 $0xFFFFF800  }
0xcc: {  	[spmem:s2] =	stream.indirect.scatter.add.bf16 @!p0 [tilespmem:s19], [sflag:s1], $0x10, s20, s31, $0xb8;
	[tilespmem:$0x15B20] =	vst v63  }
0xcd: {  	s15 =	sadd.s32 @!p0 $0xC4D0, s15;
	s7 =	simm.s32 @!p0 $0x3;
	s19 =	sand.u32 @!p2 $0x7, s22  }
0xce: {  	s7 =	sand.u32 @!p1 $0x7, s7;
	s20 =	sshll.u32 @!p2 s19, $0x9;
	s19 =	sadd.s32 @!p2 $0x1, s19  }
0xcf: {  	[spmem:s2] =	stream.indirect.scatter.add.bf16 @!p0 [tilespmem:s9], [sflag:s1], $0x10, s15, s31, $0xb8;
	[tilespmem:$0x15B20] =	vst v63  }
0xd0: {  	s20 =	sadd.s32 @!p2 $0xC350, s20;
	s1 =	simm.s32 @!p2 $0x0;
	s9 =	sadd.s32 @!p1 $0x1, s7  }
0xd1: {  	[tilespmem:s20], [sflag:s19] =	stream.linear.gather @!p2 [hbm4b:s21+s1], $0x200, $0x38;
	[tilespmem:$0x15B20] =	vst v63  }
0xd2: {  	s8 =	simm.s32 $0x6;
	s31 =	sadd.s32 $0x400, s21;
	_ =	swait.ge @!p1 [sflag:s9], $0x200  }
0xd3: {  	s15 =	sshll.u32 @!p1 s7, $0xC;
	s1 =	sand.u32 @!p3 $0x7, s8;
	[sflag:s9] =	ssyncset.done @!p1 $0x0  }
0xd4: {  	p0 =	sle.u32 s5, $0x1;
	[sflag:s9] =	ssyncadd.s32 @!p1 $0xFFFFFE00;
	s9 =	sadd.s32 @!p3 $0x11, s1  }
0xd5: {  	s8 =	sshll.u32 @!p1 s7, $0x9;
	s19 =	sadd.s32 @!p1 $0xD350, s15;
	_ =	swait.ge @!p3 [sflag:s9], $0x800  }
0xd6: {  	s15 =	sadd.s32 @!p1 $0xDB50, s15;
	s22 =	sadd.s32 @!p1 $0xC350, s8;
	[sflag:s9] =	ssyncset.done @!p3 $0x0  }
0xd7: {  	s20 =	sadd.s32 @!p1 $0xC3D0, s8;
	s1 =	simm.s32 $0x1;
	[sflag:s9] =	ssyncadd.s32 @!p3 $0xFFFFF800  }
.LBB2_4:
0xd8: {  	_ =	swait.ge @!p3 [sflag:s9], $0x800;
	s16 =	simm.s32 @!p1 $0x80;
	s8 =	smov.u32 s30  }
0xd9: {  	s30 =	smov.u32 s0;
	s0 =	sadd.s32 $0x1, s0;
	s23 =	smov.u32 s31  }
0xda: {  	s25 =	sand.u32 @!p0 $0x7, s1;
	s7 =	sadd.s32 @!p1 $0x9, s7;
	[sflag:s9] =	ssyncset.done @!p3 $0x0  }
0xdb: {  	s26 =	sshll.u32 @!p0 s25, $0xC;
	s28 =	sshll.u32 @!p0 s25, $0x9;
	[sflag:s9] =	ssyncadd.s32 @!p3 $0xFFFFF800  }
0xdc: {  	[tilespmem:s19], [sflag:s7] =	stream.indirect.gather @!p1 [hbm4b:s4+s16], $0x10, s22, s16, $0xb8;
	[tilespmem:$0x15B20] =	vst v63  }
0xdd: {  	s9 =	sadd.s32 @!p0 $0x9, s25;
	s19 =	sadd.s32 @!p0 $0xD350, s26;
	s22 =	sadd.s32 @!p0 $0xC450, s28  }
0xde: {  	[tilespmem:s15], [sflag:s7] =	stream.indirect.gather @!p1 [hbm4b:s4+s16], $0x10, s20, s16, $0xb8;
	[tilespmem:$0x15B20] =	vst v63  }
0xdf: {  	s15 =	sadd.s32 @!p0 $0xDB50, s26;
	s16 =	sadd.s32 @!p0 $0xC4D0, s28;
	_ =	swait.ge @!p0 [sflag:s9], $0x800  }
0xe0: {  	s31 =	sadd.s32 $0x400, s31;
	p2 =	sne.s32 s0, $0xCA;
	[sflag:s9] =	ssyncset.done @!p0 $0x0  }
0xe1: {  	s7 =	sadd.s32 @!p0 $0xFFFFFFFE, s8;
	s20 =	sadd.s32 @!p0 $0xFFFFFFFD, s8;
	[sflag:s9] =	ssyncadd.s32 @!p0 $0xFFFFF800  }
0xe2: {  	s25 =	sadd.s32 @!p0 $0x11, s25;
	p1 =	sge.u32 @!p0 s7, s5;
	_ =	swait.ge @!p0 [sflag:s9], $0x800  }
0xe3: {  	s26 =	simm.s32 @!p0 $0x80;
	p3 =	por p1, p0;
	[sflag:s9] =	ssyncset.done @!p0 $0x0  }
0xe4: {  	p4 =	sge.u32 @!p0 s20, s5;
	s7 =	sand.u32 @!p3 $0x7, s7;
	[sflag:s9] =	ssyncadd.s32 @!p0 $0xFFFFF800  }
0xe5: {  	[spmem:s2] =	stream.indirect.scatter.add.bf16 @!p0 [tilespmem:s19], [sflag:s25], $0x10, s22, s26, $0xb8;
	[tilespmem:$0x15B20] =	vst v63  }
0xe6: {  	p1 =	por p4, p0;
	s9 =	sshll.u32 @!p3 s7, $0x9;
	s19 =	sadd.s32 @!p3 $0x1, s7  }
0xe7: {  	p5 =	slt.u32 @!p1 s1, $0x2;
	s9 =	sadd.s32 @!p3 $0xC350, s9;
	s7 =	sand.u32 @!p1 $0x7, s20  }
0xe8: {  	[spmem:s2] =	stream.indirect.scatter.add.bf16 @!p0 [tilespmem:s15], [sflag:s25], $0x10, s16, s26, $0xb8;
	[tilespmem:$0x15B20] =	vst v63  }
0xe9: {  	s1 =	simm.s32 @!p3 $0x0;
	p4 =	por @!p0 p5, p4;
	s15 =	sadd.s32 @!p1 $0x1, s7  }
0xea: {  	[tilespmem:s9], [sflag:s19] =	stream.linear.gather @!p3 [hbm4b:s23+s1], $0x200, $0x38;
	[tilespmem:$0x15B20] =	vst v63  }
0xeb: {  	s16 =	sshll.u32 @!p1 s7, $0xC;
	p3 =	por p4, p0;
	_ =	swait.ge @!p1 [sflag:s15], $0x200  }
.Ltmp1:
0xec: {  	s1 =	sand.u32 @!p3 $0x7, s8;
	[sflag:s15] =	ssyncset.done @!p1 $0x0;
	(pc) =	sbr.rel @p2 .LBB2_4-.Ltmp1, $4  }
0xed: {  	s8 =	sshll.u32 @!p1 s7, $0x9;
	s9 =	sadd.s32 @!p3 $0x11, s1;
	[sflag:s15] =	ssyncadd.s32 @!p1 $0xFFFFFE00  }
0xee: {  	s19 =	sadd.s32 @!p1 $0xD350, s16;
	s22 =	sadd.s32 @!p1 $0xC350, s8;
	_ =	swait.ge @!p3 [sflag:s9], $0x800  }
0xef: {  	s1 =	sadd.s32 $0xFFFFFFFA, s30;
	s20 =	sadd.s32 @!p1 $0xC3D0, s8;
	[sflag:s9] =	ssyncset.done @!p3 $0x0  }
0xf0: {  	p0 =	sge.u32 s1, s5;
	s15 =	sadd.s32 @!p1 $0xDB50, s16;
	[sflag:s9] =	ssyncadd.s32 @!p3 $0xFFFFF800  }
0xf1: {  	_ =	swait.ge @!p3 [sflag:s9], $0x800  }
0xf2: {  	s0 =	simm.s32 @!p1 $0x80;
	[sflag:s9] =	ssyncset.done @!p3 $0x0  }
0xf3: {  	s7 =	sadd.s32 @!p1 $0x9, s7;
	s8 =	sand.u32 @!p0 $0x7, s1;
	[sflag:s9] =	ssyncadd.s32 @!p3 $0xFFFFF800  }
0xf4: {  	[tilespmem:s19], [sflag:s7] =	stream.indirect.gather @!p1 [hbm4b:s4+s0], $0x10, s22, s0, $0xb8;
	[tilespmem:$0x15B20] =	vst v63  }
0xf5: {  	s9 =	sadd.s32 @!p0 $0x9, s8  }
0xf6: {  	[tilespmem:s15], [sflag:s7] =	stream.indirect.gather @!p1 [hbm4b:s4+s0], $0x10, s20, s0, $0xb8;
	[tilespmem:$0x15B20] =	vst v63  }
0xf7: {  	_ =	swait.ge @!p0 [sflag:s9], $0x800  }
0xf8: {  	[sflag:s9] =	ssyncset.done @!p0 $0x0  }
0xf9: {  	[sflag:s9] =	ssyncadd.s32 @!p0 $0xFFFFF800  }
0xfa: {  	s0 =	sshll.u32 @!p0 s8, $0xC;
	s7 =	sshll.u32 @!p0 s8, $0x9;
	_ =	swait.ge @!p0 [sflag:s9], $0x800  }
0xfb: {  	s8 =	sadd.s32 @!p0 $0x11, s8;
	s15 =	sadd.s32 @!p0 $0xD350, s0;
	[sflag:s9] =	ssyncset.done @!p0 $0x0  }
0xfc: {  	s16 =	sadd.s32 @!p0 $0xC450, s7;
	[sflag:s9] =	ssyncadd.s32 @!p0 $0xFFFFF800;
	s9 =	simm.s32 @!p0 $0x80  }
0xfd: {  	[spmem:s2] =	stream.indirect.scatter.add.bf16 @!p0 [tilespmem:s15], [sflag:s8], $0x10, s16, s9, $0xb8;
	[tilespmem:$0x15B20] =	vst v63  }
0xfe: {  	s0 =	sadd.s32 @!p0 $0xDB50, s0;
	s7 =	sadd.s32 @!p0 $0xC4D0, s7  }
0xff: {  	[spmem:s2] =	stream.indirect.scatter.add.bf16 @!p0 [tilespmem:s0], [sflag:s8], $0x10, s7, s9, $0xb8;
	[tilespmem:$0x15B20] =	vst v63  }
0x100: {  	s0 =	sadd.s32 @!p0 $0xFFFFFFFE, s30  }
0x101: {  	s7 =	sadd.s32 @!p0 $0xFFFFFFFD, s30;
	p1 =	sge.u32 @!p0 s0, s5  }
0x102: {  	p3 =	sge.u32 @!p0 s7, s5;
	p2 =	por p1, p0  }
0x103: {  	p1 =	por p3, p0;
	s0 =	sand.u32 @!p2 $0x7, s0  }
0x104: {  	s7 =	sand.u32 @!p1 $0x7, s7;
	p4 =	slt.u32 @!p1 s1, $0x2;
	s8 =	sshll.u32 @!p2 s0, $0x9  }
0x105: {  	s1 =	simm.s32 @!p2 $0x0;
	s0 =	sadd.s32 @!p2 $0x1, s0;
	s8 =	sadd.s32 @!p2 $0xC350, s8  }
0x106: {  	[tilespmem:s8], [sflag:s0] =	stream.linear.gather @!p2 [hbm4b:s31+s1], $0x200, $0x38;
	[tilespmem:$0x15B20] =	vst v63  }
0x107: {  	s0 =	sadd.s32 @!p1 $0x1, s7;
	p2 =	por @!p0 p4, p3  }
0x108: {  	_ =	swait.ge @!p1 [sflag:s0], $0x200;
	p0 =	por p2, p0  }
0x109: {  	[sflag:s0] =	ssyncset.done @!p1 $0x0;
	s1 =	sand.u32 @!p0 $0x7, s30  }
0x10a: {  	[sflag:s0] =	ssyncadd.s32 @!p1 $0xFFFFFE00;
	s0 =	sadd.s32 @!p0 $0x11, s1  }
0x10b: {  	_ =	swait.ge @!p0 [sflag:s0], $0x800  }
0x10c: {  	[sflag:s0] =	ssyncset.done @!p0 $0x0  }
0x10d: {  	s8 =	sshll.u32 @!p1 s7, $0x9;
	[sflag:s0] =	ssyncadd.s32 @!p0 $0xFFFFF800  }
0x10e: {  	s15 =	sadd.s32 @!p1 $0xC350, s8;
	_ =	swait.ge @!p0 [sflag:s0], $0x800  }
0x10f: {  	s1 =	sshll.u32 @!p1 s7, $0xC;
	s7 =	sadd.s32 @!p1 $0x9, s7;
	[sflag:s0] =	ssyncset.done @!p0 $0x0  }
0x110: {  	s9 =	sadd.s32 @!p1 $0xD350, s1;
	[sflag:s0] =	ssyncadd.s32 @!p0 $0xFFFFF800;
	s0 =	simm.s32 @!p1 $0x80  }
0x111: {  	[tilespmem:s9], [sflag:s7] =	stream.indirect.gather @!p1 [hbm4b:s4+s0], $0x10, s15, s0, $0xb8;
	[tilespmem:$0x15B20] =	vst v63  }
0x112: {  	s8 =	sadd.s32 @!p1 $0xC3D0, s8;
	s1 =	sadd.s32 @!p1 $0xDB50, s1  }
0x113: {  	[tilespmem:s1], [sflag:s7] =	stream.indirect.gather @!p1 [hbm4b:s4+s0], $0x10, s8, s0, $0xb8;
	[tilespmem:$0x15B20] =	vst v63  }
0x114: {  	_ =	swait.ge [sflag:s10], $0x800  }
0x115: {  	[sflag:s10] =	ssyncset.done $0x0  }
0x116: {  	[sflag:s10] =	ssyncadd.s32 $0xFFFFF800  }
0x117: {  	_ =	swait.ge [sflag:s10], $0x800  }
0x118: {  	[sflag:s10] =	ssyncset.done $0x0  }
0x119: {  	[sflag:s10] =	ssyncadd.s32 $0xFFFFF800  }
0x11a: {  	_ =	swait.ge [sflag:s11], $0x800  }
0x11b: {  	[sflag:s11] =	ssyncset.done $0x0  }
0x11c: {  	[sflag:s11] =	ssyncadd.s32 $0xFFFFF800  }
0x11d: {  	_ =	swait.ge [sflag:s11], $0x800  }
0x11e: {  	[sflag:s11] =	ssyncset.done $0x0  }
0x11f: {  	[sflag:s11] =	ssyncadd.s32 $0xFFFFF800  }
0x120: {  	_ =	swait.ge [sflag:s12], $0x800  }
0x121: {  	[sflag:s12] =	ssyncset.done $0x0  }
0x122: {  	[sflag:s12] =	ssyncadd.s32 $0xFFFFF800  }
0x123: {  	_ =	swait.ge [sflag:s12], $0x800  }
0x124: {  	[sflag:s12] =	ssyncset.done $0x0  }
0x125: {  	[sflag:s12] =	ssyncadd.s32 $0xFFFFF800  }
0x126: {  	_ =	swait.ge [sflag:s13], $0x800  }
0x127: {  	[sflag:s13] =	ssyncset.done $0x0  }
0x128: {  	[sflag:s13] =	ssyncadd.s32 $0xFFFFF800  }
0x129: {  	_ =	swait.ge [sflag:s13], $0x800  }
0x12a: {  	[sflag:s13] =	ssyncset.done $0x0  }
0x12b: {  	[sflag:s13] =	ssyncadd.s32 $0xFFFFF800  }
0x12c: {  	_ =	swait.ge [sflag:s14], $0x800  }
0x12d: {  	[sflag:s14] =	ssyncset.done $0x0  }
0x12e: {  	[sflag:s14] =	ssyncadd.s32 $0xFFFFF800  }
0x12f: {  	_ =	swait.ge [sflag:s14], $0x800  }
0x130: {  	[sflag:s14] =	ssyncset.done $0x0  }
0x131: {  	s25 =	stileid.u32;
	[sflag:s14] =	ssyncadd.s32 $0xFFFFF800  }
0x132: {  	s26 =	sshrl.u32 s6, $0x3;
	s0 =	sshll.u32 s25, $0x6;
	[bflag:$0x0] =	sbarrier.arrive $0xFFFF  }
0x133: {  	s30 =	simm.s32 $0x19;
	s0 =	sor.u32 $0x1C19, s0;
	s28 =	rddreg [dreg:$0x1f]  }
0x134: {  	[hbm:s28], [sflag:s0] =	dma.local [spmem:s26], $0x186A  }
0x135: {  	_ =	swait.ge [sflag:s30], $0x186A  }
0x136: {  	s31 =	sld [smem:$0x7FD];
	_ =	sdelay $0x1  }
0x137: {  	s29 =	sadd.s32 $0x1, s29  }
0x138: {  	p0 =	sne.s32 s29, s31  }
.Ltmp2:
0x139: {  	_ = 	snop;
	(pc) =	sbr.rel @p0 .LBB2_1-.Ltmp2, $3  }
0x13a: {  	_ =	sdelay $0x1  }
0x13b: {  	[sflag:s30] =	ssyncset.done $0x0  }
0x13c: {  	[sflag:s30] =	ssyncadd.s32 $0xFFFFE796  }
0x13d: {  	_ =	sfence.sel $0x180000  }
0x13e: {  	[bflag:$0x0] =	sbarrier.arrive $0xFFFF  }
0x13f: {  	_ =	strace $0x9000004A  }
0x140: {  	s0 =	stileid.u32;
	[bflag:$0x2] =	sbarrier.arrive $0xFFFF  }
0x141: {  	p0 =	sne.s32 s0, $0x0;
	s0 =	rddreg [dreg:$0x2]  }
0x142: {  	s0 =	sadd.s32 @!p0 $0x100000, s0  }
0x143: {  	[sflag:s0] =	ssyncadd.tile.s32 @!p0 $0x1;
	_ =	shalt  }
.Lfunc_end2:
_tile_overlayer_lowered:
.L_overlay_start_2:
0x144: {  	(tag) =	ssettag $0x2  }
0x145: {  	s0 =	rddreg [dreg:$0x0];
	s2 =	stileid.u32  }
0x146: {  	s1 =	rddreg [dreg:$0x1];
	p0 =	sne.s32 s2, $0x0  }
0x147: {  	s3 =	rddreg [dreg:$0x2];
	[bflag:$0x3] =	sbarrier.arrive $0xFFFF;
	s2 =	simm.s32 @!p0 $0x1C19  }
0x148: {  	[timem:s3], [sflag:s2] =	dma.local @!p0 [hbm:s0], s1  }
0x149: {  	s0 =	simm.s32 @!p0 $0x19  }
0x14a: {  	_ =	swait.ge @!p0 [sflag:s0], s1  }
0x14b: {  	s1 =	ssub.s32 @!p0 $0x0, s1;
	[sflag:s0] =	ssyncset.done @!p0 $0x0  }
0x14c: {  	[sflag:s0] =	ssyncadd.s32 @!p0 s1  }
0x14d: {  	[bflag:$0x3] =	sbarrier.arrive $0xFFFF  }
0x14e: {  	_ =	shalt  }

// kernel: kernel.15.cloned.1.call-start
scs
__scs_entry_jumppad:
0x0: {  	(pc) =	sbr.rel $0x88, $3  }
0x1: {  	(tag) =	ssettag $0x0;
	lr =	simm.s32 $0x1  }
0x2: {  	[smem:$0x3F90] =	sst lr;
	_ =	strace $0xD0000000  }
0x3: {  	_ = 	snop  }
0x4: {  	_ = 	snop  }
0x5: {  	_ = 	snop  }
0x6: {  	_ = 	snop  }
0x7: {  	_ = 	snop  }
__scs_overlays_trampoline_lowered:
0x8: {  	[smem:$0x3F9F] =	sst s0  }
0x9: {  	[smem:$0x3FA0] =	sst s1  }
0xa: {  	[smem:$0x3FA1] =	sst s2  }
0xb: {  	[smem:$0x3FA2] =	sst s3  }
0xc: {  	[smem:$0x3FA3] =	sst s4  }
0xd: {  	[smem:$0x3FA4] =	sst s5  }
0xe: {  	[smem:$0x3FA5] =	sst s6  }
0xf: {  	[smem:$0x3FA6] =	sst s7  }
0x10: {  	[smem:$0x3FA7] =	sst s8  }
0x11: {  	[smem:$0x3FA8] =	sst s9;
	s0 =	simm.s32 @!p0 $0x0  }
0x12: {  	s1 =	sld [smem:$0x3F8E];
	s0 =	simm.s32 @p0 $0x1  }
0x13: {  	[smem:$0x3FA9] =	sst s0;
	s0 =	simm.s32 @!p1 $0x0  }
0x14: {  	s2 =	sld [smem:$0x3F8D];
	s0 =	simm.s32 @p1 $0x1  }
0x15: {  	[smem:$0x3FAA] =	sst s0;
	s0 =	simm.s32 @!p2 $0x0  }
0x16: {  	s3 =	sld [smem:$0x3FDB];
	s0 =	simm.s32 @p2 $0x1  }
0x17: {  	s4 =	simm.s32 $0x1BF5;
	[smem:$0x3FAC] =	sst s0  }
0x18: {  	s0 =	sld [smem:$0x3F8F];
	_ =	swait.ge [sflag:s4], $0x0  }
0x19: {  	s7 =	sld [smem:$0x3F90]  }
0x1a: {  	s8 =	sadd.s32 $0xFFFFE003, lr  }
0x1b: {  	s9 =	sadd.s32 $0xFFFFFEF7, lr;
	s5 =	simm.s32 $0xFFFFFFFF;
	p2 =	slt.u32 s8, $0xFFFFF086  }
0x1c: {  	p1 =	slt.u32 s9, $0xF7A;
	s5 =	simm.s32 @!p2 $0x0  }
0x1d: {  	s5 =	simm.s32 @p1 $0x1;
	p0 =	seq.s32 s7, s2  }
0x1e: {  	s7 =	smul.u32 @!p0 $0xF7A, s2;
	p2 =	seq.s32 @!p0 s5, $0x0  }
0x1f: {  	s9 =	smul.u32 $0xF7A, s1;
	s8 =	simm.s32 @!p0 $0x1BF5;
	p2 =	por !p2, p0  }
0x20: {  	[sflag:s8] =	ssyncset.s32 @!p0 $0xFFFFF086;
	s6 =	sadd.s32 @!p0 s3, s7;
	s7 =	simm.s32 @!p0 $0x108  }
0x21: {  	s3 =	sadd.s32 s3, s9;
	s6 =	sadd.s32 @!p0 $0x88, s6;
	s7 =	simm.s32 @p2 $0x1082  }
0x22: {  	[simem:s7], [sflag:s8] =	dma.local @!p0 [hbm:s6], $0xF7A  }
0x23: {  	s9 =	sor.u32 $0xD0000000, s2;
	s6 =	simm.s32 $0x108;
	_ =	swait.ge @!p0 [sflag:s8], $0x0  }
0x24: {  	s3 =	sadd.s32 $0x88, s3;
	s6 =	simm.s32 @!p1 $0x1082;
	[sflag:s4] =	ssyncset.s32 $0xFFFFF086  }
0x25: {  	[simem:s6], [sflag:s4] =	dma.local [hbm:s3], $0xF7A  }
0x26: {  	[smem:$0x3F90] =	sst s1;
	(tag) =	ssettag s2;
	_ =	strace s9  }
0x27: {  	s1 =	sld [smem:$0x3FA0]  }
0x28: {  	s2 =	sld [smem:$0x3FA1]  }
0x29: {  	s4 =	sld [smem:$0x3FA3]  }
0x2a: {  	p0 =	seq.s32 s5, $0x0;
	s5 =	sld [smem:$0x3FA4]  }
0x2b: {  	s6 =	sld [smem:$0x3FA5]  }
0x2c: {  	s7 =	sld [smem:$0x3FA6]  }
0x2d: {  	s3 =	simm.s32 $0x108;
	s8 =	sld [smem:$0x3FA7]  }
0x2e: {  	s3 =	simm.s32 @!p0 $0x1082;
	s9 =	sld [smem:$0x3FA8]  }
0x2f: {  	lr =	sadd.s32 s0, s3;
	s0 =	sld [smem:$0x3F9F]  }
0x30: {  	s3 =	sld [smem:$0x3FA2]  }
0x31: {  	[smem:$0x3FAB] =	sst s10  }
0x32: {  	s10 =	sld [smem:$0x3FA9];
	_ =	sdelay $0x3  }
0x33: {  	p0 =	seq.s32 s10, $0x1;
	s10 =	sld [smem:$0x3FAB];
	_ =	sdelay $0x3  }
0x34: {  	[smem:$0x3FAB] =	sst s10  }
0x35: {  	s10 =	sld [smem:$0x3FAA];
	_ =	sdelay $0x3  }
0x36: {  	p1 =	seq.s32 s10, $0x1;
	s10 =	sld [smem:$0x3FAB];
	_ =	sdelay $0x3  }
0x37: {  	[smem:$0x3FAB] =	sst s10  }
0x38: {  	s10 =	sld [smem:$0x3FAC]  }
0x39: {  	_ = 	snop;
	(pc) =	sbr.ind lr, $3  }
0x3a: {  	_ = 	snop  }
0x3b: {  	_ = 	snop  }
0x3c: {  	p2 =	seq.s32 s10, $0x1;
	s10 =	sld [smem:$0x3FAB]  }
0x3d: {  	_ =	shalt  }
0x3e: {  	_ =	shalt  }
0x3f: {  	_ =	shalt  }
0x40: {  	_ =	shalt  }
0x41: {  	_ =	shalt  }
0x42: {  	_ =	shalt  }
0x43: {  	_ =	shalt  }
0x44: {  	_ =	shalt  }
0x45: {  	_ =	shalt  }
0x46: {  	_ =	shalt  }
0x47: {  	_ =	shalt  }
0x48: {  	_ =	shalt  }
0x49: {  	_ =	shalt  }
0x4a: {  	_ =	shalt  }
0x4b: {  	_ =	shalt  }
0x4c: {  	_ =	shalt  }
0x4d: {  	_ =	shalt  }
0x4e: {  	_ =	shalt  }
0x4f: {  	_ =	shalt  }
0x50: {  	_ =	shalt  }
0x51: {  	_ =	shalt  }
0x52: {  	_ =	shalt  }
0x53: {  	_ =	shalt  }
0x54: {  	_ =	shalt  }
0x55: {  	_ =	shalt  }
0x56: {  	_ =	shalt  }
0x57: {  	_ =	shalt  }
0x58: {  	_ =	shalt  }
0x59: {  	_ =	shalt  }
0x5a: {  	_ =	shalt  }
0x5b: {  	_ =	shalt  }
0x5c: {  	_ =	shalt  }
0x5d: {  	_ =	shalt  }
0x5e: {  	_ =	shalt  }
0x5f: {  	_ =	shalt  }
0x60: {  	_ =	shalt  }
0x61: {  	_ =	shalt  }
0x62: {  	_ =	shalt  }
0x63: {  	_ =	shalt  }
0x64: {  	_ =	shalt  }
0x65: {  	_ =	shalt  }
0x66: {  	_ =	shalt  }
0x67: {  	_ =	shalt  }
0x68: {  	_ =	shalt  }
0x69: {  	_ =	shalt  }
0x6a: {  	_ =	shalt  }
0x6b: {  	_ =	shalt  }
0x6c: {  	_ =	shalt  }
0x6d: {  	_ =	shalt  }
0x6e: {  	_ =	shalt  }
0x6f: {  	_ =	shalt  }
0x70: {  	_ =	shalt  }
0x71: {  	_ =	shalt  }
0x72: {  	_ =	shalt  }
0x73: {  	_ =	shalt  }
0x74: {  	_ =	shalt  }
0x75: {  	_ =	shalt  }
0x76: {  	_ =	shalt  }
0x77: {  	_ =	shalt  }
0x78: {  	_ =	shalt  }
0x79: {  	_ =	shalt  }
0x7a: {  	_ =	shalt  }
0x7b: {  	_ =	shalt  }
0x7c: {  	_ =	shalt  }
0x7d: {  	_ =	shalt  }
0x7e: {  	_ =	shalt  }
0x7f: {  	_ =	shalt  }
0x80: {  	_ =	shalt  }
0x81: {  	_ =	shalt  }
0x82: {  	_ =	shalt  }
0x83: {  	_ =	shalt  }
0x84: {  	_ =	shalt  }
0x85: {  	_ =	shalt  }
0x86: {  	_ =	shalt  }
0x87: {  	_ =	shalt  }
.Lfunc_end0:
.L_simem_size_0:
called_computation.2_lowered:
.L_overlay_start_0:
0x88: {  	s2 =	sld [smem:$0x3FD9]  }
0x89: {  	s3 =	sld [smem:$0x3FFE];
	_ =	sdelay $0x1  }
0x8a: {  	s1 =	srdreg.scid  }
0x8b: {  	s0 =	sand.u32 $0x1, s1  }
0x8c: {  	s16 =	sshll.u32 s0, $0xA;
	s2 =	sadd.s32 s3, s2  }
0x8d: {  	s2 =	sadd.s32 s2, s16  }
0x8e: {  	[smem:$0x3FB7] =	sst s2  }
0x8f: {  	_ = 	snop  }
0x90: {  	(tm) =	ssettm $0x1  }
0x91: {  	s17 =	sld [smem:$0x3FFB];
	_ =	sdelay $0x3  }
0x92: {  	_ =	strace s17  }
0x93: {  	s2 =	sld [smem:$0x3FFC];
	_ =	sdelay $0x3  }
0x94: {  	_ =	strace s2  }
0x95: {  	s2 =	sld [smem:$0x3FFD];
	_ =	sdelay $0x3  }
0x96: {  	_ =	strace s2  }
0x97: {  	_ =	strace $0x8FFFFFFF  }
0x98: {  	s18 =	sld [smem:$0x3FDB];
	_ =	sdelay $0x1  }
0x99: {  	s19 =	simm.s32 $_scs_section_size  }
0x9a: {  	s4 =	simm.s32 $_size__tile_overlayer_lowered;
	s5 =	simm.s32 $_tile_overlayer_lowered  }
0x9b: {  	s22 =	simm.s32 $0x1BFF;
	s21 =	sshll.u32 s5, $0x1;
	s2 =	sadd.s32 s19, s18  }
0x9c: {  	s6 =	simm.s32 $0x0;
	s20 =	sshll.u32 s4, $0x1;
	s4 =	sadd.s32 s21, s2  }
0x9d: {  	[timem:s6], [sflag:s22] =	dma.local [hbm:s4], s20  }
0x9e: {  	_ =	swait.ge [sflag:s22], s20  }
0x9f: {  	s3 =	ssub.s32 $0x0, s20;
	[sflag:s22] =	ssyncset.done $0x0  }
0xa0: {  	[sflag:s22] =	ssyncadd.s32 s3;
	_ =	sdelay $0x1  }
0xa1: {  	s23 =	simm.s32 $0x1B8B  }
0xa2: {  	_ =	swait.ge [sflag:s23], $0x1  }
0xa3: {  	[sflag:s23] =	ssyncset.done $0x0  }
0xa4: {  	s25 =	simm.s32 $0x1B8E;
	s24 =	sld [smem:$0x3FFE];
	[sflag:s23] =	ssyncadd.s32 $0xFFFFFFFF  }
0xa5: {  	s26 =	simm.s32 $execute0_lowered;
	[smem:$0x3FD2] =	sst s25  }
0xa6: {  	s4 =	sshll.u32 s26, $0x1;
	_ =	strace $0x8000004C;
	[dreg:$0x1] =	wrdreg $0xFFFFFFFF  }
0xa7: {  	s28 =	simm.s32 $_size_execute0_lowered;
	s2 =	sadd.s32 s2, s4;
	[dreg:$0x0] =	wrdreg $0x0  }
0xa8: {  	s4 =	sshll.u32 s28, $0x1;
	[dreg:$0x2] =	wrdreg s2  }
0xa9: {  	[dreg:$0x3] =	wrdreg s4  }
0xaa: {  	[dreg:$0x4] =	wrdreg $0xC0  }
0xab: {  	_ =	task [dreg:s6], $0x5FFFF  }
0xac: {  	[dreg:$0x1] =	wrdreg $0xFFFFFFFF  }
0xad: {  	[dreg:$0x0] =	wrdreg $0x60  }
0xae: {  	[dreg:$0x2] =	wrdreg s24  }
0xaf: {  	[dreg:$0x3] =	wrdreg $0x0  }
0xb0: {  	[dreg:$0x4] =	wrdreg $0x9  }
0xb1: {  	_ =	task.clear_ibuf [dreg:s6], $0x5FFFF;
	_ =	strace $0x9000004C  }
0xb2: {  	s29 =	simm.s32 $0x9;
	_ =	strace $0x8000004E  }
0xb3: {  	_ =	swait.ge [sflag:s29], $0x1  }
0xb4: {  	[sflag:s29] =	ssyncadd.s32 $0xFFFFFFFF  }
0xb5: {  	_ =	strace $0x9000004E  }
0xb6: {  	_ =	sfence  }
0xb7: {  	s30 =	sld [smem:$0x0];
	_ =	sdelay $0x2  }
0xb8: {  	s31 =	sshll.u32 s1, $0xD;
	s1 =	sshrl.u32 s1, $0x2  }
0xb9: {  	s3 =	sand.u32 $0x4000, s31;
	s1 =	sadd.s32 s1, s30  }
0xba: {  	s0 =	sor.u32 s3, s0;
	s1 =	sshll.u32 s1, $0x11  }
0xbb: {  	s0 =	sor.u32 s1, s0  }
0xbc: {  	s0 =	sadd.s32 $0x8F2B, s0  }
0xbd: {  	[sflag:s0] =	ssyncadd.remote.s32 $0x1  }
0xbe: {  	_ =	sfence.sel $0xFFFF  }
0xbf: {  	[dreg:$0x0] =	wrdreg $0xFFFFFFFF;
	(pc) =	sbr.abs _section_cstart, $3  }
0xc0: {  	[dreg:$0x1] =	wrdreg $0xFFFFFFFF  }
0xc1: {  	_ =	task.clear_ibuf [dreg:s6], $0x2FFFF;
	_ =	strace $0x9FFFFFFF  }
0xc2: {  	(tm) =	ssettm $0x7FFFFFFF  }
0xc3: {  	_ =	shalt  }
tec
execute0_lowered:
.L_overlay_start_1:
0x0: {  	(tag) =	ssettag $0x1  }
0x1: {  	s0 =	rddreg [dreg:$0x0]  }
0x2: {  	s1 =	srdreg.scid;
	s11 =	stileid.u32  }
0x3: {  	s2 =	rddreg [dreg:$0x1];
	s1 =	sand.u32 $0x1, s1;
	s10 =	smul.u32 $0x30D40, s11  }
0x4: {  	s3 =	simm.s32 $0x0;
	s7 =	smul.u32 $0x186A00, s1;
	s1 =	ssub.s32 $0x2, s1  }
0x5: {  	s29 =	simm.s32 $0x0;
	s9 =	sshrl.u32 s1, $0x1;
	s10 =	sshrl.u32 s10, $0x2  }
0x6: {  	s6 =	smul.u32 $0x186A0, s11;
	s1 =	ssub.s32 s1, s9;
	s9 =	sadd.s32 s10, s2  }
0x7: {  	[smem:$0x7FF] =	sst s3;
	s8 =	sadd.s32 $0x12A400, s0;
	s12 =	sadd.s32 $0x7D0, s9  }
0x8: {  	_ =	strace $0x8000004D;
	s13 =	sadd.s32 $0xFA0, s9;
	[dreg:$0x3] =	wrdreg s12  }
0x9: {  	s4 =	sadd.s32 $0x18C000, s0;
	s14 =	sadd.s32 $0x1770, s9;
	[dreg:$0x4] =	wrdreg s13  }
0xa: {  	p0 =	slt.u32 s11, $0x5;
	s15 =	sadd.s32 $0x1F40, s9;
	[dreg:$0x5] =	wrdreg s14  }
0xb: {  	s17 =	sshll.u32 s11, $0x9;
	s16 =	sadd.s32 $0x2710, s9;
	[dreg:$0x6] =	wrdreg s15  }
0xc: {  	s5 =	sadd.s32 s6, s7;
	s18 =	sadd.s32 $0x2EE0, s9;
	[dreg:$0x7] =	wrdreg s16  }
0xd: {  	s6 =	sshrl.u32 s6, $0x1;
	s19 =	sadd.s32 $0x36B0, s9;
	[dreg:$0x8] =	wrdreg s18  }
0xe: {  	s7 =	sadd.s32 s17, s7;
	s20 =	sadd.s32 $0x3E80, s9;
	[dreg:$0x9] =	wrdreg s19  }
0xf: {  	s5 =	sshrl.u32 s5, $0x4;
	s21 =	sadd.s32 $0x4650, s9;
	[dreg:$0xa] =	wrdreg s20  }
0x10: {  	s6 =	sadd.s32 s6, s2;
	s23 =	sadd.s32 $0x4E20, s9;
	[dreg:$0xb] =	wrdreg s21  }
0x11: {  	s22 =	sadd.s32 $0x2000, s7;
	s31 =	sadd.s32 $0x55F0, s9;
	[dreg:$0xc] =	wrdreg s23  }
0x12: {  	s24 =	sshrl.u32 s7, $0x3;
	s17 =	sadd.s32 $0x9470, s9;
	[dreg:$0x11] =	wrdreg s31  }
0x13: {  	s25 =	sadd.s32 $0x4000, s7;
	s11 =	sadd.s32 s8, s24;
	[dreg:$0x19] =	wrdreg s17  }
0x14: {  	s26 =	sadd.s32 $0x6000, s7;
	s12 =	sadd.s32 $0x6D60, s9;
	[dreg:$0xd] =	wrdreg s11  }
0x15: {  	s7 =	sadd.s32 $0x8000, s7;
	s13 =	sadd.s32 $0x7530, s9;
	[dreg:$0x14] =	wrdreg s12  }
0x16: {  	s0 =	sadd.s32 s5, s0;
	s14 =	sadd.s32 $0x7D00, s9;
	[dreg:$0x15] =	wrdreg s13  }
0x17: {  	s5 =	simm.s32 $0xC4;
	s15 =	sadd.s32 $0x84D0, s9;
	[dreg:$0x16] =	wrdreg s14  }
0x18: {  	s10 =	sshrl.u32 s22, $0x3;
	s16 =	sadd.s32 $0x8CA0, s9;
	[dreg:$0x17] =	wrdreg s15  }
0x19: {  	s28 =	sshrl.u32 s26, $0x3;
	s18 =	sadd.s32 $0x9C40, s9;
	[dreg:$0x18] =	wrdreg s16  }
0x1a: {  	s7 =	sshrl.u32 s7, $0x3;
	s19 =	sadd.s32 $0xA410, s9;
	[dreg:$0x1a] =	wrdreg s18  }
0x1b: {  	s20 =	sadd.s32 $0xABE0, s9;
	s22 =	sadd.s32 $0xB3B0, s9;
	[dreg:$0x1b] =	wrdreg s19  }
0x1c: {  	s31 =	smax.u32 s1, $0x1;
	s17 =	simm.s32 $0x15350;
	[dreg:$0x1c] =	wrdreg s20  }
0x1d: {  	s5 =	simm.s32 @!p0 $0xC3;
	s10 =	sadd.s32 s8, s10;
	[dreg:$0x1d] =	wrdreg s22  }
0x1e: {  	s21 =	sadd.s32 s7, s8;
	s11 =	sadd.s32 $0x6590, s9;
	[smem:$0x7FD] =	sst s31  }
0x1f: {  	s0 =	sadd.s32 $0x1BD000, s0;
	s18 =	simm.s32 $0x11;
	[dreg:$0xe] =	wrdreg s10  }
0x20: {  	s10 =	sshrl.u32 s25, $0x3;
	s30 =	sadd.s32 $0x3, s5;
	[dreg:$0x13] =	wrdreg s11  }
0x21: {  	s23 =	sand.u32 $0x7, s5;
	s25 =	sadd.s32 $0x5, s5;
	s26 =	sadd.s32 $0x6, s5  }
0x22: {  	[dreg:$0x1f] =	wrdreg s0;
	s10 =	sadd.s32 s8, s10;
	s7 =	sand.u32 $0x7, s30  }
0x23: {  	s24 =	sxor.u32 $0x4, s23;
	[dreg:$0xf] =	wrdreg s10;
	s10 =	sadd.s32 s8, s28  }
0x24: {  	s11 =	sadd.s32 $0x11, s24;
	s8 =	sand.u32 $0x7, s26;
	s28 =	sadd.s32 $0xFFFFFFFF, s5  }
0x25: {  	s24 =	simm.s32 $0x80;
	[dreg:$0x10] =	wrdreg s10;
	s10 =	sadd.s32 $0x5DC0, s9  }
0x26: {  	s9 =	sadd.s32 $0xBB80, s9;
	s13 =	sadd.s32 $0x11, s8;
	s30 =	sand.u32 $0x7, s28  }
0x27: {  	[dreg:$0x12] =	wrdreg s10;
	s10 =	sadd.s32 $0x11, s7;
	s7 =	sand.u32 $0x7, s25  }
0x28: {  	v0 =	vimm.bf16 $0.0e+00;
	[dreg:$0x1e] =	wrdreg s9;
	s14 =	sadd.s32 $0x11, s30;
	s12 =	sadd.s32 $0x11, s7  }
.LBB2_1:
0x29: {  	s0 =	simm.s32 $0x40;
	s1 =	simm.s32 $0x0  }
.LBB2_2:
0x2a: {  	p0 =	sne.s32 s0, $0x1F00;
	[tilespmem:s1+$0x15350] =	vst v0;
	s1 =	smov.u32 s0;
	s0 =	sadd.s32 $0x40, s0  }
.Ltmp0:
0x2b: {  	(pc) =	sbr.rel @p0 .LBB2_2-.Ltmp0, $2  }
0x2c: {  	_ =	sdelay $0x2  }
0x2d: {  	s1 =	sshra.s32 s1, $0x2  }
0x2e: {  	[tilespmem:s1+$0x15350] =	vst v0  }
0x2f: {  	[spmem:s6] =	stream.linear.scatter [tilespmem:s17], [sflag:$0x11], $0x7D0, $0x38;
	[tilespmem:$0x15B20] =	vst v63  }
0x30: {  	s0 =	rddreg [dreg:$0x3]  }
0x31: {  	[spmem:s0] =	stream.linear.scatter [tilespmem:s17], [sflag:$0x11], $0x7D0, $0x38;
	[tilespmem:$0x15B20] =	vst v63  }
0x32: {  	s23 =	rddreg [dreg:$0x4]  }
0x33: {  	[spmem:s23] =	stream.linear.scatter [tilespmem:s17], [sflag:$0x11], $0x7D0, $0x38;
	[tilespmem:$0x15B20] =	vst v63  }
0x34: {  	s25 =	rddreg [dreg:$0x5]  }
0x35: {  	[spmem:s25] =	stream.linear.scatter [tilespmem:s17], [sflag:$0x11], $0x7D0, $0x38;
	[tilespmem:$0x15B20] =	vst v63  }
0x36: {  	s26 =	rddreg [dreg:$0x6]  }
0x37: {  	[spmem:s26] =	stream.linear.scatter [tilespmem:s17], [sflag:$0x11], $0x7D0, $0x38;
	[tilespmem:$0x15B20] =	vst v63  }
0x38: {  	s28 =	rddreg [dreg:$0x7]  }
0x39: {  	[spmem:s28] =	stream.linear.scatter [tilespmem:s17], [sflag:$0x11], $0x7D0, $0x38;
	[tilespmem:$0x15B20] =	vst v63  }
0x3a: {  	s1 =	rddreg [dreg:$0x8]  }
0x3b: {  	[spmem:s1] =	stream.linear.scatter [tilespmem:s17], [sflag:$0x11], $0x7D0, $0x38;
	[tilespmem:$0x15B20] =	vst v63  }
0x3c: {  	s7 =	rddreg [dreg:$0x9]  }
0x3d: {  	[spmem:s7] =	stream.linear.scatter [tilespmem:s17], [sflag:$0x11], $0x7D0, $0x38;
	[tilespmem:$0x15B20] =	vst v63  }
0x3e: {  	s8 =	rddreg [dreg:$0xa]  }
0x3f: {  	[spmem:s8] =	stream.linear.scatter [tilespmem:s17], [sflag:$0x11], $0x7D0, $0x38;
	[tilespmem:$0x15B20] =	vst v63  }
0x40: {  	s9 =	rddreg [dreg:$0xb]  }
0x41: {  	[spmem:s9] =	stream.linear.scatter [tilespmem:s17], [sflag:$0x11], $0x7D0, $0x38;
	[tilespmem:$0x15B20] =	vst v63  }
0x42: {  	s15 =	rddreg [dreg:$0xc]  }
0x43: {  	[spmem:s15] =	stream.linear.scatter [tilespmem:s17], [sflag:$0x11], $0x7D0, $0x38;
	[tilespmem:$0x15B20] =	vst v63  }
0x44: {  	s16 =	rddreg [dreg:$0x11]  }
0x45: {  	[spmem:s16] =	stream.linear.scatter [tilespmem:s17], [sflag:$0x11], $0x7D0, $0x38;
	[tilespmem:$0x15B20] =	vst v63  }
0x46: {  	s19 =	rddreg [dreg:$0x12]  }
0x47: {  	[spmem:s19] =	stream.linear.scatter [tilespmem:s17], [sflag:$0x11], $0x7D0, $0x38;
	[tilespmem:$0x15B20] =	vst v63  }
0x48: {  	s20 =	rddreg [dreg:$0x13]  }
0x49: {  	[spmem:s20] =	stream.linear.scatter [tilespmem:s17], [sflag:$0x11], $0x7D0, $0x38;
	[tilespmem:$0x15B20] =	vst v63  }
0x4a: {  	s22 =	rddreg [dreg:$0x14]  }
0x4b: {  	[spmem:s22] =	stream.linear.scatter [tilespmem:s17], [sflag:$0x11], $0x7D0, $0x38;
	[tilespmem:$0x15B20] =	vst v63  }
0x4c: {  	s23 =	rddreg [dreg:$0x15]  }
0x4d: {  	[spmem:s23] =	stream.linear.scatter [tilespmem:s17], [sflag:$0x11], $0x7D0, $0x38;
	[tilespmem:$0x15B20] =	vst v63  }
0x4e: {  	s25 =	rddreg [dreg:$0x16]  }
0x4f: {  	[spmem:s25] =	stream.linear.scatter [tilespmem:s17], [sflag:$0x11], $0x7D0, $0x38;
	[tilespmem:$0x15B20] =	vst v63  }
0x50: {  	s26 =	rddreg [dreg:$0x17]  }
0x51: {  	[spmem:s26] =	stream.linear.scatter [tilespmem:s17], [sflag:$0x11], $0x7D0, $0x38;
	[tilespmem:$0x15B20] =	vst v63  }
0x52: {  	s28 =	rddreg [dreg:$0x18]  }
0x53: {  	[spmem:s28] =	stream.linear.scatter [tilespmem:s17], [sflag:$0x11], $0x7D0, $0x38;
	[tilespmem:$0x15B20] =	vst v63  }
0x54: {  	s1 =	rddreg [dreg:$0x19]  }
0x55: {  	[spmem:s1] =	stream.linear.scatter [tilespmem:s17], [sflag:$0x11], $0x7D0, $0x38;
	[tilespmem:$0x15B20] =	vst v63  }
0x56: {  	s7 =	rddreg [dreg:$0x1a]  }
0x57: {  	[spmem:s7] =	stream.linear.scatter [tilespmem:s17], [sflag:$0x11], $0x7D0, $0x38;
	[tilespmem:$0x15B20] =	vst v63  }
0x58: {  	s8 =	rddreg [dreg:$0x1b]  }
0x59: {  	[spmem:s8] =	stream.linear.scatter [tilespmem:s17], [sflag:$0x11], $0x7D0, $0x38;
	[tilespmem:$0x15B20] =	vst v63  }
0x5a: {  	s9 =	rddreg [dreg:$0x1c]  }
0x5b: {  	[spmem:s9] =	stream.linear.scatter [tilespmem:s17], [sflag:$0x11], $0x7D0, $0x38;
	[tilespmem:$0x15B20] =	vst v63  }
0x5c: {  	s15 =	rddreg [dreg:$0x1d]  }
0x5d: {  	[spmem:s15] =	stream.linear.scatter [tilespmem:s17], [sflag:$0x11], $0x7D0, $0x38;
	[tilespmem:$0x15B20] =	vst v63  }
0x5e: {  	s16 =	rddreg [dreg:$0x1e]  }
0x5f: {  	[spmem:s16] =	stream.linear.scatter [tilespmem:s17], [sflag:$0x11], $0x7D0, $0x38;
	[tilespmem:$0x15B20] =	vst v63  }
0x60: {  	_ =	swait.ge [sflag:s18], $0x7D0  }
0x61: {  	[sflag:s18] =	ssyncset.done $0x0  }
0x62: {  	[sflag:s18] =	ssyncadd.s32 $0xFFFFF830  }
0x63: {  	_ =	swait.ge [sflag:s18], $0x7D0  }
0x64: {  	[sflag:s18] =	ssyncset.done $0x0  }
0x65: {  	[sflag:s18] =	ssyncadd.s32 $0xFFFFF830  }
0x66: {  	_ =	swait.ge [sflag:s18], $0x7D0  }
0x67: {  	[sflag:s18] =	ssyncset.done $0x0  }
0x68: {  	[sflag:s18] =	ssyncadd.s32 $0xFFFFF830  }
0x69: {  	_ =	swait.ge [sflag:s18], $0x7D0  }
0x6a: {  	[sflag:s18] =	ssyncset.done $0x0  }
0x6b: {  	[sflag:s18] =	ssyncadd.s32 $0xFFFFF830  }
0x6c: {  	_ =	swait.ge [sflag:s18], $0x7D0  }
0x6d: {  	[sflag:s18] =	ssyncset.done $0x0  }
0x6e: {  	[sflag:s18] =	ssyncadd.s32 $0xFFFFF830  }
0x6f: {  	_ =	swait.ge [sflag:s18], $0x7D0  }
0x70: {  	[sflag:s18] =	ssyncset.done $0x0  }
0x71: {  	[sflag:s18] =	ssyncadd.s32 $0xFFFFF830  }
0x72: {  	_ =	swait.ge [sflag:s18], $0x7D0  }
0x73: {  	[sflag:s18] =	ssyncset.done $0x0  }
0x74: {  	[sflag:s18] =	ssyncadd.s32 $0xFFFFF830  }
0x75: {  	_ =	swait.ge [sflag:s18], $0x7D0  }
0x76: {  	[sflag:s18] =	ssyncset.done $0x0  }
0x77: {  	[sflag:s18] =	ssyncadd.s32 $0xFFFFF830  }
0x78: {  	_ =	swait.ge [sflag:s18], $0x7D0  }
0x79: {  	[sflag:s18] =	ssyncset.done $0x0  }
0x7a: {  	[sflag:s18] =	ssyncadd.s32 $0xFFFFF830  }
0x7b: {  	_ =	swait.ge [sflag:s18], $0x7D0  }
0x7c: {  	[sflag:s18] =	ssyncset.done $0x0  }
0x7d: {  	[sflag:s18] =	ssyncadd.s32 $0xFFFFF830  }
0x7e: {  	_ =	swait.ge [sflag:s18], $0x7D0  }
0x7f: {  	[sflag:s18] =	ssyncset.done $0x0  }
0x80: {  	[sflag:s18] =	ssyncadd.s32 $0xFFFFF830  }
0x81: {  	_ =	swait.ge [sflag:s18], $0x7D0  }
0x82: {  	[sflag:s18] =	ssyncset.done $0x0  }
0x83: {  	[sflag:s18] =	ssyncadd.s32 $0xFFFFF830  }
0x84: {  	_ =	swait.ge [sflag:s18], $0x7D0  }
0x85: {  	[sflag:s18] =	ssyncset.done $0x0  }
0x86: {  	[sflag:s18] =	ssyncadd.s32 $0xFFFFF830  }
0x87: {  	_ =	swait.ge [sflag:s18], $0x7D0  }
0x88: {  	[sflag:s18] =	ssyncset.done $0x0  }
0x89: {  	[sflag:s18] =	ssyncadd.s32 $0xFFFFF830  }
0x8a: {  	_ =	swait.ge [sflag:s18], $0x7D0  }
0x8b: {  	[sflag:s18] =	ssyncset.done $0x0  }
0x8c: {  	[sflag:s18] =	ssyncadd.s32 $0xFFFFF830  }
0x8d: {  	_ =	swait.ge [sflag:s18], $0x7D0  }
0x8e: {  	[sflag:s18] =	ssyncset.done $0x0  }
0x8f: {  	[sflag:s18] =	ssyncadd.s32 $0xFFFFF830  }
0x90: {  	_ =	swait.ge [sflag:s18], $0x7D0  }
0x91: {  	[sflag:s18] =	ssyncset.done $0x0  }
0x92: {  	[sflag:s18] =	ssyncadd.s32 $0xFFFFF830  }
0x93: {  	_ =	swait.ge [sflag:s18], $0x7D0  }
0x94: {  	[sflag:s18] =	ssyncset.done $0x0  }
0x95: {  	[sflag:s18] =	ssyncadd.s32 $0xFFFFF830  }
0x96: {  	_ =	swait.ge [sflag:s18], $0x7D0  }
0x97: {  	[sflag:s18] =	ssyncset.done $0x0  }
0x98: {  	[sflag:s18] =	ssyncadd.s32 $0xFFFFF830  }
0x99: {  	_ =	swait.ge [sflag:s18], $0x7D0  }
0x9a: {  	[sflag:s18] =	ssyncset.done $0x0  }
0x9b: {  	[sflag:s18] =	ssyncadd.s32 $0xFFFFF830  }
0x9c: {  	_ =	swait.ge [sflag:s18], $0x7D0  }
0x9d: {  	[sflag:s18] =	ssyncset.done $0x0  }
0x9e: {  	[sflag:s18] =	ssyncadd.s32 $0xFFFFF830  }
0x9f: {  	_ =	swait.ge [sflag:s18], $0x7D0  }
0xa0: {  	[sflag:s18] =	ssyncset.done $0x0  }
0xa1: {  	[sflag:s18] =	ssyncadd.s32 $0xFFFFF830  }
0xa2: {  	_ =	swait.ge [sflag:s18], $0x7D0  }
0xa3: {  	[sflag:s18] =	ssyncset.done $0x0  }
0xa4: {  	[sflag:s18] =	ssyncadd.s32 $0xFFFFF830  }
0xa5: {  	_ =	swait.ge [sflag:s18], $0x7D0  }
0xa6: {  	[sflag:s18] =	ssyncset.done $0x0  }
0xa7: {  	[sflag:s18] =	ssyncadd.s32 $0xFFFFF830  }
0xa8: {  	_ =	swait.ge [sflag:s18], $0x7D0  }
0xa9: {  	[sflag:s18] =	ssyncset.done $0x0  }
0xaa: {  	[sflag:s18] =	ssyncadd.s32 $0xFFFFF830  }
0xab: {  	[bflag:$0x0] =	sbarrier.arrive $0xFFFF  }
0xac: {  	s20 =	simm.s32 $0xC350;
	s19 =	rddreg [dreg:$0xd]  }
0xad: {  	[tilespmem:s20], [sflag:$0x1] =	stream.linear.gather [hbm4b:s19+s3], $0x200, $0x38;
	[tilespmem:$0x15B20] =	vst v63  }
0xae: {  	s7 =	simm.s32 $0xC550;
	s22 =	rddreg [dreg:$0xe]  }
0xaf: {  	[tilespmem:s7], [sflag:$0x2] =	stream.linear.gather [hbm4b:s22+s3], $0x200, $0x38;
	[tilespmem:$0x15B20] =	vst v63  }
0xb0: {  	s8 =	simm.s32 $0xC750;
	s23 =	rddreg [dreg:$0xf]  }
0xb1: {  	[tilespmem:s8], [sflag:$0x3] =	stream.linear.gather [hbm4b:s23+s3], $0x200, $0x38;
	[tilespmem:$0x15B20] =	vst v63  }
0xb2: {  	s26 =	simm.s32 $0x1;
	s9 =	simm.s32 $0xC950;
	s25 =	rddreg [dreg:$0x10]  }
0xb3: {  	[tilespmem:s9], [sflag:$0x4] =	stream.linear.gather [hbm4b:s25+s3], $0x200, $0x38;
	[tilespmem:$0x15B20] =	vst v63  }
0xb4: {  	_ =	swait.ge [sflag:s26], $0x200  }
0xb5: {  	[sflag:s26] =	ssyncset.done $0x0  }
0xb6: {  	s28 =	simm.s32 $0xD350;
	[sflag:s26] =	ssyncadd.s32 $0xFFFFFE00  }
0xb7: {  	[tilespmem:s28], [sflag:$0x9] =	stream.indirect.gather [hbm4b:s4+s24], $0x10, s20, s24, $0xb8;
	[tilespmem:$0x15B20] =	vst v63  }
0xb8: {  	s15 =	simm.s32 $0xDB50;
	s16 =	simm.s32 $0x2;
	s9 =	simm.s32 $0xC3D0  }
0xb9: {  	[tilespmem:s15], [sflag:$0x9] =	stream.indirect.gather [hbm4b:s4+s24], $0x10, s9, s24, $0xb8;
	[tilespmem:$0x15B20] =	vst v63  }
0xba: {  	p0 =	sle.u32 s5, $0x0;
	_ =	swait.ge [sflag:s16], $0x200  }
0xbb: {  	p1 =	sle.u32 @!p0 s5, $0x4;
	[sflag:s16] =	ssyncset.done $0x0  }
0xbc: {  	p3 =	sle.u32 @!p0 s5, $0x3;
	s19 =	simm.s32 $0xE350;
	[sflag:s16] =	ssyncadd.s32 $0xFFFFFE00  }
0xbd: {  	[tilespmem:s19], [sflag:$0xA] =	stream.indirect.gather [hbm4b:s4+s24], $0x10, s7, s24, $0xb8;
	[tilespmem:$0x15B20] =	vst v63  }
0xbe: {  	s22 =	simm.s32 $0xEB50;
	s23 =	simm.s32 $0x3;
	s20 =	simm.s32 $0xC5D0  }
0xbf: {  	[tilespmem:s22], [sflag:$0xA] =	stream.indirect.gather [hbm4b:s4+s24], $0x10, s20, s24, $0xb8;
	[tilespmem:$0x15B20] =	vst v63  }
0xc0: {  	p2 =	por p1, p0;
	p1 =	por p3, p0;
	_ =	swait.ge [sflag:s23], $0x200  }
0xc1: {  	s0 =	simm.s32 $0x0;
	p4 =	por @!p1 $0x1, $0x1;
	[sflag:s23] =	ssyncset.done $0x0  }
0xc2: {  	s1 =	sand.u32 @!p0 $0x7, s0;
	s25 =	simm.s32 $0xF350;
	[sflag:s23] =	ssyncadd.s32 $0xFFFFFE00  }
0xc3: {  	[tilespmem:s25], [sflag:$0xB] =	stream.indirect.gather [hbm4b:s4+s24], $0x10, s8, s24, $0xb8;
	[tilespmem:$0x15B20] =	vst v63  }
0xc4: {  	s26 =	simm.s32 $0xC7D0;
	s28 =	simm.s32 $0xFB50;
	s7 =	sadd.s32 @!p0 $0x9, s1  }
0xc5: {  	[tilespmem:s28], [sflag:$0xB] =	stream.indirect.gather [hbm4b:s4+s24], $0x10, s26, s24, $0xb8;
	[tilespmem:$0x15B20] =	vst v63  }
0xc6: {  	s30 =	simm.s32 $0x7;
	p3 =	por @!p0 p4, p3;
	_ =	swait.ge @!p0 [sflag:s7], $0x800  }
0xc7: {  	s31 =	simm.s32 @!p0 $0x80;
	p3 =	por p3, p0;
	[sflag:s7] =	ssyncset.done @!p0 $0x0  }
0xc8: {  	s0 =	simm.s32 $0x8;
	s9 =	sshll.u32 @!p0 s1, $0xC;
	[sflag:s7] =	ssyncadd.s32 @!p0 $0xFFFFF800  }
0xc9: {  	s15 =	sshll.u32 @!p0 s1, $0x9;
	s19 =	sadd.s32 @!p0 $0xD350, s9;
	_ =	swait.ge @!p0 [sflag:s7], $0x800  }
0xca: {  	s9 =	sadd.s32 @!p0 $0xDB50, s9;
	s1 =	sadd.s32 @!p0 $0x11, s1;
	[sflag:s7] =	ssyncset.done @!p0 $0x0  }
0xcb: {  	s20 =	sadd.s32 @!p0 $0xC450, s15;
	s22 =	simm.s32 @!p0 $0x4;
	[sflag:s7] =	ssyncadd.s32 @!p0 $0xFFFFF800  }
0xcc: {  	[spmem:s2] =	stream.indirect.scatter.add.bf16 @!p0 [tilespmem:s19], [sflag:s1], $0x10, s20, s31, $0xb8;
	[tilespmem:$0x15B20] =	vst v63  }
0xcd: {  	s15 =	sadd.s32 @!p0 $0xC4D0, s15;
	s7 =	simm.s32 @!p0 $0x3;
	s19 =	sand.u32 @!p2 $0x7, s22  }
0xce: {  	s7 =	sand.u32 @!p1 $0x7, s7;
	s20 =	sshll.u32 @!p2 s19, $0x9;
	s19 =	sadd.s32 @!p2 $0x1, s19  }
0xcf: {  	[spmem:s2] =	stream.indirect.scatter.add.bf16 @!p0 [tilespmem:s9], [sflag:s1], $0x10, s15, s31, $0xb8;
	[tilespmem:$0x15B20] =	vst v63  }
0xd0: {  	s20 =	sadd.s32 @!p2 $0xC350, s20;
	s1 =	simm.s32 @!p2 $0x0;
	s9 =	sadd.s32 @!p1 $0x1, s7  }
0xd1: {  	[tilespmem:s20], [sflag:s19] =	stream.linear.gather @!p2 [hbm4b:s21+s1], $0x200, $0x38;
	[tilespmem:$0x15B20] =	vst v63  }
0xd2: {  	s8 =	simm.s32 $0x6;
	s31 =	sadd.s32 $0x400, s21;
	_ =	swait.ge @!p1 [sflag:s9], $0x200  }
0xd3: {  	s15 =	sshll.u32 @!p1 s7, $0xC;
	s1 =	sand.u32 @!p3 $0x7, s8;
	[sflag:s9] =	ssyncset.done @!p1 $0x0  }
0xd4: {  	p0 =	sle.u32 s5, $0x1;
	[sflag:s9] =	ssyncadd.s32 @!p1 $0xFFFFFE00;
	s9 =	sadd.s32 @!p3 $0x11, s1  }
0xd5: {  	s8 =	sshll.u32 @!p1 s7, $0x9;
	s19 =	sadd.s32 @!p1 $0xD350, s15;
	_ =	swait.ge @!p3 [sflag:s9], $0x800  }
0xd6: {  	s15 =	sadd.s32 @!p1 $0xDB50, s15;
	s22 =	sadd.s32 @!p1 $0xC350, s8;
	[sflag:s9] =	ssyncset.done @!p3 $0x0  }
0xd7: {  	s20 =	sadd.s32 @!p1 $0xC3D0, s8;
	s1 =	simm.s32 $0x1;
	[sflag:s9] =	ssyncadd.s32 @!p3 $0xFFFFF800  }
.LBB2_4:
0xd8: {  	_ =	swait.ge @!p3 [sflag:s9], $0x800;
	s16 =	simm.s32 @!p1 $0x80;
	s8 =	smov.u32 s30  }
0xd9: {  	s30 =	smov.u32 s0;
	s0 =	sadd.s32 $0x1, s0;
	s23 =	smov.u32 s31  }
0xda: {  	s25 =	sand.u32 @!p0 $0x7, s1;
	s7 =	sadd.s32 @!p1 $0x9, s7;
	[sflag:s9] =	ssyncset.done @!p3 $0x0  }
0xdb: {  	s26 =	sshll.u32 @!p0 s25, $0xC;
	s28 =	sshll.u32 @!p0 s25, $0x9;
	[sflag:s9] =	ssyncadd.s32 @!p3 $0xFFFFF800  }
0xdc: {  	[tilespmem:s19], [sflag:s7] =	stream.indirect.gather @!p1 [hbm4b:s4+s16], $0x10, s22, s16, $0xb8;
	[tilespmem:$0x15B20] =	vst v63  }
0xdd: {  	s9 =	sadd.s32 @!p0 $0x9, s25;
	s19 =	sadd.s32 @!p0 $0xD350, s26;
	s22 =	sadd.s32 @!p0 $0xC450, s28  }
0xde: {  	[tilespmem:s15], [sflag:s7] =	stream.indirect.gather @!p1 [hbm4b:s4+s16], $0x10, s20, s16, $0xb8;
	[tilespmem:$0x15B20] =	vst v63  }
0xdf: {  	s15 =	sadd.s32 @!p0 $0xDB50, s26;
	s16 =	sadd.s32 @!p0 $0xC4D0, s28;
	_ =	swait.ge @!p0 [sflag:s9], $0x800  }
0xe0: {  	s31 =	sadd.s32 $0x400, s31;
	p2 =	sne.s32 s0, $0xCA;
	[sflag:s9] =	ssyncset.done @!p0 $0x0  }
0xe1: {  	s7 =	sadd.s32 @!p0 $0xFFFFFFFE, s8;
	s20 =	sadd.s32 @!p0 $0xFFFFFFFD, s8;
	[sflag:s9] =	ssyncadd.s32 @!p0 $0xFFFFF800  }
0xe2: {  	s25 =	sadd.s32 @!p0 $0x11, s25;
	p1 =	sge.u32 @!p0 s7, s5;
	_ =	swait.ge @!p0 [sflag:s9], $0x800  }
0xe3: {  	s26 =	simm.s32 @!p0 $0x80;
	p3 =	por p1, p0;
	[sflag:s9] =	ssyncset.done @!p0 $0x0  }
0xe4: {  	p4 =	sge.u32 @!p0 s20, s5;
	s7 =	sand.u32 @!p3 $0x7, s7;
	[sflag:s9] =	ssyncadd.s32 @!p0 $0xFFFFF800  }
0xe5: {  	[spmem:s2] =	stream.indirect.scatter.add.bf16 @!p0 [tilespmem:s19], [sflag:s25], $0x10, s22, s26, $0xb8;
	[tilespmem:$0x15B20] =	vst v63  }
0xe6: {  	p1 =	por p4, p0;
	s9 =	sshll.u32 @!p3 s7, $0x9;
	s19 =	sadd.s32 @!p3 $0x1, s7  }
0xe7: {  	p5 =	slt.u32 @!p1 s1, $0x2;
	s9 =	sadd.s32 @!p3 $0xC350, s9;
	s7 =	sand.u32 @!p1 $0x7, s20  }
0xe8: {  	[spmem:s2] =	stream.indirect.scatter.add.bf16 @!p0 [tilespmem:s15], [sflag:s25], $0x10, s16, s26, $0xb8;
	[tilespmem:$0x15B20] =	vst v63  }
0xe9: {  	s1 =	simm.s32 @!p3 $0x0;
	p4 =	por @!p0 p5, p4;
	s15 =	sadd.s32 @!p1 $0x1, s7  }
0xea: {  	[tilespmem:s9], [sflag:s19] =	stream.linear.gather @!p3 [hbm4b:s23+s1], $0x200, $0x38;
	[tilespmem:$0x15B20] =	vst v63  }
0xeb: {  	s16 =	sshll.u32 @!p1 s7, $0xC;
	p3 =	por p4, p0;
	_ =	swait.ge @!p1 [sflag:s15], $0x200  }
.Ltmp1:
0xec: {  	s1 =	sand.u32 @!p3 $0x7, s8;
	[sflag:s15] =	ssyncset.done @!p1 $0x0;
	(pc) =	sbr.rel @p2 .LBB2_4-.Ltmp1, $4  }
0xed: {  	s8 =	sshll.u32 @!p1 s7, $0x9;
	s9 =	sadd.s32 @!p3 $0x11, s1;
	[sflag:s15] =	ssyncadd.s32 @!p1 $0xFFFFFE00  }
0xee: {  	s19 =	sadd.s32 @!p1 $0xD350, s16;
	s22 =	sadd.s32 @!p1 $0xC350, s8;
	_ =	swait.ge @!p3 [sflag:s9], $0x800  }
0xef: {  	s1 =	sadd.s32 $0xFFFFFFFA, s30;
	s20 =	sadd.s32 @!p1 $0xC3D0, s8;
	[sflag:s9] =	ssyncset.done @!p3 $0x0  }
0xf0: {  	p0 =	sge.u32 s1, s5;
	s15 =	sadd.s32 @!p1 $0xDB50, s16;
	[sflag:s9] =	ssyncadd.s32 @!p3 $0xFFFFF800  }
0xf1: {  	_ =	swait.ge @!p3 [sflag:s9], $0x800  }
0xf2: {  	s0 =	simm.s32 @!p1 $0x80;
	[sflag:s9] =	ssyncset.done @!p3 $0x0  }
0xf3: {  	s7 =	sadd.s32 @!p1 $0x9, s7;
	s8 =	sand.u32 @!p0 $0x7, s1;
	[sflag:s9] =	ssyncadd.s32 @!p3 $0xFFFFF800  }
0xf4: {  	[tilespmem:s19], [sflag:s7] =	stream.indirect.gather @!p1 [hbm4b:s4+s0], $0x10, s22, s0, $0xb8;
	[tilespmem:$0x15B20] =	vst v63  }
0xf5: {  	s9 =	sadd.s32 @!p0 $0x9, s8  }
0xf6: {  	[tilespmem:s15], [sflag:s7] =	stream.indirect.gather @!p1 [hbm4b:s4+s0], $0x10, s20, s0, $0xb8;
	[tilespmem:$0x15B20] =	vst v63  }
0xf7: {  	_ =	swait.ge @!p0 [sflag:s9], $0x800  }
0xf8: {  	[sflag:s9] =	ssyncset.done @!p0 $0x0  }
0xf9: {  	[sflag:s9] =	ssyncadd.s32 @!p0 $0xFFFFF800  }
0xfa: {  	s0 =	sshll.u32 @!p0 s8, $0xC;
	s7 =	sshll.u32 @!p0 s8, $0x9;
	_ =	swait.ge @!p0 [sflag:s9], $0x800  }
0xfb: {  	s8 =	sadd.s32 @!p0 $0x11, s8;
	s15 =	sadd.s32 @!p0 $0xD350, s0;
	[sflag:s9] =	ssyncset.done @!p0 $0x0  }
0xfc: {  	s16 =	sadd.s32 @!p0 $0xC450, s7;
	[sflag:s9] =	ssyncadd.s32 @!p0 $0xFFFFF800;
	s9 =	simm.s32 @!p0 $0x80  }
0xfd: {  	[spmem:s2] =	stream.indirect.scatter.add.bf16 @!p0 [tilespmem:s15], [sflag:s8], $0x10, s16, s9, $0xb8;
	[tilespmem:$0x15B20] =	vst v63  }
0xfe: {  	s0 =	sadd.s32 @!p0 $0xDB50, s0;
	s7 =	sadd.s32 @!p0 $0xC4D0, s7  }
0xff: {  	[spmem:s2] =	stream.indirect.scatter.add.bf16 @!p0 [tilespmem:s0], [sflag:s8], $0x10, s7, s9, $0xb8;
	[tilespmem:$0x15B20] =	vst v63  }
0x100: {  	s0 =	sadd.s32 @!p0 $0xFFFFFFFE, s30  }
0x101: {  	s7 =	sadd.s32 @!p0 $0xFFFFFFFD, s30;
	p1 =	sge.u32 @!p0 s0, s5  }
0x102: {  	p3 =	sge.u32 @!p0 s7, s5;
	p2 =	por p1, p0  }
0x103: {  	p1 =	por p3, p0;
	s0 =	sand.u32 @!p2 $0x7, s0  }
0x104: {  	s7 =	sand.u32 @!p1 $0x7, s7;
	p4 =	slt.u32 @!p1 s1, $0x2;
	s8 =	sshll.u32 @!p2 s0, $0x9  }
0x105: {  	s1 =	simm.s32 @!p2 $0x0;
	s0 =	sadd.s32 @!p2 $0x1, s0;
	s8 =	sadd.s32 @!p2 $0xC350, s8  }
0x106: {  	[tilespmem:s8], [sflag:s0] =	stream.linear.gather @!p2 [hbm4b:s31+s1], $0x200, $0x38;
	[tilespmem:$0x15B20] =	vst v63  }
0x107: {  	s0 =	sadd.s32 @!p1 $0x1, s7;
	p2 =	por @!p0 p4, p3  }
0x108: {  	_ =	swait.ge @!p1 [sflag:s0], $0x200;
	p0 =	por p2, p0  }
0x109: {  	[sflag:s0] =	ssyncset.done @!p1 $0x0;
	s1 =	sand.u32 @!p0 $0x7, s30  }
0x10a: {  	[sflag:s0] =	ssyncadd.s32 @!p1 $0xFFFFFE00;
	s0 =	sadd.s32 @!p0 $0x11, s1  }
0x10b: {  	_ =	swait.ge @!p0 [sflag:s0], $0x800  }
0x10c: {  	[sflag:s0] =	ssyncset.done @!p0 $0x0  }
0x10d: {  	s8 =	sshll.u32 @!p1 s7, $0x9;
	[sflag:s0] =	ssyncadd.s32 @!p0 $0xFFFFF800  }
0x10e: {  	s15 =	sadd.s32 @!p1 $0xC350, s8;
	_ =	swait.ge @!p0 [sflag:s0], $0x800  }
0x10f: {  	s1 =	sshll.u32 @!p1 s7, $0xC;
	s7 =	sadd.s32 @!p1 $0x9, s7;
	[sflag:s0] =	ssyncset.done @!p0 $0x0  }
0x110: {  	s9 =	sadd.s32 @!p1 $0xD350, s1;
	[sflag:s0] =	ssyncadd.s32 @!p0 $0xFFFFF800;
	s0 =	simm.s32 @!p1 $0x80  }
0x111: {  	[tilespmem:s9], [sflag:s7] =	stream.indirect.gather @!p1 [hbm4b:s4+s0], $0x10, s15, s0, $0xb8;
	[tilespmem:$0x15B20] =	vst v63  }
0x112: {  	s8 =	sadd.s32 @!p1 $0xC3D0, s8;
	s1 =	sadd.s32 @!p1 $0xDB50, s1  }
0x113: {  	[tilespmem:s1], [sflag:s7] =	stream.indirect.gather @!p1 [hbm4b:s4+s0], $0x10, s8, s0, $0xb8;
	[tilespmem:$0x15B20] =	vst v63  }
0x114: {  	_ =	swait.ge [sflag:s10], $0x800  }
0x115: {  	[sflag:s10] =	ssyncset.done $0x0  }
0x116: {  	[sflag:s10] =	ssyncadd.s32 $0xFFFFF800  }
0x117: {  	_ =	swait.ge [sflag:s10], $0x800  }
0x118: {  	[sflag:s10] =	ssyncset.done $0x0  }
0x119: {  	[sflag:s10] =	ssyncadd.s32 $0xFFFFF800  }
0x11a: {  	_ =	swait.ge [sflag:s11], $0x800  }
0x11b: {  	[sflag:s11] =	ssyncset.done $0x0  }
0x11c: {  	[sflag:s11] =	ssyncadd.s32 $0xFFFFF800  }
0x11d: {  	_ =	swait.ge [sflag:s11], $0x800  }
0x11e: {  	[sflag:s11] =	ssyncset.done $0x0  }
0x11f: {  	[sflag:s11] =	ssyncadd.s32 $0xFFFFF800  }
0x120: {  	_ =	swait.ge [sflag:s12], $0x800  }
0x121: {  	[sflag:s12] =	ssyncset.done $0x0  }
0x122: {  	[sflag:s12] =	ssyncadd.s32 $0xFFFFF800  }
0x123: {  	_ =	swait.ge [sflag:s12], $0x800  }
0x124: {  	[sflag:s12] =	ssyncset.done $0x0  }
0x125: {  	[sflag:s12] =	ssyncadd.s32 $0xFFFFF800  }
0x126: {  	_ =	swait.ge [sflag:s13], $0x800  }
0x127: {  	[sflag:s13] =	ssyncset.done $0x0  }
0x128: {  	[sflag:s13] =	ssyncadd.s32 $0xFFFFF800  }
0x129: {  	_ =	swait.ge [sflag:s13], $0x800  }
0x12a: {  	[sflag:s13] =	ssyncset.done $0x0  }
0x12b: {  	[sflag:s13] =	ssyncadd.s32 $0xFFFFF800  }
0x12c: {  	_ =	swait.ge [sflag:s14], $0x800  }
0x12d: {  	[sflag:s14] =	ssyncset.done $0x0  }
0x12e: {  	[sflag:s14] =	ssyncadd.s32 $0xFFFFF800  }
0x12f: {  	_ =	swait.ge [sflag:s14], $0x800  }
0x130: {  	[sflag:s14] =	ssyncset.done $0x0  }
0x131: {  	s25 =	stileid.u32;
	[sflag:s14] =	ssyncadd.s32 $0xFFFFF800  }
0x132: {  	s26 =	sshrl.u32 s6, $0x3;
	s0 =	sshll.u32 s25, $0x6;
	[bflag:$0x0] =	sbarrier.arrive $0xFFFF  }
0x133: {  	s30 =	simm.s32 $0x19;
	s0 =	sor.u32 $0x1C19, s0;
	s28 =	rddreg [dreg:$0x1f]  }
0x134: {  	[hbm:s28], [sflag:s0] =	dma.local [spmem:s26], $0x186A  }
0x135: {  	_ =	swait.ge [sflag:s30], $0x186A  }
0x136: {  	s31 =	sld [smem:$0x7FD];
	_ =	sdelay $0x1  }
0x137: {  	s29 =	sadd.s32 $0x1, s29  }
0x138: {  	p0 =	sne.s32 s29, s31  }
.Ltmp2:
0x139: {  	_ = 	snop;
	(pc) =	sbr.rel @p0 .LBB2_1-.Ltmp2, $3  }
0x13a: {  	_ =	sdelay $0x1  }
0x13b: {  	[sflag:s30] =	ssyncset.done $0x0  }
0x13c: {  	[sflag:s30] =	ssyncadd.s32 $0xFFFFE796  }
0x13d: {  	_ =	sfence.sel $0x180000  }
0x13e: {  	[bflag:$0x0] =	sbarrier.arrive $0xFFFF  }
0x13f: {  	_ =	strace $0x9000004D  }
0x140: {  	s0 =	stileid.u32;
	[bflag:$0x2] =	sbarrier.arrive $0xFFFF  }
0x141: {  	p0 =	sne.s32 s0, $0x0;
	s0 =	rddreg [dreg:$0x2]  }
0x142: {  	s0 =	sadd.s32 @!p0 $0x100000, s0  }
0x143: {  	[sflag:s0] =	ssyncadd.tile.s32 @!p0 $0x1;
	_ =	shalt  }
.Lfunc_end2:
_tile_overlayer_lowered:
.L_overlay_start_2:
0x144: {  	(tag) =	ssettag $0x2  }
0x145: {  	s0 =	rddreg [dreg:$0x0];
	s2 =	stileid.u32  }
0x146: {  	s1 =	rddreg [dreg:$0x1];
	p0 =	sne.s32 s2, $0x0  }
0x147: {  	s3 =	rddreg [dreg:$0x2];
	[bflag:$0x3] =	sbarrier.arrive $0xFFFF;
	s2 =	simm.s32 @!p0 $0x1C19  }
0x148: {  	[timem:s3], [sflag:s2] =	dma.local @!p0 [hbm:s0], s1  }
0x149: {  	s0 =	simm.s32 @!p0 $0x19  }
0x14a: {  	_ =	swait.ge @!p0 [sflag:s0], s1  }
0x14b: {  	s1 =	ssub.s32 @!p0 $0x0, s1;
	[sflag:s0] =	ssyncset.done @!p0 $0x0  }
0x14c: {  	[sflag:s0] =	ssyncadd.s32 @!p0 s1  }
0x14d: {  	[bflag:$0x3] =	sbarrier.arrive $0xFFFF  }
0x14e: {  	_ =	shalt  }

// kernel: kernel.9.cloned.1.call-start
scs
__scs_entry_jumppad:
0x0: {  	(pc) =	sbr.rel $0x88, $3  }
0x1: {  	(tag) =	ssettag $0x0;
	lr =	simm.s32 $0x1  }
0x2: {  	[smem:$0x3F90] =	sst lr;
	_ =	strace $0xD0000000  }
0x3: {  	_ = 	snop  }
0x4: {  	_ = 	snop  }
0x5: {  	_ = 	snop  }
0x6: {  	_ = 	snop  }
0x7: {  	_ = 	snop  }
__scs_overlays_trampoline_lowered:
0x8: {  	[smem:$0x3F9F] =	sst s0  }
0x9: {  	[smem:$0x3FA0] =	sst s1  }
0xa: {  	[smem:$0x3FA1] =	sst s2  }
0xb: {  	[smem:$0x3FA2] =	sst s3  }
0xc: {  	[smem:$0x3FA3] =	sst s4  }
0xd: {  	[smem:$0x3FA4] =	sst s5  }
0xe: {  	[smem:$0x3FA5] =	sst s6  }
0xf: {  	[smem:$0x3FA6] =	sst s7  }
0x10: {  	[smem:$0x3FA7] =	sst s8  }
0x11: {  	[smem:$0x3FA8] =	sst s9;
	s0 =	simm.s32 @!p0 $0x0  }
0x12: {  	s1 =	sld [smem:$0x3F8E];
	s0 =	simm.s32 @p0 $0x1  }
0x13: {  	[smem:$0x3FA9] =	sst s0;
	s0 =	simm.s32 @!p1 $0x0  }
0x14: {  	s2 =	sld [smem:$0x3F8D];
	s0 =	simm.s32 @p1 $0x1  }
0x15: {  	[smem:$0x3FAA] =	sst s0;
	s0 =	simm.s32 @!p2 $0x0  }
0x16: {  	s3 =	sld [smem:$0x3FDB];
	s0 =	simm.s32 @p2 $0x1  }
0x17: {  	s4 =	simm.s32 $0x1BF5;
	[smem:$0x3FAC] =	sst s0  }
0x18: {  	s0 =	sld [smem:$0x3F8F];
	_ =	swait.ge [sflag:s4], $0x0  }
0x19: {  	s7 =	sld [smem:$0x3F90]  }
0x1a: {  	s8 =	sadd.s32 $0xFFFFE003, lr  }
0x1b: {  	s9 =	sadd.s32 $0xFFFFFEF7, lr;
	s5 =	simm.s32 $0xFFFFFFFF;
	p2 =	slt.u32 s8, $0xFFFFF086  }
0x1c: {  	p1 =	slt.u32 s9, $0xF7A;
	s5 =	simm.s32 @!p2 $0x0  }
0x1d: {  	s5 =	simm.s32 @p1 $0x1;
	p0 =	seq.s32 s7, s2  }
0x1e: {  	s7 =	smul.u32 @!p0 $0xF7A, s2;
	p2 =	seq.s32 @!p0 s5, $0x0  }
0x1f: {  	s9 =	smul.u32 $0xF7A, s1;
	s8 =	simm.s32 @!p0 $0x1BF5;
	p2 =	por !p2, p0  }
0x20: {  	[sflag:s8] =	ssyncset.s32 @!p0 $0xFFFFF086;
	s6 =	sadd.s32 @!p0 s3, s7;
	s7 =	simm.s32 @!p0 $0x108  }
0x21: {  	s3 =	sadd.s32 s3, s9;
	s6 =	sadd.s32 @!p0 $0x88, s6;
	s7 =	simm.s32 @p2 $0x1082  }
0x22: {  	[simem:s7], [sflag:s8] =	dma.local @!p0 [hbm:s6], $0xF7A  }
0x23: {  	s9 =	sor.u32 $0xD0000000, s2;
	s6 =	simm.s32 $0x108;
	_ =	swait.ge @!p0 [sflag:s8], $0x0  }
0x24: {  	s3 =	sadd.s32 $0x88, s3;
	s6 =	simm.s32 @!p1 $0x1082;
	[sflag:s4] =	ssyncset.s32 $0xFFFFF086  }
0x25: {  	[simem:s6], [sflag:s4] =	dma.local [hbm:s3], $0xF7A  }
0x26: {  	[smem:$0x3F90] =	sst s1;
	(tag) =	ssettag s2;
	_ =	strace s9  }
0x27: {  	s1 =	sld [smem:$0x3FA0]  }
0x28: {  	s2 =	sld [smem:$0x3FA1]  }
0x29: {  	s4 =	sld [smem:$0x3FA3]  }
0x2a: {  	p0 =	seq.s32 s5, $0x0;
	s5 =	sld [smem:$0x3FA4]  }
0x2b: {  	s6 =	sld [smem:$0x3FA5]  }
0x2c: {  	s7 =	sld [smem:$0x3FA6]  }
0x2d: {  	s3 =	simm.s32 $0x108;
	s8 =	sld [smem:$0x3FA7]  }
0x2e: {  	s3 =	simm.s32 @!p0 $0x1082;
	s9 =	sld [smem:$0x3FA8]  }
0x2f: {  	lr =	sadd.s32 s0, s3;
	s0 =	sld [smem:$0x3F9F]  }
0x30: {  	s3 =	sld [smem:$0x3FA2]  }
0x31: {  	[smem:$0x3FAB] =	sst s10  }
0x32: {  	s10 =	sld [smem:$0x3FA9];
	_ =	sdelay $0x3  }
0x33: {  	p0 =	seq.s32 s10, $0x1;
	s10 =	sld [smem:$0x3FAB];
	_ =	sdelay $0x3  }
0x34: {  	[smem:$0x3FAB] =	sst s10  }
0x35: {  	s10 =	sld [smem:$0x3FAA];
	_ =	sdelay $0x3  }
0x36: {  	p1 =	seq.s32 s10, $0x1;
	s10 =	sld [smem:$0x3FAB];
	_ =	sdelay $0x3  }
0x37: {  	[smem:$0x3FAB] =	sst s10  }
0x38: {  	s10 =	sld [smem:$0x3FAC]  }
0x39: {  	_ = 	snop;
	(pc) =	sbr.ind lr, $3  }
0x3a: {  	_ = 	snop  }
0x3b: {  	_ = 	snop  }
0x3c: {  	p2 =	seq.s32 s10, $0x1;
	s10 =	sld [smem:$0x3FAB]  }
0x3d: {  	_ =	shalt  }
0x3e: {  	_ =	shalt  }
0x3f: {  	_ =	shalt  }
0x40: {  	_ =	shalt  }
0x41: {  	_ =	shalt  }
0x42: {  	_ =	shalt  }
0x43: {  	_ =	shalt  }
0x44: {  	_ =	shalt  }
0x45: {  	_ =	shalt  }
0x46: {  	_ =	shalt  }
0x47: {  	_ =	shalt  }
0x48: {  	_ =	shalt  }
0x49: {  	_ =	shalt  }
0x4a: {  	_ =	shalt  }
0x4b: {  	_ =	shalt  }
0x4c: {  	_ =	shalt  }
0x4d: {  	_ =	shalt  }
0x4e: {  	_ =	shalt  }
0x4f: {  	_ =	shalt  }
0x50: {  	_ =	shalt  }
0x51: {  	_ =	shalt  }
0x52: {  	_ =	shalt  }
0x53: {  	_ =	shalt  }
0x54: {  	_ =	shalt  }
0x55: {  	_ =	shalt  }
0x56: {  	_ =	shalt  }
0x57: {  	_ =	shalt  }
0x58: {  	_ =	shalt  }
0x59: {  	_ =	shalt  }
0x5a: {  	_ =	shalt  }
0x5b: {  	_ =	shalt  }
0x5c: {  	_ =	shalt  }
0x5d: {  	_ =	shalt  }
0x5e: {  	_ =	shalt  }
0x5f: {  	_ =	shalt  }
0x60: {  	_ =	shalt  }
0x61: {  	_ =	shalt  }
0x62: {  	_ =	shalt  }
0x63: {  	_ =	shalt  }
0x64: {  	_ =	shalt  }
0x65: {  	_ =	shalt  }
0x66: {  	_ =	shalt  }
0x67: {  	_ =	shalt  }
0x68: {  	_ =	shalt  }
0x69: {  	_ =	shalt  }
0x6a: {  	_ =	shalt  }
0x6b: {  	_ =	shalt  }
0x6c: {  	_ =	shalt  }
0x6d: {  	_ =	shalt  }
0x6e: {  	_ =	shalt  }
0x6f: {  	_ =	shalt  }
0x70: {  	_ =	shalt  }
0x71: {  	_ =	shalt  }
0x72: {  	_ =	shalt  }
0x73: {  	_ =	shalt  }
0x74: {  	_ =	shalt  }
0x75: {  	_ =	shalt  }
0x76: {  	_ =	shalt  }
0x77: {  	_ =	shalt  }
0x78: {  	_ =	shalt  }
0x79: {  	_ =	shalt  }
0x7a: {  	_ =	shalt  }
0x7b: {  	_ =	shalt  }
0x7c: {  	_ =	shalt  }
0x7d: {  	_ =	shalt  }
0x7e: {  	_ =	shalt  }
0x7f: {  	_ =	shalt  }
0x80: {  	_ =	shalt  }
0x81: {  	_ =	shalt  }
0x82: {  	_ =	shalt  }
0x83: {  	_ =	shalt  }
0x84: {  	_ =	shalt  }
0x85: {  	_ =	shalt  }
0x86: {  	_ =	shalt  }
0x87: {  	_ =	shalt  }
.Lfunc_end0:
.L_simem_size_0:
called_computation_lowered:
.L_overlay_start_0:
0x88: {  	s2 =	sld [smem:$0x3FD9]  }
0x89: {  	s3 =	sld [smem:$0x3FFE];
	_ =	sdelay $0x1  }
0x8a: {  	s1 =	srdreg.scid  }
0x8b: {  	s0 =	sand.u32 $0x1, s1  }
0x8c: {  	s16 =	sshll.u32 s0, $0xA;
	s2 =	sadd.s32 s3, s2  }
0x8d: {  	s2 =	sadd.s32 s2, s16  }
0x8e: {  	[smem:$0x3FB7] =	sst s2  }
0x8f: {  	_ = 	snop  }
0x90: {  	(tm) =	ssettm $0x1  }
0x91: {  	s17 =	sld [smem:$0x3FFB];
	_ =	sdelay $0x3  }
0x92: {  	_ =	strace s17  }
0x93: {  	s2 =	sld [smem:$0x3FFC];
	_ =	sdelay $0x3  }
0x94: {  	_ =	strace s2  }
0x95: {  	s2 =	sld [smem:$0x3FFD];
	_ =	sdelay $0x3  }
0x96: {  	_ =	strace s2  }
0x97: {  	_ =	strace $0x8FFFFFFF  }
0x98: {  	s18 =	sld [smem:$0x3FDB];
	_ =	sdelay $0x1  }
0x99: {  	s19 =	simm.s32 $_scs_section_size  }
0x9a: {  	s4 =	simm.s32 $_size__tile_overlayer_lowered;
	s5 =	simm.s32 $_tile_overlayer_lowered  }
0x9b: {  	s22 =	simm.s32 $0x1BFF;
	s21 =	sshll.u32 s5, $0x1;
	s2 =	sadd.s32 s19, s18  }
0x9c: {  	s6 =	simm.s32 $0x0;
	s20 =	sshll.u32 s4, $0x1;
	s4 =	sadd.s32 s21, s2  }
0x9d: {  	[timem:s6], [sflag:s22] =	dma.local [hbm:s4], s20  }
0x9e: {  	_ =	swait.ge [sflag:s22], s20  }
0x9f: {  	s3 =	ssub.s32 $0x0, s20;
	[sflag:s22] =	ssyncset.done $0x0  }
0xa0: {  	[sflag:s22] =	ssyncadd.s32 s3;
	_ =	sdelay $0x1  }
0xa1: {  	s23 =	simm.s32 $0x1B8B  }
0xa2: {  	_ =	swait.ge [sflag:s23], $0x1  }
0xa3: {  	[sflag:s23] =	ssyncset.done $0x0  }
0xa4: {  	s25 =	simm.s32 $0x1B8E;
	s24 =	sld [smem:$0x3FFE];
	[sflag:s23] =	ssyncadd.s32 $0xFFFFFFFF  }
0xa5: {  	s26 =	simm.s32 $execute0_lowered;
	[smem:$0x3FD2] =	sst s25  }
0xa6: {  	s4 =	sshll.u32 s26, $0x1;
	_ =	strace $0x80000046;
	[dreg:$0x1] =	wrdreg $0xFFFFFFFF  }
0xa7: {  	s28 =	simm.s32 $_size_execute0_lowered;
	s2 =	sadd.s32 s2, s4;
	[dreg:$0x0] =	wrdreg $0x0  }
0xa8: {  	s4 =	sshll.u32 s28, $0x1;
	[dreg:$0x2] =	wrdreg s2  }
0xa9: {  	[dreg:$0x3] =	wrdreg s4  }
0xaa: {  	[dreg:$0x4] =	wrdreg $0xC0  }
0xab: {  	_ =	task [dreg:s6], $0x5FFFF  }
0xac: {  	[dreg:$0x1] =	wrdreg $0xFFFFFFFF  }
0xad: {  	[dreg:$0x0] =	wrdreg $0x60  }
0xae: {  	[dreg:$0x2] =	wrdreg s24  }
0xaf: {  	[dreg:$0x3] =	wrdreg $0x9  }
0xb0: {  	_ =	task.clear_ibuf [dreg:s6], $0x4FFFF;
	_ =	strace $0x90000046  }
0xb1: {  	s29 =	simm.s32 $0x9;
	_ =	strace $0x80000048  }
0xb2: {  	_ =	swait.ge [sflag:s29], $0x1  }
0xb3: {  	[sflag:s29] =	ssyncadd.s32 $0xFFFFFFFF  }
0xb4: {  	_ =	strace $0x90000048  }
0xb5: {  	_ =	sfence  }
0xb6: {  	s30 =	sld [smem:$0x0];
	_ =	sdelay $0x2  }
0xb7: {  	s31 =	sshll.u32 s1, $0xD;
	s1 =	sshrl.u32 s1, $0x2  }
0xb8: {  	s3 =	sand.u32 $0x4000, s31;
	s1 =	sadd.s32 s1, s30  }
0xb9: {  	s0 =	sor.u32 s3, s0;
	s1 =	sshll.u32 s1, $0x11  }
0xba: {  	s0 =	sor.u32 s1, s0  }
0xbb: {  	s0 =	sadd.s32 $0x8F2B, s0  }
0xbc: {  	[sflag:s0] =	ssyncadd.remote.s32 $0x1  }
0xbd: {  	_ =	sfence.sel $0xFFFF  }
0xbe: {  	[dreg:$0x0] =	wrdreg $0xFFFFFFFF;
	(pc) =	sbr.abs _section_cstart, $3  }
0xbf: {  	[dreg:$0x1] =	wrdreg $0xFFFFFFFF  }
0xc0: {  	_ =	task.clear_ibuf [dreg:s6], $0x2FFFF;
	_ =	strace $0x9FFFFFFF  }
0xc1: {  	(tm) =	ssettm $0x7FFFFFFF  }
tec
execute0_lowered:
.L_overlay_start_1:
0x0: {  	(tag) =	ssettag $0x1  }
0x1: {  	s0 =	srdreg.scid  }
0x2: {  	s3 =	sand.u32 $0x1, s0  }
0x3: {  	s0 =	stileid.u32;
	s1 =	sshll.u32 s3, $0x4  }
0x4: {  	s4 =	rddreg [dreg:$0x0];
	s5 =	sor.u32 s0, s1  }
0x5: {  	s2 =	simm.s32 $0x0;
	s8 =	simm.s32 $0x0;
	s6 =	smul.u32 $0x61A8, s5  }
0x6: {  	[smem:$0x7FF] =	sst s2;
	s3 =	ssub.s32 $0x2, s3;
	s5 =	smul.u32 $0x1900, s5  }
0x7: {  	s1 =	rddreg [dreg:$0x1];
	_ =	strace $0x80000047;
	s7 =	sshrl.u32 s3, $0x1  }
0x8: {  	s7 =	ssub.s32 s3, s7;
	s6 =	sshrl.u32 s6, $0x3;
	s5 =	sadd.s32 s5, s4  }
0x9: {  	s31 =	sadd.s32 s4, s6;
	s4 =	sadd.s32 $0x34400, s5;
	s5 =	smax.u32 s7, $0x1  }
0xa: {  	v0 =	vimm.f32 $0.0e+00;
	v1 =	vimm.f32 $1.000000000e+00;
	s6 =	simm.s32 $0xC800;
	s7 =	simm.s32 $0x1;
	s3 =	sadd.s32 $0x1BCA0, s31  }
.LBB2_1:
0xb: {  	s9 =	simm.s32 $0x40;
	s10 =	simm.s32 $0x0  }
.LBB2_2:
0xc: {  	p0 =	sne.s32 s9, $0x31FC0;
	[tilespmem:s10+$0x0] =	vst v0;
	s10 =	smov.u32 s9;
	s9 =	sadd.s32 $0x40, s9  }
.Ltmp0:
0xd: {  	(pc) =	sbr.rel @p0 .LBB2_2-.Ltmp0, $2  }
0xe: {  	_ =	sdelay $0x2  }
0xf: {  	s10 =	sshra.s32 s10, $0x2  }
0x10: {  	[tilespmem:s10+$0x0] =	vst v0;
	s9 =	simm.s32 $0x0  }
0x11: {  	[tilespmem:s6], [sflag:$0x1] =	stream.linear.gather [hbm4b:s3+s9], $0x61A8, $0x38;
	[tilespmem:$0x129B8] =	vst v63  }
0x12: {  	_ =	swait.ge [sflag:s7], $0x61A8  }
0x13: {  	[sflag:s7] =	ssyncset.done $0x0  }
0x14: {  	s10 =	simm.s32 $0x0;
	s9 =	simm.s32 $0x40;
	[sflag:s7] =	ssyncadd.s32 $0xFFFF9E58  }
.LBB2_4:
0x15: {  	p0 =	sne.s32 s9, $0x18640;
	v2 =	vld [tilespmem:s10+$0xC800];
	_ =	sdelay $0x3  }
.Ltmp1:
0x16: {  	(pc) =	sbr.rel @p0 .LBB2_4-.Ltmp1, $2  }
0x17: {  	_ =	sdelay $0x2  }
0x18: {  	s10 =	sshra.s32 s9, $0x2;
	s9 =	sadd.s32 $0x40, s9;
	[tilespmem:v2+s2+$0x0] =	vst.idx.add.f32.msk $0xffff, v1  }
0x19: {  	v2 =	vld [tilespmem:s10+$0xC800];
	_ =	sdelay $0x7  }
0x1a: {  	[tilespmem:v2+s2+$0x0] =	vst.idx.add.f32.msk $0xffff, v1  }
0x1b: {  	v2 =	vld [tilespmem:$0x129A0];
	_ =	sdelay $0x5  }
0x1c: {  	s8 =	sadd.s32 $0x1, s8  }
0x1d: {  	p0 =	sne.s32 s8, s5  }
.Ltmp2:
0x1e: {  	[tilespmem:v2+s2+$0x0] =	vst.idx.add.f32.msk $0xff, v1;
	(pc) =	sbr.rel @p0 .LBB2_1-.Ltmp2, $4  }
0x1f: {  	[hbm4b:s4+s2] =	stream.linear.scatter [tilespmem:s2], [sflag:$0x1], $0xC800, $0x38;
	[tilespmem:$0x129B8] =	vst v63  }
0x20: {  	_ =	swait.ge [sflag:s7], $0xC800  }
0x21: {  	[sflag:s7] =	ssyncset.done $0x0  }
0x22: {  	[sflag:s7] =	ssyncadd.s32 $0xFFFF3800  }
0x23: {  	_ =	sfence.sel $0x180000  }
0x24: {  	[bflag:$0x0] =	sbarrier.arrive $0xFFFF  }
0x25: {  	p0 =	sne.s32 s0, $0x0;
	_ =	strace $0x90000047  }
0x26: {  	s0 =	sadd.s32 @!p0 $0x100000, s1;
	[bflag:$0x2] =	sbarrier.arrive $0xFFFF  }
0x27: {  	[sflag:s0] =	ssyncadd.tile.s32 @!p0 $0x1;
	_ =	shalt  }
.Lfunc_end2:
_tile_overlayer_lowered:
.L_overlay_start_2:
0x28: {  	(tag) =	ssettag $0x2  }
0x29: {  	s0 =	rddreg [dreg:$0x0];
	s2 =	stileid.u32  }
0x2a: {  	s1 =	rddreg [dreg:$0x1];
	p0 =	sne.s32 s2, $0x0  }
0x2b: {  	s3 =	rddreg [dreg:$0x2];
	[bflag:$0x3] =	sbarrier.arrive $0xFFFF;
	s2 =	simm.s32 @!p0 $0x1C01  }
0x2c: {  	[timem:s3], [sflag:s2] =	dma.local @!p0 [hbm:s0], s1  }
0x2d: {  	s0 =	simm.s32 @!p0 $0x1  }
0x2e: {  	_ =	swait.ge @!p0 [sflag:s0], s1  }
0x2f: {  	s1 =	ssub.s32 @!p0 $0x0, s1;
	[sflag:s0] =	ssyncset.done @!p0 $0x0  }
0x30: {  	[sflag:s0] =	ssyncadd.s32 @!p0 s1  }
0x31: {  	[bflag:$0x3] =	sbarrier.arrive $0xFFFF  }
0x32: {  	_ =	shalt  }

</sc_bundles>
